<compile_context>
chip_gen: v7x
topology: tpu7x:2x2x1
jax: 0.10.2.dev20260603
libtpu: 0.0.44.dev20260713+nightly
codegen_flags: <defaults>
</compile_context>

<pallas_src>
import functools

import jax
import jax.numpy as jnp
from jax import lax
from jax.experimental import pallas as pl
from jax.experimental.pallas import tpu as pltpu
from jax.experimental.pallas import tpu_sc as plsc

N = 10000
IN_DIM = 256
HID_DIM = 512
OUT_DIM = 256
E = 160000
HALF = 128

NTILES = 16
NPAD = 10112
ROWS_PER_TILE = NPAD // NTILES
EPAD = 163840
CHUNK = 128
NCHUNKS = EPAD // CHUNK
AGG_CHUNKS_PER_TILE = NCHUNKS // NTILES
DEG_CHUNKS_PER_TILE = NCHUNKS // (2 * NTILES)

ACHUNK = 80
NBUF = 4
NPHASES = 4
A_NCHUNKS = EPAD // ACHUNK
A_CHUNKS_PER_TILE = A_NCHUNKS // NTILES

ROW_BLOCK = 1000
GRID = N // ROW_BLOCK

_mesh = plsc.VectorSubcoreMesh(core_axis_name="c", subcore_axis_name="s")



@functools.partial(
    pl.kernel,
    out_type=jax.ShapeDtypeStruct((2 * NPAD, HALF), jnp.float32),
    mesh=_mesh,
    scratch_types=[
        pltpu.VMEM_SHARED((NPAD, HALF), jnp.float32),
        pltpu.VMEM((DEG_CHUNKS_PER_TILE, CHUNK), jnp.int32),
        pltpu.VMEM((CHUNK, HALF), jnp.float32),
    ],
)
def _deg_kernel(dst_hbm, zeros_hbm, ones_hbm, out_hbm, acc, idx_v, ones_v):
    cid = lax.axis_index("c")
    sid = lax.axis_index("s")
    row0 = sid * ROWS_PER_TILE
    pltpu.sync_copy(zeros_hbm, acc.at[pl.ds(row0, ROWS_PER_TILE)])
    base = (cid * NTILES + sid) * DEG_CHUNKS_PER_TILE
    pltpu.sync_copy(dst_hbm.at[pl.ds(base, DEG_CHUNKS_PER_TILE)], idx_v)
    pltpu.sync_copy(ones_hbm, ones_v)
    plsc.subcore_barrier()

    def body(g, carry):
        pltpu.sync_copy(ones_v, acc.at[idx_v.at[g]], add=True)
        return carry

    lax.fori_loop(0, DEG_CHUNKS_PER_TILE, body, 0)
    plsc.subcore_barrier()
    pltpu.sync_copy(acc.at[pl.ds(row0, ROWS_PER_TILE)],
                    out_hbm.at[pl.ds(cid * NPAD + row0, ROWS_PER_TILE)])


@functools.partial(
    pl.kernel,
    out_type=jax.ShapeDtypeStruct((2 * NPAD, HALF), jnp.float32),
    mesh=_mesh,
    scratch_types=[
        pltpu.VMEM_SHARED((NPAD, HALF), jnp.float32),
        pltpu.VMEM((A_CHUNKS_PER_TILE // NPHASES, ACHUNK), jnp.int32),
        pltpu.VMEM((A_CHUNKS_PER_TILE // NPHASES, ACHUNK), jnp.int32),
        [pltpu.VMEM((ACHUNK, HALF), jnp.float32) for _ in range(NBUF)],
        [pltpu.SemaphoreType.DMA for _ in range(NBUF)],
        [pltpu.SemaphoreType.DMA for _ in range(NBUF)],
    ],
)
def _agg_kernel(y_hbm, srcoff_hbm, dst_hbm, zeros_hbm, z_hbm,
                acc, idx_s, idx_d, rows, gsem, ssem):
    cid = lax.axis_index("c")
    sid = lax.axis_index("s")
    row0 = sid * ROWS_PER_TILE
    phase_len = A_CHUNKS_PER_TILE // NPHASES
    pltpu.sync_copy(zeros_hbm, acc.at[pl.ds(row0, ROWS_PER_TILE)])
    plsc.subcore_barrier()

    def gather(g, b):
        pltpu.async_copy(y_hbm.at[idx_s.at[g]], rows[b], gsem[b])

    def scatter(g, b):
        pltpu.async_copy(rows[b], acc.at[idx_d.at[g]], ssem[b], add=True)

    def gwait(g, b):
        pltpu.make_async_copy(y_hbm.at[idx_s.at[g]], rows[b], gsem[b]).wait()

    def swait(g, b):
        pltpu.make_async_copy(rows[b], acc.at[idx_d.at[g]], ssem[b]).wait()

    for phase in range(NPHASES):
        pltpu.sync_copy(
            srcoff_hbm.at[pl.ds(cid * A_NCHUNKS + sid * A_CHUNKS_PER_TILE
                                + phase * phase_len, phase_len)], idx_s)
        pltpu.sync_copy(
            dst_hbm.at[pl.ds(sid * A_CHUNKS_PER_TILE + phase * phase_len,
                             phase_len)], idx_d)
        for b in range(NBUF):
            gather(b, b)

        def body(i, carry):
            g = NBUF * i
            for b in range(NBUF):
                gwait(g + b, b)
                scatter(g + b, b)

            @pl.when(i < phase_len // NBUF - 1)
            def _prefetch():
                for b in range(NBUF):
                    swait(g + b, b)
                    gather(g + NBUF + b, b)

            return carry

        lax.fori_loop(0, phase_len // NBUF, body, 0)
        for b in range(NBUF):
            swait(phase_len - NBUF + b, b)
    plsc.subcore_barrier()
    pltpu.sync_copy(acc.at[pl.ds(row0, ROWS_PER_TILE)],
                    z_hbm.at[pl.ds(cid * NPAD + row0, ROWS_PER_TILE)])



def _rsqrt_deg(deg_ref):
    return lax.rsqrt(deg_ref[0, :, :1] + deg_ref[1, :, :1] + 1.0)


def _prep_body(deg_ref, x_ref, y_ref):
    d = _rsqrt_deg(deg_ref)
    y = x_ref[...] * d
    y_ref[0] = y[:, :HALF]
    y_ref[1] = y[:, HALF:]


def _dense_body(z_ref, y_ref, deg_ref, w1_ref, b1_ref, w2_ref, q_ref):
    d = _rsqrt_deg(deg_ref)
    a = jnp.concatenate(
        [z_ref[0] + y_ref[0], z_ref[1] + y_ref[1]], axis=1) * d
    h = jnp.maximum(
        jnp.dot(a.astype(jnp.bfloat16), w1_ref[...].astype(jnp.bfloat16),
                preferred_element_type=jnp.float32)
        + b1_ref[...], 0.0)
    p = jnp.dot(h.astype(jnp.bfloat16), w2_ref[...].astype(jnp.bfloat16),
                preferred_element_type=jnp.float32)
    q = p * d
    q_ref[0] = q[:, :HALF]
    q_ref[1] = q[:, HALF:]


def _final_body(s_ref, q_ref, deg_ref, b2_ref, out_ref):
    d = _rsqrt_deg(deg_ref)
    o = jnp.concatenate(
        [s_ref[0] + q_ref[0], s_ref[1] + q_ref[1]], axis=1) * d
    o = o + b2_ref[...]
    m = jnp.max(o, axis=1, keepdims=True)
    e = jnp.exp(o - m)
    out_ref[...] = (o - m) - jnp.log(jnp.sum(e, axis=1, keepdims=True))


def _pair_spec(width):
    return pl.BlockSpec((2, ROW_BLOCK, width), lambda i: (0, i, 0))


def _row_spec(width):
    return pl.BlockSpec((ROW_BLOCK, width), lambda i: (i, 0))


def _full_spec(shape):
    return pl.BlockSpec(shape, lambda i: (0,) * len(shape))


_PAIR128 = jax.ShapeDtypeStruct((2, N, HALF), jnp.float32)

_prep = pl.pallas_call(
    _prep_body,
    grid=(GRID,),
    in_specs=[_pair_spec(HALF), _row_spec(IN_DIM)],
    out_specs=_pair_spec(HALF),
    out_shape=_PAIR128,
)

_dense = pl.pallas_call(
    _dense_body,
    grid=(GRID,),
    in_specs=[
        _pair_spec(HALF),
        _pair_spec(HALF),
        _pair_spec(HALF),
        _full_spec((IN_DIM, HID_DIM)),
        _full_spec((1, HID_DIM)),
        _full_spec((HID_DIM, OUT_DIM)),
    ],
    out_specs=_pair_spec(HALF),
    out_shape=_PAIR128,
)

_final = pl.pallas_call(
    _final_body,
    grid=(GRID,),
    in_specs=[
        _pair_spec(HALF),
        _pair_spec(HALF),
        _pair_spec(HALF),
        _full_spec((1, OUT_DIM)),
    ],
    out_specs=_row_spec(OUT_DIM),
    out_shape=jax.ShapeDtypeStruct((N, OUT_DIM), jnp.float32),
)



def kernel(x, edge_index, W1, b1, W2, b2):
    src = edge_index[0]
    dst = edge_index[1]
    pad = EPAD - E
    dst2d = jnp.concatenate(
        [dst, jnp.full((pad,), N, jnp.int32)]).reshape(NCHUNKS, CHUNK)
    srca = jnp.concatenate(
        [src, jnp.zeros((pad,), jnp.int32)]).reshape(A_NCHUNKS, ACHUNK)
    srcoff = jnp.concatenate([srca, srca + N], axis=0)
    dsta = jnp.concatenate(
        [dst, jnp.full((pad,), N, jnp.int32)]).reshape(A_NCHUNKS, ACHUNK)

    zeros128 = jnp.zeros((ROWS_PER_TILE, HALF), jnp.float32)

    ones128 = jnp.ones((CHUNK, HALF), jnp.float32)
    deg = _deg_kernel(dst2d, zeros128, ones128).reshape(2, NPAD, HALF)
    y = _prep(deg, x)
    y_flat = y.reshape(2 * N, HALF)
    z = _agg_kernel(y_flat, srcoff, dsta, zeros128).reshape(2, NPAD, HALF)
    q = _dense(z, y, deg, W1, b1.reshape(1, HID_DIM), W2)
    q_flat = q.reshape(2 * N, HALF)
    s = _agg_kernel(q_flat, srcoff, dsta, zeros128).reshape(2, NPAD, HALF)
    return _final(s, q, deg, b2.reshape(1, OUT_DIM))

# --- scband reference (transcript-rebuilt; emitter-appended) ---
"""Pipeline reference for scband-bot-cgnn-18365280158273 (READ-ONLY COPY).

The authoritative reference and input builder live on the scoring server;
editing this copy changes nothing except your own understanding.
"""

import jax, jax.numpy as jnp
import numpy as np

NUM_NODES = 10000
IN_DIM = 256
HID_DIM = 512
OUT_DIM = 256
NUM_EDGES = 160000


def glorot(key, shape):
    limit = float(np.sqrt(6.0 / (shape[0] + shape[1])))
    return jax.random.uniform(key, shape, dtype=jnp.float32, minval=-limit, maxval=limit)


def setup_inputs(seed: int = 0) -> dict:
    key = jax.random.key(seed)
    k_x, k_e, k_w1, k_w2 = jax.random.split(key, 4)
    x = jax.random.normal(k_x, (NUM_NODES, IN_DIM), dtype=jnp.float32)
    edge_index = jax.random.randint(k_e, (2, NUM_EDGES), 0, NUM_NODES, dtype=jnp.int64 if jax.config.read('jax_enable_x64') else jnp.int32).astype(jnp.int32)
    W1 = glorot(k_w1, (IN_DIM, HID_DIM))
    b1 = jnp.zeros((HID_DIM,), dtype=jnp.float32)
    W2 = glorot(k_w2, (HID_DIM, OUT_DIM))
    b2 = jnp.zeros((OUT_DIM,), dtype=jnp.float32)
    return {"x": x, "edge_index": edge_index, "W1": W1, "b1": b1, "W2": W2, "b2": b2}


def gcn_conv(x, edge_index, W, b, num_nodes):
    # Faithful PyG GCNConv: add self-loops, symmetric normalization, linear, scatter-add, bias.
    loop = jnp.arange(num_nodes, dtype=edge_index.dtype)
    src = jnp.concatenate([edge_index[0], loop])
    dst = jnp.concatenate([edge_index[1], loop])
    deg = jnp.zeros((num_nodes,), dtype=x.dtype).at[dst].add(1.0)
    deg_inv_sqrt = jnp.where(deg > 0, deg ** -0.5, 0.0)
    norm = deg_inv_sqrt[src] * deg_inv_sqrt[dst]
    h = x @ W
    msg = jnp.take(h, src, axis=0) * norm[:, None]
    out = jnp.zeros((num_nodes, h.shape[1]), dtype=h.dtype).at[dst].add(msg)
    return out + b


def reference(x, edge_index, W1, b1, W2, b2):
    num_nodes = x.shape[0]
    h = gcn_conv(x, edge_index, W1, b1, num_nodes)
    h = jax.nn.relu(h)
    out = gcn_conv(h, edge_index, W2, b2, num_nodes)
    return jax.nn.log_softmax(out, axis=1)

if __name__ == "__main__":
    import jax
    _d = setup_inputs()
    print(jax.jit(kernel)(*tuple(_d.values())))

</pallas_src>

<mosaic_0001>
#map = affine_map<(d0, d1) -> (0, 0)>
module attributes {stable_mosaic.version = 14 : i64} {
  func.func @_agg_kernel(%arg0: i32, %arg1: i32, %arg2: memref<20000x128xf32, #tpu.memory_space<hbm>>, %arg3: memref<4096x80xi32, #tpu.memory_space<hbm>>, %arg4: memref<2048x80xi32, #tpu.memory_space<hbm>>, %arg5: memref<632x128xf32, #tpu.memory_space<hbm>>, %arg6: memref<20224x128xf32, #tpu.memory_space<hbm>>, %arg7: memref<10112x128xf32, #tpu.memory_space<vmem_shared>>, %arg8: memref<32x80xi32, #tpu.memory_space<vmem>>, %arg9: memref<32x80xi32, #tpu.memory_space<vmem>>, %arg10: memref<80x128xf32, #tpu.memory_space<vmem>>, %arg11: memref<80x128xf32, #tpu.memory_space<vmem>>, %arg12: memref<80x128xf32, #tpu.memory_space<vmem>>, %arg13: memref<80x128xf32, #tpu.memory_space<vmem>>, %arg14: memref<!tpu.dma_semaphore, #tpu.memory_space<semaphore_mem>>, %arg15: memref<!tpu.dma_semaphore, #tpu.memory_space<semaphore_mem>>, %arg16: memref<!tpu.dma_semaphore, #tpu.memory_space<semaphore_mem>>, %arg17: memref<!tpu.dma_semaphore, #tpu.memory_space<semaphore_mem>>, %arg18: memref<!tpu.dma_semaphore, #tpu.memory_space<semaphore_mem>>, %arg19: memref<!tpu.dma_semaphore, #tpu.memory_space<semaphore_mem>>, %arg20: memref<!tpu.dma_semaphore, #tpu.memory_space<semaphore_mem>>, %arg21: memref<!tpu.dma_semaphore, #tpu.memory_space<semaphore_mem>>) attributes {dimension_semantics = [#tpu.dimension_semantics<core_parallel>, #tpu.dimension_semantics<subcore_parallel>], iteration_bounds = array<i64: 2, 16>, scalar_prefetch = 0 : i64, scratch_operands = 15 : i64, tpu.core_type = #tpu.core_type<sc_vector_subcore>, window_params = [{transform_indices = #map}, {transform_indices = #map}, {transform_indices = #map}, {transform_indices = #map}, {transform_indices = #map}]} {
    %mul3A = arith.constant 632 : i32
    %mul3A_0 = arith.muli %arg1, %mul3A : i32
    "tpu.region"() ({
      %run_scoped3A = tpu.sem_alloc : memref<!tpu.dma_semaphore, #tpu.memory_space<semaphore_mem>>
      %dma_start3A_293 = arith.constant 0 : i32
      %dma_start3A_294 = tpu.memref_slice %arg7[%mul3A_0, %dma_start3A_293] : memref<10112x128xf32, #tpu.memory_space<vmem_shared>> -> memref<632x128xf32, #tpu.memory_space<vmem_shared>>
      tpu.enqueue_dma source(%arg5 : memref<632x128xf32, #tpu.memory_space<hbm>>) target(%dma_start3A_294 : memref<632x128xf32, #tpu.memory_space<vmem_shared>>) target_semaphore(%run_scoped3A : memref<!tpu.dma_semaphore, #tpu.memory_space<semaphore_mem>>)
      %dma_wait3A_295 = arith.constant 0 : i32
      %dma_wait3A_296 = tpu.memref_slice %arg7[%mul3A_0, %dma_wait3A_295] : memref<10112x128xf32, #tpu.memory_space<vmem_shared>> -> memref<632x128xf32, #tpu.memory_space<vmem_shared>>
      tpu.wait_dma2 semaphore(%run_scoped3A : memref<!tpu.dma_semaphore, #tpu.memory_space<semaphore_mem>>) src(%arg5 : memref<632x128xf32, #tpu.memory_space<hbm>>) dst(%dma_wait3A_296 : memref<632x128xf32, #tpu.memory_space<vmem_shared>>)
      tpu.yield
    }) : () -> ()
    %barrier3A = arith.constant 0 : index
    tpu.barrier barrier_id(%barrier3A)
    %mul3A_1 = arith.constant 2048 : i32
    %mul3A_2 = arith.muli %arg0, %mul3A_1 : i32
    %mul3A_3 = arith.constant 128 : i32
    %mul3A_4 = arith.muli %arg1, %mul3A_3 : i32
    %add3A = arith.addi %mul3A_2, %mul3A_4 : i32
    %add3A_5 = arith.constant 0 : i32
    %add3A_6 = arith.addi %add3A, %add3A_5 : i32
    "tpu.region"() ({
      %run_scoped3A = tpu.sem_alloc : memref<!tpu.dma_semaphore, #tpu.memory_space<semaphore_mem>>
      %dma_start3A_293 = arith.constant 0 : i32
      %dma_start3A_294 = tpu.memref_slice %arg3[%add3A_6, %dma_start3A_293] : memref<4096x80xi32, #tpu.memory_space<hbm>> -> memref<32x80xi32, #tpu.memory_space<hbm>>
      %dma_start3A_295 = arith.constant 0 : i32
      %dma_start3A_296 = tpu.memref_slice %arg3[%add3A_6, %dma_start3A_295] : memref<4096x80xi32, #tpu.memory_space<hbm>> -> memref<32x80xi32, #tpu.memory_space<hbm>>
      tpu.enqueue_dma source(%dma_start3A_296 : memref<32x80xi32, #tpu.memory_space<hbm>>) target(%arg8 : memref<32x80xi32, #tpu.memory_space<vmem>>) target_semaphore(%run_scoped3A : memref<!tpu.dma_semaphore, #tpu.memory_space<semaphore_mem>>)
      %dma_wait3A_297 = arith.constant 0 : i32
      %dma_wait3A_298 = tpu.memref_slice %arg3[%add3A_6, %dma_wait3A_297] : memref<4096x80xi32, #tpu.memory_space<hbm>> -> memref<32x80xi32, #tpu.memory_space<hbm>>
      %dma_wait3A_299 = arith.constant 0 : i32
      %dma_wait3A_300 = tpu.memref_slice %arg3[%add3A_6, %dma_wait3A_299] : memref<4096x80xi32, #tpu.memory_space<hbm>> -> memref<32x80xi32, #tpu.memory_space<hbm>>
      tpu.wait_dma2 semaphore(%run_scoped3A : memref<!tpu.dma_semaphore, #tpu.memory_space<semaphore_mem>>) src(%dma_wait3A_300 : memref<32x80xi32, #tpu.memory_space<hbm>>) dst(%arg8 : memref<32x80xi32, #tpu.memory_space<vmem>>)
      tpu.yield
    }) : () -> ()
    %mul3A_7 = arith.constant 128 : i32
    %mul3A_8 = arith.muli %arg1, %mul3A_7 : i32
    %add3A_9 = arith.constant 0 : i32
    %add3A_10 = arith.addi %mul3A_8, %add3A_9 : i32
    "tpu.region"() ({
      %run_scoped3A = tpu.sem_alloc : memref<!tpu.dma_semaphore, #tpu.memory_space<semaphore_mem>>
      %dma_start3A_293 = arith.constant 0 : i32
      %dma_start3A_294 = tpu.memref_slice %arg4[%add3A_10, %dma_start3A_293] : memref<2048x80xi32, #tpu.memory_space<hbm>> -> memref<32x80xi32, #tpu.memory_space<hbm>>
      %dma_start3A_295 = arith.constant 0 : i32
      %dma_start3A_296 = tpu.memref_slice %arg4[%add3A_10, %dma_start3A_295] : memref<2048x80xi32, #tpu.memory_space<hbm>> -> memref<32x80xi32, #tpu.memory_space<hbm>>
      tpu.enqueue_dma source(%dma_start3A_296 : memref<32x80xi32, #tpu.memory_space<hbm>>) target(%arg9 : memref<32x80xi32, #tpu.memory_space<vmem>>) target_semaphore(%run_scoped3A : memref<!tpu.dma_semaphore, #tpu.memory_space<semaphore_mem>>)
      %dma_wait3A_297 = arith.constant 0 : i32
      %dma_wait3A_298 = tpu.memref_slice %arg4[%add3A_10, %dma_wait3A_297] : memref<2048x80xi32, #tpu.memory_space<hbm>> -> memref<32x80xi32, #tpu.memory_space<hbm>>
      %dma_wait3A_299 = arith.constant 0 : i32
      %dma_wait3A_300 = tpu.memref_slice %arg4[%add3A_10, %dma_wait3A_299] : memref<2048x80xi32, #tpu.memory_space<hbm>> -> memref<32x80xi32, #tpu.memory_space<hbm>>
      tpu.wait_dma2 semaphore(%run_scoped3A : memref<!tpu.dma_semaphore, #tpu.memory_space<semaphore_mem>>) src(%dma_wait3A_300 : memref<32x80xi32, #tpu.memory_space<hbm>>) dst(%arg9 : memref<32x80xi32, #tpu.memory_space<vmem>>)
      tpu.yield
    }) : () -> ()
    %dma_start3A = arith.constant 0 : i32
    %dma_start3A_11 = arith.constant 0 : i32
    %dma_start3A_12 = tpu.memref_slice %arg8[%dma_start3A, %dma_start3A_11] : memref<32x80xi32, #tpu.memory_space<vmem>> -> memref<1x80xi32, #tpu.memory_space<vmem>>
    %dma_start3A_13 = tpu.memref_squeeze %dma_start3A_12 : memref<1x80xi32, #tpu.memory_space<vmem>> -> memref<80xi32, #tpu.memory_space<vmem>>
    %dma_start3A_14 = arith.constant 0 : i32
    %dma_start3A_15 = arith.constant 0 : i32
    %dma_start3A_16 = tpu.memref_slice %arg2[%dma_start3A_14, %dma_start3A_15] : memref<20000x128xf32, #tpu.memory_space<hbm>> -> memref<20000x128xf32, #tpu.memory_space<hbm>>
    tpu.enqueue_indirect_dma source(%dma_start3A_16 : memref<20000x128xf32, #tpu.memory_space<hbm>>) target(%arg10 : memref<80x128xf32, #tpu.memory_space<vmem>>) offsets(%dma_start3A_13 : memref<80xi32, #tpu.memory_space<vmem>>) semaphore(%arg14 : memref<!tpu.dma_semaphore, #tpu.memory_space<semaphore_mem>>)
    %dma_start3A_17 = arith.constant 1 : i32
    %dma_start3A_18 = arith.constant 0 : i32
    %dma_start3A_19 = tpu.memref_slice %arg8[%dma_start3A_17, %dma_start3A_18] : memref<32x80xi32, #tpu.memory_space<vmem>> -> memref<1x80xi32, #tpu.memory_space<vmem>>
    %dma_start3A_20 = tpu.memref_squeeze %dma_start3A_19 : memref<1x80xi32, #tpu.memory_space<vmem>> -> memref<80xi32, #tpu.memory_space<vmem>>
    %dma_start3A_21 = arith.constant 0 : i32
    %dma_start3A_22 = arith.constant 0 : i32
    %dma_start3A_23 = tpu.memref_slice %arg2[%dma_start3A_21, %dma_start3A_22] : memref<20000x128xf32, #tpu.memory_space<hbm>> -> memref<20000x128xf32, #tpu.memory_space<hbm>>
    tpu.enqueue_indirect_dma source(%dma_start3A_23 : memref<20000x128xf32, #tpu.memory_space<hbm>>) target(%arg11 : memref<80x128xf32, #tpu.memory_space<vmem>>) offsets(%dma_start3A_20 : memref<80xi32, #tpu.memory_space<vmem>>) semaphore(%arg15 : memref<!tpu.dma_semaphore, #tpu.memory_space<semaphore_mem>>)
    %dma_start3A_24 = arith.constant 2 : i32
    %dma_start3A_25 = arith.constant 0 : i32
    %dma_start3A_26 = tpu.memref_slice %arg8[%dma_start3A_24, %dma_start3A_25] : memref<32x80xi32, #tpu.memory_space<vmem>> -> memref<1x80xi32, #tpu.memory_space<vmem>>
    %dma_start3A_27 = tpu.memref_squeeze %dma_start3A_26 : memref<1x80xi32, #tpu.memory_space<vmem>> -> memref<80xi32, #tpu.memory_space<vmem>>
    %dma_start3A_28 = arith.constant 0 : i32
    %dma_start3A_29 = arith.constant 0 : i32
    %dma_start3A_30 = tpu.memref_slice %arg2[%dma_start3A_28, %dma_start3A_29] : memref<20000x128xf32, #tpu.memory_space<hbm>> -> memref<20000x128xf32, #tpu.memory_space<hbm>>
    tpu.enqueue_indirect_dma source(%dma_start3A_30 : memref<20000x128xf32, #tpu.memory_space<hbm>>) target(%arg12 : memref<80x128xf32, #tpu.memory_space<vmem>>) offsets(%dma_start3A_27 : memref<80xi32, #tpu.memory_space<vmem>>) semaphore(%arg16 : memref<!tpu.dma_semaphore, #tpu.memory_space<semaphore_mem>>)
    %dma_start3A_31 = arith.constant 3 : i32
    %dma_start3A_32 = arith.constant 0 : i32
    %dma_start3A_33 = tpu.memref_slice %arg8[%dma_start3A_31, %dma_start3A_32] : memref<32x80xi32, #tpu.memory_space<vmem>> -> memref<1x80xi32, #tpu.memory_space<vmem>>
    %dma_start3A_34 = tpu.memref_squeeze %dma_start3A_33 : memref<1x80xi32, #tpu.memory_space<vmem>> -> memref<80xi32, #tpu.memory_space<vmem>>
    %dma_start3A_35 = arith.constant 0 : i32
    %dma_start3A_36 = arith.constant 0 : i32
    %dma_start3A_37 = tpu.memref_slice %arg2[%dma_start3A_35, %dma_start3A_36] : memref<20000x128xf32, #tpu.memory_space<hbm>> -> memref<20000x128xf32, #tpu.memory_space<hbm>>
    tpu.enqueue_indirect_dma source(%dma_start3A_37 : memref<20000x128xf32, #tpu.memory_space<hbm>>) target(%arg13 : memref<80x128xf32, #tpu.memory_space<vmem>>) offsets(%dma_start3A_34 : memref<80xi32, #tpu.memory_space<vmem>>) semaphore(%arg17 : memref<!tpu.dma_semaphore, #tpu.memory_space<semaphore_mem>>)
    %scan3A = arith.constant 0 : i32
    %scan3A_38 = arith.constant 0 : i32
    %scan3A_39 = arith.constant 8 : i32
    %scan3A_40 = arith.addi %scan3A_38, %scan3A_39 : i32
    %scan3A_41 = arith.constant 1 : i32
    scf.for %scan3A_293 = %scan3A_38 to %scan3A_40 step %scan3A_41  : i32 {
      %mul3A_294 = arith.constant 4 : i32
      %mul3A_295 = arith.muli %mul3A_294, %scan3A_293 : i32
      %add3A_296 = arith.constant 0 : i32
      %add3A_297 = arith.addi %mul3A_295, %add3A_296 : i32
      %dma_wait3A_298 = arith.constant 0 : i32
      %dma_wait3A_299 = tpu.memref_slice %arg8[%add3A_297, %dma_wait3A_298] : memref<32x80xi32, #tpu.memory_space<vmem>> -> memref<1x80xi32, #tpu.memory_space<vmem>>
      %dma_wait3A_300 = tpu.memref_squeeze %dma_wait3A_299 : memref<1x80xi32, #tpu.memory_space<vmem>> -> memref<80xi32, #tpu.memory_space<vmem>>
      %dma_wait3A_301 = arith.constant 0 : i32
      %dma_wait3A_302 = arith.constant 0 : i32
      %dma_wait3A_303 = tpu.memref_slice %arg2[%dma_wait3A_301, %dma_wait3A_302] : memref<20000x128xf32, #tpu.memory_space<hbm>> -> memref<20000x128xf32, #tpu.memory_space<hbm>>
      tpu.wait_indirect_dma semaphore(%arg14 : memref<!tpu.dma_semaphore, #tpu.memory_space<semaphore_mem>>) src(%dma_wait3A_303 : memref<20000x128xf32, #tpu.memory_space<hbm>>) dst(%arg10 : memref<80x128xf32, #tpu.memory_space<vmem>>)
      %add3A_304 = arith.constant 0 : i32
      %add3A_305 = arith.addi %mul3A_295, %add3A_304 : i32
      %dma_start3A_306 = arith.constant 0 : i32
      %dma_start3A_307 = tpu.memref_slice %arg9[%add3A_305, %dma_start3A_306] : memref<32x80xi32, #tpu.memory_space<vmem>> -> memref<1x80xi32, #tpu.memory_space<vmem>>
      %dma_start3A_308 = tpu.memref_squeeze %dma_start3A_307 : memref<1x80xi32, #tpu.memory_space<vmem>> -> memref<80xi32, #tpu.memory_space<vmem>>
      %dma_start3A_309 = arith.constant 0 : i32
      %dma_start3A_310 = arith.constant 0 : i32
      %dma_start3A_311 = tpu.memref_slice %arg7[%dma_start3A_309, %dma_start3A_310] : memref<10112x128xf32, #tpu.memory_space<vmem_shared>> -> memref<10112x128xf32, #tpu.memory_space<vmem_shared>>
      tpu.enqueue_indirect_dma source(%arg10 : memref<80x128xf32, #tpu.memory_space<vmem>>) target(%dma_start3A_311 : memref<10112x128xf32, #tpu.memory_space<vmem_shared>>) offsets(%dma_start3A_308 : memref<80xi32, #tpu.memory_space<vmem>>) semaphore(%arg18 : memref<!tpu.dma_semaphore, #tpu.memory_space<semaphore_mem>>) {add = true}
      %add3A_312 = arith.constant 1 : i32
      %add3A_313 = arith.addi %mul3A_295, %add3A_312 : i32
      %dma_wait3A_314 = arith.constant 0 : i32
      %dma_wait3A_315 = tpu.memref_slice %arg8[%add3A_313, %dma_wait3A_314] : memref<32x80xi32, #tpu.memory_space<vmem>> -> memref<1x80xi32, #tpu.memory_space<vmem>>
      %dma_wait3A_316 = tpu.memref_squeeze %dma_wait3A_315 : memref<1x80xi32, #tpu.memory_space<vmem>> -> memref<80xi32, #tpu.memory_space<vmem>>
      %dma_wait3A_317 = arith.constant 0 : i32
      %dma_wait3A_318 = arith.constant 0 : i32
      %dma_wait3A_319 = tpu.memref_slice %arg2[%dma_wait3A_317, %dma_wait3A_318] : memref<20000x128xf32, #tpu.memory_space<hbm>> -> memref<20000x128xf32, #tpu.memory_space<hbm>>
      tpu.wait_indirect_dma semaphore(%arg15 : memref<!tpu.dma_semaphore, #tpu.memory_space<semaphore_mem>>) src(%dma_wait3A_319 : memref<20000x128xf32, #tpu.memory_space<hbm>>) dst(%arg11 : memref<80x128xf32, #tpu.memory_space<vmem>>)
      %add3A_320 = arith.constant 1 : i32
      %add3A_321 = arith.addi %mul3A_295, %add3A_320 : i32
      %dma_start3A_322 = arith.constant 0 : i32
      %dma_start3A_323 = tpu.memref_slice %arg9[%add3A_321, %dma_start3A_322] : memref<32x80xi32, #tpu.memory_space<vmem>> -> memref<1x80xi32, #tpu.memory_space<vmem>>
      %dma_start3A_324 = tpu.memref_squeeze %dma_start3A_323 : memref<1x80xi32, #tpu.memory_space<vmem>> -> memref<80xi32, #tpu.memory_space<vmem>>
      %dma_start3A_325 = arith.constant 0 : i32
      %dma_start3A_326 = arith.constant 0 : i32
      %dma_start3A_327 = tpu.memref_slice %arg7[%dma_start3A_325, %dma_start3A_326] : memref<10112x128xf32, #tpu.memory_space<vmem_shared>> -> memref<10112x128xf32, #tpu.memory_space<vmem_shared>>
      tpu.enqueue_indirect_dma source(%arg11 : memref<80x128xf32, #tpu.memory_space<vmem>>) target(%dma_start3A_327 : memref<10112x128xf32, #tpu.memory_space<vmem_shared>>) offsets(%dma_start3A_324 : memref<80xi32, #tpu.memory_space<vmem>>) semaphore(%arg19 : memref<!tpu.dma_semaphore, #tpu.memory_space<semaphore_mem>>) {add = true}
      %add3A_328 = arith.constant 2 : i32
      %add3A_329 = arith.addi %mul3A_295, %add3A_328 : i32
      %dma_wait3A_330 = arith.constant 0 : i32
      %dma_wait3A_331 = tpu.memref_slice %arg8[%add3A_329, %dma_wait3A_330] : memref<32x80xi32, #tpu.memory_space<vmem>> -> memref<1x80xi32, #tpu.memory_space<vmem>>
      %dma_wait3A_332 = tpu.memref_squeeze %dma_wait3A_331 : memref<1x80xi32, #tpu.memory_space<vmem>> -> memref<80xi32, #tpu.memory_space<vmem>>
      %dma_wait3A_333 = arith.constant 0 : i32
      %dma_wait3A_334 = arith.constant 0 : i32
      %dma_wait3A_335 = tpu.memref_slice %arg2[%dma_wait3A_333, %dma_wait3A_334] : memref<20000x128xf32, #tpu.memory_space<hbm>> -> memref<20000x128xf32, #tpu.memory_space<hbm>>
      tpu.wait_indirect_dma semaphore(%arg16 : memref<!tpu.dma_semaphore, #tpu.memory_space<semaphore_mem>>) src(%dma_wait3A_335 : memref<20000x128xf32, #tpu.memory_space<hbm>>) dst(%arg12 : memref<80x128xf32, #tpu.memory_space<vmem>>)
      %add3A_336 = arith.constant 2 : i32
      %add3A_337 = arith.addi %mul3A_295, %add3A_336 : i32
      %dma_start3A_338 = arith.constant 0 : i32
      %dma_start3A_339 = tpu.memref_slice %arg9[%add3A_337, %dma_start3A_338] : memref<32x80xi32, #tpu.memory_space<vmem>> -> memref<1x80xi32, #tpu.memory_space<vmem>>
      %dma_start3A_340 = tpu.memref_squeeze %dma_start3A_339 : memref<1x80xi32, #tpu.memory_space<vmem>> -> memref<80xi32, #tpu.memory_space<vmem>>
      %dma_start3A_341 = arith.constant 0 : i32
      %dma_start3A_342 = arith.constant 0 : i32
      %dma_start3A_343 = tpu.memref_slice %arg7[%dma_start3A_341, %dma_start3A_342] : memref<10112x128xf32, #tpu.memory_space<vmem_shared>> -> memref<10112x128xf32, #tpu.memory_space<vmem_shared>>
      tpu.enqueue_indirect_dma source(%arg12 : memref<80x128xf32, #tpu.memory_space<vmem>>) target(%dma_start3A_343 : memref<10112x128xf32, #tpu.memory_space<vmem_shared>>) offsets(%dma_start3A_340 : memref<80xi32, #tpu.memory_space<vmem>>) semaphore(%arg20 : memref<!tpu.dma_semaphore, #tpu.memory_space<semaphore_mem>>) {add = true}
      %add3A_344 = arith.constant 3 : i32
      %add3A_345 = arith.addi %mul3A_295, %add3A_344 : i32
      %dma_wait3A_346 = arith.constant 0 : i32
      %dma_wait3A_347 = tpu.memref_slice %arg8[%add3A_345, %dma_wait3A_346] : memref<32x80xi32, #tpu.memory_space<vmem>> -> memref<1x80xi32, #tpu.memory_space<vmem>>
      %dma_wait3A_348 = tpu.memref_squeeze %dma_wait3A_347 : memref<1x80xi32, #tpu.memory_space<vmem>> -> memref<80xi32, #tpu.memory_space<vmem>>
      %dma_wait3A_349 = arith.constant 0 : i32
      %dma_wait3A_350 = arith.constant 0 : i32
      %dma_wait3A_351 = tpu.memref_slice %arg2[%dma_wait3A_349, %dma_wait3A_350] : memref<20000x128xf32, #tpu.memory_space<hbm>> -> memref<20000x128xf32, #tpu.memory_space<hbm>>
      tpu.wait_indirect_dma semaphore(%arg17 : memref<!tpu.dma_semaphore, #tpu.memory_space<semaphore_mem>>) src(%dma_wait3A_351 : memref<20000x128xf32, #tpu.memory_space<hbm>>) dst(%arg13 : memref<80x128xf32, #tpu.memory_space<vmem>>)
      %add3A_352 = arith.constant 3 : i32
      %add3A_353 = arith.addi %mul3A_295, %add3A_352 : i32
      %dma_start3A_354 = arith.constant 0 : i32
      %dma_start3A_355 = tpu.memref_slice %arg9[%add3A_353, %dma_start3A_354] : memref<32x80xi32, #tpu.memory_space<vmem>> -> memref<1x80xi32, #tpu.memory_space<vmem>>
      %dma_start3A_356 = tpu.memref_squeeze %dma_start3A_355 : memref<1x80xi32, #tpu.memory_space<vmem>> -> memref<80xi32, #tpu.memory_space<vmem>>
      %dma_start3A_357 = arith.constant 0 : i32
      %dma_start3A_358 = arith.constant 0 : i32
      %dma_start3A_359 = tpu.memref_slice %arg7[%dma_start3A_357, %dma_start3A_358] : memref<10112x128xf32, #tpu.memory_space<vmem_shared>> -> memref<10112x128xf32, #tpu.memory_space<vmem_shared>>
      tpu.enqueue_indirect_dma source(%arg13 : memref<80x128xf32, #tpu.memory_space<vmem>>) target(%dma_start3A_359 : memref<10112x128xf32, #tpu.memory_space<vmem_shared>>) offsets(%dma_start3A_356 : memref<80xi32, #tpu.memory_space<vmem>>) semaphore(%arg21 : memref<!tpu.dma_semaphore, #tpu.memory_space<semaphore_mem>>) {add = true}
      %lt3A = arith.constant 7 : i32
      %lt3A_360 = arith.cmpi slt, %scan3A_293, %lt3A : i32
      %convert_element_type3A = arith.extui %lt3A_360 : i1 to i32
      %cond3A = arith.constant 0 : i32
      %cond3A_361 = arith.cmpi ne, %convert_element_type3A, %cond3A : i32
      scf.if %cond3A_361 {
        %add3A_362 = arith.constant 0 : i32
        %add3A_363 = arith.addi %mul3A_295, %add3A_362 : i32
        %dma_wait3A_364 = arith.constant 0 : i32
        %dma_wait3A_365 = tpu.memref_slice %arg9[%add3A_363, %dma_wait3A_364] : memref<32x80xi32, #tpu.memory_space<vmem>> -> memref<1x80xi32, #tpu.memory_space<vmem>>
        %dma_wait3A_366 = tpu.memref_squeeze %dma_wait3A_365 : memref<1x80xi32, #tpu.memory_space<vmem>> -> memref<80xi32, #tpu.memory_space<vmem>>
        %dma_wait3A_367 = arith.constant 0 : i32
        %dma_wait3A_368 = arith.constant 0 : i32
        %dma_wait3A_369 = tpu.memref_slice %arg7[%dma_wait3A_367, %dma_wait3A_368] : memref<10112x128xf32, #tpu.memory_space<vmem_shared>> -> memref<10112x128xf32, #tpu.memory_space<vmem_shared>>
        tpu.wait_indirect_dma semaphore(%arg18 : memref<!tpu.dma_semaphore, #tpu.memory_space<semaphore_mem>>) src(%arg10 : memref<80x128xf32, #tpu.memory_space<vmem>>) dst(%dma_wait3A_369 : memref<10112x128xf32, #tpu.memory_space<vmem_shared>>)
        %add3A_370 = arith.constant 4 : i32
        %add3A_371 = arith.addi %mul3A_295, %add3A_370 : i32
        %add3A_372 = arith.constant 0 : i32
        %add3A_373 = arith.addi %add3A_371, %add3A_372 : i32
        %dma_start3A_374 = arith.constant 0 : i32
        %dma_start3A_375 = tpu.memref_slice %arg8[%add3A_373, %dma_start3A_374] : memref<32x80xi32, #tpu.memory_space<vmem>> -> memref<1x80xi32, #tpu.memory_space<vmem>>
        %dma_start3A_376 = tpu.memref_squeeze %dma_start3A_375 : memref<1x80xi32, #tpu.memory_space<vmem>> -> memref<80xi32, #tpu.memory_space<vmem>>
        %dma_start3A_377 = arith.constant 0 : i32
        %dma_start3A_378 = arith.constant 0 : i32
        %dma_start3A_379 = tpu.memref_slice %arg2[%dma_start3A_377, %dma_start3A_378] : memref<20000x128xf32, #tpu.memory_space<hbm>> -> memref<20000x128xf32, #tpu.memory_space<hbm>>
        tpu.enqueue_indirect_dma source(%dma_start3A_379 : memref<20000x128xf32, #tpu.memory_space<hbm>>) target(%arg10 : memref<80x128xf32, #tpu.memory_space<vmem>>) offsets(%dma_start3A_376 : memref<80xi32, #tpu.memory_space<vmem>>) semaphore(%arg14 : memref<!tpu.dma_semaphore, #tpu.memory_space<semaphore_mem>>)
        %add3A_380 = arith.constant 1 : i32
        %add3A_381 = arith.addi %mul3A_295, %add3A_380 : i32
        %dma_wait3A_382 = arith.constant 0 : i32
        %dma_wait3A_383 = tpu.memref_slice %arg9[%add3A_381, %dma_wait3A_382] : memref<32x80xi32, #tpu.memory_space<vmem>> -> memref<1x80xi32, #tpu.memory_space<vmem>>
        %dma_wait3A_384 = tpu.memref_squeeze %dma_wait3A_383 : memref<1x80xi32, #tpu.memory_space<vmem>> -> memref<80xi32, #tpu.memory_space<vmem>>
        %dma_wait3A_385 = arith.constant 0 : i32
        %dma_wait3A_386 = arith.constant 0 : i32
        %dma_wait3A_387 = tpu.memref_slice %arg7[%dma_wait3A_385, %dma_wait3A_386] : memref<10112x128xf32, #tpu.memory_space<vmem_shared>> -> memref<10112x128xf32, #tpu.memory_space<vmem_shared>>
        tpu.wait_indirect_dma semaphore(%arg19 : memref<!tpu.dma_semaphore, #tpu.memory_space<semaphore_mem>>) src(%arg11 : memref<80x128xf32, #tpu.memory_space<vmem>>) dst(%dma_wait3A_387 : memref<10112x128xf32, #tpu.memory_space<vmem_shared>>)
        %add3A_388 = arith.constant 4 : i32
        %add3A_389 = arith.addi %mul3A_295, %add3A_388 : i32
        %add3A_390 = arith.constant 1 : i32
        %add3A_391 = arith.addi %add3A_389, %add3A_390 : i32
        %dma_start3A_392 = arith.constant 0 : i32
        %dma_start3A_393 = tpu.memref_slice %arg8[%add3A_391, %dma_start3A_392] : memref<32x80xi32, #tpu.memory_space<vmem>> -> memref<1x80xi32, #tpu.memory_space<vmem>>
        %dma_start3A_394 = tpu.memref_squeeze %dma_start3A_393 : memref<1x80xi32, #tpu.memory_space<vmem>> -> memref<80xi32, #tpu.memory_space<vmem>>
        %dma_start3A_395 = arith.constant 0 : i32
        %dma_start3A_396 = arith.constant 0 : i32
        %dma_start3A_397 = tpu.memref_slice %arg2[%dma_start3A_395, %dma_start3A_396] : memref<20000x128xf32, #tpu.memory_space<hbm>> -> memref<20000x128xf32, #tpu.memory_space<hbm>>
        tpu.enqueue_indirect_dma source(%dma_start3A_397 : memref<20000x128xf32, #tpu.memory_space<hbm>>) target(%arg11 : memref<80x128xf32, #tpu.memory_space<vmem>>) offsets(%dma_start3A_394 : memref<80xi32, #tpu.memory_space<vmem>>) semaphore(%arg15 : memref<!tpu.dma_semaphore, #tpu.memory_space<semaphore_mem>>)
        %add3A_398 = arith.constant 2 : i32
        %add3A_399 = arith.addi %mul3A_295, %add3A_398 : i32
        %dma_wait3A_400 = arith.constant 0 : i32
        %dma_wait3A_401 = tpu.memref_slice %arg9[%add3A_399, %dma_wait3A_400] : memref<32x80xi32, #tpu.memory_space<vmem>> -> memref<1x80xi32, #tpu.memory_space<vmem>>
        %dma_wait3A_402 = tpu.memref_squeeze %dma_wait3A_401 : memref<1x80xi32, #tpu.memory_space<vmem>> -> memref<80xi32, #tpu.memory_space<vmem>>
        %dma_wait3A_403 = arith.constant 0 : i32
        %dma_wait3A_404 = arith.constant 0 : i32
        %dma_wait3A_405 = tpu.memref_slice %arg7[%dma_wait3A_403, %dma_wait3A_404] : memref<10112x128xf32, #tpu.memory_space<vmem_shared>> -> memref<10112x128xf32, #tpu.memory_space<vmem_shared>>
        tpu.wait_indirect_dma semaphore(%arg20 : memref<!tpu.dma_semaphore, #tpu.memory_space<semaphore_mem>>) src(%arg12 : memref<80x128xf32, #tpu.memory_space<vmem>>) dst(%dma_wait3A_405 : memref<10112x128xf32, #tpu.memory_space<vmem_shared>>)
        %add3A_406 = arith.constant 4 : i32
        %add3A_407 = arith.addi %mul3A_295, %add3A_406 : i32
        %add3A_408 = arith.constant 2 : i32
        %add3A_409 = arith.addi %add3A_407, %add3A_408 : i32
        %dma_start3A_410 = arith.constant 0 : i32
        %dma_start3A_411 = tpu.memref_slice %arg8[%add3A_409, %dma_start3A_410] : memref<32x80xi32, #tpu.memory_space<vmem>> -> memref<1x80xi32, #tpu.memory_space<vmem>>
        %dma_start3A_412 = tpu.memref_squeeze %dma_start3A_411 : memref<1x80xi32, #tpu.memory_space<vmem>> -> memref<80xi32, #tpu.memory_space<vmem>>
        %dma_start3A_413 = arith.constant 0 : i32
        %dma_start3A_414 = arith.constant 0 : i32
        %dma_start3A_415 = tpu.memref_slice %arg2[%dma_start3A_413, %dma_start3A_414] : memref<20000x128xf32, #tpu.memory_space<hbm>> -> memref<20000x128xf32, #tpu.memory_space<hbm>>
        tpu.enqueue_indirect_dma source(%dma_start3A_415 : memref<20000x128xf32, #tpu.memory_space<hbm>>) target(%arg12 : memref<80x128xf32, #tpu.memory_space<vmem>>) offsets(%dma_start3A_412 : memref<80xi32, #tpu.memory_space<vmem>>) semaphore(%arg16 : memref<!tpu.dma_semaphore, #tpu.memory_space<semaphore_mem>>)
        %add3A_416 = arith.constant 3 : i32
        %add3A_417 = arith.addi %mul3A_295, %add3A_416 : i32
        %dma_wait3A_418 = arith.constant 0 : i32
        %dma_wait3A_419 = tpu.memref_slice %arg9[%add3A_417, %dma_wait3A_418] : memref<32x80xi32, #tpu.memory_space<vmem>> -> memref<1x80xi32, #tpu.memory_space<vmem>>
        %dma_wait3A_420 = tpu.memref_squeeze %dma_wait3A_419 : memref<1x80xi32, #tpu.memory_space<vmem>> -> memref<80xi32, #tpu.memory_space<vmem>>
        %dma_wait3A_421 = arith.constant 0 : i32
        %dma_wait3A_422 = arith.constant 0 : i32
        %dma_wait3A_423 = tpu.memref_slice %arg7[%dma_wait3A_421, %dma_wait3A_422] : memref<10112x128xf32, #tpu.memory_space<vmem_shared>> -> memref<10112x128xf32, #tpu.memory_space<vmem_shared>>
        tpu.wait_indirect_dma semaphore(%arg21 : memref<!tpu.dma_semaphore, #tpu.memory_space<semaphore_mem>>) src(%arg13 : memref<80x128xf32, #tpu.memory_space<vmem>>) dst(%dma_wait3A_423 : memref<10112x128xf32, #tpu.memory_space<vmem_shared>>)
        %add3A_424 = arith.constant 4 : i32
        %add3A_425 = arith.addi %mul3A_295, %add3A_424 : i32
        %add3A_426 = arith.constant 3 : i32
        %add3A_427 = arith.addi %add3A_425, %add3A_426 : i32
        %dma_start3A_428 = arith.constant 0 : i32
        %dma_start3A_429 = tpu.memref_slice %arg8[%add3A_427, %dma_start3A_428] : memref<32x80xi32, #tpu.memory_space<vmem>> -> memref<1x80xi32, #tpu.memory_space<vmem>>
        %dma_start3A_430 = tpu.memref_squeeze %dma_start3A_429 : memref<1x80xi32, #tpu.memory_space<vmem>> -> memref<80xi32, #tpu.memory_space<vmem>>
        %dma_start3A_431 = arith.constant 0 : i32
        %dma_start3A_432 = arith.constant 0 : i32
        %dma_start3A_433 = tpu.memref_slice %arg2[%dma_start3A_431, %dma_start3A_432] : memref<20000x128xf32, #tpu.memory_space<hbm>> -> memref<20000x128xf32, #tpu.memory_space<hbm>>
        tpu.enqueue_indirect_dma source(%dma_start3A_433 : memref<20000x128xf32, #tpu.memory_space<hbm>>) target(%arg13 : memref<80x128xf32, #tpu.memory_space<vmem>>) offsets(%dma_start3A_430 : memref<80xi32, #tpu.memory_space<vmem>>) semaphore(%arg17 : memref<!tpu.dma_semaphore, #tpu.memory_space<semaphore_mem>>)
      } else {
      }
    }
    %scan3A_42 = arith.constant 8 : i32
    %dma_wait3A = arith.constant 28 : i32
    %dma_wait3A_43 = arith.constant 0 : i32
    %dma_wait3A_44 = tpu.memref_slice %arg9[%dma_wait3A, %dma_wait3A_43] : memref<32x80xi32, #tpu.memory_space<vmem>> -> memref<1x80xi32, #tpu.memory_space<vmem>>
    %dma_wait3A_45 = tpu.memref_squeeze %dma_wait3A_44 : memref<1x80xi32, #tpu.memory_space<vmem>> -> memref<80xi32, #tpu.memory_space<vmem>>
    %dma_wait3A_46 = arith.constant 0 : i32
    %dma_wait3A_47 = arith.constant 0 : i32
    %dma_wait3A_48 = tpu.memref_slice %arg7[%dma_wait3A_46, %dma_wait3A_47] : memref<10112x128xf32, #tpu.memory_space<vmem_shared>> -> memref<10112x128xf32, #tpu.memory_space<vmem_shared>>
    tpu.wait_indirect_dma semaphore(%arg18 : memref<!tpu.dma_semaphore, #tpu.memory_space<semaphore_mem>>) src(%arg10 : memref<80x128xf32, #tpu.memory_space<vmem>>) dst(%dma_wait3A_48 : memref<10112x128xf32, #tpu.memory_space<vmem_shared>>)
    %dma_wait3A_49 = arith.constant 29 : i32
    %dma_wait3A_50 = arith.constant 0 : i32
    %dma_wait3A_51 = tpu.memref_slice %arg9[%dma_wait3A_49, %dma_wait3A_50] : memref<32x80xi32, #tpu.memory_space<vmem>> -> memref<1x80xi32, #tpu.memory_space<vmem>>
    %dma_wait3A_52 = tpu.memref_squeeze %dma_wait3A_51 : memref<1x80xi32, #tpu.memory_space<vmem>> -> memref<80xi32, #tpu.memory_space<vmem>>
    %dma_wait3A_53 = arith.constant 0 : i32
    %dma_wait3A_54 = arith.constant 0 : i32
    %dma_wait3A_55 = tpu.memref_slice %arg7[%dma_wait3A_53, %dma_wait3A_54] : memref<10112x128xf32, #tpu.memory_space<vmem_shared>> -> memref<10112x128xf32, #tpu.memory_space<vmem_shared>>
    tpu.wait_indirect_dma semaphore(%arg19 : memref<!tpu.dma_semaphore, #tpu.memory_space<semaphore_mem>>) src(%arg11 : memref<80x128xf32, #tpu.memory_space<vmem>>) dst(%dma_wait3A_55 : memref<10112x128xf32, #tpu.memory_space<vmem_shared>>)
    %dma_wait3A_56 = arith.constant 30 : i32
    %dma_wait3A_57 = arith.constant 0 : i32
    %dma_wait3A_58 = tpu.memref_slice %arg9[%dma_wait3A_56, %dma_wait3A_57] : memref<32x80xi32, #tpu.memory_space<vmem>> -> memref<1x80xi32, #tpu.memory_space<vmem>>
    %dma_wait3A_59 = tpu.memref_squeeze %dma_wait3A_58 : memref<1x80xi32, #tpu.memory_space<vmem>> -> memref<80xi32, #tpu.memory_space<vmem>>
    %dma_wait3A_60 = arith.constant 0 : i32
    %dma_wait3A_61 = arith.constant 0 : i32
    %dma_wait3A_62 = tpu.memref_slice %arg7[%dma_wait3A_60, %dma_wait3A_61] : memref<10112x128xf32, #tpu.memory_space<vmem_shared>> -> memref<10112x128xf32, #tpu.memory_space<vmem_shared>>
    tpu.wait_indirect_dma semaphore(%arg20 : memref<!tpu.dma_semaphore, #tpu.memory_space<semaphore_mem>>) src(%arg12 : memref<80x128xf32, #tpu.memory_space<vmem>>) dst(%dma_wait3A_62 : memref<10112x128xf32, #tpu.memory_space<vmem_shared>>)
    %dma_wait3A_63 = arith.constant 31 : i32
    %dma_wait3A_64 = arith.constant 0 : i32
    %dma_wait3A_65 = tpu.memref_slice %arg9[%dma_wait3A_63, %dma_wait3A_64] : memref<32x80xi32, #tpu.memory_space<vmem>> -> memref<1x80xi32, #tpu.memory_space<vmem>>
    %dma_wait3A_66 = tpu.memref_squeeze %dma_wait3A_65 : memref<1x80xi32, #tpu.memory_space<vmem>> -> memref<80xi32, #tpu.memory_space<vmem>>
    %dma_wait3A_67 = arith.constant 0 : i32
    %dma_wait3A_68 = arith.constant 0 : i32
    %dma_wait3A_69 = tpu.memref_slice %arg7[%dma_wait3A_67, %dma_wait3A_68] : memref<10112x128xf32, #tpu.memory_space<vmem_shared>> -> memref<10112x128xf32, #tpu.memory_space<vmem_shared>>
    tpu.wait_indirect_dma semaphore(%arg21 : memref<!tpu.dma_semaphore, #tpu.memory_space<semaphore_mem>>) src(%arg13 : memref<80x128xf32, #tpu.memory_space<vmem>>) dst(%dma_wait3A_69 : memref<10112x128xf32, #tpu.memory_space<vmem_shared>>)
    %mul3A_70 = arith.constant 2048 : i32
    %mul3A_71 = arith.muli %arg0, %mul3A_70 : i32
    %mul3A_72 = arith.constant 128 : i32
    %mul3A_73 = arith.muli %arg1, %mul3A_72 : i32
    %add3A_74 = arith.addi %mul3A_71, %mul3A_73 : i32
    %add3A_75 = arith.constant 32 : i32
    %add3A_76 = arith.addi %add3A_74, %add3A_75 : i32
    "tpu.region"() ({
      %run_scoped3A = tpu.sem_alloc : memref<!tpu.dma_semaphore, #tpu.memory_space<semaphore_mem>>
      %dma_start3A_293 = arith.constant 0 : i32
      %dma_start3A_294 = tpu.memref_slice %arg3[%add3A_76, %dma_start3A_293] : memref<4096x80xi32, #tpu.memory_space<hbm>> -> memref<32x80xi32, #tpu.memory_space<hbm>>
      %dma_start3A_295 = arith.constant 0 : i32
      %dma_start3A_296 = tpu.memref_slice %arg3[%add3A_76, %dma_start3A_295] : memref<4096x80xi32, #tpu.memory_space<hbm>> -> memref<32x80xi32, #tpu.memory_space<hbm>>
      tpu.enqueue_dma source(%dma_start3A_296 : memref<32x80xi32, #tpu.memory_space<hbm>>) target(%arg8 : memref<32x80xi32, #tpu.memory_space<vmem>>) target_semaphore(%run_scoped3A : memref<!tpu.dma_semaphore, #tpu.memory_space<semaphore_mem>>)
      %dma_wait3A_297 = arith.constant 0 : i32
      %dma_wait3A_298 = tpu.memref_slice %arg3[%add3A_76, %dma_wait3A_297] : memref<4096x80xi32, #tpu.memory_space<hbm>> -> memref<32x80xi32, #tpu.memory_space<hbm>>
      %dma_wait3A_299 = arith.constant 0 : i32
      %dma_wait3A_300 = tpu.memref_slice %arg3[%add3A_76, %dma_wait3A_299] : memref<4096x80xi32, #tpu.memory_space<hbm>> -> memref<32x80xi32, #tpu.memory_space<hbm>>
      tpu.wait_dma2 semaphore(%run_scoped3A : memref<!tpu.dma_semaphore, #tpu.memory_space<semaphore_mem>>) src(%dma_wait3A_300 : memref<32x80xi32, #tpu.memory_space<hbm>>) dst(%arg8 : memref<32x80xi32, #tpu.memory_space<vmem>>)
      tpu.yield
    }) : () -> ()
    %mul3A_77 = arith.constant 128 : i32
    %mul3A_78 = arith.muli %arg1, %mul3A_77 : i32
    %add3A_79 = arith.constant 32 : i32
    %add3A_80 = arith.addi %mul3A_78, %add3A_79 : i32
    "tpu.region"() ({
      %run_scoped3A = tpu.sem_alloc : memref<!tpu.dma_semaphore, #tpu.memory_space<semaphore_mem>>
      %dma_start3A_293 = arith.constant 0 : i32
      %dma_start3A_294 = tpu.memref_slice %arg4[%add3A_80, %dma_start3A_293] : memref<2048x80xi32, #tpu.memory_space<hbm>> -> memref<32x80xi32, #tpu.memory_space<hbm>>
      %dma_start3A_295 = arith.constant 0 : i32
      %dma_start3A_296 = tpu.memref_slice %arg4[%add3A_80, %dma_start3A_295] : memref<2048x80xi32, #tpu.memory_space<hbm>> -> memref<32x80xi32, #tpu.memory_space<hbm>>
      tpu.enqueue_dma source(%dma_start3A_296 : memref<32x80xi32, #tpu.memory_space<hbm>>) target(%arg9 : memref<32x80xi32, #tpu.memory_space<vmem>>) target_semaphore(%run_scoped3A : memref<!tpu.dma_semaphore, #tpu.memory_space<semaphore_mem>>)
      %dma_wait3A_297 = arith.constant 0 : i32
      %dma_wait3A_298 = tpu.memref_slice %arg4[%add3A_80, %dma_wait3A_297] : memref<2048x80xi32, #tpu.memory_space<hbm>> -> memref<32x80xi32, #tpu.memory_space<hbm>>
      %dma_wait3A_299 = arith.constant 0 : i32
      %dma_wait3A_300 = tpu.memref_slice %arg4[%add3A_80, %dma_wait3A_299] : memref<2048x80xi32, #tpu.memory_space<hbm>> -> memref<32x80xi32, #tpu.memory_space<hbm>>
      tpu.wait_dma2 semaphore(%run_scoped3A : memref<!tpu.dma_semaphore, #tpu.memory_space<semaphore_mem>>) src(%dma_wait3A_300 : memref<32x80xi32, #tpu.memory_space<hbm>>) dst(%arg9 : memref<32x80xi32, #tpu.memory_space<vmem>>)
      tpu.yield
    }) : () -> ()
    %dma_start3A_81 = arith.constant 0 : i32
    %dma_start3A_82 = arith.constant 0 : i32
    %dma_start3A_83 = tpu.memref_slice %arg8[%dma_start3A_81, %dma_start3A_82] : memref<32x80xi32, #tpu.memory_space<vmem>> -> memref<1x80xi32, #tpu.memory_space<vmem>>
    %dma_start3A_84 = tpu.memref_squeeze %dma_start3A_83 : memref<1x80xi32, #tpu.memory_space<vmem>> -> memref<80xi32, #tpu.memory_space<vmem>>
    %dma_start3A_85 = arith.constant 0 : i32
    %dma_start3A_86 = arith.constant 0 : i32
    %dma_start3A_87 = tpu.memref_slice %arg2[%dma_start3A_85, %dma_start3A_86] : memref<20000x128xf32, #tpu.memory_space<hbm>> -> memref<20000x128xf32, #tpu.memory_space<hbm>>
    tpu.enqueue_indirect_dma source(%dma_start3A_87 : memref<20000x128xf32, #tpu.memory_space<hbm>>) target(%arg10 : memref<80x128xf32, #tpu.memory_space<vmem>>) offsets(%dma_start3A_84 : memref<80xi32, #tpu.memory_space<vmem>>) semaphore(%arg14 : memref<!tpu.dma_semaphore, #tpu.memory_space<semaphore_mem>>)
    %dma_start3A_88 = arith.constant 1 : i32
    %dma_start3A_89 = arith.constant 0 : i32
    %dma_start3A_90 = tpu.memref_slice %arg8[%dma_start3A_88, %dma_start3A_89] : memref<32x80xi32, #tpu.memory_space<vmem>> -> memref<1x80xi32, #tpu.memory_space<vmem>>
    %dma_start3A_91 = tpu.memref_squeeze %dma_start3A_90 : memref<1x80xi32, #tpu.memory_space<vmem>> -> memref<80xi32, #tpu.memory_space<vmem>>
    %dma_start3A_92 = arith.constant 0 : i32
    %dma_start3A_93 = arith.constant 0 : i32
    %dma_start3A_94 = tpu.memref_slice %arg2[%dma_start3A_92, %dma_start3A_93] : memref<20000x128xf32, #tpu.memory_space<hbm>> -> memref<20000x128xf32, #tpu.memory_space<hbm>>
    tpu.enqueue_indirect_dma source(%dma_start3A_94 : memref<20000x128xf32, #tpu.memory_space<hbm>>) target(%arg11 : memref<80x128xf32, #tpu.memory_space<vmem>>) offsets(%dma_start3A_91 : memref<80xi32, #tpu.memory_space<vmem>>) semaphore(%arg15 : memref<!tpu.dma_semaphore, #tpu.memory_space<semaphore_mem>>)
    %dma_start3A_95 = arith.constant 2 : i32
    %dma_start3A_96 = arith.constant 0 : i32
    %dma_start3A_97 = tpu.memref_slice %arg8[%dma_start3A_95, %dma_start3A_96] : memref<32x80xi32, #tpu.memory_space<vmem>> -> memref<1x80xi32, #tpu.memory_space<vmem>>
    %dma_start3A_98 = tpu.memref_squeeze %dma_start3A_97 : memref<1x80xi32, #tpu.memory_space<vmem>> -> memref<80xi32, #tpu.memory_space<vmem>>
    %dma_start3A_99 = arith.constant 0 : i32
    %dma_start3A_100 = arith.constant 0 : i32
    %dma_start3A_101 = tpu.memref_slice %arg2[%dma_start3A_99, %dma_start3A_100] : memref<20000x128xf32, #tpu.memory_space<hbm>> -> memref<20000x128xf32, #tpu.memory_space<hbm>>
    tpu.enqueue_indirect_dma source(%dma_start3A_101 : memref<20000x128xf32, #tpu.memory_space<hbm>>) target(%arg12 : memref<80x128xf32, #tpu.memory_space<vmem>>) offsets(%dma_start3A_98 : memref<80xi32, #tpu.memory_space<vmem>>) semaphore(%arg16 : memref<!tpu.dma_semaphore, #tpu.memory_space<semaphore_mem>>)
    %dma_start3A_102 = arith.constant 3 : i32
    %dma_start3A_103 = arith.constant 0 : i32
    %dma_start3A_104 = tpu.memref_slice %arg8[%dma_start3A_102, %dma_start3A_103] : memref<32x80xi32, #tpu.memory_space<vmem>> -> memref<1x80xi32, #tpu.memory_space<vmem>>
    %dma_start3A_105 = tpu.memref_squeeze %dma_start3A_104 : memref<1x80xi32, #tpu.memory_space<vmem>> -> memref<80xi32, #tpu.memory_space<vmem>>
    %dma_start3A_106 = arith.constant 0 : i32
    %dma_start3A_107 = arith.constant 0 : i32
    %dma_start3A_108 = tpu.memref_slice %arg2[%dma_start3A_106, %dma_start3A_107] : memref<20000x128xf32, #tpu.memory_space<hbm>> -> memref<20000x128xf32, #tpu.memory_space<hbm>>
    tpu.enqueue_indirect_dma source(%dma_start3A_108 : memref<20000x128xf32, #tpu.memory_space<hbm>>) target(%arg13 : memref<80x128xf32, #tpu.memory_space<vmem>>) offsets(%dma_start3A_105 : memref<80xi32, #tpu.memory_space<vmem>>) semaphore(%arg17 : memref<!tpu.dma_semaphore, #tpu.memory_space<semaphore_mem>>)
    %scan3A_109 = arith.constant 0 : i32
    %scan3A_110 = arith.constant 0 : i32
    %scan3A_111 = arith.constant 8 : i32
    %scan3A_112 = arith.addi %scan3A_110, %scan3A_111 : i32
    %scan3A_113 = arith.constant 1 : i32
    scf.for %scan3A_293 = %scan3A_110 to %scan3A_112 step %scan3A_113  : i32 {
      %mul3A_294 = arith.constant 4 : i32
      %mul3A_295 = arith.muli %mul3A_294, %scan3A_293 : i32
      %add3A_296 = arith.constant 0 : i32
      %add3A_297 = arith.addi %mul3A_295, %add3A_296 : i32
      %dma_wait3A_298 = arith.constant 0 : i32
      %dma_wait3A_299 = tpu.memref_slice %arg8[%add3A_297, %dma_wait3A_298] : memref<32x80xi32, #tpu.memory_space<vmem>> -> memref<1x80xi32, #tpu.memory_space<vmem>>
      %dma_wait3A_300 = tpu.memref_squeeze %dma_wait3A_299 : memref<1x80xi32, #tpu.memory_space<vmem>> -> memref<80xi32, #tpu.memory_space<vmem>>
      %dma_wait3A_301 = arith.constant 0 : i32
      %dma_wait3A_302 = arith.constant 0 : i32
      %dma_wait3A_303 = tpu.memref_slice %arg2[%dma_wait3A_301, %dma_wait3A_302] : memref<20000x128xf32, #tpu.memory_space<hbm>> -> memref<20000x128xf32, #tpu.memory_space<hbm>>
      tpu.wait_indirect_dma semaphore(%arg14 : memref<!tpu.dma_semaphore, #tpu.memory_space<semaphore_mem>>) src(%dma_wait3A_303 : memref<20000x128xf32, #tpu.memory_space<hbm>>) dst(%arg10 : memref<80x128xf32, #tpu.memory_space<vmem>>)
      %add3A_304 = arith.constant 0 : i32
      %add3A_305 = arith.addi %mul3A_295, %add3A_304 : i32
      %dma_start3A_306 = arith.constant 0 : i32
      %dma_start3A_307 = tpu.memref_slice %arg9[%add3A_305, %dma_start3A_306] : memref<32x80xi32, #tpu.memory_space<vmem>> -> memref<1x80xi32, #tpu.memory_space<vmem>>
      %dma_start3A_308 = tpu.memref_squeeze %dma_start3A_307 : memref<1x80xi32, #tpu.memory_space<vmem>> -> memref<80xi32, #tpu.memory_space<vmem>>
      %dma_start3A_309 = arith.constant 0 : i32
      %dma_start3A_310 = arith.constant 0 : i32
      %dma_start3A_311 = tpu.memref_slice %arg7[%dma_start3A_309, %dma_start3A_310] : memref<10112x128xf32, #tpu.memory_space<vmem_shared>> -> memref<10112x128xf32, #tpu.memory_space<vmem_shared>>
      tpu.enqueue_indirect_dma source(%arg10 : memref<80x128xf32, #tpu.memory_space<vmem>>) target(%dma_start3A_311 : memref<10112x128xf32, #tpu.memory_space<vmem_shared>>) offsets(%dma_start3A_308 : memref<80xi32, #tpu.memory_space<vmem>>) semaphore(%arg18 : memref<!tpu.dma_semaphore, #tpu.memory_space<semaphore_mem>>) {add = true}
      %add3A_312 = arith.constant 1 : i32
      %add3A_313 = arith.addi %mul3A_295, %add3A_312 : i32
      %dma_wait3A_314 = arith.constant 0 : i32
      %dma_wait3A_315 = tpu.memref_slice %arg8[%add3A_313, %dma_wait3A_314] : memref<32x80xi32, #tpu.memory_space<vmem>> -> memref<1x80xi32, #tpu.memory_space<vmem>>
      %dma_wait3A_316 = tpu.memref_squeeze %dma_wait3A_315 : memref<1x80xi32, #tpu.memory_space<vmem>> -> memref<80xi32, #tpu.memory_space<vmem>>
      %dma_wait3A_317 = arith.constant 0 : i32
      %dma_wait3A_318 = arith.constant 0 : i32
      %dma_wait3A_319 = tpu.memref_slice %arg2[%dma_wait3A_317, %dma_wait3A_318] : memref<20000x128xf32, #tpu.memory_space<hbm>> -> memref<20000x128xf32, #tpu.memory_space<hbm>>
      tpu.wait_indirect_dma semaphore(%arg15 : memref<!tpu.dma_semaphore, #tpu.memory_space<semaphore_mem>>) src(%dma_wait3A_319 : memref<20000x128xf32, #tpu.memory_space<hbm>>) dst(%arg11 : memref<80x128xf32, #tpu.memory_space<vmem>>)
      %add3A_320 = arith.constant 1 : i32
      %add3A_321 = arith.addi %mul3A_295, %add3A_320 : i32
      %dma_start3A_322 = arith.constant 0 : i32
      %dma_start3A_323 = tpu.memref_slice %arg9[%add3A_321, %dma_start3A_322] : memref<32x80xi32, #tpu.memory_space<vmem>> -> memref<1x80xi32, #tpu.memory_space<vmem>>
      %dma_start3A_324 = tpu.memref_squeeze %dma_start3A_323 : memref<1x80xi32, #tpu.memory_space<vmem>> -> memref<80xi32, #tpu.memory_space<vmem>>
      %dma_start3A_325 = arith.constant 0 : i32
      %dma_start3A_326 = arith.constant 0 : i32
      %dma_start3A_327 = tpu.memref_slice %arg7[%dma_start3A_325, %dma_start3A_326] : memref<10112x128xf32, #tpu.memory_space<vmem_shared>> -> memref<10112x128xf32, #tpu.memory_space<vmem_shared>>
      tpu.enqueue_indirect_dma source(%arg11 : memref<80x128xf32, #tpu.memory_space<vmem>>) target(%dma_start3A_327 : memref<10112x128xf32, #tpu.memory_space<vmem_shared>>) offsets(%dma_start3A_324 : memref<80xi32, #tpu.memory_space<vmem>>) semaphore(%arg19 : memref<!tpu.dma_semaphore, #tpu.memory_space<semaphore_mem>>) {add = true}
      %add3A_328 = arith.constant 2 : i32
      %add3A_329 = arith.addi %mul3A_295, %add3A_328 : i32
      %dma_wait3A_330 = arith.constant 0 : i32
      %dma_wait3A_331 = tpu.memref_slice %arg8[%add3A_329, %dma_wait3A_330] : memref<32x80xi32, #tpu.memory_space<vmem>> -> memref<1x80xi32, #tpu.memory_space<vmem>>
      %dma_wait3A_332 = tpu.memref_squeeze %dma_wait3A_331 : memref<1x80xi32, #tpu.memory_space<vmem>> -> memref<80xi32, #tpu.memory_space<vmem>>
      %dma_wait3A_333 = arith.constant 0 : i32
      %dma_wait3A_334 = arith.constant 0 : i32
      %dma_wait3A_335 = tpu.memref_slice %arg2[%dma_wait3A_333, %dma_wait3A_334] : memref<20000x128xf32, #tpu.memory_space<hbm>> -> memref<20000x128xf32, #tpu.memory_space<hbm>>
      tpu.wait_indirect_dma semaphore(%arg16 : memref<!tpu.dma_semaphore, #tpu.memory_space<semaphore_mem>>) src(%dma_wait3A_335 : memref<20000x128xf32, #tpu.memory_space<hbm>>) dst(%arg12 : memref<80x128xf32, #tpu.memory_space<vmem>>)
      %add3A_336 = arith.constant 2 : i32
      %add3A_337 = arith.addi %mul3A_295, %add3A_336 : i32
      %dma_start3A_338 = arith.constant 0 : i32
      %dma_start3A_339 = tpu.memref_slice %arg9[%add3A_337, %dma_start3A_338] : memref<32x80xi32, #tpu.memory_space<vmem>> -> memref<1x80xi32, #tpu.memory_space<vmem>>
      %dma_start3A_340 = tpu.memref_squeeze %dma_start3A_339 : memref<1x80xi32, #tpu.memory_space<vmem>> -> memref<80xi32, #tpu.memory_space<vmem>>
      %dma_start3A_341 = arith.constant 0 : i32
      %dma_start3A_342 = arith.constant 0 : i32
      %dma_start3A_343 = tpu.memref_slice %arg7[%dma_start3A_341, %dma_start3A_342] : memref<10112x128xf32, #tpu.memory_space<vmem_shared>> -> memref<10112x128xf32, #tpu.memory_space<vmem_shared>>
      tpu.enqueue_indirect_dma source(%arg12 : memref<80x128xf32, #tpu.memory_space<vmem>>) target(%dma_start3A_343 : memref<10112x128xf32, #tpu.memory_space<vmem_shared>>) offsets(%dma_start3A_340 : memref<80xi32, #tpu.memory_space<vmem>>) semaphore(%arg20 : memref<!tpu.dma_semaphore, #tpu.memory_space<semaphore_mem>>) {add = true}
      %add3A_344 = arith.constant 3 : i32
      %add3A_345 = arith.addi %mul3A_295, %add3A_344 : i32
      %dma_wait3A_346 = arith.constant 0 : i32
      %dma_wait3A_347 = tpu.memref_slice %arg8[%add3A_345, %dma_wait3A_346] : memref<32x80xi32, #tpu.memory_space<vmem>> -> memref<1x80xi32, #tpu.memory_space<vmem>>
      %dma_wait3A_348 = tpu.memref_squeeze %dma_wait3A_347 : memref<1x80xi32, #tpu.memory_space<vmem>> -> memref<80xi32, #tpu.memory_space<vmem>>
      %dma_wait3A_349 = arith.constant 0 : i32
      %dma_wait3A_350 = arith.constant 0 : i32
      %dma_wait3A_351 = tpu.memref_slice %arg2[%dma_wait3A_349, %dma_wait3A_350] : memref<20000x128xf32, #tpu.memory_space<hbm>> -> memref<20000x128xf32, #tpu.memory_space<hbm>>
      tpu.wait_indirect_dma semaphore(%arg17 : memref<!tpu.dma_semaphore, #tpu.memory_space<semaphore_mem>>) src(%dma_wait3A_351 : memref<20000x128xf32, #tpu.memory_space<hbm>>) dst(%arg13 : memref<80x128xf32, #tpu.memory_space<vmem>>)
      %add3A_352 = arith.constant 3 : i32
      %add3A_353 = arith.addi %mul3A_295, %add3A_352 : i32
      %dma_start3A_354 = arith.constant 0 : i32
      %dma_start3A_355 = tpu.memref_slice %arg9[%add3A_353, %dma_start3A_354] : memref<32x80xi32, #tpu.memory_space<vmem>> -> memref<1x80xi32, #tpu.memory_space<vmem>>
      %dma_start3A_356 = tpu.memref_squeeze %dma_start3A_355 : memref<1x80xi32, #tpu.memory_space<vmem>> -> memref<80xi32, #tpu.memory_space<vmem>>
      %dma_start3A_357 = arith.constant 0 : i32
      %dma_start3A_358 = arith.constant 0 : i32
      %dma_start3A_359 = tpu.memref_slice %arg7[%dma_start3A_357, %dma_start3A_358] : memref<10112x128xf32, #tpu.memory_space<vmem_shared>> -> memref<10112x128xf32, #tpu.memory_space<vmem_shared>>
      tpu.enqueue_indirect_dma source(%arg13 : memref<80x128xf32, #tpu.memory_space<vmem>>) target(%dma_start3A_359 : memref<10112x128xf32, #tpu.memory_space<vmem_shared>>) offsets(%dma_start3A_356 : memref<80xi32, #tpu.memory_space<vmem>>) semaphore(%arg21 : memref<!tpu.dma_semaphore, #tpu.memory_space<semaphore_mem>>) {add = true}
      %lt3A = arith.constant 7 : i32
      %lt3A_360 = arith.cmpi slt, %scan3A_293, %lt3A : i32
      %convert_element_type3A = arith.extui %lt3A_360 : i1 to i32
      %cond3A = arith.constant 0 : i32
      %cond3A_361 = arith.cmpi ne, %convert_element_type3A, %cond3A : i32
      scf.if %cond3A_361 {
        %add3A_362 = arith.constant 0 : i32
        %add3A_363 = arith.addi %mul3A_295, %add3A_362 : i32
        %dma_wait3A_364 = arith.constant 0 : i32
        %dma_wait3A_365 = tpu.memref_slice %arg9[%add3A_363, %dma_wait3A_364] : memref<32x80xi32, #tpu.memory_space<vmem>> -> memref<1x80xi32, #tpu.memory_space<vmem>>
        %dma_wait3A_366 = tpu.memref_squeeze %dma_wait3A_365 : memref<1x80xi32, #tpu.memory_space<vmem>> -> memref<80xi32, #tpu.memory_space<vmem>>
        %dma_wait3A_367 = arith.constant 0 : i32
        %dma_wait3A_368 = arith.constant 0 : i32
        %dma_wait3A_369 = tpu.memref_slice %arg7[%dma_wait3A_367, %dma_wait3A_368] : memref<10112x128xf32, #tpu.memory_space<vmem_shared>> -> memref<10112x128xf32, #tpu.memory_space<vmem_shared>>
        tpu.wait_indirect_dma semaphore(%arg18 : memref<!tpu.dma_semaphore, #tpu.memory_space<semaphore_mem>>) src(%arg10 : memref<80x128xf32, #tpu.memory_space<vmem>>) dst(%dma_wait3A_369 : memref<10112x128xf32, #tpu.memory_space<vmem_shared>>)
        %add3A_370 = arith.constant 4 : i32
        %add3A_371 = arith.addi %mul3A_295, %add3A_370 : i32
        %add3A_372 = arith.constant 0 : i32
        %add3A_373 = arith.addi %add3A_371, %add3A_372 : i32
        %dma_start3A_374 = arith.constant 0 : i32
        %dma_start3A_375 = tpu.memref_slice %arg8[%add3A_373, %dma_start3A_374] : memref<32x80xi32, #tpu.memory_space<vmem>> -> memref<1x80xi32, #tpu.memory_space<vmem>>
        %dma_start3A_376 = tpu.memref_squeeze %dma_start3A_375 : memref<1x80xi32, #tpu.memory_space<vmem>> -> memref<80xi32, #tpu.memory_space<vmem>>
        %dma_start3A_377 = arith.constant 0 : i32
        %dma_start3A_378 = arith.constant 0 : i32
        %dma_start3A_379 = tpu.memref_slice %arg2[%dma_start3A_377, %dma_start3A_378] : memref<20000x128xf32, #tpu.memory_space<hbm>> -> memref<20000x128xf32, #tpu.memory_space<hbm>>
        tpu.enqueue_indirect_dma source(%dma_start3A_379 : memref<20000x128xf32, #tpu.memory_space<hbm>>) target(%arg10 : memref<80x128xf32, #tpu.memory_space<vmem>>) offsets(%dma_start3A_376 : memref<80xi32, #tpu.memory_space<vmem>>) semaphore(%arg14 : memref<!tpu.dma_semaphore, #tpu.memory_space<semaphore_mem>>)
        %add3A_380 = arith.constant 1 : i32
        %add3A_381 = arith.addi %mul3A_295, %add3A_380 : i32
        %dma_wait3A_382 = arith.constant 0 : i32
        %dma_wait3A_383 = tpu.memref_slice %arg9[%add3A_381, %dma_wait3A_382] : memref<32x80xi32, #tpu.memory_space<vmem>> -> memref<1x80xi32, #tpu.memory_space<vmem>>
        %dma_wait3A_384 = tpu.memref_squeeze %dma_wait3A_383 : memref<1x80xi32, #tpu.memory_space<vmem>> -> memref<80xi32, #tpu.memory_space<vmem>>
        %dma_wait3A_385 = arith.constant 0 : i32
        %dma_wait3A_386 = arith.constant 0 : i32
        %dma_wait3A_387 = tpu.memref_slice %arg7[%dma_wait3A_385, %dma_wait3A_386] : memref<10112x128xf32, #tpu.memory_space<vmem_shared>> -> memref<10112x128xf32, #tpu.memory_space<vmem_shared>>
        tpu.wait_indirect_dma semaphore(%arg19 : memref<!tpu.dma_semaphore, #tpu.memory_space<semaphore_mem>>) src(%arg11 : memref<80x128xf32, #tpu.memory_space<vmem>>) dst(%dma_wait3A_387 : memref<10112x128xf32, #tpu.memory_space<vmem_shared>>)
        %add3A_388 = arith.constant 4 : i32
        %add3A_389 = arith.addi %mul3A_295, %add3A_388 : i32
        %add3A_390 = arith.constant 1 : i32
        %add3A_391 = arith.addi %add3A_389, %add3A_390 : i32
        %dma_start3A_392 = arith.constant 0 : i32
        %dma_start3A_393 = tpu.memref_slice %arg8[%add3A_391, %dma_start3A_392] : memref<32x80xi32, #tpu.memory_space<vmem>> -> memref<1x80xi32, #tpu.memory_space<vmem>>
        %dma_start3A_394 = tpu.memref_squeeze %dma_start3A_393 : memref<1x80xi32, #tpu.memory_space<vmem>> -> memref<80xi32, #tpu.memory_space<vmem>>
        %dma_start3A_395 = arith.constant 0 : i32
        %dma_start3A_396 = arith.constant 0 : i32
        %dma_start3A_397 = tpu.memref_slice %arg2[%dma_start3A_395, %dma_start3A_396] : memref<20000x128xf32, #tpu.memory_space<hbm>> -> memref<20000x128xf32, #tpu.memory_space<hbm>>
        tpu.enqueue_indirect_dma source(%dma_start3A_397 : memref<20000x128xf32, #tpu.memory_space<hbm>>) target(%arg11 : memref<80x128xf32, #tpu.memory_space<vmem>>) offsets(%dma_start3A_394 : memref<80xi32, #tpu.memory_space<vmem>>) semaphore(%arg15 : memref<!tpu.dma_semaphore, #tpu.memory_space<semaphore_mem>>)
        %add3A_398 = arith.constant 2 : i32
        %add3A_399 = arith.addi %mul3A_295, %add3A_398 : i32
        %dma_wait3A_400 = arith.constant 0 : i32
        %dma_wait3A_401 = tpu.memref_slice %arg9[%add3A_399, %dma_wait3A_400] : memref<32x80xi32, #tpu.memory_space<vmem>> -> memref<1x80xi32, #tpu.memory_space<vmem>>
        %dma_wait3A_402 = tpu.memref_squeeze %dma_wait3A_401 : memref<1x80xi32, #tpu.memory_space<vmem>> -> memref<80xi32, #tpu.memory_space<vmem>>
        %dma_wait3A_403 = arith.constant 0 : i32
        %dma_wait3A_404 = arith.constant 0 : i32
        %dma_wait3A_405 = tpu.memref_slice %arg7[%dma_wait3A_403, %dma_wait3A_404] : memref<10112x128xf32, #tpu.memory_space<vmem_shared>> -> memref<10112x128xf32, #tpu.memory_space<vmem_shared>>
        tpu.wait_indirect_dma semaphore(%arg20 : memref<!tpu.dma_semaphore, #tpu.memory_space<semaphore_mem>>) src(%arg12 : memref<80x128xf32, #tpu.memory_space<vmem>>) dst(%dma_wait3A_405 : memref<10112x128xf32, #tpu.memory_space<vmem_shared>>)
        %add3A_406 = arith.constant 4 : i32
        %add3A_407 = arith.addi %mul3A_295, %add3A_406 : i32
        %add3A_408 = arith.constant 2 : i32
        %add3A_409 = arith.addi %add3A_407, %add3A_408 : i32
        %dma_start3A_410 = arith.constant 0 : i32
        %dma_start3A_411 = tpu.memref_slice %arg8[%add3A_409, %dma_start3A_410] : memref<32x80xi32, #tpu.memory_space<vmem>> -> memref<1x80xi32, #tpu.memory_space<vmem>>
        %dma_start3A_412 = tpu.memref_squeeze %dma_start3A_411 : memref<1x80xi32, #tpu.memory_space<vmem>> -> memref<80xi32, #tpu.memory_space<vmem>>
        %dma_start3A_413 = arith.constant 0 : i32
        %dma_start3A_414 = arith.constant 0 : i32
        %dma_start3A_415 = tpu.memref_slice %arg2[%dma_start3A_413, %dma_start3A_414] : memref<20000x128xf32, #tpu.memory_space<hbm>> -> memref<20000x128xf32, #tpu.memory_space<hbm>>
        tpu.enqueue_indirect_dma source(%dma_start3A_415 : memref<20000x128xf32, #tpu.memory_space<hbm>>) target(%arg12 : memref<80x128xf32, #tpu.memory_space<vmem>>) offsets(%dma_start3A_412 : memref<80xi32, #tpu.memory_space<vmem>>) semaphore(%arg16 : memref<!tpu.dma_semaphore, #tpu.memory_space<semaphore_mem>>)
        %add3A_416 = arith.constant 3 : i32
        %add3A_417 = arith.addi %mul3A_295, %add3A_416 : i32
        %dma_wait3A_418 = arith.constant 0 : i32
        %dma_wait3A_419 = tpu.memref_slice %arg9[%add3A_417, %dma_wait3A_418] : memref<32x80xi32, #tpu.memory_space<vmem>> -> memref<1x80xi32, #tpu.memory_space<vmem>>
        %dma_wait3A_420 = tpu.memref_squeeze %dma_wait3A_419 : memref<1x80xi32, #tpu.memory_space<vmem>> -> memref<80xi32, #tpu.memory_space<vmem>>
        %dma_wait3A_421 = arith.constant 0 : i32
        %dma_wait3A_422 = arith.constant 0 : i32
        %dma_wait3A_423 = tpu.memref_slice %arg7[%dma_wait3A_421, %dma_wait3A_422] : memref<10112x128xf32, #tpu.memory_space<vmem_shared>> -> memref<10112x128xf32, #tpu.memory_space<vmem_shared>>
        tpu.wait_indirect_dma semaphore(%arg21 : memref<!tpu.dma_semaphore, #tpu.memory_space<semaphore_mem>>) src(%arg13 : memref<80x128xf32, #tpu.memory_space<vmem>>) dst(%dma_wait3A_423 : memref<10112x128xf32, #tpu.memory_space<vmem_shared>>)
        %add3A_424 = arith.constant 4 : i32
        %add3A_425 = arith.addi %mul3A_295, %add3A_424 : i32
        %add3A_426 = arith.constant 3 : i32
        %add3A_427 = arith.addi %add3A_425, %add3A_426 : i32
        %dma_start3A_428 = arith.constant 0 : i32
        %dma_start3A_429 = tpu.memref_slice %arg8[%add3A_427, %dma_start3A_428] : memref<32x80xi32, #tpu.memory_space<vmem>> -> memref<1x80xi32, #tpu.memory_space<vmem>>
        %dma_start3A_430 = tpu.memref_squeeze %dma_start3A_429 : memref<1x80xi32, #tpu.memory_space<vmem>> -> memref<80xi32, #tpu.memory_space<vmem>>
        %dma_start3A_431 = arith.constant 0 : i32
        %dma_start3A_432 = arith.constant 0 : i32
        %dma_start3A_433 = tpu.memref_slice %arg2[%dma_start3A_431, %dma_start3A_432] : memref<20000x128xf32, #tpu.memory_space<hbm>> -> memref<20000x128xf32, #tpu.memory_space<hbm>>
        tpu.enqueue_indirect_dma source(%dma_start3A_433 : memref<20000x128xf32, #tpu.memory_space<hbm>>) target(%arg13 : memref<80x128xf32, #tpu.memory_space<vmem>>) offsets(%dma_start3A_430 : memref<80xi32, #tpu.memory_space<vmem>>) semaphore(%arg17 : memref<!tpu.dma_semaphore, #tpu.memory_space<semaphore_mem>>)
      } else {
      }
    }
    %scan3A_114 = arith.constant 8 : i32
    %dma_wait3A_115 = arith.constant 28 : i32
    %dma_wait3A_116 = arith.constant 0 : i32
    %dma_wait3A_117 = tpu.memref_slice %arg9[%dma_wait3A_115, %dma_wait3A_116] : memref<32x80xi32, #tpu.memory_space<vmem>> -> memref<1x80xi32, #tpu.memory_space<vmem>>
    %dma_wait3A_118 = tpu.memref_squeeze %dma_wait3A_117 : memref<1x80xi32, #tpu.memory_space<vmem>> -> memref<80xi32, #tpu.memory_space<vmem>>
    %dma_wait3A_119 = arith.constant 0 : i32
    %dma_wait3A_120 = arith.constant 0 : i32
    %dma_wait3A_121 = tpu.memref_slice %arg7[%dma_wait3A_119, %dma_wait3A_120] : memref<10112x128xf32, #tpu.memory_space<vmem_shared>> -> memref<10112x128xf32, #tpu.memory_space<vmem_shared>>
    tpu.wait_indirect_dma semaphore(%arg18 : memref<!tpu.dma_semaphore, #tpu.memory_space<semaphore_mem>>) src(%arg10 : memref<80x128xf32, #tpu.memory_space<vmem>>) dst(%dma_wait3A_121 : memref<10112x128xf32, #tpu.memory_space<vmem_shared>>)
    %dma_wait3A_122 = arith.constant 29 : i32
    %dma_wait3A_123 = arith.constant 0 : i32
    %dma_wait3A_124 = tpu.memref_slice %arg9[%dma_wait3A_122, %dma_wait3A_123] : memref<32x80xi32, #tpu.memory_space<vmem>> -> memref<1x80xi32, #tpu.memory_space<vmem>>
    %dma_wait3A_125 = tpu.memref_squeeze %dma_wait3A_124 : memref<1x80xi32, #tpu.memory_space<vmem>> -> memref<80xi32, #tpu.memory_space<vmem>>
    %dma_wait3A_126 = arith.constant 0 : i32
    %dma_wait3A_127 = arith.constant 0 : i32
    %dma_wait3A_128 = tpu.memref_slice %arg7[%dma_wait3A_126, %dma_wait3A_127] : memref<10112x128xf32, #tpu.memory_space<vmem_shared>> -> memref<10112x128xf32, #tpu.memory_space<vmem_shared>>
    tpu.wait_indirect_dma semaphore(%arg19 : memref<!tpu.dma_semaphore, #tpu.memory_space<semaphore_mem>>) src(%arg11 : memref<80x128xf32, #tpu.memory_space<vmem>>) dst(%dma_wait3A_128 : memref<10112x128xf32, #tpu.memory_space<vmem_shared>>)
    %dma_wait3A_129 = arith.constant 30 : i32
    %dma_wait3A_130 = arith.constant 0 : i32
    %dma_wait3A_131 = tpu.memref_slice %arg9[%dma_wait3A_129, %dma_wait3A_130] : memref<32x80xi32, #tpu.memory_space<vmem>> -> memref<1x80xi32, #tpu.memory_space<vmem>>
    %dma_wait3A_132 = tpu.memref_squeeze %dma_wait3A_131 : memref<1x80xi32, #tpu.memory_space<vmem>> -> memref<80xi32, #tpu.memory_space<vmem>>
    %dma_wait3A_133 = arith.constant 0 : i32
    %dma_wait3A_134 = arith.constant 0 : i32
    %dma_wait3A_135 = tpu.memref_slice %arg7[%dma_wait3A_133, %dma_wait3A_134] : memref<10112x128xf32, #tpu.memory_space<vmem_shared>> -> memref<10112x128xf32, #tpu.memory_space<vmem_shared>>
    tpu.wait_indirect_dma semaphore(%arg20 : memref<!tpu.dma_semaphore, #tpu.memory_space<semaphore_mem>>) src(%arg12 : memref<80x128xf32, #tpu.memory_space<vmem>>) dst(%dma_wait3A_135 : memref<10112x128xf32, #tpu.memory_space<vmem_shared>>)
    %dma_wait3A_136 = arith.constant 31 : i32
    %dma_wait3A_137 = arith.constant 0 : i32
    %dma_wait3A_138 = tpu.memref_slice %arg9[%dma_wait3A_136, %dma_wait3A_137] : memref<32x80xi32, #tpu.memory_space<vmem>> -> memref<1x80xi32, #tpu.memory_space<vmem>>
    %dma_wait3A_139 = tpu.memref_squeeze %dma_wait3A_138 : memref<1x80xi32, #tpu.memory_space<vmem>> -> memref<80xi32, #tpu.memory_space<vmem>>
    %dma_wait3A_140 = arith.constant 0 : i32
    %dma_wait3A_141 = arith.constant 0 : i32
    %dma_wait3A_142 = tpu.memref_slice %arg7[%dma_wait3A_140, %dma_wait3A_141] : memref<10112x128xf32, #tpu.memory_space<vmem_shared>> -> memref<10112x128xf32, #tpu.memory_space<vmem_shared>>
    tpu.wait_indirect_dma semaphore(%arg21 : memref<!tpu.dma_semaphore, #tpu.memory_space<semaphore_mem>>) src(%arg13 : memref<80x128xf32, #tpu.memory_space<vmem>>) dst(%dma_wait3A_142 : memref<10112x128xf32, #tpu.memory_space<vmem_shared>>)
    %mul3A_143 = arith.constant 2048 : i32
    %mul3A_144 = arith.muli %arg0, %mul3A_143 : i32
    %mul3A_145 = arith.constant 128 : i32
    %mul3A_146 = arith.muli %arg1, %mul3A_145 : i32
    %add3A_147 = arith.addi %mul3A_144, %mul3A_146 : i32
    %add3A_148 = arith.constant 64 : i32
    %add3A_149 = arith.addi %add3A_147, %add3A_148 : i32
    "tpu.region"() ({
      %run_scoped3A = tpu.sem_alloc : memref<!tpu.dma_semaphore, #tpu.memory_space<semaphore_mem>>
      %dma_start3A_293 = arith.constant 0 : i32
      %dma_start3A_294 = tpu.memref_slice %arg3[%add3A_149, %dma_start3A_293] : memref<4096x80xi32, #tpu.memory_space<hbm>> -> memref<32x80xi32, #tpu.memory_space<hbm>>
      %dma_start3A_295 = arith.constant 0 : i32
      %dma_start3A_296 = tpu.memref_slice %arg3[%add3A_149, %dma_start3A_295] : memref<4096x80xi32, #tpu.memory_space<hbm>> -> memref<32x80xi32, #tpu.memory_space<hbm>>
      tpu.enqueue_dma source(%dma_start3A_296 : memref<32x80xi32, #tpu.memory_space<hbm>>) target(%arg8 : memref<32x80xi32, #tpu.memory_space<vmem>>) target_semaphore(%run_scoped3A : memref<!tpu.dma_semaphore, #tpu.memory_space<semaphore_mem>>)
      %dma_wait3A_297 = arith.constant 0 : i32
      %dma_wait3A_298 = tpu.memref_slice %arg3[%add3A_149, %dma_wait3A_297] : memref<4096x80xi32, #tpu.memory_space<hbm>> -> memref<32x80xi32, #tpu.memory_space<hbm>>
      %dma_wait3A_299 = arith.constant 0 : i32
      %dma_wait3A_300 = tpu.memref_slice %arg3[%add3A_149, %dma_wait3A_299] : memref<4096x80xi32, #tpu.memory_space<hbm>> -> memref<32x80xi32, #tpu.memory_space<hbm>>
      tpu.wait_dma2 semaphore(%run_scoped3A : memref<!tpu.dma_semaphore, #tpu.memory_space<semaphore_mem>>) src(%dma_wait3A_300 : memref<32x80xi32, #tpu.memory_space<hbm>>) dst(%arg8 : memref<32x80xi32, #tpu.memory_space<vmem>>)
      tpu.yield
    }) : () -> ()
    %mul3A_150 = arith.constant 128 : i32
    %mul3A_151 = arith.muli %arg1, %mul3A_150 : i32
    %add3A_152 = arith.constant 64 : i32
    %add3A_153 = arith.addi %mul3A_151, %add3A_152 : i32
    "tpu.region"() ({
      %run_scoped3A = tpu.sem_alloc : memref<!tpu.dma_semaphore, #tpu.memory_space<semaphore_mem>>
      %dma_start3A_293 = arith.constant 0 : i32
      %dma_start3A_294 = tpu.memref_slice %arg4[%add3A_153, %dma_start3A_293] : memref<2048x80xi32, #tpu.memory_space<hbm>> -> memref<32x80xi32, #tpu.memory_space<hbm>>
      %dma_start3A_295 = arith.constant 0 : i32
      %dma_start3A_296 = tpu.memref_slice %arg4[%add3A_153, %dma_start3A_295] : memref<2048x80xi32, #tpu.memory_space<hbm>> -> memref<32x80xi32, #tpu.memory_space<hbm>>
      tpu.enqueue_dma source(%dma_start3A_296 : memref<32x80xi32, #tpu.memory_space<hbm>>) target(%arg9 : memref<32x80xi32, #tpu.memory_space<vmem>>) target_semaphore(%run_scoped3A : memref<!tpu.dma_semaphore, #tpu.memory_space<semaphore_mem>>)
      %dma_wait3A_297 = arith.constant 0 : i32
      %dma_wait3A_298 = tpu.memref_slice %arg4[%add3A_153, %dma_wait3A_297] : memref<2048x80xi32, #tpu.memory_space<hbm>> -> memref<32x80xi32, #tpu.memory_space<hbm>>
      %dma_wait3A_299 = arith.constant 0 : i32
      %dma_wait3A_300 = tpu.memref_slice %arg4[%add3A_153, %dma_wait3A_299] : memref<2048x80xi32, #tpu.memory_space<hbm>> -> memref<32x80xi32, #tpu.memory_space<hbm>>
      tpu.wait_dma2 semaphore(%run_scoped3A : memref<!tpu.dma_semaphore, #tpu.memory_space<semaphore_mem>>) src(%dma_wait3A_300 : memref<32x80xi32, #tpu.memory_space<hbm>>) dst(%arg9 : memref<32x80xi32, #tpu.memory_space<vmem>>)
      tpu.yield
    }) : () -> ()
    %dma_start3A_154 = arith.constant 0 : i32
    %dma_start3A_155 = arith.constant 0 : i32
    %dma_start3A_156 = tpu.memref_slice %arg8[%dma_start3A_154, %dma_start3A_155] : memref<32x80xi32, #tpu.memory_space<vmem>> -> memref<1x80xi32, #tpu.memory_space<vmem>>
    %dma_start3A_157 = tpu.memref_squeeze %dma_start3A_156 : memref<1x80xi32, #tpu.memory_space<vmem>> -> memref<80xi32, #tpu.memory_space<vmem>>
    %dma_start3A_158 = arith.constant 0 : i32
    %dma_start3A_159 = arith.constant 0 : i32
    %dma_start3A_160 = tpu.memref_slice %arg2[%dma_start3A_158, %dma_start3A_159] : memref<20000x128xf32, #tpu.memory_space<hbm>> -> memref<20000x128xf32, #tpu.memory_space<hbm>>
    tpu.enqueue_indirect_dma source(%dma_start3A_160 : memref<20000x128xf32, #tpu.memory_space<hbm>>) target(%arg10 : memref<80x128xf32, #tpu.memory_space<vmem>>) offsets(%dma_start3A_157 : memref<80xi32, #tpu.memory_space<vmem>>) semaphore(%arg14 : memref<!tpu.dma_semaphore, #tpu.memory_space<semaphore_mem>>)
    %dma_start3A_161 = arith.constant 1 : i32
    %dma_start3A_162 = arith.constant 0 : i32
    %dma_start3A_163 = tpu.memref_slice %arg8[%dma_start3A_161, %dma_start3A_162] : memref<32x80xi32, #tpu.memory_space<vmem>> -> memref<1x80xi32, #tpu.memory_space<vmem>>
    %dma_start3A_164 = tpu.memref_squeeze %dma_start3A_163 : memref<1x80xi32, #tpu.memory_space<vmem>> -> memref<80xi32, #tpu.memory_space<vmem>>
    %dma_start3A_165 = arith.constant 0 : i32
    %dma_start3A_166 = arith.constant 0 : i32
    %dma_start3A_167 = tpu.memref_slice %arg2[%dma_start3A_165, %dma_start3A_166] : memref<20000x128xf32, #tpu.memory_space<hbm>> -> memref<20000x128xf32, #tpu.memory_space<hbm>>
    tpu.enqueue_indirect_dma source(%dma_start3A_167 : memref<20000x128xf32, #tpu.memory_space<hbm>>) target(%arg11 : memref<80x128xf32, #tpu.memory_space<vmem>>) offsets(%dma_start3A_164 : memref<80xi32, #tpu.memory_space<vmem>>) semaphore(%arg15 : memref<!tpu.dma_semaphore, #tpu.memory_space<semaphore_mem>>)
    %dma_start3A_168 = arith.constant 2 : i32
    %dma_start3A_169 = arith.constant 0 : i32
    %dma_start3A_170 = tpu.memref_slice %arg8[%dma_start3A_168, %dma_start3A_169] : memref<32x80xi32, #tpu.memory_space<vmem>> -> memref<1x80xi32, #tpu.memory_space<vmem>>
    %dma_start3A_171 = tpu.memref_squeeze %dma_start3A_170 : memref<1x80xi32, #tpu.memory_space<vmem>> -> memref<80xi32, #tpu.memory_space<vmem>>
    %dma_start3A_172 = arith.constant 0 : i32
    %dma_start3A_173 = arith.constant 0 : i32
    %dma_start3A_174 = tpu.memref_slice %arg2[%dma_start3A_172, %dma_start3A_173] : memref<20000x128xf32, #tpu.memory_space<hbm>> -> memref<20000x128xf32, #tpu.memory_space<hbm>>
    tpu.enqueue_indirect_dma source(%dma_start3A_174 : memref<20000x128xf32, #tpu.memory_space<hbm>>) target(%arg12 : memref<80x128xf32, #tpu.memory_space<vmem>>) offsets(%dma_start3A_171 : memref<80xi32, #tpu.memory_space<vmem>>) semaphore(%arg16 : memref<!tpu.dma_semaphore, #tpu.memory_space<semaphore_mem>>)
    %dma_start3A_175 = arith.constant 3 : i32
    %dma_start3A_176 = arith.constant 0 : i32
    %dma_start3A_177 = tpu.memref_slice %arg8[%dma_start3A_175, %dma_start3A_176] : memref<32x80xi32, #tpu.memory_space<vmem>> -> memref<1x80xi32, #tpu.memory_space<vmem>>
    %dma_start3A_178 = tpu.memref_squeeze %dma_start3A_177 : memref<1x80xi32, #tpu.memory_space<vmem>> -> memref<80xi32, #tpu.memory_space<vmem>>
    %dma_start3A_179 = arith.constant 0 : i32
    %dma_start3A_180 = arith.constant 0 : i32
    %dma_start3A_181 = tpu.memref_slice %arg2[%dma_start3A_179, %dma_start3A_180] : memref<20000x128xf32, #tpu.memory_space<hbm>> -> memref<20000x128xf32, #tpu.memory_space<hbm>>
    tpu.enqueue_indirect_dma source(%dma_start3A_181 : memref<20000x128xf32, #tpu.memory_space<hbm>>) target(%arg13 : memref<80x128xf32, #tpu.memory_space<vmem>>) offsets(%dma_start3A_178 : memref<80xi32, #tpu.memory_space<vmem>>) semaphore(%arg17 : memref<!tpu.dma_semaphore, #tpu.memory_space<semaphore_mem>>)
    %scan3A_182 = arith.constant 0 : i32
    %scan3A_183 = arith.constant 0 : i32
    %scan3A_184 = arith.constant 8 : i32
    %scan3A_185 = arith.addi %scan3A_183, %scan3A_184 : i32
    %scan3A_186 = arith.constant 1 : i32
    scf.for %scan3A_293 = %scan3A_183 to %scan3A_185 step %scan3A_186  : i32 {
      %mul3A_294 = arith.constant 4 : i32
      %mul3A_295 = arith.muli %mul3A_294, %scan3A_293 : i32
      %add3A_296 = arith.constant 0 : i32
      %add3A_297 = arith.addi %mul3A_295, %add3A_296 : i32
      %dma_wait3A_298 = arith.constant 0 : i32
      %dma_wait3A_299 = tpu.memref_slice %arg8[%add3A_297, %dma_wait3A_298] : memref<32x80xi32, #tpu.memory_space<vmem>> -> memref<1x80xi32, #tpu.memory_space<vmem>>
      %dma_wait3A_300 = tpu.memref_squeeze %dma_wait3A_299 : memref<1x80xi32, #tpu.memory_space<vmem>> -> memref<80xi32, #tpu.memory_space<vmem>>
      %dma_wait3A_301 = arith.constant 0 : i32
      %dma_wait3A_302 = arith.constant 0 : i32
      %dma_wait3A_303 = tpu.memref_slice %arg2[%dma_wait3A_301, %dma_wait3A_302] : memref<20000x128xf32, #tpu.memory_space<hbm>> -> memref<20000x128xf32, #tpu.memory_space<hbm>>
      tpu.wait_indirect_dma semaphore(%arg14 : memref<!tpu.dma_semaphore, #tpu.memory_space<semaphore_mem>>) src(%dma_wait3A_303 : memref<20000x128xf32, #tpu.memory_space<hbm>>) dst(%arg10 : memref<80x128xf32, #tpu.memory_space<vmem>>)
      %add3A_304 = arith.constant 0 : i32
      %add3A_305 = arith.addi %mul3A_295, %add3A_304 : i32
      %dma_start3A_306 = arith.constant 0 : i32
      %dma_start3A_307 = tpu.memref_slice %arg9[%add3A_305, %dma_start3A_306] : memref<32x80xi32, #tpu.memory_space<vmem>> -> memref<1x80xi32, #tpu.memory_space<vmem>>
      %dma_start3A_308 = tpu.memref_squeeze %dma_start3A_307 : memref<1x80xi32, #tpu.memory_space<vmem>> -> memref<80xi32, #tpu.memory_space<vmem>>
      %dma_start3A_309 = arith.constant 0 : i32
      %dma_start3A_310 = arith.constant 0 : i32
      %dma_start3A_311 = tpu.memref_slice %arg7[%dma_start3A_309, %dma_start3A_310] : memref<10112x128xf32, #tpu.memory_space<vmem_shared>> -> memref<10112x128xf32, #tpu.memory_space<vmem_shared>>
      tpu.enqueue_indirect_dma source(%arg10 : memref<80x128xf32, #tpu.memory_space<vmem>>) target(%dma_start3A_311 : memref<10112x128xf32, #tpu.memory_space<vmem_shared>>) offsets(%dma_start3A_308 : memref<80xi32, #tpu.memory_space<vmem>>) semaphore(%arg18 : memref<!tpu.dma_semaphore, #tpu.memory_space<semaphore_mem>>) {add = true}
      %add3A_312 = arith.constant 1 : i32
      %add3A_313 = arith.addi %mul3A_295, %add3A_312 : i32
      %dma_wait3A_314 = arith.constant 0 : i32
      %dma_wait3A_315 = tpu.memref_slice %arg8[%add3A_313, %dma_wait3A_314] : memref<32x80xi32, #tpu.memory_space<vmem>> -> memref<1x80xi32, #tpu.memory_space<vmem>>
      %dma_wait3A_316 = tpu.memref_squeeze %dma_wait3A_315 : memref<1x80xi32, #tpu.memory_space<vmem>> -> memref<80xi32, #tpu.memory_space<vmem>>
      %dma_wait3A_317 = arith.constant 0 : i32
      %dma_wait3A_318 = arith.constant 0 : i32
      %dma_wait3A_319 = tpu.memref_slice %arg2[%dma_wait3A_317, %dma_wait3A_318] : memref<20000x128xf32, #tpu.memory_space<hbm>> -> memref<20000x128xf32, #tpu.memory_space<hbm>>
      tpu.wait_indirect_dma semaphore(%arg15 : memref<!tpu.dma_semaphore, #tpu.memory_space<semaphore_mem>>) src(%dma_wait3A_319 : memref<20000x128xf32, #tpu.memory_space<hbm>>) dst(%arg11 : memref<80x128xf32, #tpu.memory_space<vmem>>)
      %add3A_320 = arith.constant 1 : i32
      %add3A_321 = arith.addi %mul3A_295, %add3A_320 : i32
      %dma_start3A_322 = arith.constant 0 : i32
      %dma_start3A_323 = tpu.memref_slice %arg9[%add3A_321, %dma_start3A_322] : memref<32x80xi32, #tpu.memory_space<vmem>> -> memref<1x80xi32, #tpu.memory_space<vmem>>
      %dma_start3A_324 = tpu.memref_squeeze %dma_start3A_323 : memref<1x80xi32, #tpu.memory_space<vmem>> -> memref<80xi32, #tpu.memory_space<vmem>>
      %dma_start3A_325 = arith.constant 0 : i32
      %dma_start3A_326 = arith.constant 0 : i32
      %dma_start3A_327 = tpu.memref_slice %arg7[%dma_start3A_325, %dma_start3A_326] : memref<10112x128xf32, #tpu.memory_space<vmem_shared>> -> memref<10112x128xf32, #tpu.memory_space<vmem_shared>>
      tpu.enqueue_indirect_dma source(%arg11 : memref<80x128xf32, #tpu.memory_space<vmem>>) target(%dma_start3A_327 : memref<10112x128xf32, #tpu.memory_space<vmem_shared>>) offsets(%dma_start3A_324 : memref<80xi32, #tpu.memory_space<vmem>>) semaphore(%arg19 : memref<!tpu.dma_semaphore, #tpu.memory_space<semaphore_mem>>) {add = true}
      %add3A_328 = arith.constant 2 : i32
      %add3A_329 = arith.addi %mul3A_295, %add3A_328 : i32
      %dma_wait3A_330 = arith.constant 0 : i32
      %dma_wait3A_331 = tpu.memref_slice %arg8[%add3A_329, %dma_wait3A_330] : memref<32x80xi32, #tpu.memory_space<vmem>> -> memref<1x80xi32, #tpu.memory_space<vmem>>
      %dma_wait3A_332 = tpu.memref_squeeze %dma_wait3A_331 : memref<1x80xi32, #tpu.memory_space<vmem>> -> memref<80xi32, #tpu.memory_space<vmem>>
      %dma_wait3A_333 = arith.constant 0 : i32
      %dma_wait3A_334 = arith.constant 0 : i32
      %dma_wait3A_335 = tpu.memref_slice %arg2[%dma_wait3A_333, %dma_wait3A_334] : memref<20000x128xf32, #tpu.memory_space<hbm>> -> memref<20000x128xf32, #tpu.memory_space<hbm>>
      tpu.wait_indirect_dma semaphore(%arg16 : memref<!tpu.dma_semaphore, #tpu.memory_space<semaphore_mem>>) src(%dma_wait3A_335 : memref<20000x128xf32, #tpu.memory_space<hbm>>) dst(%arg12 : memref<80x128xf32, #tpu.memory_space<vmem>>)
      %add3A_336 = arith.constant 2 : i32
      %add3A_337 = arith.addi %mul3A_295, %add3A_336 : i32
      %dma_start3A_338 = arith.constant 0 : i32
      %dma_start3A_339 = tpu.memref_slice %arg9[%add3A_337, %dma_start3A_338] : memref<32x80xi32, #tpu.memory_space<vmem>> -> memref<1x80xi32, #tpu.memory_space<vmem>>
      %dma_start3A_340 = tpu.memref_squeeze %dma_start3A_339 : memref<1x80xi32, #tpu.memory_space<vmem>> -> memref<80xi32, #tpu.memory_space<vmem>>
      %dma_start3A_341 = arith.constant 0 : i32
      %dma_start3A_342 = arith.constant 0 : i32
      %dma_start3A_343 = tpu.memref_slice %arg7[%dma_start3A_341, %dma_start3A_342] : memref<10112x128xf32, #tpu.memory_space<vmem_shared>> -> memref<10112x128xf32, #tpu.memory_space<vmem_shared>>
      tpu.enqueue_indirect_dma source(%arg12 : memref<80x128xf32, #tpu.memory_space<vmem>>) target(%dma_start3A_343 : memref<10112x128xf32, #tpu.memory_space<vmem_shared>>) offsets(%dma_start3A_340 : memref<80xi32, #tpu.memory_space<vmem>>) semaphore(%arg20 : memref<!tpu.dma_semaphore, #tpu.memory_space<semaphore_mem>>) {add = true}
      %add3A_344 = arith.constant 3 : i32
      %add3A_345 = arith.addi %mul3A_295, %add3A_344 : i32
      %dma_wait3A_346 = arith.constant 0 : i32
      %dma_wait3A_347 = tpu.memref_slice %arg8[%add3A_345, %dma_wait3A_346] : memref<32x80xi32, #tpu.memory_space<vmem>> -> memref<1x80xi32, #tpu.memory_space<vmem>>
      %dma_wait3A_348 = tpu.memref_squeeze %dma_wait3A_347 : memref<1x80xi32, #tpu.memory_space<vmem>> -> memref<80xi32, #tpu.memory_space<vmem>>
      %dma_wait3A_349 = arith.constant 0 : i32
      %dma_wait3A_350 = arith.constant 0 : i32
      %dma_wait3A_351 = tpu.memref_slice %arg2[%dma_wait3A_349, %dma_wait3A_350] : memref<20000x128xf32, #tpu.memory_space<hbm>> -> memref<20000x128xf32, #tpu.memory_space<hbm>>
      tpu.wait_indirect_dma semaphore(%arg17 : memref<!tpu.dma_semaphore, #tpu.memory_space<semaphore_mem>>) src(%dma_wait3A_351 : memref<20000x128xf32, #tpu.memory_space<hbm>>) dst(%arg13 : memref<80x128xf32, #tpu.memory_space<vmem>>)
      %add3A_352 = arith.constant 3 : i32
      %add3A_353 = arith.addi %mul3A_295, %add3A_352 : i32
      %dma_start3A_354 = arith.constant 0 : i32
      %dma_start3A_355 = tpu.memref_slice %arg9[%add3A_353, %dma_start3A_354] : memref<32x80xi32, #tpu.memory_space<vmem>> -> memref<1x80xi32, #tpu.memory_space<vmem>>
      %dma_start3A_356 = tpu.memref_squeeze %dma_start3A_355 : memref<1x80xi32, #tpu.memory_space<vmem>> -> memref<80xi32, #tpu.memory_space<vmem>>
      %dma_start3A_357 = arith.constant 0 : i32
      %dma_start3A_358 = arith.constant 0 : i32
      %dma_start3A_359 = tpu.memref_slice %arg7[%dma_start3A_357, %dma_start3A_358] : memref<10112x128xf32, #tpu.memory_space<vmem_shared>> -> memref<10112x128xf32, #tpu.memory_space<vmem_shared>>
      tpu.enqueue_indirect_dma source(%arg13 : memref<80x128xf32, #tpu.memory_space<vmem>>) target(%dma_start3A_359 : memref<10112x128xf32, #tpu.memory_space<vmem_shared>>) offsets(%dma_start3A_356 : memref<80xi32, #tpu.memory_space<vmem>>) semaphore(%arg21 : memref<!tpu.dma_semaphore, #tpu.memory_space<semaphore_mem>>) {add = true}
      %lt3A = arith.constant 7 : i32
      %lt3A_360 = arith.cmpi slt, %scan3A_293, %lt3A : i32
      %convert_element_type3A = arith.extui %lt3A_360 : i1 to i32
      %cond3A = arith.constant 0 : i32
      %cond3A_361 = arith.cmpi ne, %convert_element_type3A, %cond3A : i32
      scf.if %cond3A_361 {
        %add3A_362 = arith.constant 0 : i32
        %add3A_363 = arith.addi %mul3A_295, %add3A_362 : i32
        %dma_wait3A_364 = arith.constant 0 : i32
        %dma_wait3A_365 = tpu.memref_slice %arg9[%add3A_363, %dma_wait3A_364] : memref<32x80xi32, #tpu.memory_space<vmem>> -> memref<1x80xi32, #tpu.memory_space<vmem>>
        %dma_wait3A_366 = tpu.memref_squeeze %dma_wait3A_365 : memref<1x80xi32, #tpu.memory_space<vmem>> -> memref<80xi32, #tpu.memory_space<vmem>>
        %dma_wait3A_367 = arith.constant 0 : i32
        %dma_wait3A_368 = arith.constant 0 : i32
        %dma_wait3A_369 = tpu.memref_slice %arg7[%dma_wait3A_367, %dma_wait3A_368] : memref<10112x128xf32, #tpu.memory_space<vmem_shared>> -> memref<10112x128xf32, #tpu.memory_space<vmem_shared>>
        tpu.wait_indirect_dma semaphore(%arg18 : memref<!tpu.dma_semaphore, #tpu.memory_space<semaphore_mem>>) src(%arg10 : memref<80x128xf32, #tpu.memory_space<vmem>>) dst(%dma_wait3A_369 : memref<10112x128xf32, #tpu.memory_space<vmem_shared>>)
        %add3A_370 = arith.constant 4 : i32
        %add3A_371 = arith.addi %mul3A_295, %add3A_370 : i32
        %add3A_372 = arith.constant 0 : i32
        %add3A_373 = arith.addi %add3A_371, %add3A_372 : i32
        %dma_start3A_374 = arith.constant 0 : i32
        %dma_start3A_375 = tpu.memref_slice %arg8[%add3A_373, %dma_start3A_374] : memref<32x80xi32, #tpu.memory_space<vmem>> -> memref<1x80xi32, #tpu.memory_space<vmem>>
        %dma_start3A_376 = tpu.memref_squeeze %dma_start3A_375 : memref<1x80xi32, #tpu.memory_space<vmem>> -> memref<80xi32, #tpu.memory_space<vmem>>
        %dma_start3A_377 = arith.constant 0 : i32
        %dma_start3A_378 = arith.constant 0 : i32
        %dma_start3A_379 = tpu.memref_slice %arg2[%dma_start3A_377, %dma_start3A_378] : memref<20000x128xf32, #tpu.memory_space<hbm>> -> memref<20000x128xf32, #tpu.memory_space<hbm>>
        tpu.enqueue_indirect_dma source(%dma_start3A_379 : memref<20000x128xf32, #tpu.memory_space<hbm>>) target(%arg10 : memref<80x128xf32, #tpu.memory_space<vmem>>) offsets(%dma_start3A_376 : memref<80xi32, #tpu.memory_space<vmem>>) semaphore(%arg14 : memref<!tpu.dma_semaphore, #tpu.memory_space<semaphore_mem>>)
        %add3A_380 = arith.constant 1 : i32
        %add3A_381 = arith.addi %mul3A_295, %add3A_380 : i32
        %dma_wait3A_382 = arith.constant 0 : i32
        %dma_wait3A_383 = tpu.memref_slice %arg9[%add3A_381, %dma_wait3A_382] : memref<32x80xi32, #tpu.memory_space<vmem>> -> memref<1x80xi32, #tpu.memory_space<vmem>>
        %dma_wait3A_384 = tpu.memref_squeeze %dma_wait3A_383 : memref<1x80xi32, #tpu.memory_space<vmem>> -> memref<80xi32, #tpu.memory_space<vmem>>
        %dma_wait3A_385 = arith.constant 0 : i32
        %dma_wait3A_386 = arith.constant 0 : i32
        %dma_wait3A_387 = tpu.memref_slice %arg7[%dma_wait3A_385, %dma_wait3A_386] : memref<10112x128xf32, #tpu.memory_space<vmem_shared>> -> memref<10112x128xf32, #tpu.memory_space<vmem_shared>>
        tpu.wait_indirect_dma semaphore(%arg19 : memref<!tpu.dma_semaphore, #tpu.memory_space<semaphore_mem>>) src(%arg11 : memref<80x128xf32, #tpu.memory_space<vmem>>) dst(%dma_wait3A_387 : memref<10112x128xf32, #tpu.memory_space<vmem_shared>>)
        %add3A_388 = arith.constant 4 : i32
        %add3A_389 = arith.addi %mul3A_295, %add3A_388 : i32
        %add3A_390 = arith.constant 1 : i32
        %add3A_391 = arith.addi %add3A_389, %add3A_390 : i32
        %dma_start3A_392 = arith.constant 0 : i32
        %dma_start3A_393 = tpu.memref_slice %arg8[%add3A_391, %dma_start3A_392] : memref<32x80xi32, #tpu.memory_space<vmem>> -> memref<1x80xi32, #tpu.memory_space<vmem>>
        %dma_start3A_394 = tpu.memref_squeeze %dma_start3A_393 : memref<1x80xi32, #tpu.memory_space<vmem>> -> memref<80xi32, #tpu.memory_space<vmem>>
        %dma_start3A_395 = arith.constant 0 : i32
        %dma_start3A_396 = arith.constant 0 : i32
        %dma_start3A_397 = tpu.memref_slice %arg2[%dma_start3A_395, %dma_start3A_396] : memref<20000x128xf32, #tpu.memory_space<hbm>> -> memref<20000x128xf32, #tpu.memory_space<hbm>>
        tpu.enqueue_indirect_dma source(%dma_start3A_397 : memref<20000x128xf32, #tpu.memory_space<hbm>>) target(%arg11 : memref<80x128xf32, #tpu.memory_space<vmem>>) offsets(%dma_start3A_394 : memref<80xi32, #tpu.memory_space<vmem>>) semaphore(%arg15 : memref<!tpu.dma_semaphore, #tpu.memory_space<semaphore_mem>>)
        %add3A_398 = arith.constant 2 : i32
        %add3A_399 = arith.addi %mul3A_295, %add3A_398 : i32
        %dma_wait3A_400 = arith.constant 0 : i32
        %dma_wait3A_401 = tpu.memref_slice %arg9[%add3A_399, %dma_wait3A_400] : memref<32x80xi32, #tpu.memory_space<vmem>> -> memref<1x80xi32, #tpu.memory_space<vmem>>
        %dma_wait3A_402 = tpu.memref_squeeze %dma_wait3A_401 : memref<1x80xi32, #tpu.memory_space<vmem>> -> memref<80xi32, #tpu.memory_space<vmem>>
        %dma_wait3A_403 = arith.constant 0 : i32
        %dma_wait3A_404 = arith.constant 0 : i32
        %dma_wait3A_405 = tpu.memref_slice %arg7[%dma_wait3A_403, %dma_wait3A_404] : memref<10112x128xf32, #tpu.memory_space<vmem_shared>> -> memref<10112x128xf32, #tpu.memory_space<vmem_shared>>
        tpu.wait_indirect_dma semaphore(%arg20 : memref<!tpu.dma_semaphore, #tpu.memory_space<semaphore_mem>>) src(%arg12 : memref<80x128xf32, #tpu.memory_space<vmem>>) dst(%dma_wait3A_405 : memref<10112x128xf32, #tpu.memory_space<vmem_shared>>)
        %add3A_406 = arith.constant 4 : i32
        %add3A_407 = arith.addi %mul3A_295, %add3A_406 : i32
        %add3A_408 = arith.constant 2 : i32
        %add3A_409 = arith.addi %add3A_407, %add3A_408 : i32
        %dma_start3A_410 = arith.constant 0 : i32
        %dma_start3A_411 = tpu.memref_slice %arg8[%add3A_409, %dma_start3A_410] : memref<32x80xi32, #tpu.memory_space<vmem>> -> memref<1x80xi32, #tpu.memory_space<vmem>>
        %dma_start3A_412 = tpu.memref_squeeze %dma_start3A_411 : memref<1x80xi32, #tpu.memory_space<vmem>> -> memref<80xi32, #tpu.memory_space<vmem>>
        %dma_start3A_413 = arith.constant 0 : i32
        %dma_start3A_414 = arith.constant 0 : i32
        %dma_start3A_415 = tpu.memref_slice %arg2[%dma_start3A_413, %dma_start3A_414] : memref<20000x128xf32, #tpu.memory_space<hbm>> -> memref<20000x128xf32, #tpu.memory_space<hbm>>
        tpu.enqueue_indirect_dma source(%dma_start3A_415 : memref<20000x128xf32, #tpu.memory_space<hbm>>) target(%arg12 : memref<80x128xf32, #tpu.memory_space<vmem>>) offsets(%dma_start3A_412 : memref<80xi32, #tpu.memory_space<vmem>>) semaphore(%arg16 : memref<!tpu.dma_semaphore, #tpu.memory_space<semaphore_mem>>)
        %add3A_416 = arith.constant 3 : i32
        %add3A_417 = arith.addi %mul3A_295, %add3A_416 : i32
        %dma_wait3A_418 = arith.constant 0 : i32
        %dma_wait3A_419 = tpu.memref_slice %arg9[%add3A_417, %dma_wait3A_418] : memref<32x80xi32, #tpu.memory_space<vmem>> -> memref<1x80xi32, #tpu.memory_space<vmem>>
        %dma_wait3A_420 = tpu.memref_squeeze %dma_wait3A_419 : memref<1x80xi32, #tpu.memory_space<vmem>> -> memref<80xi32, #tpu.memory_space<vmem>>
        %dma_wait3A_421 = arith.constant 0 : i32
        %dma_wait3A_422 = arith.constant 0 : i32
        %dma_wait3A_423 = tpu.memref_slice %arg7[%dma_wait3A_421, %dma_wait3A_422] : memref<10112x128xf32, #tpu.memory_space<vmem_shared>> -> memref<10112x128xf32, #tpu.memory_space<vmem_shared>>
        tpu.wait_indirect_dma semaphore(%arg21 : memref<!tpu.dma_semaphore, #tpu.memory_space<semaphore_mem>>) src(%arg13 : memref<80x128xf32, #tpu.memory_space<vmem>>) dst(%dma_wait3A_423 : memref<10112x128xf32, #tpu.memory_space<vmem_shared>>)
        %add3A_424 = arith.constant 4 : i32
        %add3A_425 = arith.addi %mul3A_295, %add3A_424 : i32
        %add3A_426 = arith.constant 3 : i32
        %add3A_427 = arith.addi %add3A_425, %add3A_426 : i32
        %dma_start3A_428 = arith.constant 0 : i32
        %dma_start3A_429 = tpu.memref_slice %arg8[%add3A_427, %dma_start3A_428] : memref<32x80xi32, #tpu.memory_space<vmem>> -> memref<1x80xi32, #tpu.memory_space<vmem>>
        %dma_start3A_430 = tpu.memref_squeeze %dma_start3A_429 : memref<1x80xi32, #tpu.memory_space<vmem>> -> memref<80xi32, #tpu.memory_space<vmem>>
        %dma_start3A_431 = arith.constant 0 : i32
        %dma_start3A_432 = arith.constant 0 : i32
        %dma_start3A_433 = tpu.memref_slice %arg2[%dma_start3A_431, %dma_start3A_432] : memref<20000x128xf32, #tpu.memory_space<hbm>> -> memref<20000x128xf32, #tpu.memory_space<hbm>>
        tpu.enqueue_indirect_dma source(%dma_start3A_433 : memref<20000x128xf32, #tpu.memory_space<hbm>>) target(%arg13 : memref<80x128xf32, #tpu.memory_space<vmem>>) offsets(%dma_start3A_430 : memref<80xi32, #tpu.memory_space<vmem>>) semaphore(%arg17 : memref<!tpu.dma_semaphore, #tpu.memory_space<semaphore_mem>>)
      } else {
      }
    }
    %scan3A_187 = arith.constant 8 : i32
    %dma_wait3A_188 = arith.constant 28 : i32
    %dma_wait3A_189 = arith.constant 0 : i32
    %dma_wait3A_190 = tpu.memref_slice %arg9[%dma_wait3A_188, %dma_wait3A_189] : memref<32x80xi32, #tpu.memory_space<vmem>> -> memref<1x80xi32, #tpu.memory_space<vmem>>
    %dma_wait3A_191 = tpu.memref_squeeze %dma_wait3A_190 : memref<1x80xi32, #tpu.memory_space<vmem>> -> memref<80xi32, #tpu.memory_space<vmem>>
    %dma_wait3A_192 = arith.constant 0 : i32
    %dma_wait3A_193 = arith.constant 0 : i32
    %dma_wait3A_194 = tpu.memref_slice %arg7[%dma_wait3A_192, %dma_wait3A_193] : memref<10112x128xf32, #tpu.memory_space<vmem_shared>> -> memref<10112x128xf32, #tpu.memory_space<vmem_shared>>
    tpu.wait_indirect_dma semaphore(%arg18 : memref<!tpu.dma_semaphore, #tpu.memory_space<semaphore_mem>>) src(%arg10 : memref<80x128xf32, #tpu.memory_space<vmem>>) dst(%dma_wait3A_194 : memref<10112x128xf32, #tpu.memory_space<vmem_shared>>)
    %dma_wait3A_195 = arith.constant 29 : i32
    %dma_wait3A_196 = arith.constant 0 : i32
    %dma_wait3A_197 = tpu.memref_slice %arg9[%dma_wait3A_195, %dma_wait3A_196] : memref<32x80xi32, #tpu.memory_space<vmem>> -> memref<1x80xi32, #tpu.memory_space<vmem>>
    %dma_wait3A_198 = tpu.memref_squeeze %dma_wait3A_197 : memref<1x80xi32, #tpu.memory_space<vmem>> -> memref<80xi32, #tpu.memory_space<vmem>>
    %dma_wait3A_199 = arith.constant 0 : i32
    %dma_wait3A_200 = arith.constant 0 : i32
    %dma_wait3A_201 = tpu.memref_slice %arg7[%dma_wait3A_199, %dma_wait3A_200] : memref<10112x128xf32, #tpu.memory_space<vmem_shared>> -> memref<10112x128xf32, #tpu.memory_space<vmem_shared>>
    tpu.wait_indirect_dma semaphore(%arg19 : memref<!tpu.dma_semaphore, #tpu.memory_space<semaphore_mem>>) src(%arg11 : memref<80x128xf32, #tpu.memory_space<vmem>>) dst(%dma_wait3A_201 : memref<10112x128xf32, #tpu.memory_space<vmem_shared>>)
    %dma_wait3A_202 = arith.constant 30 : i32
    %dma_wait3A_203 = arith.constant 0 : i32
    %dma_wait3A_204 = tpu.memref_slice %arg9[%dma_wait3A_202, %dma_wait3A_203] : memref<32x80xi32, #tpu.memory_space<vmem>> -> memref<1x80xi32, #tpu.memory_space<vmem>>
    %dma_wait3A_205 = tpu.memref_squeeze %dma_wait3A_204 : memref<1x80xi32, #tpu.memory_space<vmem>> -> memref<80xi32, #tpu.memory_space<vmem>>
    %dma_wait3A_206 = arith.constant 0 : i32
    %dma_wait3A_207 = arith.constant 0 : i32
    %dma_wait3A_208 = tpu.memref_slice %arg7[%dma_wait3A_206, %dma_wait3A_207] : memref<10112x128xf32, #tpu.memory_space<vmem_shared>> -> memref<10112x128xf32, #tpu.memory_space<vmem_shared>>
    tpu.wait_indirect_dma semaphore(%arg20 : memref<!tpu.dma_semaphore, #tpu.memory_space<semaphore_mem>>) src(%arg12 : memref<80x128xf32, #tpu.memory_space<vmem>>) dst(%dma_wait3A_208 : memref<10112x128xf32, #tpu.memory_space<vmem_shared>>)
    %dma_wait3A_209 = arith.constant 31 : i32
    %dma_wait3A_210 = arith.constant 0 : i32
    %dma_wait3A_211 = tpu.memref_slice %arg9[%dma_wait3A_209, %dma_wait3A_210] : memref<32x80xi32, #tpu.memory_space<vmem>> -> memref<1x80xi32, #tpu.memory_space<vmem>>
    %dma_wait3A_212 = tpu.memref_squeeze %dma_wait3A_211 : memref<1x80xi32, #tpu.memory_space<vmem>> -> memref<80xi32, #tpu.memory_space<vmem>>
    %dma_wait3A_213 = arith.constant 0 : i32
    %dma_wait3A_214 = arith.constant 0 : i32
    %dma_wait3A_215 = tpu.memref_slice %arg7[%dma_wait3A_213, %dma_wait3A_214] : memref<10112x128xf32, #tpu.memory_space<vmem_shared>> -> memref<10112x128xf32, #tpu.memory_space<vmem_shared>>
    tpu.wait_indirect_dma semaphore(%arg21 : memref<!tpu.dma_semaphore, #tpu.memory_space<semaphore_mem>>) src(%arg13 : memref<80x128xf32, #tpu.memory_space<vmem>>) dst(%dma_wait3A_215 : memref<10112x128xf32, #tpu.memory_space<vmem_shared>>)
    %mul3A_216 = arith.constant 2048 : i32
    %mul3A_217 = arith.muli %arg0, %mul3A_216 : i32
    %mul3A_218 = arith.constant 128 : i32
    %mul3A_219 = arith.muli %arg1, %mul3A_218 : i32
    %add3A_220 = arith.addi %mul3A_217, %mul3A_219 : i32
    %add3A_221 = arith.constant 96 : i32
    %add3A_222 = arith.addi %add3A_220, %add3A_221 : i32
    "tpu.region"() ({
      %run_scoped3A = tpu.sem_alloc : memref<!tpu.dma_semaphore, #tpu.memory_space<semaphore_mem>>
      %dma_start3A_293 = arith.constant 0 : i32
      %dma_start3A_294 = tpu.memref_slice %arg3[%add3A_222, %dma_start3A_293] : memref<4096x80xi32, #tpu.memory_space<hbm>> -> memref<32x80xi32, #tpu.memory_space<hbm>>
      %dma_start3A_295 = arith.constant 0 : i32
      %dma_start3A_296 = tpu.memref_slice %arg3[%add3A_222, %dma_start3A_295] : memref<4096x80xi32, #tpu.memory_space<hbm>> -> memref<32x80xi32, #tpu.memory_space<hbm>>
      tpu.enqueue_dma source(%dma_start3A_296 : memref<32x80xi32, #tpu.memory_space<hbm>>) target(%arg8 : memref<32x80xi32, #tpu.memory_space<vmem>>) target_semaphore(%run_scoped3A : memref<!tpu.dma_semaphore, #tpu.memory_space<semaphore_mem>>)
      %dma_wait3A_297 = arith.constant 0 : i32
      %dma_wait3A_298 = tpu.memref_slice %arg3[%add3A_222, %dma_wait3A_297] : memref<4096x80xi32, #tpu.memory_space<hbm>> -> memref<32x80xi32, #tpu.memory_space<hbm>>
      %dma_wait3A_299 = arith.constant 0 : i32
      %dma_wait3A_300 = tpu.memref_slice %arg3[%add3A_222, %dma_wait3A_299] : memref<4096x80xi32, #tpu.memory_space<hbm>> -> memref<32x80xi32, #tpu.memory_space<hbm>>
      tpu.wait_dma2 semaphore(%run_scoped3A : memref<!tpu.dma_semaphore, #tpu.memory_space<semaphore_mem>>) src(%dma_wait3A_300 : memref<32x80xi32, #tpu.memory_space<hbm>>) dst(%arg8 : memref<32x80xi32, #tpu.memory_space<vmem>>)
      tpu.yield
    }) : () -> ()
    %mul3A_223 = arith.constant 128 : i32
    %mul3A_224 = arith.muli %arg1, %mul3A_223 : i32
    %add3A_225 = arith.constant 96 : i32
    %add3A_226 = arith.addi %mul3A_224, %add3A_225 : i32
    "tpu.region"() ({
      %run_scoped3A = tpu.sem_alloc : memref<!tpu.dma_semaphore, #tpu.memory_space<semaphore_mem>>
      %dma_start3A_293 = arith.constant 0 : i32
      %dma_start3A_294 = tpu.memref_slice %arg4[%add3A_226, %dma_start3A_293] : memref<2048x80xi32, #tpu.memory_space<hbm>> -> memref<32x80xi32, #tpu.memory_space<hbm>>
      %dma_start3A_295 = arith.constant 0 : i32
      %dma_start3A_296 = tpu.memref_slice %arg4[%add3A_226, %dma_start3A_295] : memref<2048x80xi32, #tpu.memory_space<hbm>> -> memref<32x80xi32, #tpu.memory_space<hbm>>
      tpu.enqueue_dma source(%dma_start3A_296 : memref<32x80xi32, #tpu.memory_space<hbm>>) target(%arg9 : memref<32x80xi32, #tpu.memory_space<vmem>>) target_semaphore(%run_scoped3A : memref<!tpu.dma_semaphore, #tpu.memory_space<semaphore_mem>>)
      %dma_wait3A_297 = arith.constant 0 : i32
      %dma_wait3A_298 = tpu.memref_slice %arg4[%add3A_226, %dma_wait3A_297] : memref<2048x80xi32, #tpu.memory_space<hbm>> -> memref<32x80xi32, #tpu.memory_space<hbm>>
      %dma_wait3A_299 = arith.constant 0 : i32
      %dma_wait3A_300 = tpu.memref_slice %arg4[%add3A_226, %dma_wait3A_299] : memref<2048x80xi32, #tpu.memory_space<hbm>> -> memref<32x80xi32, #tpu.memory_space<hbm>>
      tpu.wait_dma2 semaphore(%run_scoped3A : memref<!tpu.dma_semaphore, #tpu.memory_space<semaphore_mem>>) src(%dma_wait3A_300 : memref<32x80xi32, #tpu.memory_space<hbm>>) dst(%arg9 : memref<32x80xi32, #tpu.memory_space<vmem>>)
      tpu.yield
    }) : () -> ()
    %dma_start3A_227 = arith.constant 0 : i32
    %dma_start3A_228 = arith.constant 0 : i32
    %dma_start3A_229 = tpu.memref_slice %arg8[%dma_start3A_227, %dma_start3A_228] : memref<32x80xi32, #tpu.memory_space<vmem>> -> memref<1x80xi32, #tpu.memory_space<vmem>>
    %dma_start3A_230 = tpu.memref_squeeze %dma_start3A_229 : memref<1x80xi32, #tpu.memory_space<vmem>> -> memref<80xi32, #tpu.memory_space<vmem>>
    %dma_start3A_231 = arith.constant 0 : i32
    %dma_start3A_232 = arith.constant 0 : i32
    %dma_start3A_233 = tpu.memref_slice %arg2[%dma_start3A_231, %dma_start3A_232] : memref<20000x128xf32, #tpu.memory_space<hbm>> -> memref<20000x128xf32, #tpu.memory_space<hbm>>
    tpu.enqueue_indirect_dma source(%dma_start3A_233 : memref<20000x128xf32, #tpu.memory_space<hbm>>) target(%arg10 : memref<80x128xf32, #tpu.memory_space<vmem>>) offsets(%dma_start3A_230 : memref<80xi32, #tpu.memory_space<vmem>>) semaphore(%arg14 : memref<!tpu.dma_semaphore, #tpu.memory_space<semaphore_mem>>)
    %dma_start3A_234 = arith.constant 1 : i32
    %dma_start3A_235 = arith.constant 0 : i32
    %dma_start3A_236 = tpu.memref_slice %arg8[%dma_start3A_234, %dma_start3A_235] : memref<32x80xi32, #tpu.memory_space<vmem>> -> memref<1x80xi32, #tpu.memory_space<vmem>>
    %dma_start3A_237 = tpu.memref_squeeze %dma_start3A_236 : memref<1x80xi32, #tpu.memory_space<vmem>> -> memref<80xi32, #tpu.memory_space<vmem>>
    %dma_start3A_238 = arith.constant 0 : i32
    %dma_start3A_239 = arith.constant 0 : i32
    %dma_start3A_240 = tpu.memref_slice %arg2[%dma_start3A_238, %dma_start3A_239] : memref<20000x128xf32, #tpu.memory_space<hbm>> -> memref<20000x128xf32, #tpu.memory_space<hbm>>
    tpu.enqueue_indirect_dma source(%dma_start3A_240 : memref<20000x128xf32, #tpu.memory_space<hbm>>) target(%arg11 : memref<80x128xf32, #tpu.memory_space<vmem>>) offsets(%dma_start3A_237 : memref<80xi32, #tpu.memory_space<vmem>>) semaphore(%arg15 : memref<!tpu.dma_semaphore, #tpu.memory_space<semaphore_mem>>)
    %dma_start3A_241 = arith.constant 2 : i32
    %dma_start3A_242 = arith.constant 0 : i32
    %dma_start3A_243 = tpu.memref_slice %arg8[%dma_start3A_241, %dma_start3A_242] : memref<32x80xi32, #tpu.memory_space<vmem>> -> memref<1x80xi32, #tpu.memory_space<vmem>>
    %dma_start3A_244 = tpu.memref_squeeze %dma_start3A_243 : memref<1x80xi32, #tpu.memory_space<vmem>> -> memref<80xi32, #tpu.memory_space<vmem>>
    %dma_start3A_245 = arith.constant 0 : i32
    %dma_start3A_246 = arith.constant 0 : i32
    %dma_start3A_247 = tpu.memref_slice %arg2[%dma_start3A_245, %dma_start3A_246] : memref<20000x128xf32, #tpu.memory_space<hbm>> -> memref<20000x128xf32, #tpu.memory_space<hbm>>
    tpu.enqueue_indirect_dma source(%dma_start3A_247 : memref<20000x128xf32, #tpu.memory_space<hbm>>) target(%arg12 : memref<80x128xf32, #tpu.memory_space<vmem>>) offsets(%dma_start3A_244 : memref<80xi32, #tpu.memory_space<vmem>>) semaphore(%arg16 : memref<!tpu.dma_semaphore, #tpu.memory_space<semaphore_mem>>)
    %dma_start3A_248 = arith.constant 3 : i32
    %dma_start3A_249 = arith.constant 0 : i32
    %dma_start3A_250 = tpu.memref_slice %arg8[%dma_start3A_248, %dma_start3A_249] : memref<32x80xi32, #tpu.memory_space<vmem>> -> memref<1x80xi32, #tpu.memory_space<vmem>>
    %dma_start3A_251 = tpu.memref_squeeze %dma_start3A_250 : memref<1x80xi32, #tpu.memory_space<vmem>> -> memref<80xi32, #tpu.memory_space<vmem>>
    %dma_start3A_252 = arith.constant 0 : i32
    %dma_start3A_253 = arith.constant 0 : i32
    %dma_start3A_254 = tpu.memref_slice %arg2[%dma_start3A_252, %dma_start3A_253] : memref<20000x128xf32, #tpu.memory_space<hbm>> -> memref<20000x128xf32, #tpu.memory_space<hbm>>
    tpu.enqueue_indirect_dma source(%dma_start3A_254 : memref<20000x128xf32, #tpu.memory_space<hbm>>) target(%arg13 : memref<80x128xf32, #tpu.memory_space<vmem>>) offsets(%dma_start3A_251 : memref<80xi32, #tpu.memory_space<vmem>>) semaphore(%arg17 : memref<!tpu.dma_semaphore, #tpu.memory_space<semaphore_mem>>)
    %scan3A_255 = arith.constant 0 : i32
    %scan3A_256 = arith.constant 0 : i32
    %scan3A_257 = arith.constant 8 : i32
    %scan3A_258 = arith.addi %scan3A_256, %scan3A_257 : i32
    %scan3A_259 = arith.constant 1 : i32
    scf.for %scan3A_293 = %scan3A_256 to %scan3A_258 step %scan3A_259  : i32 {
      %mul3A_294 = arith.constant 4 : i32
      %mul3A_295 = arith.muli %mul3A_294, %scan3A_293 : i32
      %add3A_296 = arith.constant 0 : i32
      %add3A_297 = arith.addi %mul3A_295, %add3A_296 : i32
      %dma_wait3A_298 = arith.constant 0 : i32
      %dma_wait3A_299 = tpu.memref_slice %arg8[%add3A_297, %dma_wait3A_298] : memref<32x80xi32, #tpu.memory_space<vmem>> -> memref<1x80xi32, #tpu.memory_space<vmem>>
      %dma_wait3A_300 = tpu.memref_squeeze %dma_wait3A_299 : memref<1x80xi32, #tpu.memory_space<vmem>> -> memref<80xi32, #tpu.memory_space<vmem>>
      %dma_wait3A_301 = arith.constant 0 : i32
      %dma_wait3A_302 = arith.constant 0 : i32
      %dma_wait3A_303 = tpu.memref_slice %arg2[%dma_wait3A_301, %dma_wait3A_302] : memref<20000x128xf32, #tpu.memory_space<hbm>> -> memref<20000x128xf32, #tpu.memory_space<hbm>>
      tpu.wait_indirect_dma semaphore(%arg14 : memref<!tpu.dma_semaphore, #tpu.memory_space<semaphore_mem>>) src(%dma_wait3A_303 : memref<20000x128xf32, #tpu.memory_space<hbm>>) dst(%arg10 : memref<80x128xf32, #tpu.memory_space<vmem>>)
      %add3A_304 = arith.constant 0 : i32
      %add3A_305 = arith.addi %mul3A_295, %add3A_304 : i32
      %dma_start3A_306 = arith.constant 0 : i32
      %dma_start3A_307 = tpu.memref_slice %arg9[%add3A_305, %dma_start3A_306] : memref<32x80xi32, #tpu.memory_space<vmem>> -> memref<1x80xi32, #tpu.memory_space<vmem>>
      %dma_start3A_308 = tpu.memref_squeeze %dma_start3A_307 : memref<1x80xi32, #tpu.memory_space<vmem>> -> memref<80xi32, #tpu.memory_space<vmem>>
      %dma_start3A_309 = arith.constant 0 : i32
      %dma_start3A_310 = arith.constant 0 : i32
      %dma_start3A_311 = tpu.memref_slice %arg7[%dma_start3A_309, %dma_start3A_310] : memref<10112x128xf32, #tpu.memory_space<vmem_shared>> -> memref<10112x128xf32, #tpu.memory_space<vmem_shared>>
      tpu.enqueue_indirect_dma source(%arg10 : memref<80x128xf32, #tpu.memory_space<vmem>>) target(%dma_start3A_311 : memref<10112x128xf32, #tpu.memory_space<vmem_shared>>) offsets(%dma_start3A_308 : memref<80xi32, #tpu.memory_space<vmem>>) semaphore(%arg18 : memref<!tpu.dma_semaphore, #tpu.memory_space<semaphore_mem>>) {add = true}
      %add3A_312 = arith.constant 1 : i32
      %add3A_313 = arith.addi %mul3A_295, %add3A_312 : i32
      %dma_wait3A_314 = arith.constant 0 : i32
      %dma_wait3A_315 = tpu.memref_slice %arg8[%add3A_313, %dma_wait3A_314] : memref<32x80xi32, #tpu.memory_space<vmem>> -> memref<1x80xi32, #tpu.memory_space<vmem>>
      %dma_wait3A_316 = tpu.memref_squeeze %dma_wait3A_315 : memref<1x80xi32, #tpu.memory_space<vmem>> -> memref<80xi32, #tpu.memory_space<vmem>>
      %dma_wait3A_317 = arith.constant 0 : i32
      %dma_wait3A_318 = arith.constant 0 : i32
      %dma_wait3A_319 = tpu.memref_slice %arg2[%dma_wait3A_317, %dma_wait3A_318] : memref<20000x128xf32, #tpu.memory_space<hbm>> -> memref<20000x128xf32, #tpu.memory_space<hbm>>
      tpu.wait_indirect_dma semaphore(%arg15 : memref<!tpu.dma_semaphore, #tpu.memory_space<semaphore_mem>>) src(%dma_wait3A_319 : memref<20000x128xf32, #tpu.memory_space<hbm>>) dst(%arg11 : memref<80x128xf32, #tpu.memory_space<vmem>>)
      %add3A_320 = arith.constant 1 : i32
      %add3A_321 = arith.addi %mul3A_295, %add3A_320 : i32
      %dma_start3A_322 = arith.constant 0 : i32
      %dma_start3A_323 = tpu.memref_slice %arg9[%add3A_321, %dma_start3A_322] : memref<32x80xi32, #tpu.memory_space<vmem>> -> memref<1x80xi32, #tpu.memory_space<vmem>>
      %dma_start3A_324 = tpu.memref_squeeze %dma_start3A_323 : memref<1x80xi32, #tpu.memory_space<vmem>> -> memref<80xi32, #tpu.memory_space<vmem>>
      %dma_start3A_325 = arith.constant 0 : i32
      %dma_start3A_326 = arith.constant 0 : i32
      %dma_start3A_327 = tpu.memref_slice %arg7[%dma_start3A_325, %dma_start3A_326] : memref<10112x128xf32, #tpu.memory_space<vmem_shared>> -> memref<10112x128xf32, #tpu.memory_space<vmem_shared>>
      tpu.enqueue_indirect_dma source(%arg11 : memref<80x128xf32, #tpu.memory_space<vmem>>) target(%dma_start3A_327 : memref<10112x128xf32, #tpu.memory_space<vmem_shared>>) offsets(%dma_start3A_324 : memref<80xi32, #tpu.memory_space<vmem>>) semaphore(%arg19 : memref<!tpu.dma_semaphore, #tpu.memory_space<semaphore_mem>>) {add = true}
      %add3A_328 = arith.constant 2 : i32
      %add3A_329 = arith.addi %mul3A_295, %add3A_328 : i32
      %dma_wait3A_330 = arith.constant 0 : i32
      %dma_wait3A_331 = tpu.memref_slice %arg8[%add3A_329, %dma_wait3A_330] : memref<32x80xi32, #tpu.memory_space<vmem>> -> memref<1x80xi32, #tpu.memory_space<vmem>>
      %dma_wait3A_332 = tpu.memref_squeeze %dma_wait3A_331 : memref<1x80xi32, #tpu.memory_space<vmem>> -> memref<80xi32, #tpu.memory_space<vmem>>
      %dma_wait3A_333 = arith.constant 0 : i32
      %dma_wait3A_334 = arith.constant 0 : i32
      %dma_wait3A_335 = tpu.memref_slice %arg2[%dma_wait3A_333, %dma_wait3A_334] : memref<20000x128xf32, #tpu.memory_space<hbm>> -> memref<20000x128xf32, #tpu.memory_space<hbm>>
      tpu.wait_indirect_dma semaphore(%arg16 : memref<!tpu.dma_semaphore, #tpu.memory_space<semaphore_mem>>) src(%dma_wait3A_335 : memref<20000x128xf32, #tpu.memory_space<hbm>>) dst(%arg12 : memref<80x128xf32, #tpu.memory_space<vmem>>)
      %add3A_336 = arith.constant 2 : i32
      %add3A_337 = arith.addi %mul3A_295, %add3A_336 : i32
      %dma_start3A_338 = arith.constant 0 : i32
      %dma_start3A_339 = tpu.memref_slice %arg9[%add3A_337, %dma_start3A_338] : memref<32x80xi32, #tpu.memory_space<vmem>> -> memref<1x80xi32, #tpu.memory_space<vmem>>
      %dma_start3A_340 = tpu.memref_squeeze %dma_start3A_339 : memref<1x80xi32, #tpu.memory_space<vmem>> -> memref<80xi32, #tpu.memory_space<vmem>>
      %dma_start3A_341 = arith.constant 0 : i32
      %dma_start3A_342 = arith.constant 0 : i32
      %dma_start3A_343 = tpu.memref_slice %arg7[%dma_start3A_341, %dma_start3A_342] : memref<10112x128xf32, #tpu.memory_space<vmem_shared>> -> memref<10112x128xf32, #tpu.memory_space<vmem_shared>>
      tpu.enqueue_indirect_dma source(%arg12 : memref<80x128xf32, #tpu.memory_space<vmem>>) target(%dma_start3A_343 : memref<10112x128xf32, #tpu.memory_space<vmem_shared>>) offsets(%dma_start3A_340 : memref<80xi32, #tpu.memory_space<vmem>>) semaphore(%arg20 : memref<!tpu.dma_semaphore, #tpu.memory_space<semaphore_mem>>) {add = true}
      %add3A_344 = arith.constant 3 : i32
      %add3A_345 = arith.addi %mul3A_295, %add3A_344 : i32
      %dma_wait3A_346 = arith.constant 0 : i32
      %dma_wait3A_347 = tpu.memref_slice %arg8[%add3A_345, %dma_wait3A_346] : memref<32x80xi32, #tpu.memory_space<vmem>> -> memref<1x80xi32, #tpu.memory_space<vmem>>
      %dma_wait3A_348 = tpu.memref_squeeze %dma_wait3A_347 : memref<1x80xi32, #tpu.memory_space<vmem>> -> memref<80xi32, #tpu.memory_space<vmem>>
      %dma_wait3A_349 = arith.constant 0 : i32
      %dma_wait3A_350 = arith.constant 0 : i32
      %dma_wait3A_351 = tpu.memref_slice %arg2[%dma_wait3A_349, %dma_wait3A_350] : memref<20000x128xf32, #tpu.memory_space<hbm>> -> memref<20000x128xf32, #tpu.memory_space<hbm>>
      tpu.wait_indirect_dma semaphore(%arg17 : memref<!tpu.dma_semaphore, #tpu.memory_space<semaphore_mem>>) src(%dma_wait3A_351 : memref<20000x128xf32, #tpu.memory_space<hbm>>) dst(%arg13 : memref<80x128xf32, #tpu.memory_space<vmem>>)
      %add3A_352 = arith.constant 3 : i32
      %add3A_353 = arith.addi %mul3A_295, %add3A_352 : i32
      %dma_start3A_354 = arith.constant 0 : i32
      %dma_start3A_355 = tpu.memref_slice %arg9[%add3A_353, %dma_start3A_354] : memref<32x80xi32, #tpu.memory_space<vmem>> -> memref<1x80xi32, #tpu.memory_space<vmem>>
      %dma_start3A_356 = tpu.memref_squeeze %dma_start3A_355 : memref<1x80xi32, #tpu.memory_space<vmem>> -> memref<80xi32, #tpu.memory_space<vmem>>
      %dma_start3A_357 = arith.constant 0 : i32
      %dma_start3A_358 = arith.constant 0 : i32
      %dma_start3A_359 = tpu.memref_slice %arg7[%dma_start3A_357, %dma_start3A_358] : memref<10112x128xf32, #tpu.memory_space<vmem_shared>> -> memref<10112x128xf32, #tpu.memory_space<vmem_shared>>
      tpu.enqueue_indirect_dma source(%arg13 : memref<80x128xf32, #tpu.memory_space<vmem>>) target(%dma_start3A_359 : memref<10112x128xf32, #tpu.memory_space<vmem_shared>>) offsets(%dma_start3A_356 : memref<80xi32, #tpu.memory_space<vmem>>) semaphore(%arg21 : memref<!tpu.dma_semaphore, #tpu.memory_space<semaphore_mem>>) {add = true}
      %lt3A = arith.constant 7 : i32
      %lt3A_360 = arith.cmpi slt, %scan3A_293, %lt3A : i32
      %convert_element_type3A = arith.extui %lt3A_360 : i1 to i32
      %cond3A = arith.constant 0 : i32
      %cond3A_361 = arith.cmpi ne, %convert_element_type3A, %cond3A : i32
      scf.if %cond3A_361 {
        %add3A_362 = arith.constant 0 : i32
        %add3A_363 = arith.addi %mul3A_295, %add3A_362 : i32
        %dma_wait3A_364 = arith.constant 0 : i32
        %dma_wait3A_365 = tpu.memref_slice %arg9[%add3A_363, %dma_wait3A_364] : memref<32x80xi32, #tpu.memory_space<vmem>> -> memref<1x80xi32, #tpu.memory_space<vmem>>
        %dma_wait3A_366 = tpu.memref_squeeze %dma_wait3A_365 : memref<1x80xi32, #tpu.memory_space<vmem>> -> memref<80xi32, #tpu.memory_space<vmem>>
        %dma_wait3A_367 = arith.constant 0 : i32
        %dma_wait3A_368 = arith.constant 0 : i32
        %dma_wait3A_369 = tpu.memref_slice %arg7[%dma_wait3A_367, %dma_wait3A_368] : memref<10112x128xf32, #tpu.memory_space<vmem_shared>> -> memref<10112x128xf32, #tpu.memory_space<vmem_shared>>
        tpu.wait_indirect_dma semaphore(%arg18 : memref<!tpu.dma_semaphore, #tpu.memory_space<semaphore_mem>>) src(%arg10 : memref<80x128xf32, #tpu.memory_space<vmem>>) dst(%dma_wait3A_369 : memref<10112x128xf32, #tpu.memory_space<vmem_shared>>)
        %add3A_370 = arith.constant 4 : i32
        %add3A_371 = arith.addi %mul3A_295, %add3A_370 : i32
        %add3A_372 = arith.constant 0 : i32
        %add3A_373 = arith.addi %add3A_371, %add3A_372 : i32
        %dma_start3A_374 = arith.constant 0 : i32
        %dma_start3A_375 = tpu.memref_slice %arg8[%add3A_373, %dma_start3A_374] : memref<32x80xi32, #tpu.memory_space<vmem>> -> memref<1x80xi32, #tpu.memory_space<vmem>>
        %dma_start3A_376 = tpu.memref_squeeze %dma_start3A_375 : memref<1x80xi32, #tpu.memory_space<vmem>> -> memref<80xi32, #tpu.memory_space<vmem>>
        %dma_start3A_377 = arith.constant 0 : i32
        %dma_start3A_378 = arith.constant 0 : i32
        %dma_start3A_379 = tpu.memref_slice %arg2[%dma_start3A_377, %dma_start3A_378] : memref<20000x128xf32, #tpu.memory_space<hbm>> -> memref<20000x128xf32, #tpu.memory_space<hbm>>
        tpu.enqueue_indirect_dma source(%dma_start3A_379 : memref<20000x128xf32, #tpu.memory_space<hbm>>) target(%arg10 : memref<80x128xf32, #tpu.memory_space<vmem>>) offsets(%dma_start3A_376 : memref<80xi32, #tpu.memory_space<vmem>>) semaphore(%arg14 : memref<!tpu.dma_semaphore, #tpu.memory_space<semaphore_mem>>)
        %add3A_380 = arith.constant 1 : i32
        %add3A_381 = arith.addi %mul3A_295, %add3A_380 : i32
        %dma_wait3A_382 = arith.constant 0 : i32
        %dma_wait3A_383 = tpu.memref_slice %arg9[%add3A_381, %dma_wait3A_382] : memref<32x80xi32, #tpu.memory_space<vmem>> -> memref<1x80xi32, #tpu.memory_space<vmem>>
        %dma_wait3A_384 = tpu.memref_squeeze %dma_wait3A_383 : memref<1x80xi32, #tpu.memory_space<vmem>> -> memref<80xi32, #tpu.memory_space<vmem>>
        %dma_wait3A_385 = arith.constant 0 : i32
        %dma_wait3A_386 = arith.constant 0 : i32
        %dma_wait3A_387 = tpu.memref_slice %arg7[%dma_wait3A_385, %dma_wait3A_386] : memref<10112x128xf32, #tpu.memory_space<vmem_shared>> -> memref<10112x128xf32, #tpu.memory_space<vmem_shared>>
        tpu.wait_indirect_dma semaphore(%arg19 : memref<!tpu.dma_semaphore, #tpu.memory_space<semaphore_mem>>) src(%arg11 : memref<80x128xf32, #tpu.memory_space<vmem>>) dst(%dma_wait3A_387 : memref<10112x128xf32, #tpu.memory_space<vmem_shared>>)
        %add3A_388 = arith.constant 4 : i32
        %add3A_389 = arith.addi %mul3A_295, %add3A_388 : i32
        %add3A_390 = arith.constant 1 : i32
        %add3A_391 = arith.addi %add3A_389, %add3A_390 : i32
        %dma_start3A_392 = arith.constant 0 : i32
        %dma_start3A_393 = tpu.memref_slice %arg8[%add3A_391, %dma_start3A_392] : memref<32x80xi32, #tpu.memory_space<vmem>> -> memref<1x80xi32, #tpu.memory_space<vmem>>
        %dma_start3A_394 = tpu.memref_squeeze %dma_start3A_393 : memref<1x80xi32, #tpu.memory_space<vmem>> -> memref<80xi32, #tpu.memory_space<vmem>>
        %dma_start3A_395 = arith.constant 0 : i32
        %dma_start3A_396 = arith.constant 0 : i32
        %dma_start3A_397 = tpu.memref_slice %arg2[%dma_start3A_395, %dma_start3A_396] : memref<20000x128xf32, #tpu.memory_space<hbm>> -> memref<20000x128xf32, #tpu.memory_space<hbm>>
        tpu.enqueue_indirect_dma source(%dma_start3A_397 : memref<20000x128xf32, #tpu.memory_space<hbm>>) target(%arg11 : memref<80x128xf32, #tpu.memory_space<vmem>>) offsets(%dma_start3A_394 : memref<80xi32, #tpu.memory_space<vmem>>) semaphore(%arg15 : memref<!tpu.dma_semaphore, #tpu.memory_space<semaphore_mem>>)
        %add3A_398 = arith.constant 2 : i32
        %add3A_399 = arith.addi %mul3A_295, %add3A_398 : i32
        %dma_wait3A_400 = arith.constant 0 : i32
        %dma_wait3A_401 = tpu.memref_slice %arg9[%add3A_399, %dma_wait3A_400] : memref<32x80xi32, #tpu.memory_space<vmem>> -> memref<1x80xi32, #tpu.memory_space<vmem>>
        %dma_wait3A_402 = tpu.memref_squeeze %dma_wait3A_401 : memref<1x80xi32, #tpu.memory_space<vmem>> -> memref<80xi32, #tpu.memory_space<vmem>>
        %dma_wait3A_403 = arith.constant 0 : i32
        %dma_wait3A_404 = arith.constant 0 : i32
        %dma_wait3A_405 = tpu.memref_slice %arg7[%dma_wait3A_403, %dma_wait3A_404] : memref<10112x128xf32, #tpu.memory_space<vmem_shared>> -> memref<10112x128xf32, #tpu.memory_space<vmem_shared>>
        tpu.wait_indirect_dma semaphore(%arg20 : memref<!tpu.dma_semaphore, #tpu.memory_space<semaphore_mem>>) src(%arg12 : memref<80x128xf32, #tpu.memory_space<vmem>>) dst(%dma_wait3A_405 : memref<10112x128xf32, #tpu.memory_space<vmem_shared>>)
        %add3A_406 = arith.constant 4 : i32
        %add3A_407 = arith.addi %mul3A_295, %add3A_406 : i32
        %add3A_408 = arith.constant 2 : i32
        %add3A_409 = arith.addi %add3A_407, %add3A_408 : i32
        %dma_start3A_410 = arith.constant 0 : i32
        %dma_start3A_411 = tpu.memref_slice %arg8[%add3A_409, %dma_start3A_410] : memref<32x80xi32, #tpu.memory_space<vmem>> -> memref<1x80xi32, #tpu.memory_space<vmem>>
        %dma_start3A_412 = tpu.memref_squeeze %dma_start3A_411 : memref<1x80xi32, #tpu.memory_space<vmem>> -> memref<80xi32, #tpu.memory_space<vmem>>
        %dma_start3A_413 = arith.constant 0 : i32
        %dma_start3A_414 = arith.constant 0 : i32
        %dma_start3A_415 = tpu.memref_slice %arg2[%dma_start3A_413, %dma_start3A_414] : memref<20000x128xf32, #tpu.memory_space<hbm>> -> memref<20000x128xf32, #tpu.memory_space<hbm>>
        tpu.enqueue_indirect_dma source(%dma_start3A_415 : memref<20000x128xf32, #tpu.memory_space<hbm>>) target(%arg12 : memref<80x128xf32, #tpu.memory_space<vmem>>) offsets(%dma_start3A_412 : memref<80xi32, #tpu.memory_space<vmem>>) semaphore(%arg16 : memref<!tpu.dma_semaphore, #tpu.memory_space<semaphore_mem>>)
        %add3A_416 = arith.constant 3 : i32
        %add3A_417 = arith.addi %mul3A_295, %add3A_416 : i32
        %dma_wait3A_418 = arith.constant 0 : i32
        %dma_wait3A_419 = tpu.memref_slice %arg9[%add3A_417, %dma_wait3A_418] : memref<32x80xi32, #tpu.memory_space<vmem>> -> memref<1x80xi32, #tpu.memory_space<vmem>>
        %dma_wait3A_420 = tpu.memref_squeeze %dma_wait3A_419 : memref<1x80xi32, #tpu.memory_space<vmem>> -> memref<80xi32, #tpu.memory_space<vmem>>
        %dma_wait3A_421 = arith.constant 0 : i32
        %dma_wait3A_422 = arith.constant 0 : i32
        %dma_wait3A_423 = tpu.memref_slice %arg7[%dma_wait3A_421, %dma_wait3A_422] : memref<10112x128xf32, #tpu.memory_space<vmem_shared>> -> memref<10112x128xf32, #tpu.memory_space<vmem_shared>>
        tpu.wait_indirect_dma semaphore(%arg21 : memref<!tpu.dma_semaphore, #tpu.memory_space<semaphore_mem>>) src(%arg13 : memref<80x128xf32, #tpu.memory_space<vmem>>) dst(%dma_wait3A_423 : memref<10112x128xf32, #tpu.memory_space<vmem_shared>>)
        %add3A_424 = arith.constant 4 : i32
        %add3A_425 = arith.addi %mul3A_295, %add3A_424 : i32
        %add3A_426 = arith.constant 3 : i32
        %add3A_427 = arith.addi %add3A_425, %add3A_426 : i32
        %dma_start3A_428 = arith.constant 0 : i32
        %dma_start3A_429 = tpu.memref_slice %arg8[%add3A_427, %dma_start3A_428] : memref<32x80xi32, #tpu.memory_space<vmem>> -> memref<1x80xi32, #tpu.memory_space<vmem>>
        %dma_start3A_430 = tpu.memref_squeeze %dma_start3A_429 : memref<1x80xi32, #tpu.memory_space<vmem>> -> memref<80xi32, #tpu.memory_space<vmem>>
        %dma_start3A_431 = arith.constant 0 : i32
        %dma_start3A_432 = arith.constant 0 : i32
        %dma_start3A_433 = tpu.memref_slice %arg2[%dma_start3A_431, %dma_start3A_432] : memref<20000x128xf32, #tpu.memory_space<hbm>> -> memref<20000x128xf32, #tpu.memory_space<hbm>>
        tpu.enqueue_indirect_dma source(%dma_start3A_433 : memref<20000x128xf32, #tpu.memory_space<hbm>>) target(%arg13 : memref<80x128xf32, #tpu.memory_space<vmem>>) offsets(%dma_start3A_430 : memref<80xi32, #tpu.memory_space<vmem>>) semaphore(%arg17 : memref<!tpu.dma_semaphore, #tpu.memory_space<semaphore_mem>>)
      } else {
      }
    }
    %scan3A_260 = arith.constant 8 : i32
    %dma_wait3A_261 = arith.constant 28 : i32
    %dma_wait3A_262 = arith.constant 0 : i32
    %dma_wait3A_263 = tpu.memref_slice %arg9[%dma_wait3A_261, %dma_wait3A_262] : memref<32x80xi32, #tpu.memory_space<vmem>> -> memref<1x80xi32, #tpu.memory_space<vmem>>
    %dma_wait3A_264 = tpu.memref_squeeze %dma_wait3A_263 : memref<1x80xi32, #tpu.memory_space<vmem>> -> memref<80xi32, #tpu.memory_space<vmem>>
    %dma_wait3A_265 = arith.constant 0 : i32
    %dma_wait3A_266 = arith.constant 0 : i32
    %dma_wait3A_267 = tpu.memref_slice %arg7[%dma_wait3A_265, %dma_wait3A_266] : memref<10112x128xf32, #tpu.memory_space<vmem_shared>> -> memref<10112x128xf32, #tpu.memory_space<vmem_shared>>
    tpu.wait_indirect_dma semaphore(%arg18 : memref<!tpu.dma_semaphore, #tpu.memory_space<semaphore_mem>>) src(%arg10 : memref<80x128xf32, #tpu.memory_space<vmem>>) dst(%dma_wait3A_267 : memref<10112x128xf32, #tpu.memory_space<vmem_shared>>)
    %dma_wait3A_268 = arith.constant 29 : i32
    %dma_wait3A_269 = arith.constant 0 : i32
    %dma_wait3A_270 = tpu.memref_slice %arg9[%dma_wait3A_268, %dma_wait3A_269] : memref<32x80xi32, #tpu.memory_space<vmem>> -> memref<1x80xi32, #tpu.memory_space<vmem>>
    %dma_wait3A_271 = tpu.memref_squeeze %dma_wait3A_270 : memref<1x80xi32, #tpu.memory_space<vmem>> -> memref<80xi32, #tpu.memory_space<vmem>>
    %dma_wait3A_272 = arith.constant 0 : i32
    %dma_wait3A_273 = arith.constant 0 : i32
    %dma_wait3A_274 = tpu.memref_slice %arg7[%dma_wait3A_272, %dma_wait3A_273] : memref<10112x128xf32, #tpu.memory_space<vmem_shared>> -> memref<10112x128xf32, #tpu.memory_space<vmem_shared>>
    tpu.wait_indirect_dma semaphore(%arg19 : memref<!tpu.dma_semaphore, #tpu.memory_space<semaphore_mem>>) src(%arg11 : memref<80x128xf32, #tpu.memory_space<vmem>>) dst(%dma_wait3A_274 : memref<10112x128xf32, #tpu.memory_space<vmem_shared>>)
    %dma_wait3A_275 = arith.constant 30 : i32
    %dma_wait3A_276 = arith.constant 0 : i32
    %dma_wait3A_277 = tpu.memref_slice %arg9[%dma_wait3A_275, %dma_wait3A_276] : memref<32x80xi32, #tpu.memory_space<vmem>> -> memref<1x80xi32, #tpu.memory_space<vmem>>
    %dma_wait3A_278 = tpu.memref_squeeze %dma_wait3A_277 : memref<1x80xi32, #tpu.memory_space<vmem>> -> memref<80xi32, #tpu.memory_space<vmem>>
    %dma_wait3A_279 = arith.constant 0 : i32
    %dma_wait3A_280 = arith.constant 0 : i32
    %dma_wait3A_281 = tpu.memref_slice %arg7[%dma_wait3A_279, %dma_wait3A_280] : memref<10112x128xf32, #tpu.memory_space<vmem_shared>> -> memref<10112x128xf32, #tpu.memory_space<vmem_shared>>
    tpu.wait_indirect_dma semaphore(%arg20 : memref<!tpu.dma_semaphore, #tpu.memory_space<semaphore_mem>>) src(%arg12 : memref<80x128xf32, #tpu.memory_space<vmem>>) dst(%dma_wait3A_281 : memref<10112x128xf32, #tpu.memory_space<vmem_shared>>)
    %dma_wait3A_282 = arith.constant 31 : i32
    %dma_wait3A_283 = arith.constant 0 : i32
    %dma_wait3A_284 = tpu.memref_slice %arg9[%dma_wait3A_282, %dma_wait3A_283] : memref<32x80xi32, #tpu.memory_space<vmem>> -> memref<1x80xi32, #tpu.memory_space<vmem>>
    %dma_wait3A_285 = tpu.memref_squeeze %dma_wait3A_284 : memref<1x80xi32, #tpu.memory_space<vmem>> -> memref<80xi32, #tpu.memory_space<vmem>>
    %dma_wait3A_286 = arith.constant 0 : i32
    %dma_wait3A_287 = arith.constant 0 : i32
    %dma_wait3A_288 = tpu.memref_slice %arg7[%dma_wait3A_286, %dma_wait3A_287] : memref<10112x128xf32, #tpu.memory_space<vmem_shared>> -> memref<10112x128xf32, #tpu.memory_space<vmem_shared>>
    tpu.wait_indirect_dma semaphore(%arg21 : memref<!tpu.dma_semaphore, #tpu.memory_space<semaphore_mem>>) src(%arg13 : memref<80x128xf32, #tpu.memory_space<vmem>>) dst(%dma_wait3A_288 : memref<10112x128xf32, #tpu.memory_space<vmem_shared>>)
    %barrier3A_289 = arith.constant 0 : index
    tpu.barrier barrier_id(%barrier3A_289)
    %mul3A_290 = arith.constant 10112 : i32
    %mul3A_291 = arith.muli %arg0, %mul3A_290 : i32
    %add3A_292 = arith.addi %mul3A_291, %mul3A_0 : i32
    "tpu.region"() ({
      %run_scoped3A = tpu.sem_alloc : memref<!tpu.dma_semaphore, #tpu.memory_space<semaphore_mem>>
      %dma_start3A_293 = arith.constant 0 : i32
      %dma_start3A_294 = tpu.memref_slice %arg6[%add3A_292, %dma_start3A_293] : memref<20224x128xf32, #tpu.memory_space<hbm>> -> memref<632x128xf32, #tpu.memory_space<hbm>>
      %dma_start3A_295 = arith.constant 0 : i32
      %dma_start3A_296 = tpu.memref_slice %arg7[%mul3A_0, %dma_start3A_295] : memref<10112x128xf32, #tpu.memory_space<vmem_shared>> -> memref<632x128xf32, #tpu.memory_space<vmem_shared>>
      tpu.enqueue_dma source(%dma_start3A_296 : memref<632x128xf32, #tpu.memory_space<vmem_shared>>) target(%dma_start3A_294 : memref<632x128xf32, #tpu.memory_space<hbm>>) target_semaphore(%run_scoped3A : memref<!tpu.dma_semaphore, #tpu.memory_space<semaphore_mem>>)
      %dma_wait3A_297 = arith.constant 0 : i32
      %dma_wait3A_298 = tpu.memref_slice %arg6[%add3A_292, %dma_wait3A_297] : memref<20224x128xf32, #tpu.memory_space<hbm>> -> memref<632x128xf32, #tpu.memory_space<hbm>>
      %dma_wait3A_299 = arith.constant 0 : i32
      %dma_wait3A_300 = tpu.memref_slice %arg7[%mul3A_0, %dma_wait3A_299] : memref<10112x128xf32, #tpu.memory_space<vmem_shared>> -> memref<632x128xf32, #tpu.memory_space<vmem_shared>>
      tpu.wait_dma2 semaphore(%run_scoped3A : memref<!tpu.dma_semaphore, #tpu.memory_space<semaphore_mem>>) src(%dma_wait3A_300 : memref<632x128xf32, #tpu.memory_space<vmem_shared>>) dst(%dma_wait3A_298 : memref<632x128xf32, #tpu.memory_space<hbm>>)
      tpu.yield
    }) : () -> ()
    return
  }
}

#map = affine_map<(d0, d1) -> (0, 0)>
module attributes {stable_mosaic.version = 14 : i64} {
  func.func @_deg_kernel(%arg0: i32, %arg1: i32, %arg2: memref<1280x128xi32, #tpu.memory_space<hbm>>, %arg3: memref<632x128xf32, #tpu.memory_space<hbm>>, %arg4: memref<128x128xf32, #tpu.memory_space<hbm>>, %arg5: memref<20224x128xf32, #tpu.memory_space<hbm>>, %arg6: memref<10112x128xf32, #tpu.memory_space<vmem_shared>>, %arg7: memref<40x128xi32, #tpu.memory_space<vmem>>, %arg8: memref<128x128xf32, #tpu.memory_space<vmem>>) attributes {dimension_semantics = [#tpu.dimension_semantics<core_parallel>, #tpu.dimension_semantics<subcore_parallel>], iteration_bounds = array<i64: 2, 16>, scalar_prefetch = 0 : i64, scratch_operands = 3 : i64, tpu.core_type = #tpu.core_type<sc_vector_subcore>, window_params = [{transform_indices = #map}, {transform_indices = #map}, {transform_indices = #map}, {transform_indices = #map}]} {
    %mul3A = arith.constant 632 : i32
    %mul3A_0 = arith.muli %arg1, %mul3A : i32
    "tpu.region"() ({
      %run_scoped3A = tpu.sem_alloc : memref<!tpu.dma_semaphore, #tpu.memory_space<semaphore_mem>>
      %dma_start3A = arith.constant 0 : i32
      %dma_start3A_14 = tpu.memref_slice %arg6[%mul3A_0, %dma_start3A] : memref<10112x128xf32, #tpu.memory_space<vmem_shared>> -> memref<632x128xf32, #tpu.memory_space<vmem_shared>>
      tpu.enqueue_dma source(%arg3 : memref<632x128xf32, #tpu.memory_space<hbm>>) target(%dma_start3A_14 : memref<632x128xf32, #tpu.memory_space<vmem_shared>>) target_semaphore(%run_scoped3A : memref<!tpu.dma_semaphore, #tpu.memory_space<semaphore_mem>>)
      %dma_wait3A = arith.constant 0 : i32
      %dma_wait3A_15 = tpu.memref_slice %arg6[%mul3A_0, %dma_wait3A] : memref<10112x128xf32, #tpu.memory_space<vmem_shared>> -> memref<632x128xf32, #tpu.memory_space<vmem_shared>>
      tpu.wait_dma2 semaphore(%run_scoped3A : memref<!tpu.dma_semaphore, #tpu.memory_space<semaphore_mem>>) src(%arg3 : memref<632x128xf32, #tpu.memory_space<hbm>>) dst(%dma_wait3A_15 : memref<632x128xf32, #tpu.memory_space<vmem_shared>>)
      tpu.yield
    }) : () -> ()
    %mul3A_1 = arith.constant 16 : i32
    %mul3A_2 = arith.muli %arg0, %mul3A_1 : i32
    %add3A = arith.addi %mul3A_2, %arg1 : i32
    %mul3A_3 = arith.constant 40 : i32
    %mul3A_4 = arith.muli %add3A, %mul3A_3 : i32
    "tpu.region"() ({
      %run_scoped3A = tpu.sem_alloc : memref<!tpu.dma_semaphore, #tpu.memory_space<semaphore_mem>>
      %dma_start3A = arith.constant 0 : i32
      %dma_start3A_14 = tpu.memref_slice %arg2[%mul3A_4, %dma_start3A] : memref<1280x128xi32, #tpu.memory_space<hbm>> -> memref<40x128xi32, #tpu.memory_space<hbm>>
      %dma_start3A_15 = arith.constant 0 : i32
      %dma_start3A_16 = tpu.memref_slice %arg2[%mul3A_4, %dma_start3A_15] : memref<1280x128xi32, #tpu.memory_space<hbm>> -> memref<40x128xi32, #tpu.memory_space<hbm>>
      tpu.enqueue_dma source(%dma_start3A_16 : memref<40x128xi32, #tpu.memory_space<hbm>>) target(%arg7 : memref<40x128xi32, #tpu.memory_space<vmem>>) target_semaphore(%run_scoped3A : memref<!tpu.dma_semaphore, #tpu.memory_space<semaphore_mem>>)
      %dma_wait3A = arith.constant 0 : i32
      %dma_wait3A_17 = tpu.memref_slice %arg2[%mul3A_4, %dma_wait3A] : memref<1280x128xi32, #tpu.memory_space<hbm>> -> memref<40x128xi32, #tpu.memory_space<hbm>>
      %dma_wait3A_18 = arith.constant 0 : i32
      %dma_wait3A_19 = tpu.memref_slice %arg2[%mul3A_4, %dma_wait3A_18] : memref<1280x128xi32, #tpu.memory_space<hbm>> -> memref<40x128xi32, #tpu.memory_space<hbm>>
      tpu.wait_dma2 semaphore(%run_scoped3A : memref<!tpu.dma_semaphore, #tpu.memory_space<semaphore_mem>>) src(%dma_wait3A_19 : memref<40x128xi32, #tpu.memory_space<hbm>>) dst(%arg7 : memref<40x128xi32, #tpu.memory_space<vmem>>)
      tpu.yield
    }) : () -> ()
    "tpu.region"() ({
      %run_scoped3A = tpu.sem_alloc : memref<!tpu.dma_semaphore, #tpu.memory_space<semaphore_mem>>
      tpu.enqueue_dma source(%arg4 : memref<128x128xf32, #tpu.memory_space<hbm>>) target(%arg8 : memref<128x128xf32, #tpu.memory_space<vmem>>) target_semaphore(%run_scoped3A : memref<!tpu.dma_semaphore, #tpu.memory_space<semaphore_mem>>)
      tpu.wait_dma2 semaphore(%run_scoped3A : memref<!tpu.dma_semaphore, #tpu.memory_space<semaphore_mem>>) src(%arg4 : memref<128x128xf32, #tpu.memory_space<hbm>>) dst(%arg8 : memref<128x128xf32, #tpu.memory_space<vmem>>)
      tpu.yield
    }) : () -> ()
    %barrier3A = arith.constant 0 : index
    tpu.barrier barrier_id(%barrier3A)
    %scan3A = arith.constant 0 : i32
    %scan3A_5 = arith.constant 0 : i32
    %scan3A_6 = arith.constant 40 : i32
    %scan3A_7 = arith.addi %scan3A_5, %scan3A_6 : i32
    %scan3A_8 = arith.constant 1 : i32
    scf.for %scan3A_14 = %scan3A_5 to %scan3A_7 step %scan3A_8  : i32 {
      "tpu.region"() ({
        %run_scoped3A = tpu.sem_alloc : memref<!tpu.dma_semaphore, #tpu.memory_space<semaphore_mem>>
        %dma_start3A = arith.constant 0 : i32
        %dma_start3A_15 = tpu.memref_slice %arg7[%scan3A_14, %dma_start3A] : memref<40x128xi32, #tpu.memory_space<vmem>> -> memref<1x128xi32, #tpu.memory_space<vmem>>
        %dma_start3A_16 = tpu.memref_squeeze %dma_start3A_15 : memref<1x128xi32, #tpu.memory_space<vmem>> -> memref<128xi32, #tpu.memory_space<vmem>>
        %dma_start3A_17 = arith.constant 0 : i32
        %dma_start3A_18 = arith.constant 0 : i32
        %dma_start3A_19 = tpu.memref_slice %arg6[%dma_start3A_17, %dma_start3A_18] : memref<10112x128xf32, #tpu.memory_space<vmem_shared>> -> memref<10112x128xf32, #tpu.memory_space<vmem_shared>>
        tpu.enqueue_indirect_dma source(%arg8 : memref<128x128xf32, #tpu.memory_space<vmem>>) target(%dma_start3A_19 : memref<10112x128xf32, #tpu.memory_space<vmem_shared>>) offsets(%dma_start3A_16 : memref<128xi32, #tpu.memory_space<vmem>>) semaphore(%run_scoped3A : memref<!tpu.dma_semaphore, #tpu.memory_space<semaphore_mem>>) {add = true}
        %dma_wait3A = arith.constant 0 : i32
        %dma_wait3A_20 = tpu.memref_slice %arg7[%scan3A_14, %dma_wait3A] : memref<40x128xi32, #tpu.memory_space<vmem>> -> memref<1x128xi32, #tpu.memory_space<vmem>>
        %dma_wait3A_21 = tpu.memref_squeeze %dma_wait3A_20 : memref<1x128xi32, #tpu.memory_space<vmem>> -> memref<128xi32, #tpu.memory_space<vmem>>
        %dma_wait3A_22 = arith.constant 0 : i32
        %dma_wait3A_23 = arith.constant 0 : i32
        %dma_wait3A_24 = tpu.memref_slice %arg6[%dma_wait3A_22, %dma_wait3A_23] : memref<10112x128xf32, #tpu.memory_space<vmem_shared>> -> memref<10112x128xf32, #tpu.memory_space<vmem_shared>>
        tpu.wait_indirect_dma semaphore(%run_scoped3A : memref<!tpu.dma_semaphore, #tpu.memory_space<semaphore_mem>>) src(%arg8 : memref<128x128xf32, #tpu.memory_space<vmem>>) dst(%dma_wait3A_24 : memref<10112x128xf32, #tpu.memory_space<vmem_shared>>)
        tpu.yield
      }) : () -> ()
    }
    %scan3A_9 = arith.constant 40 : i32
    %barrier3A_10 = arith.constant 0 : index
    tpu.barrier barrier_id(%barrier3A_10)
    %mul3A_11 = arith.constant 10112 : i32
    %mul3A_12 = arith.muli %arg0, %mul3A_11 : i32
    %add3A_13 = arith.addi %mul3A_12, %mul3A_0 : i32
    "tpu.region"() ({
      %run_scoped3A = tpu.sem_alloc : memref<!tpu.dma_semaphore, #tpu.memory_space<semaphore_mem>>
      %dma_start3A = arith.constant 0 : i32
      %dma_start3A_14 = tpu.memref_slice %arg5[%add3A_13, %dma_start3A] : memref<20224x128xf32, #tpu.memory_space<hbm>> -> memref<632x128xf32, #tpu.memory_space<hbm>>
      %dma_start3A_15 = arith.constant 0 : i32
      %dma_start3A_16 = tpu.memref_slice %arg6[%mul3A_0, %dma_start3A_15] : memref<10112x128xf32, #tpu.memory_space<vmem_shared>> -> memref<632x128xf32, #tpu.memory_space<vmem_shared>>
      tpu.enqueue_dma source(%dma_start3A_16 : memref<632x128xf32, #tpu.memory_space<vmem_shared>>) target(%dma_start3A_14 : memref<632x128xf32, #tpu.memory_space<hbm>>) target_semaphore(%run_scoped3A : memref<!tpu.dma_semaphore, #tpu.memory_space<semaphore_mem>>)
      %dma_wait3A = arith.constant 0 : i32
      %dma_wait3A_17 = tpu.memref_slice %arg5[%add3A_13, %dma_wait3A] : memref<20224x128xf32, #tpu.memory_space<hbm>> -> memref<632x128xf32, #tpu.memory_space<hbm>>
      %dma_wait3A_18 = arith.constant 0 : i32
      %dma_wait3A_19 = tpu.memref_slice %arg6[%mul3A_0, %dma_wait3A_18] : memref<10112x128xf32, #tpu.memory_space<vmem_shared>> -> memref<632x128xf32, #tpu.memory_space<vmem_shared>>
      tpu.wait_dma2 semaphore(%run_scoped3A : memref<!tpu.dma_semaphore, #tpu.memory_space<semaphore_mem>>) src(%dma_wait3A_19 : memref<632x128xf32, #tpu.memory_space<vmem_shared>>) dst(%dma_wait3A_17 : memref<632x128xf32, #tpu.memory_space<hbm>>)
      tpu.yield
    }) : () -> ()
    return
  }
}

#map = affine_map<(d0, d1) -> (0, 0)>
module attributes {stable_mosaic.version = 14 : i64} {
  func.func @_agg_kernel(%arg0: i32, %arg1: i32, %arg2: memref<20000x128xf32, #tpu.memory_space<hbm>>, %arg3: memref<4096x80xi32, #tpu.memory_space<hbm>>, %arg4: memref<2048x80xi32, #tpu.memory_space<hbm>>, %arg5: memref<632x128xf32, #tpu.memory_space<hbm>>, %arg6: memref<20224x128xf32, #tpu.memory_space<hbm>>, %arg7: memref<10112x128xf32, #tpu.memory_space<vmem_shared>>, %arg8: memref<32x80xi32, #tpu.memory_space<vmem>>, %arg9: memref<32x80xi32, #tpu.memory_space<vmem>>, %arg10: memref<80x128xf32, #tpu.memory_space<vmem>>, %arg11: memref<80x128xf32, #tpu.memory_space<vmem>>, %arg12: memref<80x128xf32, #tpu.memory_space<vmem>>, %arg13: memref<80x128xf32, #tpu.memory_space<vmem>>, %arg14: memref<!tpu.dma_semaphore, #tpu.memory_space<semaphore_mem>>, %arg15: memref<!tpu.dma_semaphore, #tpu.memory_space<semaphore_mem>>, %arg16: memref<!tpu.dma_semaphore, #tpu.memory_space<semaphore_mem>>, %arg17: memref<!tpu.dma_semaphore, #tpu.memory_space<semaphore_mem>>, %arg18: memref<!tpu.dma_semaphore, #tpu.memory_space<semaphore_mem>>, %arg19: memref<!tpu.dma_semaphore, #tpu.memory_space<semaphore_mem>>, %arg20: memref<!tpu.dma_semaphore, #tpu.memory_space<semaphore_mem>>, %arg21: memref<!tpu.dma_semaphore, #tpu.memory_space<semaphore_mem>>) attributes {dimension_semantics = [#tpu.dimension_semantics<core_parallel>, #tpu.dimension_semantics<subcore_parallel>], iteration_bounds = array<i64: 2, 16>, scalar_prefetch = 0 : i64, scratch_operands = 15 : i64, tpu.core_type = #tpu.core_type<sc_vector_subcore>, window_params = [{transform_indices = #map}, {transform_indices = #map}, {transform_indices = #map}, {transform_indices = #map}, {transform_indices = #map}]} {
    %mul3A = arith.constant 632 : i32
    %mul3A_0 = arith.muli %arg1, %mul3A : i32
    "tpu.region"() ({
      %run_scoped3A = tpu.sem_alloc : memref<!tpu.dma_semaphore, #tpu.memory_space<semaphore_mem>>
      %dma_start3A_293 = arith.constant 0 : i32
      %dma_start3A_294 = tpu.memref_slice %arg7[%mul3A_0, %dma_start3A_293] : memref<10112x128xf32, #tpu.memory_space<vmem_shared>> -> memref<632x128xf32, #tpu.memory_space<vmem_shared>>
      tpu.enqueue_dma source(%arg5 : memref<632x128xf32, #tpu.memory_space<hbm>>) target(%dma_start3A_294 : memref<632x128xf32, #tpu.memory_space<vmem_shared>>) target_semaphore(%run_scoped3A : memref<!tpu.dma_semaphore, #tpu.memory_space<semaphore_mem>>)
      %dma_wait3A_295 = arith.constant 0 : i32
      %dma_wait3A_296 = tpu.memref_slice %arg7[%mul3A_0, %dma_wait3A_295] : memref<10112x128xf32, #tpu.memory_space<vmem_shared>> -> memref<632x128xf32, #tpu.memory_space<vmem_shared>>
      tpu.wait_dma2 semaphore(%run_scoped3A : memref<!tpu.dma_semaphore, #tpu.memory_space<semaphore_mem>>) src(%arg5 : memref<632x128xf32, #tpu.memory_space<hbm>>) dst(%dma_wait3A_296 : memref<632x128xf32, #tpu.memory_space<vmem_shared>>)
      tpu.yield
    }) : () -> ()
    %barrier3A = arith.constant 0 : index
    tpu.barrier barrier_id(%barrier3A)
    %mul3A_1 = arith.constant 2048 : i32
    %mul3A_2 = arith.muli %arg0, %mul3A_1 : i32
    %mul3A_3 = arith.constant 128 : i32
    %mul3A_4 = arith.muli %arg1, %mul3A_3 : i32
    %add3A = arith.addi %mul3A_2, %mul3A_4 : i32
    %add3A_5 = arith.constant 0 : i32
    %add3A_6 = arith.addi %add3A, %add3A_5 : i32
    "tpu.region"() ({
      %run_scoped3A = tpu.sem_alloc : memref<!tpu.dma_semaphore, #tpu.memory_space<semaphore_mem>>
      %dma_start3A_293 = arith.constant 0 : i32
      %dma_start3A_294 = tpu.memref_slice %arg3[%add3A_6, %dma_start3A_293] : memref<4096x80xi32, #tpu.memory_space<hbm>> -> memref<32x80xi32, #tpu.memory_space<hbm>>
      %dma_start3A_295 = arith.constant 0 : i32
      %dma_start3A_296 = tpu.memref_slice %arg3[%add3A_6, %dma_start3A_295] : memref<4096x80xi32, #tpu.memory_space<hbm>> -> memref<32x80xi32, #tpu.memory_space<hbm>>
      tpu.enqueue_dma source(%dma_start3A_296 : memref<32x80xi32, #tpu.memory_space<hbm>>) target(%arg8 : memref<32x80xi32, #tpu.memory_space<vmem>>) target_semaphore(%run_scoped3A : memref<!tpu.dma_semaphore, #tpu.memory_space<semaphore_mem>>)
      %dma_wait3A_297 = arith.constant 0 : i32
      %dma_wait3A_298 = tpu.memref_slice %arg3[%add3A_6, %dma_wait3A_297] : memref<4096x80xi32, #tpu.memory_space<hbm>> -> memref<32x80xi32, #tpu.memory_space<hbm>>
      %dma_wait3A_299 = arith.constant 0 : i32
      %dma_wait3A_300 = tpu.memref_slice %arg3[%add3A_6, %dma_wait3A_299] : memref<4096x80xi32, #tpu.memory_space<hbm>> -> memref<32x80xi32, #tpu.memory_space<hbm>>
      tpu.wait_dma2 semaphore(%run_scoped3A : memref<!tpu.dma_semaphore, #tpu.memory_space<semaphore_mem>>) src(%dma_wait3A_300 : memref<32x80xi32, #tpu.memory_space<hbm>>) dst(%arg8 : memref<32x80xi32, #tpu.memory_space<vmem>>)
      tpu.yield
    }) : () -> ()
    %mul3A_7 = arith.constant 128 : i32
    %mul3A_8 = arith.muli %arg1, %mul3A_7 : i32
    %add3A_9 = arith.constant 0 : i32
    %add3A_10 = arith.addi %mul3A_8, %add3A_9 : i32
    "tpu.region"() ({
      %run_scoped3A = tpu.sem_alloc : memref<!tpu.dma_semaphore, #tpu.memory_space<semaphore_mem>>
      %dma_start3A_293 = arith.constant 0 : i32
      %dma_start3A_294 = tpu.memref_slice %arg4[%add3A_10, %dma_start3A_293] : memref<2048x80xi32, #tpu.memory_space<hbm>> -> memref<32x80xi32, #tpu.memory_space<hbm>>
      %dma_start3A_295 = arith.constant 0 : i32
      %dma_start3A_296 = tpu.memref_slice %arg4[%add3A_10, %dma_start3A_295] : memref<2048x80xi32, #tpu.memory_space<hbm>> -> memref<32x80xi32, #tpu.memory_space<hbm>>
      tpu.enqueue_dma source(%dma_start3A_296 : memref<32x80xi32, #tpu.memory_space<hbm>>) target(%arg9 : memref<32x80xi32, #tpu.memory_space<vmem>>) target_semaphore(%run_scoped3A : memref<!tpu.dma_semaphore, #tpu.memory_space<semaphore_mem>>)
      %dma_wait3A_297 = arith.constant 0 : i32
      %dma_wait3A_298 = tpu.memref_slice %arg4[%add3A_10, %dma_wait3A_297] : memref<2048x80xi32, #tpu.memory_space<hbm>> -> memref<32x80xi32, #tpu.memory_space<hbm>>
      %dma_wait3A_299 = arith.constant 0 : i32
      %dma_wait3A_300 = tpu.memref_slice %arg4[%add3A_10, %dma_wait3A_299] : memref<2048x80xi32, #tpu.memory_space<hbm>> -> memref<32x80xi32, #tpu.memory_space<hbm>>
      tpu.wait_dma2 semaphore(%run_scoped3A : memref<!tpu.dma_semaphore, #tpu.memory_space<semaphore_mem>>) src(%dma_wait3A_300 : memref<32x80xi32, #tpu.memory_space<hbm>>) dst(%arg9 : memref<32x80xi32, #tpu.memory_space<vmem>>)
      tpu.yield
    }) : () -> ()
    %dma_start3A = arith.constant 0 : i32
    %dma_start3A_11 = arith.constant 0 : i32
    %dma_start3A_12 = tpu.memref_slice %arg8[%dma_start3A, %dma_start3A_11] : memref<32x80xi32, #tpu.memory_space<vmem>> -> memref<1x80xi32, #tpu.memory_space<vmem>>
    %dma_start3A_13 = tpu.memref_squeeze %dma_start3A_12 : memref<1x80xi32, #tpu.memory_space<vmem>> -> memref<80xi32, #tpu.memory_space<vmem>>
    %dma_start3A_14 = arith.constant 0 : i32
    %dma_start3A_15 = arith.constant 0 : i32
    %dma_start3A_16 = tpu.memref_slice %arg2[%dma_start3A_14, %dma_start3A_15] : memref<20000x128xf32, #tpu.memory_space<hbm>> -> memref<20000x128xf32, #tpu.memory_space<hbm>>
    tpu.enqueue_indirect_dma source(%dma_start3A_16 : memref<20000x128xf32, #tpu.memory_space<hbm>>) target(%arg10 : memref<80x128xf32, #tpu.memory_space<vmem>>) offsets(%dma_start3A_13 : memref<80xi32, #tpu.memory_space<vmem>>) semaphore(%arg14 : memref<!tpu.dma_semaphore, #tpu.memory_space<semaphore_mem>>)
    %dma_start3A_17 = arith.constant 1 : i32
    %dma_start3A_18 = arith.constant 0 : i32
    %dma_start3A_19 = tpu.memref_slice %arg8[%dma_start3A_17, %dma_start3A_18] : memref<32x80xi32, #tpu.memory_space<vmem>> -> memref<1x80xi32, #tpu.memory_space<vmem>>
    %dma_start3A_20 = tpu.memref_squeeze %dma_start3A_19 : memref<1x80xi32, #tpu.memory_space<vmem>> -> memref<80xi32, #tpu.memory_space<vmem>>
    %dma_start3A_21 = arith.constant 0 : i32
    %dma_start3A_22 = arith.constant 0 : i32
    %dma_start3A_23 = tpu.memref_slice %arg2[%dma_start3A_21, %dma_start3A_22] : memref<20000x128xf32, #tpu.memory_space<hbm>> -> memref<20000x128xf32, #tpu.memory_space<hbm>>
    tpu.enqueue_indirect_dma source(%dma_start3A_23 : memref<20000x128xf32, #tpu.memory_space<hbm>>) target(%arg11 : memref<80x128xf32, #tpu.memory_space<vmem>>) offsets(%dma_start3A_20 : memref<80xi32, #tpu.memory_space<vmem>>) semaphore(%arg15 : memref<!tpu.dma_semaphore, #tpu.memory_space<semaphore_mem>>)
    %dma_start3A_24 = arith.constant 2 : i32
    %dma_start3A_25 = arith.constant 0 : i32
    %dma_start3A_26 = tpu.memref_slice %arg8[%dma_start3A_24, %dma_start3A_25] : memref<32x80xi32, #tpu.memory_space<vmem>> -> memref<1x80xi32, #tpu.memory_space<vmem>>
    %dma_start3A_27 = tpu.memref_squeeze %dma_start3A_26 : memref<1x80xi32, #tpu.memory_space<vmem>> -> memref<80xi32, #tpu.memory_space<vmem>>
    %dma_start3A_28 = arith.constant 0 : i32
    %dma_start3A_29 = arith.constant 0 : i32
    %dma_start3A_30 = tpu.memref_slice %arg2[%dma_start3A_28, %dma_start3A_29] : memref<20000x128xf32, #tpu.memory_space<hbm>> -> memref<20000x128xf32, #tpu.memory_space<hbm>>
    tpu.enqueue_indirect_dma source(%dma_start3A_30 : memref<20000x128xf32, #tpu.memory_space<hbm>>) target(%arg12 : memref<80x128xf32, #tpu.memory_space<vmem>>) offsets(%dma_start3A_27 : memref<80xi32, #tpu.memory_space<vmem>>) semaphore(%arg16 : memref<!tpu.dma_semaphore, #tpu.memory_space<semaphore_mem>>)
    %dma_start3A_31 = arith.constant 3 : i32
    %dma_start3A_32 = arith.constant 0 : i32
    %dma_start3A_33 = tpu.memref_slice %arg8[%dma_start3A_31, %dma_start3A_32] : memref<32x80xi32, #tpu.memory_space<vmem>> -> memref<1x80xi32, #tpu.memory_space<vmem>>
    %dma_start3A_34 = tpu.memref_squeeze %dma_start3A_33 : memref<1x80xi32, #tpu.memory_space<vmem>> -> memref<80xi32, #tpu.memory_space<vmem>>
    %dma_start3A_35 = arith.constant 0 : i32
    %dma_start3A_36 = arith.constant 0 : i32
    %dma_start3A_37 = tpu.memref_slice %arg2[%dma_start3A_35, %dma_start3A_36] : memref<20000x128xf32, #tpu.memory_space<hbm>> -> memref<20000x128xf32, #tpu.memory_space<hbm>>
    tpu.enqueue_indirect_dma source(%dma_start3A_37 : memref<20000x128xf32, #tpu.memory_space<hbm>>) target(%arg13 : memref<80x128xf32, #tpu.memory_space<vmem>>) offsets(%dma_start3A_34 : memref<80xi32, #tpu.memory_space<vmem>>) semaphore(%arg17 : memref<!tpu.dma_semaphore, #tpu.memory_space<semaphore_mem>>)
    %scan3A = arith.constant 0 : i32
    %scan3A_38 = arith.constant 0 : i32
    %scan3A_39 = arith.constant 8 : i32
    %scan3A_40 = arith.addi %scan3A_38, %scan3A_39 : i32
    %scan3A_41 = arith.constant 1 : i32
    scf.for %scan3A_293 = %scan3A_38 to %scan3A_40 step %scan3A_41  : i32 {
      %mul3A_294 = arith.constant 4 : i32
      %mul3A_295 = arith.muli %mul3A_294, %scan3A_293 : i32
      %add3A_296 = arith.constant 0 : i32
      %add3A_297 = arith.addi %mul3A_295, %add3A_296 : i32
      %dma_wait3A_298 = arith.constant 0 : i32
      %dma_wait3A_299 = tpu.memref_slice %arg8[%add3A_297, %dma_wait3A_298] : memref<32x80xi32, #tpu.memory_space<vmem>> -> memref<1x80xi32, #tpu.memory_space<vmem>>
      %dma_wait3A_300 = tpu.memref_squeeze %dma_wait3A_299 : memref<1x80xi32, #tpu.memory_space<vmem>> -> memref<80xi32, #tpu.memory_space<vmem>>
      %dma_wait3A_301 = arith.constant 0 : i32
      %dma_wait3A_302 = arith.constant 0 : i32
      %dma_wait3A_303 = tpu.memref_slice %arg2[%dma_wait3A_301, %dma_wait3A_302] : memref<20000x128xf32, #tpu.memory_space<hbm>> -> memref<20000x128xf32, #tpu.memory_space<hbm>>
      tpu.wait_indirect_dma semaphore(%arg14 : memref<!tpu.dma_semaphore, #tpu.memory_space<semaphore_mem>>) src(%dma_wait3A_303 : memref<20000x128xf32, #tpu.memory_space<hbm>>) dst(%arg10 : memref<80x128xf32, #tpu.memory_space<vmem>>)
      %add3A_304 = arith.constant 0 : i32
      %add3A_305 = arith.addi %mul3A_295, %add3A_304 : i32
      %dma_start3A_306 = arith.constant 0 : i32
      %dma_start3A_307 = tpu.memref_slice %arg9[%add3A_305, %dma_start3A_306] : memref<32x80xi32, #tpu.memory_space<vmem>> -> memref<1x80xi32, #tpu.memory_space<vmem>>
      %dma_start3A_308 = tpu.memref_squeeze %dma_start3A_307 : memref<1x80xi32, #tpu.memory_space<vmem>> -> memref<80xi32, #tpu.memory_space<vmem>>
      %dma_start3A_309 = arith.constant 0 : i32
      %dma_start3A_310 = arith.constant 0 : i32
      %dma_start3A_311 = tpu.memref_slice %arg7[%dma_start3A_309, %dma_start3A_310] : memref<10112x128xf32, #tpu.memory_space<vmem_shared>> -> memref<10112x128xf32, #tpu.memory_space<vmem_shared>>
      tpu.enqueue_indirect_dma source(%arg10 : memref<80x128xf32, #tpu.memory_space<vmem>>) target(%dma_start3A_311 : memref<10112x128xf32, #tpu.memory_space<vmem_shared>>) offsets(%dma_start3A_308 : memref<80xi32, #tpu.memory_space<vmem>>) semaphore(%arg18 : memref<!tpu.dma_semaphore, #tpu.memory_space<semaphore_mem>>) {add = true}
      %add3A_312 = arith.constant 1 : i32
      %add3A_313 = arith.addi %mul3A_295, %add3A_312 : i32
      %dma_wait3A_314 = arith.constant 0 : i32
      %dma_wait3A_315 = tpu.memref_slice %arg8[%add3A_313, %dma_wait3A_314] : memref<32x80xi32, #tpu.memory_space<vmem>> -> memref<1x80xi32, #tpu.memory_space<vmem>>
      %dma_wait3A_316 = tpu.memref_squeeze %dma_wait3A_315 : memref<1x80xi32, #tpu.memory_space<vmem>> -> memref<80xi32, #tpu.memory_space<vmem>>
      %dma_wait3A_317 = arith.constant 0 : i32
      %dma_wait3A_318 = arith.constant 0 : i32
      %dma_wait3A_319 = tpu.memref_slice %arg2[%dma_wait3A_317, %dma_wait3A_318] : memref<20000x128xf32, #tpu.memory_space<hbm>> -> memref<20000x128xf32, #tpu.memory_space<hbm>>
      tpu.wait_indirect_dma semaphore(%arg15 : memref<!tpu.dma_semaphore, #tpu.memory_space<semaphore_mem>>) src(%dma_wait3A_319 : memref<20000x128xf32, #tpu.memory_space<hbm>>) dst(%arg11 : memref<80x128xf32, #tpu.memory_space<vmem>>)
      %add3A_320 = arith.constant 1 : i32
      %add3A_321 = arith.addi %mul3A_295, %add3A_320 : i32
      %dma_start3A_322 = arith.constant 0 : i32
      %dma_start3A_323 = tpu.memref_slice %arg9[%add3A_321, %dma_start3A_322] : memref<32x80xi32, #tpu.memory_space<vmem>> -> memref<1x80xi32, #tpu.memory_space<vmem>>
      %dma_start3A_324 = tpu.memref_squeeze %dma_start3A_323 : memref<1x80xi32, #tpu.memory_space<vmem>> -> memref<80xi32, #tpu.memory_space<vmem>>
      %dma_start3A_325 = arith.constant 0 : i32
      %dma_start3A_326 = arith.constant 0 : i32
      %dma_start3A_327 = tpu.memref_slice %arg7[%dma_start3A_325, %dma_start3A_326] : memref<10112x128xf32, #tpu.memory_space<vmem_shared>> -> memref<10112x128xf32, #tpu.memory_space<vmem_shared>>
      tpu.enqueue_indirect_dma source(%arg11 : memref<80x128xf32, #tpu.memory_space<vmem>>) target(%dma_start3A_327 : memref<10112x128xf32, #tpu.memory_space<vmem_shared>>) offsets(%dma_start3A_324 : memref<80xi32, #tpu.memory_space<vmem>>) semaphore(%arg19 : memref<!tpu.dma_semaphore, #tpu.memory_space<semaphore_mem>>) {add = true}
      %add3A_328 = arith.constant 2 : i32
      %add3A_329 = arith.addi %mul3A_295, %add3A_328 : i32
      %dma_wait3A_330 = arith.constant 0 : i32
      %dma_wait3A_331 = tpu.memref_slice %arg8[%add3A_329, %dma_wait3A_330] : memref<32x80xi32, #tpu.memory_space<vmem>> -> memref<1x80xi32, #tpu.memory_space<vmem>>
      %dma_wait3A_332 = tpu.memref_squeeze %dma_wait3A_331 : memref<1x80xi32, #tpu.memory_space<vmem>> -> memref<80xi32, #tpu.memory_space<vmem>>
      %dma_wait3A_333 = arith.constant 0 : i32
      %dma_wait3A_334 = arith.constant 0 : i32
      %dma_wait3A_335 = tpu.memref_slice %arg2[%dma_wait3A_333, %dma_wait3A_334] : memref<20000x128xf32, #tpu.memory_space<hbm>> -> memref<20000x128xf32, #tpu.memory_space<hbm>>
      tpu.wait_indirect_dma semaphore(%arg16 : memref<!tpu.dma_semaphore, #tpu.memory_space<semaphore_mem>>) src(%dma_wait3A_335 : memref<20000x128xf32, #tpu.memory_space<hbm>>) dst(%arg12 : memref<80x128xf32, #tpu.memory_space<vmem>>)
      %add3A_336 = arith.constant 2 : i32
      %add3A_337 = arith.addi %mul3A_295, %add3A_336 : i32
      %dma_start3A_338 = arith.constant 0 : i32
      %dma_start3A_339 = tpu.memref_slice %arg9[%add3A_337, %dma_start3A_338] : memref<32x80xi32, #tpu.memory_space<vmem>> -> memref<1x80xi32, #tpu.memory_space<vmem>>
      %dma_start3A_340 = tpu.memref_squeeze %dma_start3A_339 : memref<1x80xi32, #tpu.memory_space<vmem>> -> memref<80xi32, #tpu.memory_space<vmem>>
      %dma_start3A_341 = arith.constant 0 : i32
      %dma_start3A_342 = arith.constant 0 : i32
      %dma_start3A_343 = tpu.memref_slice %arg7[%dma_start3A_341, %dma_start3A_342] : memref<10112x128xf32, #tpu.memory_space<vmem_shared>> -> memref<10112x128xf32, #tpu.memory_space<vmem_shared>>
      tpu.enqueue_indirect_dma source(%arg12 : memref<80x128xf32, #tpu.memory_space<vmem>>) target(%dma_start3A_343 : memref<10112x128xf32, #tpu.memory_space<vmem_shared>>) offsets(%dma_start3A_340 : memref<80xi32, #tpu.memory_space<vmem>>) semaphore(%arg20 : memref<!tpu.dma_semaphore, #tpu.memory_space<semaphore_mem>>) {add = true}
      %add3A_344 = arith.constant 3 : i32
      %add3A_345 = arith.addi %mul3A_295, %add3A_344 : i32
      %dma_wait3A_346 = arith.constant 0 : i32
      %dma_wait3A_347 = tpu.memref_slice %arg8[%add3A_345, %dma_wait3A_346] : memref<32x80xi32, #tpu.memory_space<vmem>> -> memref<1x80xi32, #tpu.memory_space<vmem>>
      %dma_wait3A_348 = tpu.memref_squeeze %dma_wait3A_347 : memref<1x80xi32, #tpu.memory_space<vmem>> -> memref<80xi32, #tpu.memory_space<vmem>>
      %dma_wait3A_349 = arith.constant 0 : i32
      %dma_wait3A_350 = arith.constant 0 : i32
      %dma_wait3A_351 = tpu.memref_slice %arg2[%dma_wait3A_349, %dma_wait3A_350] : memref<20000x128xf32, #tpu.memory_space<hbm>> -> memref<20000x128xf32, #tpu.memory_space<hbm>>
      tpu.wait_indirect_dma semaphore(%arg17 : memref<!tpu.dma_semaphore, #tpu.memory_space<semaphore_mem>>) src(%dma_wait3A_351 : memref<20000x128xf32, #tpu.memory_space<hbm>>) dst(%arg13 : memref<80x128xf32, #tpu.memory_space<vmem>>)
      %add3A_352 = arith.constant 3 : i32
      %add3A_353 = arith.addi %mul3A_295, %add3A_352 : i32
      %dma_start3A_354 = arith.constant 0 : i32
      %dma_start3A_355 = tpu.memref_slice %arg9[%add3A_353, %dma_start3A_354] : memref<32x80xi32, #tpu.memory_space<vmem>> -> memref<1x80xi32, #tpu.memory_space<vmem>>
      %dma_start3A_356 = tpu.memref_squeeze %dma_start3A_355 : memref<1x80xi32, #tpu.memory_space<vmem>> -> memref<80xi32, #tpu.memory_space<vmem>>
      %dma_start3A_357 = arith.constant 0 : i32
      %dma_start3A_358 = arith.constant 0 : i32
      %dma_start3A_359 = tpu.memref_slice %arg7[%dma_start3A_357, %dma_start3A_358] : memref<10112x128xf32, #tpu.memory_space<vmem_shared>> -> memref<10112x128xf32, #tpu.memory_space<vmem_shared>>
      tpu.enqueue_indirect_dma source(%arg13 : memref<80x128xf32, #tpu.memory_space<vmem>>) target(%dma_start3A_359 : memref<10112x128xf32, #tpu.memory_space<vmem_shared>>) offsets(%dma_start3A_356 : memref<80xi32, #tpu.memory_space<vmem>>) semaphore(%arg21 : memref<!tpu.dma_semaphore, #tpu.memory_space<semaphore_mem>>) {add = true}
      %lt3A = arith.constant 7 : i32
      %lt3A_360 = arith.cmpi slt, %scan3A_293, %lt3A : i32
      %convert_element_type3A = arith.extui %lt3A_360 : i1 to i32
      %cond3A = arith.constant 0 : i32
      %cond3A_361 = arith.cmpi ne, %convert_element_type3A, %cond3A : i32
      scf.if %cond3A_361 {
        %add3A_362 = arith.constant 0 : i32
        %add3A_363 = arith.addi %mul3A_295, %add3A_362 : i32
        %dma_wait3A_364 = arith.constant 0 : i32
        %dma_wait3A_365 = tpu.memref_slice %arg9[%add3A_363, %dma_wait3A_364] : memref<32x80xi32, #tpu.memory_space<vmem>> -> memref<1x80xi32, #tpu.memory_space<vmem>>
        %dma_wait3A_366 = tpu.memref_squeeze %dma_wait3A_365 : memref<1x80xi32, #tpu.memory_space<vmem>> -> memref<80xi32, #tpu.memory_space<vmem>>
        %dma_wait3A_367 = arith.constant 0 : i32
        %dma_wait3A_368 = arith.constant 0 : i32
        %dma_wait3A_369 = tpu.memref_slice %arg7[%dma_wait3A_367, %dma_wait3A_368] : memref<10112x128xf32, #tpu.memory_space<vmem_shared>> -> memref<10112x128xf32, #tpu.memory_space<vmem_shared>>
        tpu.wait_indirect_dma semaphore(%arg18 : memref<!tpu.dma_semaphore, #tpu.memory_space<semaphore_mem>>) src(%arg10 : memref<80x128xf32, #tpu.memory_space<vmem>>) dst(%dma_wait3A_369 : memref<10112x128xf32, #tpu.memory_space<vmem_shared>>)
        %add3A_370 = arith.constant 4 : i32
        %add3A_371 = arith.addi %mul3A_295, %add3A_370 : i32
        %add3A_372 = arith.constant 0 : i32
        %add3A_373 = arith.addi %add3A_371, %add3A_372 : i32
        %dma_start3A_374 = arith.constant 0 : i32
        %dma_start3A_375 = tpu.memref_slice %arg8[%add3A_373, %dma_start3A_374] : memref<32x80xi32, #tpu.memory_space<vmem>> -> memref<1x80xi32, #tpu.memory_space<vmem>>
        %dma_start3A_376 = tpu.memref_squeeze %dma_start3A_375 : memref<1x80xi32, #tpu.memory_space<vmem>> -> memref<80xi32, #tpu.memory_space<vmem>>
        %dma_start3A_377 = arith.constant 0 : i32
        %dma_start3A_378 = arith.constant 0 : i32
        %dma_start3A_379 = tpu.memref_slice %arg2[%dma_start3A_377, %dma_start3A_378] : memref<20000x128xf32, #tpu.memory_space<hbm>> -> memref<20000x128xf32, #tpu.memory_space<hbm>>
        tpu.enqueue_indirect_dma source(%dma_start3A_379 : memref<20000x128xf32, #tpu.memory_space<hbm>>) target(%arg10 : memref<80x128xf32, #tpu.memory_space<vmem>>) offsets(%dma_start3A_376 : memref<80xi32, #tpu.memory_space<vmem>>) semaphore(%arg14 : memref<!tpu.dma_semaphore, #tpu.memory_space<semaphore_mem>>)
        %add3A_380 = arith.constant 1 : i32
        %add3A_381 = arith.addi %mul3A_295, %add3A_380 : i32
        %dma_wait3A_382 = arith.constant 0 : i32
        %dma_wait3A_383 = tpu.memref_slice %arg9[%add3A_381, %dma_wait3A_382] : memref<32x80xi32, #tpu.memory_space<vmem>> -> memref<1x80xi32, #tpu.memory_space<vmem>>
        %dma_wait3A_384 = tpu.memref_squeeze %dma_wait3A_383 : memref<1x80xi32, #tpu.memory_space<vmem>> -> memref<80xi32, #tpu.memory_space<vmem>>
        %dma_wait3A_385 = arith.constant 0 : i32
        %dma_wait3A_386 = arith.constant 0 : i32
        %dma_wait3A_387 = tpu.memref_slice %arg7[%dma_wait3A_385, %dma_wait3A_386] : memref<10112x128xf32, #tpu.memory_space<vmem_shared>> -> memref<10112x128xf32, #tpu.memory_space<vmem_shared>>
        tpu.wait_indirect_dma semaphore(%arg19 : memref<!tpu.dma_semaphore, #tpu.memory_space<semaphore_mem>>) src(%arg11 : memref<80x128xf32, #tpu.memory_space<vmem>>) dst(%dma_wait3A_387 : memref<10112x128xf32, #tpu.memory_space<vmem_shared>>)
        %add3A_388 = arith.constant 4 : i32
        %add3A_389 = arith.addi %mul3A_295, %add3A_388 : i32
        %add3A_390 = arith.constant 1 : i32
        %add3A_391 = arith.addi %add3A_389, %add3A_390 : i32
        %dma_start3A_392 = arith.constant 0 : i32
        %dma_start3A_393 = tpu.memref_slice %arg8[%add3A_391, %dma_start3A_392] : memref<32x80xi32, #tpu.memory_space<vmem>> -> memref<1x80xi32, #tpu.memory_space<vmem>>
        %dma_start3A_394 = tpu.memref_squeeze %dma_start3A_393 : memref<1x80xi32, #tpu.memory_space<vmem>> -> memref<80xi32, #tpu.memory_space<vmem>>
        %dma_start3A_395 = arith.constant 0 : i32
        %dma_start3A_396 = arith.constant 0 : i32
        %dma_start3A_397 = tpu.memref_slice %arg2[%dma_start3A_395, %dma_start3A_396] : memref<20000x128xf32, #tpu.memory_space<hbm>> -> memref<20000x128xf32, #tpu.memory_space<hbm>>
        tpu.enqueue_indirect_dma source(%dma_start3A_397 : memref<20000x128xf32, #tpu.memory_space<hbm>>) target(%arg11 : memref<80x128xf32, #tpu.memory_space<vmem>>) offsets(%dma_start3A_394 : memref<80xi32, #tpu.memory_space<vmem>>) semaphore(%arg15 : memref<!tpu.dma_semaphore, #tpu.memory_space<semaphore_mem>>)
        %add3A_398 = arith.constant 2 : i32
        %add3A_399 = arith.addi %mul3A_295, %add3A_398 : i32
        %dma_wait3A_400 = arith.constant 0 : i32
        %dma_wait3A_401 = tpu.memref_slice %arg9[%add3A_399, %dma_wait3A_400] : memref<32x80xi32, #tpu.memory_space<vmem>> -> memref<1x80xi32, #tpu.memory_space<vmem>>
        %dma_wait3A_402 = tpu.memref_squeeze %dma_wait3A_401 : memref<1x80xi32, #tpu.memory_space<vmem>> -> memref<80xi32, #tpu.memory_space<vmem>>
        %dma_wait3A_403 = arith.constant 0 : i32
        %dma_wait3A_404 = arith.constant 0 : i32
        %dma_wait3A_405 = tpu.memref_slice %arg7[%dma_wait3A_403, %dma_wait3A_404] : memref<10112x128xf32, #tpu.memory_space<vmem_shared>> -> memref<10112x128xf32, #tpu.memory_space<vmem_shared>>
        tpu.wait_indirect_dma semaphore(%arg20 : memref<!tpu.dma_semaphore, #tpu.memory_space<semaphore_mem>>) src(%arg12 : memref<80x128xf32, #tpu.memory_space<vmem>>) dst(%dma_wait3A_405 : memref<10112x128xf32, #tpu.memory_space<vmem_shared>>)
        %add3A_406 = arith.constant 4 : i32
        %add3A_407 = arith.addi %mul3A_295, %add3A_406 : i32
        %add3A_408 = arith.constant 2 : i32
        %add3A_409 = arith.addi %add3A_407, %add3A_408 : i32
        %dma_start3A_410 = arith.constant 0 : i32
        %dma_start3A_411 = tpu.memref_slice %arg8[%add3A_409, %dma_start3A_410] : memref<32x80xi32, #tpu.memory_space<vmem>> -> memref<1x80xi32, #tpu.memory_space<vmem>>
        %dma_start3A_412 = tpu.memref_squeeze %dma_start3A_411 : memref<1x80xi32, #tpu.memory_space<vmem>> -> memref<80xi32, #tpu.memory_space<vmem>>
        %dma_start3A_413 = arith.constant 0 : i32
        %dma_start3A_414 = arith.constant 0 : i32
        %dma_start3A_415 = tpu.memref_slice %arg2[%dma_start3A_413, %dma_start3A_414] : memref<20000x128xf32, #tpu.memory_space<hbm>> -> memref<20000x128xf32, #tpu.memory_space<hbm>>
        tpu.enqueue_indirect_dma source(%dma_start3A_415 : memref<20000x128xf32, #tpu.memory_space<hbm>>) target(%arg12 : memref<80x128xf32, #tpu.memory_space<vmem>>) offsets(%dma_start3A_412 : memref<80xi32, #tpu.memory_space<vmem>>) semaphore(%arg16 : memref<!tpu.dma_semaphore, #tpu.memory_space<semaphore_mem>>)
        %add3A_416 = arith.constant 3 : i32
        %add3A_417 = arith.addi %mul3A_295, %add3A_416 : i32
        %dma_wait3A_418 = arith.constant 0 : i32
        %dma_wait3A_419 = tpu.memref_slice %arg9[%add3A_417, %dma_wait3A_418] : memref<32x80xi32, #tpu.memory_space<vmem>> -> memref<1x80xi32, #tpu.memory_space<vmem>>
        %dma_wait3A_420 = tpu.memref_squeeze %dma_wait3A_419 : memref<1x80xi32, #tpu.memory_space<vmem>> -> memref<80xi32, #tpu.memory_space<vmem>>
        %dma_wait3A_421 = arith.constant 0 : i32
        %dma_wait3A_422 = arith.constant 0 : i32
        %dma_wait3A_423 = tpu.memref_slice %arg7[%dma_wait3A_421, %dma_wait3A_422] : memref<10112x128xf32, #tpu.memory_space<vmem_shared>> -> memref<10112x128xf32, #tpu.memory_space<vmem_shared>>
        tpu.wait_indirect_dma semaphore(%arg21 : memref<!tpu.dma_semaphore, #tpu.memory_space<semaphore_mem>>) src(%arg13 : memref<80x128xf32, #tpu.memory_space<vmem>>) dst(%dma_wait3A_423 : memref<10112x128xf32, #tpu.memory_space<vmem_shared>>)
        %add3A_424 = arith.constant 4 : i32
        %add3A_425 = arith.addi %mul3A_295, %add3A_424 : i32
        %add3A_426 = arith.constant 3 : i32
        %add3A_427 = arith.addi %add3A_425, %add3A_426 : i32
        %dma_start3A_428 = arith.constant 0 : i32
        %dma_start3A_429 = tpu.memref_slice %arg8[%add3A_427, %dma_start3A_428] : memref<32x80xi32, #tpu.memory_space<vmem>> -> memref<1x80xi32, #tpu.memory_space<vmem>>
        %dma_start3A_430 = tpu.memref_squeeze %dma_start3A_429 : memref<1x80xi32, #tpu.memory_space<vmem>> -> memref<80xi32, #tpu.memory_space<vmem>>
        %dma_start3A_431 = arith.constant 0 : i32
        %dma_start3A_432 = arith.constant 0 : i32
        %dma_start3A_433 = tpu.memref_slice %arg2[%dma_start3A_431, %dma_start3A_432] : memref<20000x128xf32, #tpu.memory_space<hbm>> -> memref<20000x128xf32, #tpu.memory_space<hbm>>
        tpu.enqueue_indirect_dma source(%dma_start3A_433 : memref<20000x128xf32, #tpu.memory_space<hbm>>) target(%arg13 : memref<80x128xf32, #tpu.memory_space<vmem>>) offsets(%dma_start3A_430 : memref<80xi32, #tpu.memory_space<vmem>>) semaphore(%arg17 : memref<!tpu.dma_semaphore, #tpu.memory_space<semaphore_mem>>)
      } else {
      }
    }
    %scan3A_42 = arith.constant 8 : i32
    %dma_wait3A = arith.constant 28 : i32
    %dma_wait3A_43 = arith.constant 0 : i32
    %dma_wait3A_44 = tpu.memref_slice %arg9[%dma_wait3A, %dma_wait3A_43] : memref<32x80xi32, #tpu.memory_space<vmem>> -> memref<1x80xi32, #tpu.memory_space<vmem>>
    %dma_wait3A_45 = tpu.memref_squeeze %dma_wait3A_44 : memref<1x80xi32, #tpu.memory_space<vmem>> -> memref<80xi32, #tpu.memory_space<vmem>>
    %dma_wait3A_46 = arith.constant 0 : i32
    %dma_wait3A_47 = arith.constant 0 : i32
    %dma_wait3A_48 = tpu.memref_slice %arg7[%dma_wait3A_46, %dma_wait3A_47] : memref<10112x128xf32, #tpu.memory_space<vmem_shared>> -> memref<10112x128xf32, #tpu.memory_space<vmem_shared>>
    tpu.wait_indirect_dma semaphore(%arg18 : memref<!tpu.dma_semaphore, #tpu.memory_space<semaphore_mem>>) src(%arg10 : memref<80x128xf32, #tpu.memory_space<vmem>>) dst(%dma_wait3A_48 : memref<10112x128xf32, #tpu.memory_space<vmem_shared>>)
    %dma_wait3A_49 = arith.constant 29 : i32
    %dma_wait3A_50 = arith.constant 0 : i32
    %dma_wait3A_51 = tpu.memref_slice %arg9[%dma_wait3A_49, %dma_wait3A_50] : memref<32x80xi32, #tpu.memory_space<vmem>> -> memref<1x80xi32, #tpu.memory_space<vmem>>
    %dma_wait3A_52 = tpu.memref_squeeze %dma_wait3A_51 : memref<1x80xi32, #tpu.memory_space<vmem>> -> memref<80xi32, #tpu.memory_space<vmem>>
    %dma_wait3A_53 = arith.constant 0 : i32
    %dma_wait3A_54 = arith.constant 0 : i32
    %dma_wait3A_55 = tpu.memref_slice %arg7[%dma_wait3A_53, %dma_wait3A_54] : memref<10112x128xf32, #tpu.memory_space<vmem_shared>> -> memref<10112x128xf32, #tpu.memory_space<vmem_shared>>
    tpu.wait_indirect_dma semaphore(%arg19 : memref<!tpu.dma_semaphore, #tpu.memory_space<semaphore_mem>>) src(%arg11 : memref<80x128xf32, #tpu.memory_space<vmem>>) dst(%dma_wait3A_55 : memref<10112x128xf32, #tpu.memory_space<vmem_shared>>)
    %dma_wait3A_56 = arith.constant 30 : i32
    %dma_wait3A_57 = arith.constant 0 : i32
    %dma_wait3A_58 = tpu.memref_slice %arg9[%dma_wait3A_56, %dma_wait3A_57] : memref<32x80xi32, #tpu.memory_space<vmem>> -> memref<1x80xi32, #tpu.memory_space<vmem>>
    %dma_wait3A_59 = tpu.memref_squeeze %dma_wait3A_58 : memref<1x80xi32, #tpu.memory_space<vmem>> -> memref<80xi32, #tpu.memory_space<vmem>>
    %dma_wait3A_60 = arith.constant 0 : i32
    %dma_wait3A_61 = arith.constant 0 : i32
    %dma_wait3A_62 = tpu.memref_slice %arg7[%dma_wait3A_60, %dma_wait3A_61] : memref<10112x128xf32, #tpu.memory_space<vmem_shared>> -> memref<10112x128xf32, #tpu.memory_space<vmem_shared>>
    tpu.wait_indirect_dma semaphore(%arg20 : memref<!tpu.dma_semaphore, #tpu.memory_space<semaphore_mem>>) src(%arg12 : memref<80x128xf32, #tpu.memory_space<vmem>>) dst(%dma_wait3A_62 : memref<10112x128xf32, #tpu.memory_space<vmem_shared>>)
    %dma_wait3A_63 = arith.constant 31 : i32
    %dma_wait3A_64 = arith.constant 0 : i32
    %dma_wait3A_65 = tpu.memref_slice %arg9[%dma_wait3A_63, %dma_wait3A_64] : memref<32x80xi32, #tpu.memory_space<vmem>> -> memref<1x80xi32, #tpu.memory_space<vmem>>
    %dma_wait3A_66 = tpu.memref_squeeze %dma_wait3A_65 : memref<1x80xi32, #tpu.memory_space<vmem>> -> memref<80xi32, #tpu.memory_space<vmem>>
    %dma_wait3A_67 = arith.constant 0 : i32
    %dma_wait3A_68 = arith.constant 0 : i32
    %dma_wait3A_69 = tpu.memref_slice %arg7[%dma_wait3A_67, %dma_wait3A_68] : memref<10112x128xf32, #tpu.memory_space<vmem_shared>> -> memref<10112x128xf32, #tpu.memory_space<vmem_shared>>
    tpu.wait_indirect_dma semaphore(%arg21 : memref<!tpu.dma_semaphore, #tpu.memory_space<semaphore_mem>>) src(%arg13 : memref<80x128xf32, #tpu.memory_space<vmem>>) dst(%dma_wait3A_69 : memref<10112x128xf32, #tpu.memory_space<vmem_shared>>)
    %mul3A_70 = arith.constant 2048 : i32
    %mul3A_71 = arith.muli %arg0, %mul3A_70 : i32
    %mul3A_72 = arith.constant 128 : i32
    %mul3A_73 = arith.muli %arg1, %mul3A_72 : i32
    %add3A_74 = arith.addi %mul3A_71, %mul3A_73 : i32
    %add3A_75 = arith.constant 32 : i32
    %add3A_76 = arith.addi %add3A_74, %add3A_75 : i32
    "tpu.region"() ({
      %run_scoped3A = tpu.sem_alloc : memref<!tpu.dma_semaphore, #tpu.memory_space<semaphore_mem>>
      %dma_start3A_293 = arith.constant 0 : i32
      %dma_start3A_294 = tpu.memref_slice %arg3[%add3A_76, %dma_start3A_293] : memref<4096x80xi32, #tpu.memory_space<hbm>> -> memref<32x80xi32, #tpu.memory_space<hbm>>
      %dma_start3A_295 = arith.constant 0 : i32
      %dma_start3A_296 = tpu.memref_slice %arg3[%add3A_76, %dma_start3A_295] : memref<4096x80xi32, #tpu.memory_space<hbm>> -> memref<32x80xi32, #tpu.memory_space<hbm>>
      tpu.enqueue_dma source(%dma_start3A_296 : memref<32x80xi32, #tpu.memory_space<hbm>>) target(%arg8 : memref<32x80xi32, #tpu.memory_space<vmem>>) target_semaphore(%run_scoped3A : memref<!tpu.dma_semaphore, #tpu.memory_space<semaphore_mem>>)
      %dma_wait3A_297 = arith.constant 0 : i32
      %dma_wait3A_298 = tpu.memref_slice %arg3[%add3A_76, %dma_wait3A_297] : memref<4096x80xi32, #tpu.memory_space<hbm>> -> memref<32x80xi32, #tpu.memory_space<hbm>>
      %dma_wait3A_299 = arith.constant 0 : i32
      %dma_wait3A_300 = tpu.memref_slice %arg3[%add3A_76, %dma_wait3A_299] : memref<4096x80xi32, #tpu.memory_space<hbm>> -> memref<32x80xi32, #tpu.memory_space<hbm>>
      tpu.wait_dma2 semaphore(%run_scoped3A : memref<!tpu.dma_semaphore, #tpu.memory_space<semaphore_mem>>) src(%dma_wait3A_300 : memref<32x80xi32, #tpu.memory_space<hbm>>) dst(%arg8 : memref<32x80xi32, #tpu.memory_space<vmem>>)
      tpu.yield
    }) : () -> ()
    %mul3A_77 = arith.constant 128 : i32
    %mul3A_78 = arith.muli %arg1, %mul3A_77 : i32
    %add3A_79 = arith.constant 32 : i32
    %add3A_80 = arith.addi %mul3A_78, %add3A_79 : i32
    "tpu.region"() ({
      %run_scoped3A = tpu.sem_alloc : memref<!tpu.dma_semaphore, #tpu.memory_space<semaphore_mem>>
      %dma_start3A_293 = arith.constant 0 : i32
      %dma_start3A_294 = tpu.memref_slice %arg4[%add3A_80, %dma_start3A_293] : memref<2048x80xi32, #tpu.memory_space<hbm>> -> memref<32x80xi32, #tpu.memory_space<hbm>>
      %dma_start3A_295 = arith.constant 0 : i32
      %dma_start3A_296 = tpu.memref_slice %arg4[%add3A_80, %dma_start3A_295] : memref<2048x80xi32, #tpu.memory_space<hbm>> -> memref<32x80xi32, #tpu.memory_space<hbm>>
      tpu.enqueue_dma source(%dma_start3A_296 : memref<32x80xi32, #tpu.memory_space<hbm>>) target(%arg9 : memref<32x80xi32, #tpu.memory_space<vmem>>) target_semaphore(%run_scoped3A : memref<!tpu.dma_semaphore, #tpu.memory_space<semaphore_mem>>)
      %dma_wait3A_297 = arith.constant 0 : i32
      %dma_wait3A_298 = tpu.memref_slice %arg4[%add3A_80, %dma_wait3A_297] : memref<2048x80xi32, #tpu.memory_space<hbm>> -> memref<32x80xi32, #tpu.memory_space<hbm>>
      %dma_wait3A_299 = arith.constant 0 : i32
      %dma_wait3A_300 = tpu.memref_slice %arg4[%add3A_80, %dma_wait3A_299] : memref<2048x80xi32, #tpu.memory_space<hbm>> -> memref<32x80xi32, #tpu.memory_space<hbm>>
      tpu.wait_dma2 semaphore(%run_scoped3A : memref<!tpu.dma_semaphore, #tpu.memory_space<semaphore_mem>>) src(%dma_wait3A_300 : memref<32x80xi32, #tpu.memory_space<hbm>>) dst(%arg9 : memref<32x80xi32, #tpu.memory_space<vmem>>)
      tpu.yield
    }) : () -> ()
    %dma_start3A_81 = arith.constant 0 : i32
    %dma_start3A_82 = arith.constant 0 : i32
    %dma_start3A_83 = tpu.memref_slice %arg8[%dma_start3A_81, %dma_start3A_82] : memref<32x80xi32, #tpu.memory_space<vmem>> -> memref<1x80xi32, #tpu.memory_space<vmem>>
    %dma_start3A_84 = tpu.memref_squeeze %dma_start3A_83 : memref<1x80xi32, #tpu.memory_space<vmem>> -> memref<80xi32, #tpu.memory_space<vmem>>
    %dma_start3A_85 = arith.constant 0 : i32
    %dma_start3A_86 = arith.constant 0 : i32
    %dma_start3A_87 = tpu.memref_slice %arg2[%dma_start3A_85, %dma_start3A_86] : memref<20000x128xf32, #tpu.memory_space<hbm>> -> memref<20000x128xf32, #tpu.memory_space<hbm>>
    tpu.enqueue_indirect_dma source(%dma_start3A_87 : memref<20000x128xf32, #tpu.memory_space<hbm>>) target(%arg10 : memref<80x128xf32, #tpu.memory_space<vmem>>) offsets(%dma_start3A_84 : memref<80xi32, #tpu.memory_space<vmem>>) semaphore(%arg14 : memref<!tpu.dma_semaphore, #tpu.memory_space<semaphore_mem>>)
    %dma_start3A_88 = arith.constant 1 : i32
    %dma_start3A_89 = arith.constant 0 : i32
    %dma_start3A_90 = tpu.memref_slice %arg8[%dma_start3A_88, %dma_start3A_89] : memref<32x80xi32, #tpu.memory_space<vmem>> -> memref<1x80xi32, #tpu.memory_space<vmem>>
    %dma_start3A_91 = tpu.memref_squeeze %dma_start3A_90 : memref<1x80xi32, #tpu.memory_space<vmem>> -> memref<80xi32, #tpu.memory_space<vmem>>
    %dma_start3A_92 = arith.constant 0 : i32
    %dma_start3A_93 = arith.constant 0 : i32
    %dma_start3A_94 = tpu.memref_slice %arg2[%dma_start3A_92, %dma_start3A_93] : memref<20000x128xf32, #tpu.memory_space<hbm>> -> memref<20000x128xf32, #tpu.memory_space<hbm>>
    tpu.enqueue_indirect_dma source(%dma_start3A_94 : memref<20000x128xf32, #tpu.memory_space<hbm>>) target(%arg11 : memref<80x128xf32, #tpu.memory_space<vmem>>) offsets(%dma_start3A_91 : memref<80xi32, #tpu.memory_space<vmem>>) semaphore(%arg15 : memref<!tpu.dma_semaphore, #tpu.memory_space<semaphore_mem>>)
    %dma_start3A_95 = arith.constant 2 : i32
    %dma_start3A_96 = arith.constant 0 : i32
    %dma_start3A_97 = tpu.memref_slice %arg8[%dma_start3A_95, %dma_start3A_96] : memref<32x80xi32, #tpu.memory_space<vmem>> -> memref<1x80xi32, #tpu.memory_space<vmem>>
    %dma_start3A_98 = tpu.memref_squeeze %dma_start3A_97 : memref<1x80xi32, #tpu.memory_space<vmem>> -> memref<80xi32, #tpu.memory_space<vmem>>
    %dma_start3A_99 = arith.constant 0 : i32
    %dma_start3A_100 = arith.constant 0 : i32
    %dma_start3A_101 = tpu.memref_slice %arg2[%dma_start3A_99, %dma_start3A_100] : memref<20000x128xf32, #tpu.memory_space<hbm>> -> memref<20000x128xf32, #tpu.memory_space<hbm>>
    tpu.enqueue_indirect_dma source(%dma_start3A_101 : memref<20000x128xf32, #tpu.memory_space<hbm>>) target(%arg12 : memref<80x128xf32, #tpu.memory_space<vmem>>) offsets(%dma_start3A_98 : memref<80xi32, #tpu.memory_space<vmem>>) semaphore(%arg16 : memref<!tpu.dma_semaphore, #tpu.memory_space<semaphore_mem>>)
    %dma_start3A_102 = arith.constant 3 : i32
    %dma_start3A_103 = arith.constant 0 : i32
    %dma_start3A_104 = tpu.memref_slice %arg8[%dma_start3A_102, %dma_start3A_103] : memref<32x80xi32, #tpu.memory_space<vmem>> -> memref<1x80xi32, #tpu.memory_space<vmem>>
    %dma_start3A_105 = tpu.memref_squeeze %dma_start3A_104 : memref<1x80xi32, #tpu.memory_space<vmem>> -> memref<80xi32, #tpu.memory_space<vmem>>
    %dma_start3A_106 = arith.constant 0 : i32
    %dma_start3A_107 = arith.constant 0 : i32
    %dma_start3A_108 = tpu.memref_slice %arg2[%dma_start3A_106, %dma_start3A_107] : memref<20000x128xf32, #tpu.memory_space<hbm>> -> memref<20000x128xf32, #tpu.memory_space<hbm>>
    tpu.enqueue_indirect_dma source(%dma_start3A_108 : memref<20000x128xf32, #tpu.memory_space<hbm>>) target(%arg13 : memref<80x128xf32, #tpu.memory_space<vmem>>) offsets(%dma_start3A_105 : memref<80xi32, #tpu.memory_space<vmem>>) semaphore(%arg17 : memref<!tpu.dma_semaphore, #tpu.memory_space<semaphore_mem>>)
    %scan3A_109 = arith.constant 0 : i32
    %scan3A_110 = arith.constant 0 : i32
    %scan3A_111 = arith.constant 8 : i32
    %scan3A_112 = arith.addi %scan3A_110, %scan3A_111 : i32
    %scan3A_113 = arith.constant 1 : i32
    scf.for %scan3A_293 = %scan3A_110 to %scan3A_112 step %scan3A_113  : i32 {
      %mul3A_294 = arith.constant 4 : i32
      %mul3A_295 = arith.muli %mul3A_294, %scan3A_293 : i32
      %add3A_296 = arith.constant 0 : i32
      %add3A_297 = arith.addi %mul3A_295, %add3A_296 : i32
      %dma_wait3A_298 = arith.constant 0 : i32
      %dma_wait3A_299 = tpu.memref_slice %arg8[%add3A_297, %dma_wait3A_298] : memref<32x80xi32, #tpu.memory_space<vmem>> -> memref<1x80xi32, #tpu.memory_space<vmem>>
      %dma_wait3A_300 = tpu.memref_squeeze %dma_wait3A_299 : memref<1x80xi32, #tpu.memory_space<vmem>> -> memref<80xi32, #tpu.memory_space<vmem>>
      %dma_wait3A_301 = arith.constant 0 : i32
      %dma_wait3A_302 = arith.constant 0 : i32
      %dma_wait3A_303 = tpu.memref_slice %arg2[%dma_wait3A_301, %dma_wait3A_302] : memref<20000x128xf32, #tpu.memory_space<hbm>> -> memref<20000x128xf32, #tpu.memory_space<hbm>>
      tpu.wait_indirect_dma semaphore(%arg14 : memref<!tpu.dma_semaphore, #tpu.memory_space<semaphore_mem>>) src(%dma_wait3A_303 : memref<20000x128xf32, #tpu.memory_space<hbm>>) dst(%arg10 : memref<80x128xf32, #tpu.memory_space<vmem>>)
      %add3A_304 = arith.constant 0 : i32
      %add3A_305 = arith.addi %mul3A_295, %add3A_304 : i32
      %dma_start3A_306 = arith.constant 0 : i32
      %dma_start3A_307 = tpu.memref_slice %arg9[%add3A_305, %dma_start3A_306] : memref<32x80xi32, #tpu.memory_space<vmem>> -> memref<1x80xi32, #tpu.memory_space<vmem>>
      %dma_start3A_308 = tpu.memref_squeeze %dma_start3A_307 : memref<1x80xi32, #tpu.memory_space<vmem>> -> memref<80xi32, #tpu.memory_space<vmem>>
      %dma_start3A_309 = arith.constant 0 : i32
      %dma_start3A_310 = arith.constant 0 : i32
      %dma_start3A_311 = tpu.memref_slice %arg7[%dma_start3A_309, %dma_start3A_310] : memref<10112x128xf32, #tpu.memory_space<vmem_shared>> -> memref<10112x128xf32, #tpu.memory_space<vmem_shared>>
      tpu.enqueue_indirect_dma source(%arg10 : memref<80x128xf32, #tpu.memory_space<vmem>>) target(%dma_start3A_311 : memref<10112x128xf32, #tpu.memory_space<vmem_shared>>) offsets(%dma_start3A_308 : memref<80xi32, #tpu.memory_space<vmem>>) semaphore(%arg18 : memref<!tpu.dma_semaphore, #tpu.memory_space<semaphore_mem>>) {add = true}
      %add3A_312 = arith.constant 1 : i32
      %add3A_313 = arith.addi %mul3A_295, %add3A_312 : i32
      %dma_wait3A_314 = arith.constant 0 : i32
      %dma_wait3A_315 = tpu.memref_slice %arg8[%add3A_313, %dma_wait3A_314] : memref<32x80xi32, #tpu.memory_space<vmem>> -> memref<1x80xi32, #tpu.memory_space<vmem>>
      %dma_wait3A_316 = tpu.memref_squeeze %dma_wait3A_315 : memref<1x80xi32, #tpu.memory_space<vmem>> -> memref<80xi32, #tpu.memory_space<vmem>>
      %dma_wait3A_317 = arith.constant 0 : i32
      %dma_wait3A_318 = arith.constant 0 : i32
      %dma_wait3A_319 = tpu.memref_slice %arg2[%dma_wait3A_317, %dma_wait3A_318] : memref<20000x128xf32, #tpu.memory_space<hbm>> -> memref<20000x128xf32, #tpu.memory_space<hbm>>
      tpu.wait_indirect_dma semaphore(%arg15 : memref<!tpu.dma_semaphore, #tpu.memory_space<semaphore_mem>>) src(%dma_wait3A_319 : memref<20000x128xf32, #tpu.memory_space<hbm>>) dst(%arg11 : memref<80x128xf32, #tpu.memory_space<vmem>>)
      %add3A_320 = arith.constant 1 : i32
      %add3A_321 = arith.addi %mul3A_295, %add3A_320 : i32
      %dma_start3A_322 = arith.constant 0 : i32
      %dma_start3A_323 = tpu.memref_slice %arg9[%add3A_321, %dma_start3A_322] : memref<32x80xi32, #tpu.memory_space<vmem>> -> memref<1x80xi32, #tpu.memory_space<vmem>>
      %dma_start3A_324 = tpu.memref_squeeze %dma_start3A_323 : memref<1x80xi32, #tpu.memory_space<vmem>> -> memref<80xi32, #tpu.memory_space<vmem>>
      %dma_start3A_325 = arith.constant 0 : i32
      %dma_start3A_326 = arith.constant 0 : i32
      %dma_start3A_327 = tpu.memref_slice %arg7[%dma_start3A_325, %dma_start3A_326] : memref<10112x128xf32, #tpu.memory_space<vmem_shared>> -> memref<10112x128xf32, #tpu.memory_space<vmem_shared>>
      tpu.enqueue_indirect_dma source(%arg11 : memref<80x128xf32, #tpu.memory_space<vmem>>) target(%dma_start3A_327 : memref<10112x128xf32, #tpu.memory_space<vmem_shared>>) offsets(%dma_start3A_324 : memref<80xi32, #tpu.memory_space<vmem>>) semaphore(%arg19 : memref<!tpu.dma_semaphore, #tpu.memory_space<semaphore_mem>>) {add = true}
      %add3A_328 = arith.constant 2 : i32
      %add3A_329 = arith.addi %mul3A_295, %add3A_328 : i32
      %dma_wait3A_330 = arith.constant 0 : i32
      %dma_wait3A_331 = tpu.memref_slice %arg8[%add3A_329, %dma_wait3A_330] : memref<32x80xi32, #tpu.memory_space<vmem>> -> memref<1x80xi32, #tpu.memory_space<vmem>>
      %dma_wait3A_332 = tpu.memref_squeeze %dma_wait3A_331 : memref<1x80xi32, #tpu.memory_space<vmem>> -> memref<80xi32, #tpu.memory_space<vmem>>
      %dma_wait3A_333 = arith.constant 0 : i32
      %dma_wait3A_334 = arith.constant 0 : i32
      %dma_wait3A_335 = tpu.memref_slice %arg2[%dma_wait3A_333, %dma_wait3A_334] : memref<20000x128xf32, #tpu.memory_space<hbm>> -> memref<20000x128xf32, #tpu.memory_space<hbm>>
      tpu.wait_indirect_dma semaphore(%arg16 : memref<!tpu.dma_semaphore, #tpu.memory_space<semaphore_mem>>) src(%dma_wait3A_335 : memref<20000x128xf32, #tpu.memory_space<hbm>>) dst(%arg12 : memref<80x128xf32, #tpu.memory_space<vmem>>)
      %add3A_336 = arith.constant 2 : i32
      %add3A_337 = arith.addi %mul3A_295, %add3A_336 : i32
      %dma_start3A_338 = arith.constant 0 : i32
      %dma_start3A_339 = tpu.memref_slice %arg9[%add3A_337, %dma_start3A_338] : memref<32x80xi32, #tpu.memory_space<vmem>> -> memref<1x80xi32, #tpu.memory_space<vmem>>
      %dma_start3A_340 = tpu.memref_squeeze %dma_start3A_339 : memref<1x80xi32, #tpu.memory_space<vmem>> -> memref<80xi32, #tpu.memory_space<vmem>>
      %dma_start3A_341 = arith.constant 0 : i32
      %dma_start3A_342 = arith.constant 0 : i32
      %dma_start3A_343 = tpu.memref_slice %arg7[%dma_start3A_341, %dma_start3A_342] : memref<10112x128xf32, #tpu.memory_space<vmem_shared>> -> memref<10112x128xf32, #tpu.memory_space<vmem_shared>>
      tpu.enqueue_indirect_dma source(%arg12 : memref<80x128xf32, #tpu.memory_space<vmem>>) target(%dma_start3A_343 : memref<10112x128xf32, #tpu.memory_space<vmem_shared>>) offsets(%dma_start3A_340 : memref<80xi32, #tpu.memory_space<vmem>>) semaphore(%arg20 : memref<!tpu.dma_semaphore, #tpu.memory_space<semaphore_mem>>) {add = true}
      %add3A_344 = arith.constant 3 : i32
      %add3A_345 = arith.addi %mul3A_295, %add3A_344 : i32
      %dma_wait3A_346 = arith.constant 0 : i32
      %dma_wait3A_347 = tpu.memref_slice %arg8[%add3A_345, %dma_wait3A_346] : memref<32x80xi32, #tpu.memory_space<vmem>> -> memref<1x80xi32, #tpu.memory_space<vmem>>
      %dma_wait3A_348 = tpu.memref_squeeze %dma_wait3A_347 : memref<1x80xi32, #tpu.memory_space<vmem>> -> memref<80xi32, #tpu.memory_space<vmem>>
      %dma_wait3A_349 = arith.constant 0 : i32
      %dma_wait3A_350 = arith.constant 0 : i32
      %dma_wait3A_351 = tpu.memref_slice %arg2[%dma_wait3A_349, %dma_wait3A_350] : memref<20000x128xf32, #tpu.memory_space<hbm>> -> memref<20000x128xf32, #tpu.memory_space<hbm>>
      tpu.wait_indirect_dma semaphore(%arg17 : memref<!tpu.dma_semaphore, #tpu.memory_space<semaphore_mem>>) src(%dma_wait3A_351 : memref<20000x128xf32, #tpu.memory_space<hbm>>) dst(%arg13 : memref<80x128xf32, #tpu.memory_space<vmem>>)
      %add3A_352 = arith.constant 3 : i32
      %add3A_353 = arith.addi %mul3A_295, %add3A_352 : i32
      %dma_start3A_354 = arith.constant 0 : i32
      %dma_start3A_355 = tpu.memref_slice %arg9[%add3A_353, %dma_start3A_354] : memref<32x80xi32, #tpu.memory_space<vmem>> -> memref<1x80xi32, #tpu.memory_space<vmem>>
      %dma_start3A_356 = tpu.memref_squeeze %dma_start3A_355 : memref<1x80xi32, #tpu.memory_space<vmem>> -> memref<80xi32, #tpu.memory_space<vmem>>
      %dma_start3A_357 = arith.constant 0 : i32
      %dma_start3A_358 = arith.constant 0 : i32
      %dma_start3A_359 = tpu.memref_slice %arg7[%dma_start3A_357, %dma_start3A_358] : memref<10112x128xf32, #tpu.memory_space<vmem_shared>> -> memref<10112x128xf32, #tpu.memory_space<vmem_shared>>
      tpu.enqueue_indirect_dma source(%arg13 : memref<80x128xf32, #tpu.memory_space<vmem>>) target(%dma_start3A_359 : memref<10112x128xf32, #tpu.memory_space<vmem_shared>>) offsets(%dma_start3A_356 : memref<80xi32, #tpu.memory_space<vmem>>) semaphore(%arg21 : memref<!tpu.dma_semaphore, #tpu.memory_space<semaphore_mem>>) {add = true}
      %lt3A = arith.constant 7 : i32
      %lt3A_360 = arith.cmpi slt, %scan3A_293, %lt3A : i32
      %convert_element_type3A = arith.extui %lt3A_360 : i1 to i32
      %cond3A = arith.constant 0 : i32
      %cond3A_361 = arith.cmpi ne, %convert_element_type3A, %cond3A : i32
      scf.if %cond3A_361 {
        %add3A_362 = arith.constant 0 : i32
        %add3A_363 = arith.addi %mul3A_295, %add3A_362 : i32
        %dma_wait3A_364 = arith.constant 0 : i32
        %dma_wait3A_365 = tpu.memref_slice %arg9[%add3A_363, %dma_wait3A_364] : memref<32x80xi32, #tpu.memory_space<vmem>> -> memref<1x80xi32, #tpu.memory_space<vmem>>
        %dma_wait3A_366 = tpu.memref_squeeze %dma_wait3A_365 : memref<1x80xi32, #tpu.memory_space<vmem>> -> memref<80xi32, #tpu.memory_space<vmem>>
        %dma_wait3A_367 = arith.constant 0 : i32
        %dma_wait3A_368 = arith.constant 0 : i32
        %dma_wait3A_369 = tpu.memref_slice %arg7[%dma_wait3A_367, %dma_wait3A_368] : memref<10112x128xf32, #tpu.memory_space<vmem_shared>> -> memref<10112x128xf32, #tpu.memory_space<vmem_shared>>
        tpu.wait_indirect_dma semaphore(%arg18 : memref<!tpu.dma_semaphore, #tpu.memory_space<semaphore_mem>>) src(%arg10 : memref<80x128xf32, #tpu.memory_space<vmem>>) dst(%dma_wait3A_369 : memref<10112x128xf32, #tpu.memory_space<vmem_shared>>)
        %add3A_370 = arith.constant 4 : i32
        %add3A_371 = arith.addi %mul3A_295, %add3A_370 : i32
        %add3A_372 = arith.constant 0 : i32
        %add3A_373 = arith.addi %add3A_371, %add3A_372 : i32
        %dma_start3A_374 = arith.constant 0 : i32
        %dma_start3A_375 = tpu.memref_slice %arg8[%add3A_373, %dma_start3A_374] : memref<32x80xi32, #tpu.memory_space<vmem>> -> memref<1x80xi32, #tpu.memory_space<vmem>>
        %dma_start3A_376 = tpu.memref_squeeze %dma_start3A_375 : memref<1x80xi32, #tpu.memory_space<vmem>> -> memref<80xi32, #tpu.memory_space<vmem>>
        %dma_start3A_377 = arith.constant 0 : i32
        %dma_start3A_378 = arith.constant 0 : i32
        %dma_start3A_379 = tpu.memref_slice %arg2[%dma_start3A_377, %dma_start3A_378] : memref<20000x128xf32, #tpu.memory_space<hbm>> -> memref<20000x128xf32, #tpu.memory_space<hbm>>
        tpu.enqueue_indirect_dma source(%dma_start3A_379 : memref<20000x128xf32, #tpu.memory_space<hbm>>) target(%arg10 : memref<80x128xf32, #tpu.memory_space<vmem>>) offsets(%dma_start3A_376 : memref<80xi32, #tpu.memory_space<vmem>>) semaphore(%arg14 : memref<!tpu.dma_semaphore, #tpu.memory_space<semaphore_mem>>)
        %add3A_380 = arith.constant 1 : i32
        %add3A_381 = arith.addi %mul3A_295, %add3A_380 : i32
        %dma_wait3A_382 = arith.constant 0 : i32
        %dma_wait3A_383 = tpu.memref_slice %arg9[%add3A_381, %dma_wait3A_382] : memref<32x80xi32, #tpu.memory_space<vmem>> -> memref<1x80xi32, #tpu.memory_space<vmem>>
        %dma_wait3A_384 = tpu.memref_squeeze %dma_wait3A_383 : memref<1x80xi32, #tpu.memory_space<vmem>> -> memref<80xi32, #tpu.memory_space<vmem>>
        %dma_wait3A_385 = arith.constant 0 : i32
        %dma_wait3A_386 = arith.constant 0 : i32
        %dma_wait3A_387 = tpu.memref_slice %arg7[%dma_wait3A_385, %dma_wait3A_386] : memref<10112x128xf32, #tpu.memory_space<vmem_shared>> -> memref<10112x128xf32, #tpu.memory_space<vmem_shared>>
        tpu.wait_indirect_dma semaphore(%arg19 : memref<!tpu.dma_semaphore, #tpu.memory_space<semaphore_mem>>) src(%arg11 : memref<80x128xf32, #tpu.memory_space<vmem>>) dst(%dma_wait3A_387 : memref<10112x128xf32, #tpu.memory_space<vmem_shared>>)
        %add3A_388 = arith.constant 4 : i32
        %add3A_389 = arith.addi %mul3A_295, %add3A_388 : i32
        %add3A_390 = arith.constant 1 : i32
        %add3A_391 = arith.addi %add3A_389, %add3A_390 : i32
        %dma_start3A_392 = arith.constant 0 : i32
        %dma_start3A_393 = tpu.memref_slice %arg8[%add3A_391, %dma_start3A_392] : memref<32x80xi32, #tpu.memory_space<vmem>> -> memref<1x80xi32, #tpu.memory_space<vmem>>
        %dma_start3A_394 = tpu.memref_squeeze %dma_start3A_393 : memref<1x80xi32, #tpu.memory_space<vmem>> -> memref<80xi32, #tpu.memory_space<vmem>>
        %dma_start3A_395 = arith.constant 0 : i32
        %dma_start3A_396 = arith.constant 0 : i32
        %dma_start3A_397 = tpu.memref_slice %arg2[%dma_start3A_395, %dma_start3A_396] : memref<20000x128xf32, #tpu.memory_space<hbm>> -> memref<20000x128xf32, #tpu.memory_space<hbm>>
        tpu.enqueue_indirect_dma source(%dma_start3A_397 : memref<20000x128xf32, #tpu.memory_space<hbm>>) target(%arg11 : memref<80x128xf32, #tpu.memory_space<vmem>>) offsets(%dma_start3A_394 : memref<80xi32, #tpu.memory_space<vmem>>) semaphore(%arg15 : memref<!tpu.dma_semaphore, #tpu.memory_space<semaphore_mem>>)
        %add3A_398 = arith.constant 2 : i32
        %add3A_399 = arith.addi %mul3A_295, %add3A_398 : i32
        %dma_wait3A_400 = arith.constant 0 : i32
        %dma_wait3A_401 = tpu.memref_slice %arg9[%add3A_399, %dma_wait3A_400] : memref<32x80xi32, #tpu.memory_space<vmem>> -> memref<1x80xi32, #tpu.memory_space<vmem>>
        %dma_wait3A_402 = tpu.memref_squeeze %dma_wait3A_401 : memref<1x80xi32, #tpu.memory_space<vmem>> -> memref<80xi32, #tpu.memory_space<vmem>>
        %dma_wait3A_403 = arith.constant 0 : i32
        %dma_wait3A_404 = arith.constant 0 : i32
        %dma_wait3A_405 = tpu.memref_slice %arg7[%dma_wait3A_403, %dma_wait3A_404] : memref<10112x128xf32, #tpu.memory_space<vmem_shared>> -> memref<10112x128xf32, #tpu.memory_space<vmem_shared>>
        tpu.wait_indirect_dma semaphore(%arg20 : memref<!tpu.dma_semaphore, #tpu.memory_space<semaphore_mem>>) src(%arg12 : memref<80x128xf32, #tpu.memory_space<vmem>>) dst(%dma_wait3A_405 : memref<10112x128xf32, #tpu.memory_space<vmem_shared>>)
        %add3A_406 = arith.constant 4 : i32
        %add3A_407 = arith.addi %mul3A_295, %add3A_406 : i32
        %add3A_408 = arith.constant 2 : i32
        %add3A_409 = arith.addi %add3A_407, %add3A_408 : i32
        %dma_start3A_410 = arith.constant 0 : i32
        %dma_start3A_411 = tpu.memref_slice %arg8[%add3A_409, %dma_start3A_410] : memref<32x80xi32, #tpu.memory_space<vmem>> -> memref<1x80xi32, #tpu.memory_space<vmem>>
        %dma_start3A_412 = tpu.memref_squeeze %dma_start3A_411 : memref<1x80xi32, #tpu.memory_space<vmem>> -> memref<80xi32, #tpu.memory_space<vmem>>
        %dma_start3A_413 = arith.constant 0 : i32
        %dma_start3A_414 = arith.constant 0 : i32
        %dma_start3A_415 = tpu.memref_slice %arg2[%dma_start3A_413, %dma_start3A_414] : memref<20000x128xf32, #tpu.memory_space<hbm>> -> memref<20000x128xf32, #tpu.memory_space<hbm>>
        tpu.enqueue_indirect_dma source(%dma_start3A_415 : memref<20000x128xf32, #tpu.memory_space<hbm>>) target(%arg12 : memref<80x128xf32, #tpu.memory_space<vmem>>) offsets(%dma_start3A_412 : memref<80xi32, #tpu.memory_space<vmem>>) semaphore(%arg16 : memref<!tpu.dma_semaphore, #tpu.memory_space<semaphore_mem>>)
        %add3A_416 = arith.constant 3 : i32
        %add3A_417 = arith.addi %mul3A_295, %add3A_416 : i32
        %dma_wait3A_418 = arith.constant 0 : i32
        %dma_wait3A_419 = tpu.memref_slice %arg9[%add3A_417, %dma_wait3A_418] : memref<32x80xi32, #tpu.memory_space<vmem>> -> memref<1x80xi32, #tpu.memory_space<vmem>>
        %dma_wait3A_420 = tpu.memref_squeeze %dma_wait3A_419 : memref<1x80xi32, #tpu.memory_space<vmem>> -> memref<80xi32, #tpu.memory_space<vmem>>
        %dma_wait3A_421 = arith.constant 0 : i32
        %dma_wait3A_422 = arith.constant 0 : i32
        %dma_wait3A_423 = tpu.memref_slice %arg7[%dma_wait3A_421, %dma_wait3A_422] : memref<10112x128xf32, #tpu.memory_space<vmem_shared>> -> memref<10112x128xf32, #tpu.memory_space<vmem_shared>>
        tpu.wait_indirect_dma semaphore(%arg21 : memref<!tpu.dma_semaphore, #tpu.memory_space<semaphore_mem>>) src(%arg13 : memref<80x128xf32, #tpu.memory_space<vmem>>) dst(%dma_wait3A_423 : memref<10112x128xf32, #tpu.memory_space<vmem_shared>>)
        %add3A_424 = arith.constant 4 : i32
        %add3A_425 = arith.addi %mul3A_295, %add3A_424 : i32
        %add3A_426 = arith.constant 3 : i32
        %add3A_427 = arith.addi %add3A_425, %add3A_426 : i32
        %dma_start3A_428 = arith.constant 0 : i32
        %dma_start3A_429 = tpu.memref_slice %arg8[%add3A_427, %dma_start3A_428] : memref<32x80xi32, #tpu.memory_space<vmem>> -> memref<1x80xi32, #tpu.memory_space<vmem>>
        %dma_start3A_430 = tpu.memref_squeeze %dma_start3A_429 : memref<1x80xi32, #tpu.memory_space<vmem>> -> memref<80xi32, #tpu.memory_space<vmem>>
        %dma_start3A_431 = arith.constant 0 : i32
        %dma_start3A_432 = arith.constant 0 : i32
        %dma_start3A_433 = tpu.memref_slice %arg2[%dma_start3A_431, %dma_start3A_432] : memref<20000x128xf32, #tpu.memory_space<hbm>> -> memref<20000x128xf32, #tpu.memory_space<hbm>>
        tpu.enqueue_indirect_dma source(%dma_start3A_433 : memref<20000x128xf32, #tpu.memory_space<hbm>>) target(%arg13 : memref<80x128xf32, #tpu.memory_space<vmem>>) offsets(%dma_start3A_430 : memref<80xi32, #tpu.memory_space<vmem>>) semaphore(%arg17 : memref<!tpu.dma_semaphore, #tpu.memory_space<semaphore_mem>>)
      } else {
      }
    }
    %scan3A_114 = arith.constant 8 : i32
    %dma_wait3A_115 = arith.constant 28 : i32
    %dma_wait3A_116 = arith.constant 0 : i32
    %dma_wait3A_117 = tpu.memref_slice %arg9[%dma_wait3A_115, %dma_wait3A_116] : memref<32x80xi32, #tpu.memory_space<vmem>> -> memref<1x80xi32, #tpu.memory_space<vmem>>
    %dma_wait3A_118 = tpu.memref_squeeze %dma_wait3A_117 : memref<1x80xi32, #tpu.memory_space<vmem>> -> memref<80xi32, #tpu.memory_space<vmem>>
    %dma_wait3A_119 = arith.constant 0 : i32
    %dma_wait3A_120 = arith.constant 0 : i32
    %dma_wait3A_121 = tpu.memref_slice %arg7[%dma_wait3A_119, %dma_wait3A_120] : memref<10112x128xf32, #tpu.memory_space<vmem_shared>> -> memref<10112x128xf32, #tpu.memory_space<vmem_shared>>
    tpu.wait_indirect_dma semaphore(%arg18 : memref<!tpu.dma_semaphore, #tpu.memory_space<semaphore_mem>>) src(%arg10 : memref<80x128xf32, #tpu.memory_space<vmem>>) dst(%dma_wait3A_121 : memref<10112x128xf32, #tpu.memory_space<vmem_shared>>)
    %dma_wait3A_122 = arith.constant 29 : i32
    %dma_wait3A_123 = arith.constant 0 : i32
    %dma_wait3A_124 = tpu.memref_slice %arg9[%dma_wait3A_122, %dma_wait3A_123] : memref<32x80xi32, #tpu.memory_space<vmem>> -> memref<1x80xi32, #tpu.memory_space<vmem>>
    %dma_wait3A_125 = tpu.memref_squeeze %dma_wait3A_124 : memref<1x80xi32, #tpu.memory_space<vmem>> -> memref<80xi32, #tpu.memory_space<vmem>>
    %dma_wait3A_126 = arith.constant 0 : i32
    %dma_wait3A_127 = arith.constant 0 : i32
    %dma_wait3A_128 = tpu.memref_slice %arg7[%dma_wait3A_126, %dma_wait3A_127] : memref<10112x128xf32, #tpu.memory_space<vmem_shared>> -> memref<10112x128xf32, #tpu.memory_space<vmem_shared>>
    tpu.wait_indirect_dma semaphore(%arg19 : memref<!tpu.dma_semaphore, #tpu.memory_space<semaphore_mem>>) src(%arg11 : memref<80x128xf32, #tpu.memory_space<vmem>>) dst(%dma_wait3A_128 : memref<10112x128xf32, #tpu.memory_space<vmem_shared>>)
    %dma_wait3A_129 = arith.constant 30 : i32
    %dma_wait3A_130 = arith.constant 0 : i32
    %dma_wait3A_131 = tpu.memref_slice %arg9[%dma_wait3A_129, %dma_wait3A_130] : memref<32x80xi32, #tpu.memory_space<vmem>> -> memref<1x80xi32, #tpu.memory_space<vmem>>
    %dma_wait3A_132 = tpu.memref_squeeze %dma_wait3A_131 : memref<1x80xi32, #tpu.memory_space<vmem>> -> memref<80xi32, #tpu.memory_space<vmem>>
    %dma_wait3A_133 = arith.constant 0 : i32
    %dma_wait3A_134 = arith.constant 0 : i32
    %dma_wait3A_135 = tpu.memref_slice %arg7[%dma_wait3A_133, %dma_wait3A_134] : memref<10112x128xf32, #tpu.memory_space<vmem_shared>> -> memref<10112x128xf32, #tpu.memory_space<vmem_shared>>
    tpu.wait_indirect_dma semaphore(%arg20 : memref<!tpu.dma_semaphore, #tpu.memory_space<semaphore_mem>>) src(%arg12 : memref<80x128xf32, #tpu.memory_space<vmem>>) dst(%dma_wait3A_135 : memref<10112x128xf32, #tpu.memory_space<vmem_shared>>)
    %dma_wait3A_136 = arith.constant 31 : i32
    %dma_wait3A_137 = arith.constant 0 : i32
    %dma_wait3A_138 = tpu.memref_slice %arg9[%dma_wait3A_136, %dma_wait3A_137] : memref<32x80xi32, #tpu.memory_space<vmem>> -> memref<1x80xi32, #tpu.memory_space<vmem>>
    %dma_wait3A_139 = tpu.memref_squeeze %dma_wait3A_138 : memref<1x80xi32, #tpu.memory_space<vmem>> -> memref<80xi32, #tpu.memory_space<vmem>>
    %dma_wait3A_140 = arith.constant 0 : i32
    %dma_wait3A_141 = arith.constant 0 : i32
    %dma_wait3A_142 = tpu.memref_slice %arg7[%dma_wait3A_140, %dma_wait3A_141] : memref<10112x128xf32, #tpu.memory_space<vmem_shared>> -> memref<10112x128xf32, #tpu.memory_space<vmem_shared>>
    tpu.wait_indirect_dma semaphore(%arg21 : memref<!tpu.dma_semaphore, #tpu.memory_space<semaphore_mem>>) src(%arg13 : memref<80x128xf32, #tpu.memory_space<vmem>>) dst(%dma_wait3A_142 : memref<10112x128xf32, #tpu.memory_space<vmem_shared>>)
    %mul3A_143 = arith.constant 2048 : i32
    %mul3A_144 = arith.muli %arg0, %mul3A_143 : i32
    %mul3A_145 = arith.constant 128 : i32
    %mul3A_146 = arith.muli %arg1, %mul3A_145 : i32
    %add3A_147 = arith.addi %mul3A_144, %mul3A_146 : i32
    %add3A_148 = arith.constant 64 : i32
    %add3A_149 = arith.addi %add3A_147, %add3A_148 : i32
    "tpu.region"() ({
      %run_scoped3A = tpu.sem_alloc : memref<!tpu.dma_semaphore, #tpu.memory_space<semaphore_mem>>
      %dma_start3A_293 = arith.constant 0 : i32
      %dma_start3A_294 = tpu.memref_slice %arg3[%add3A_149, %dma_start3A_293] : memref<4096x80xi32, #tpu.memory_space<hbm>> -> memref<32x80xi32, #tpu.memory_space<hbm>>
      %dma_start3A_295 = arith.constant 0 : i32
      %dma_start3A_296 = tpu.memref_slice %arg3[%add3A_149, %dma_start3A_295] : memref<4096x80xi32, #tpu.memory_space<hbm>> -> memref<32x80xi32, #tpu.memory_space<hbm>>
      tpu.enqueue_dma source(%dma_start3A_296 : memref<32x80xi32, #tpu.memory_space<hbm>>) target(%arg8 : memref<32x80xi32, #tpu.memory_space<vmem>>) target_semaphore(%run_scoped3A : memref<!tpu.dma_semaphore, #tpu.memory_space<semaphore_mem>>)
      %dma_wait3A_297 = arith.constant 0 : i32
      %dma_wait3A_298 = tpu.memref_slice %arg3[%add3A_149, %dma_wait3A_297] : memref<4096x80xi32, #tpu.memory_space<hbm>> -> memref<32x80xi32, #tpu.memory_space<hbm>>
      %dma_wait3A_299 = arith.constant 0 : i32
      %dma_wait3A_300 = tpu.memref_slice %arg3[%add3A_149, %dma_wait3A_299] : memref<4096x80xi32, #tpu.memory_space<hbm>> -> memref<32x80xi32, #tpu.memory_space<hbm>>
      tpu.wait_dma2 semaphore(%run_scoped3A : memref<!tpu.dma_semaphore, #tpu.memory_space<semaphore_mem>>) src(%dma_wait3A_300 : memref<32x80xi32, #tpu.memory_space<hbm>>) dst(%arg8 : memref<32x80xi32, #tpu.memory_space<vmem>>)
      tpu.yield
    }) : () -> ()
    %mul3A_150 = arith.constant 128 : i32
    %mul3A_151 = arith.muli %arg1, %mul3A_150 : i32
    %add3A_152 = arith.constant 64 : i32
    %add3A_153 = arith.addi %mul3A_151, %add3A_152 : i32
    "tpu.region"() ({
      %run_scoped3A = tpu.sem_alloc : memref<!tpu.dma_semaphore, #tpu.memory_space<semaphore_mem>>
      %dma_start3A_293 = arith.constant 0 : i32
      %dma_start3A_294 = tpu.memref_slice %arg4[%add3A_153, %dma_start3A_293] : memref<2048x80xi32, #tpu.memory_space<hbm>> -> memref<32x80xi32, #tpu.memory_space<hbm>>
      %dma_start3A_295 = arith.constant 0 : i32
      %dma_start3A_296 = tpu.memref_slice %arg4[%add3A_153, %dma_start3A_295] : memref<2048x80xi32, #tpu.memory_space<hbm>> -> memref<32x80xi32, #tpu.memory_space<hbm>>
      tpu.enqueue_dma source(%dma_start3A_296 : memref<32x80xi32, #tpu.memory_space<hbm>>) target(%arg9 : memref<32x80xi32, #tpu.memory_space<vmem>>) target_semaphore(%run_scoped3A : memref<!tpu.dma_semaphore, #tpu.memory_space<semaphore_mem>>)
      %dma_wait3A_297 = arith.constant 0 : i32
      %dma_wait3A_298 = tpu.memref_slice %arg4[%add3A_153, %dma_wait3A_297] : memref<2048x80xi32, #tpu.memory_space<hbm>> -> memref<32x80xi32, #tpu.memory_space<hbm>>
      %dma_wait3A_299 = arith.constant 0 : i32
      %dma_wait3A_300 = tpu.memref_slice %arg4[%add3A_153, %dma_wait3A_299] : memref<2048x80xi32, #tpu.memory_space<hbm>> -> memref<32x80xi32, #tpu.memory_space<hbm>>
      tpu.wait_dma2 semaphore(%run_scoped3A : memref<!tpu.dma_semaphore, #tpu.memory_space<semaphore_mem>>) src(%dma_wait3A_300 : memref<32x80xi32, #tpu.memory_space<hbm>>) dst(%arg9 : memref<32x80xi32, #tpu.memory_space<vmem>>)
      tpu.yield
    }) : () -> ()
    %dma_start3A_154 = arith.constant 0 : i32
    %dma_start3A_155 = arith.constant 0 : i32
    %dma_start3A_156 = tpu.memref_slice %arg8[%dma_start3A_154, %dma_start3A_155] : memref<32x80xi32, #tpu.memory_space<vmem>> -> memref<1x80xi32, #tpu.memory_space<vmem>>
    %dma_start3A_157 = tpu.memref_squeeze %dma_start3A_156 : memref<1x80xi32, #tpu.memory_space<vmem>> -> memref<80xi32, #tpu.memory_space<vmem>>
    %dma_start3A_158 = arith.constant 0 : i32
    %dma_start3A_159 = arith.constant 0 : i32
    %dma_start3A_160 = tpu.memref_slice %arg2[%dma_start3A_158, %dma_start3A_159] : memref<20000x128xf32, #tpu.memory_space<hbm>> -> memref<20000x128xf32, #tpu.memory_space<hbm>>
    tpu.enqueue_indirect_dma source(%dma_start3A_160 : memref<20000x128xf32, #tpu.memory_space<hbm>>) target(%arg10 : memref<80x128xf32, #tpu.memory_space<vmem>>) offsets(%dma_start3A_157 : memref<80xi32, #tpu.memory_space<vmem>>) semaphore(%arg14 : memref<!tpu.dma_semaphore, #tpu.memory_space<semaphore_mem>>)
    %dma_start3A_161 = arith.constant 1 : i32
    %dma_start3A_162 = arith.constant 0 : i32
    %dma_start3A_163 = tpu.memref_slice %arg8[%dma_start3A_161, %dma_start3A_162] : memref<32x80xi32, #tpu.memory_space<vmem>> -> memref<1x80xi32, #tpu.memory_space<vmem>>
    %dma_start3A_164 = tpu.memref_squeeze %dma_start3A_163 : memref<1x80xi32, #tpu.memory_space<vmem>> -> memref<80xi32, #tpu.memory_space<vmem>>
    %dma_start3A_165 = arith.constant 0 : i32
    %dma_start3A_166 = arith.constant 0 : i32
    %dma_start3A_167 = tpu.memref_slice %arg2[%dma_start3A_165, %dma_start3A_166] : memref<20000x128xf32, #tpu.memory_space<hbm>> -> memref<20000x128xf32, #tpu.memory_space<hbm>>
    tpu.enqueue_indirect_dma source(%dma_start3A_167 : memref<20000x128xf32, #tpu.memory_space<hbm>>) target(%arg11 : memref<80x128xf32, #tpu.memory_space<vmem>>) offsets(%dma_start3A_164 : memref<80xi32, #tpu.memory_space<vmem>>) semaphore(%arg15 : memref<!tpu.dma_semaphore, #tpu.memory_space<semaphore_mem>>)
    %dma_start3A_168 = arith.constant 2 : i32
    %dma_start3A_169 = arith.constant 0 : i32
    %dma_start3A_170 = tpu.memref_slice %arg8[%dma_start3A_168, %dma_start3A_169] : memref<32x80xi32, #tpu.memory_space<vmem>> -> memref<1x80xi32, #tpu.memory_space<vmem>>
    %dma_start3A_171 = tpu.memref_squeeze %dma_start3A_170 : memref<1x80xi32, #tpu.memory_space<vmem>> -> memref<80xi32, #tpu.memory_space<vmem>>
    %dma_start3A_172 = arith.constant 0 : i32
    %dma_start3A_173 = arith.constant 0 : i32
    %dma_start3A_174 = tpu.memref_slice %arg2[%dma_start3A_172, %dma_start3A_173] : memref<20000x128xf32, #tpu.memory_space<hbm>> -> memref<20000x128xf32, #tpu.memory_space<hbm>>
    tpu.enqueue_indirect_dma source(%dma_start3A_174 : memref<20000x128xf32, #tpu.memory_space<hbm>>) target(%arg12 : memref<80x128xf32, #tpu.memory_space<vmem>>) offsets(%dma_start3A_171 : memref<80xi32, #tpu.memory_space<vmem>>) semaphore(%arg16 : memref<!tpu.dma_semaphore, #tpu.memory_space<semaphore_mem>>)
    %dma_start3A_175 = arith.constant 3 : i32
    %dma_start3A_176 = arith.constant 0 : i32
    %dma_start3A_177 = tpu.memref_slice %arg8[%dma_start3A_175, %dma_start3A_176] : memref<32x80xi32, #tpu.memory_space<vmem>> -> memref<1x80xi32, #tpu.memory_space<vmem>>
    %dma_start3A_178 = tpu.memref_squeeze %dma_start3A_177 : memref<1x80xi32, #tpu.memory_space<vmem>> -> memref<80xi32, #tpu.memory_space<vmem>>
    %dma_start3A_179 = arith.constant 0 : i32
    %dma_start3A_180 = arith.constant 0 : i32
    %dma_start3A_181 = tpu.memref_slice %arg2[%dma_start3A_179, %dma_start3A_180] : memref<20000x128xf32, #tpu.memory_space<hbm>> -> memref<20000x128xf32, #tpu.memory_space<hbm>>
    tpu.enqueue_indirect_dma source(%dma_start3A_181 : memref<20000x128xf32, #tpu.memory_space<hbm>>) target(%arg13 : memref<80x128xf32, #tpu.memory_space<vmem>>) offsets(%dma_start3A_178 : memref<80xi32, #tpu.memory_space<vmem>>) semaphore(%arg17 : memref<!tpu.dma_semaphore, #tpu.memory_space<semaphore_mem>>)
    %scan3A_182 = arith.constant 0 : i32
    %scan3A_183 = arith.constant 0 : i32
    %scan3A_184 = arith.constant 8 : i32
    %scan3A_185 = arith.addi %scan3A_183, %scan3A_184 : i32
    %scan3A_186 = arith.constant 1 : i32
    scf.for %scan3A_293 = %scan3A_183 to %scan3A_185 step %scan3A_186  : i32 {
      %mul3A_294 = arith.constant 4 : i32
      %mul3A_295 = arith.muli %mul3A_294, %scan3A_293 : i32
      %add3A_296 = arith.constant 0 : i32
      %add3A_297 = arith.addi %mul3A_295, %add3A_296 : i32
      %dma_wait3A_298 = arith.constant 0 : i32
      %dma_wait3A_299 = tpu.memref_slice %arg8[%add3A_297, %dma_wait3A_298] : memref<32x80xi32, #tpu.memory_space<vmem>> -> memref<1x80xi32, #tpu.memory_space<vmem>>
      %dma_wait3A_300 = tpu.memref_squeeze %dma_wait3A_299 : memref<1x80xi32, #tpu.memory_space<vmem>> -> memref<80xi32, #tpu.memory_space<vmem>>
      %dma_wait3A_301 = arith.constant 0 : i32
      %dma_wait3A_302 = arith.constant 0 : i32
      %dma_wait3A_303 = tpu.memref_slice %arg2[%dma_wait3A_301, %dma_wait3A_302] : memref<20000x128xf32, #tpu.memory_space<hbm>> -> memref<20000x128xf32, #tpu.memory_space<hbm>>
      tpu.wait_indirect_dma semaphore(%arg14 : memref<!tpu.dma_semaphore, #tpu.memory_space<semaphore_mem>>) src(%dma_wait3A_303 : memref<20000x128xf32, #tpu.memory_space<hbm>>) dst(%arg10 : memref<80x128xf32, #tpu.memory_space<vmem>>)
      %add3A_304 = arith.constant 0 : i32
      %add3A_305 = arith.addi %mul3A_295, %add3A_304 : i32
      %dma_start3A_306 = arith.constant 0 : i32
      %dma_start3A_307 = tpu.memref_slice %arg9[%add3A_305, %dma_start3A_306] : memref<32x80xi32, #tpu.memory_space<vmem>> -> memref<1x80xi32, #tpu.memory_space<vmem>>
      %dma_start3A_308 = tpu.memref_squeeze %dma_start3A_307 : memref<1x80xi32, #tpu.memory_space<vmem>> -> memref<80xi32, #tpu.memory_space<vmem>>
      %dma_start3A_309 = arith.constant 0 : i32
      %dma_start3A_310 = arith.constant 0 : i32
      %dma_start3A_311 = tpu.memref_slice %arg7[%dma_start3A_309, %dma_start3A_310] : memref<10112x128xf32, #tpu.memory_space<vmem_shared>> -> memref<10112x128xf32, #tpu.memory_space<vmem_shared>>
      tpu.enqueue_indirect_dma source(%arg10 : memref<80x128xf32, #tpu.memory_space<vmem>>) target(%dma_start3A_311 : memref<10112x128xf32, #tpu.memory_space<vmem_shared>>) offsets(%dma_start3A_308 : memref<80xi32, #tpu.memory_space<vmem>>) semaphore(%arg18 : memref<!tpu.dma_semaphore, #tpu.memory_space<semaphore_mem>>) {add = true}
      %add3A_312 = arith.constant 1 : i32
      %add3A_313 = arith.addi %mul3A_295, %add3A_312 : i32
      %dma_wait3A_314 = arith.constant 0 : i32
      %dma_wait3A_315 = tpu.memref_slice %arg8[%add3A_313, %dma_wait3A_314] : memref<32x80xi32, #tpu.memory_space<vmem>> -> memref<1x80xi32, #tpu.memory_space<vmem>>
      %dma_wait3A_316 = tpu.memref_squeeze %dma_wait3A_315 : memref<1x80xi32, #tpu.memory_space<vmem>> -> memref<80xi32, #tpu.memory_space<vmem>>
      %dma_wait3A_317 = arith.constant 0 : i32
      %dma_wait3A_318 = arith.constant 0 : i32
      %dma_wait3A_319 = tpu.memref_slice %arg2[%dma_wait3A_317, %dma_wait3A_318] : memref<20000x128xf32, #tpu.memory_space<hbm>> -> memref<20000x128xf32, #tpu.memory_space<hbm>>
      tpu.wait_indirect_dma semaphore(%arg15 : memref<!tpu.dma_semaphore, #tpu.memory_space<semaphore_mem>>) src(%dma_wait3A_319 : memref<20000x128xf32, #tpu.memory_space<hbm>>) dst(%arg11 : memref<80x128xf32, #tpu.memory_space<vmem>>)
      %add3A_320 = arith.constant 1 : i32
      %add3A_321 = arith.addi %mul3A_295, %add3A_320 : i32
      %dma_start3A_322 = arith.constant 0 : i32
      %dma_start3A_323 = tpu.memref_slice %arg9[%add3A_321, %dma_start3A_322] : memref<32x80xi32, #tpu.memory_space<vmem>> -> memref<1x80xi32, #tpu.memory_space<vmem>>
      %dma_start3A_324 = tpu.memref_squeeze %dma_start3A_323 : memref<1x80xi32, #tpu.memory_space<vmem>> -> memref<80xi32, #tpu.memory_space<vmem>>
      %dma_start3A_325 = arith.constant 0 : i32
      %dma_start3A_326 = arith.constant 0 : i32
      %dma_start3A_327 = tpu.memref_slice %arg7[%dma_start3A_325, %dma_start3A_326] : memref<10112x128xf32, #tpu.memory_space<vmem_shared>> -> memref<10112x128xf32, #tpu.memory_space<vmem_shared>>
      tpu.enqueue_indirect_dma source(%arg11 : memref<80x128xf32, #tpu.memory_space<vmem>>) target(%dma_start3A_327 : memref<10112x128xf32, #tpu.memory_space<vmem_shared>>) offsets(%dma_start3A_324 : memref<80xi32, #tpu.memory_space<vmem>>) semaphore(%arg19 : memref<!tpu.dma_semaphore, #tpu.memory_space<semaphore_mem>>) {add = true}
      %add3A_328 = arith.constant 2 : i32
      %add3A_329 = arith.addi %mul3A_295, %add3A_328 : i32
      %dma_wait3A_330 = arith.constant 0 : i32
      %dma_wait3A_331 = tpu.memref_slice %arg8[%add3A_329, %dma_wait3A_330] : memref<32x80xi32, #tpu.memory_space<vmem>> -> memref<1x80xi32, #tpu.memory_space<vmem>>
      %dma_wait3A_332 = tpu.memref_squeeze %dma_wait3A_331 : memref<1x80xi32, #tpu.memory_space<vmem>> -> memref<80xi32, #tpu.memory_space<vmem>>
      %dma_wait3A_333 = arith.constant 0 : i32
      %dma_wait3A_334 = arith.constant 0 : i32
      %dma_wait3A_335 = tpu.memref_slice %arg2[%dma_wait3A_333, %dma_wait3A_334] : memref<20000x128xf32, #tpu.memory_space<hbm>> -> memref<20000x128xf32, #tpu.memory_space<hbm>>
      tpu.wait_indirect_dma semaphore(%arg16 : memref<!tpu.dma_semaphore, #tpu.memory_space<semaphore_mem>>) src(%dma_wait3A_335 : memref<20000x128xf32, #tpu.memory_space<hbm>>) dst(%arg12 : memref<80x128xf32, #tpu.memory_space<vmem>>)
      %add3A_336 = arith.constant 2 : i32
      %add3A_337 = arith.addi %mul3A_295, %add3A_336 : i32
      %dma_start3A_338 = arith.constant 0 : i32
      %dma_start3A_339 = tpu.memref_slice %arg9[%add3A_337, %dma_start3A_338] : memref<32x80xi32, #tpu.memory_space<vmem>> -> memref<1x80xi32, #tpu.memory_space<vmem>>
      %dma_start3A_340 = tpu.memref_squeeze %dma_start3A_339 : memref<1x80xi32, #tpu.memory_space<vmem>> -> memref<80xi32, #tpu.memory_space<vmem>>
      %dma_start3A_341 = arith.constant 0 : i32
      %dma_start3A_342 = arith.constant 0 : i32
      %dma_start3A_343 = tpu.memref_slice %arg7[%dma_start3A_341, %dma_start3A_342] : memref<10112x128xf32, #tpu.memory_space<vmem_shared>> -> memref<10112x128xf32, #tpu.memory_space<vmem_shared>>
      tpu.enqueue_indirect_dma source(%arg12 : memref<80x128xf32, #tpu.memory_space<vmem>>) target(%dma_start3A_343 : memref<10112x128xf32, #tpu.memory_space<vmem_shared>>) offsets(%dma_start3A_340 : memref<80xi32, #tpu.memory_space<vmem>>) semaphore(%arg20 : memref<!tpu.dma_semaphore, #tpu.memory_space<semaphore_mem>>) {add = true}
      %add3A_344 = arith.constant 3 : i32
      %add3A_345 = arith.addi %mul3A_295, %add3A_344 : i32
      %dma_wait3A_346 = arith.constant 0 : i32
      %dma_wait3A_347 = tpu.memref_slice %arg8[%add3A_345, %dma_wait3A_346] : memref<32x80xi32, #tpu.memory_space<vmem>> -> memref<1x80xi32, #tpu.memory_space<vmem>>
      %dma_wait3A_348 = tpu.memref_squeeze %dma_wait3A_347 : memref<1x80xi32, #tpu.memory_space<vmem>> -> memref<80xi32, #tpu.memory_space<vmem>>
      %dma_wait3A_349 = arith.constant 0 : i32
      %dma_wait3A_350 = arith.constant 0 : i32
      %dma_wait3A_351 = tpu.memref_slice %arg2[%dma_wait3A_349, %dma_wait3A_350] : memref<20000x128xf32, #tpu.memory_space<hbm>> -> memref<20000x128xf32, #tpu.memory_space<hbm>>
      tpu.wait_indirect_dma semaphore(%arg17 : memref<!tpu.dma_semaphore, #tpu.memory_space<semaphore_mem>>) src(%dma_wait3A_351 : memref<20000x128xf32, #tpu.memory_space<hbm>>) dst(%arg13 : memref<80x128xf32, #tpu.memory_space<vmem>>)
      %add3A_352 = arith.constant 3 : i32
      %add3A_353 = arith.addi %mul3A_295, %add3A_352 : i32
      %dma_start3A_354 = arith.constant 0 : i32
      %dma_start3A_355 = tpu.memref_slice %arg9[%add3A_353, %dma_start3A_354] : memref<32x80xi32, #tpu.memory_space<vmem>> -> memref<1x80xi32, #tpu.memory_space<vmem>>
      %dma_start3A_356 = tpu.memref_squeeze %dma_start3A_355 : memref<1x80xi32, #tpu.memory_space<vmem>> -> memref<80xi32, #tpu.memory_space<vmem>>
      %dma_start3A_357 = arith.constant 0 : i32
      %dma_start3A_358 = arith.constant 0 : i32
      %dma_start3A_359 = tpu.memref_slice %arg7[%dma_start3A_357, %dma_start3A_358] : memref<10112x128xf32, #tpu.memory_space<vmem_shared>> -> memref<10112x128xf32, #tpu.memory_space<vmem_shared>>
      tpu.enqueue_indirect_dma source(%arg13 : memref<80x128xf32, #tpu.memory_space<vmem>>) target(%dma_start3A_359 : memref<10112x128xf32, #tpu.memory_space<vmem_shared>>) offsets(%dma_start3A_356 : memref<80xi32, #tpu.memory_space<vmem>>) semaphore(%arg21 : memref<!tpu.dma_semaphore, #tpu.memory_space<semaphore_mem>>) {add = true}
      %lt3A = arith.constant 7 : i32
      %lt3A_360 = arith.cmpi slt, %scan3A_293, %lt3A : i32
      %convert_element_type3A = arith.extui %lt3A_360 : i1 to i32
      %cond3A = arith.constant 0 : i32
      %cond3A_361 = arith.cmpi ne, %convert_element_type3A, %cond3A : i32
      scf.if %cond3A_361 {
        %add3A_362 = arith.constant 0 : i32
        %add3A_363 = arith.addi %mul3A_295, %add3A_362 : i32
        %dma_wait3A_364 = arith.constant 0 : i32
        %dma_wait3A_365 = tpu.memref_slice %arg9[%add3A_363, %dma_wait3A_364] : memref<32x80xi32, #tpu.memory_space<vmem>> -> memref<1x80xi32, #tpu.memory_space<vmem>>
        %dma_wait3A_366 = tpu.memref_squeeze %dma_wait3A_365 : memref<1x80xi32, #tpu.memory_space<vmem>> -> memref<80xi32, #tpu.memory_space<vmem>>
        %dma_wait3A_367 = arith.constant 0 : i32
        %dma_wait3A_368 = arith.constant 0 : i32
        %dma_wait3A_369 = tpu.memref_slice %arg7[%dma_wait3A_367, %dma_wait3A_368] : memref<10112x128xf32, #tpu.memory_space<vmem_shared>> -> memref<10112x128xf32, #tpu.memory_space<vmem_shared>>
        tpu.wait_indirect_dma semaphore(%arg18 : memref<!tpu.dma_semaphore, #tpu.memory_space<semaphore_mem>>) src(%arg10 : memref<80x128xf32, #tpu.memory_space<vmem>>) dst(%dma_wait3A_369 : memref<10112x128xf32, #tpu.memory_space<vmem_shared>>)
        %add3A_370 = arith.constant 4 : i32
        %add3A_371 = arith.addi %mul3A_295, %add3A_370 : i32
        %add3A_372 = arith.constant 0 : i32
        %add3A_373 = arith.addi %add3A_371, %add3A_372 : i32
        %dma_start3A_374 = arith.constant 0 : i32
        %dma_start3A_375 = tpu.memref_slice %arg8[%add3A_373, %dma_start3A_374] : memref<32x80xi32, #tpu.memory_space<vmem>> -> memref<1x80xi32, #tpu.memory_space<vmem>>
        %dma_start3A_376 = tpu.memref_squeeze %dma_start3A_375 : memref<1x80xi32, #tpu.memory_space<vmem>> -> memref<80xi32, #tpu.memory_space<vmem>>
        %dma_start3A_377 = arith.constant 0 : i32
        %dma_start3A_378 = arith.constant 0 : i32
        %dma_start3A_379 = tpu.memref_slice %arg2[%dma_start3A_377, %dma_start3A_378] : memref<20000x128xf32, #tpu.memory_space<hbm>> -> memref<20000x128xf32, #tpu.memory_space<hbm>>
        tpu.enqueue_indirect_dma source(%dma_start3A_379 : memref<20000x128xf32, #tpu.memory_space<hbm>>) target(%arg10 : memref<80x128xf32, #tpu.memory_space<vmem>>) offsets(%dma_start3A_376 : memref<80xi32, #tpu.memory_space<vmem>>) semaphore(%arg14 : memref<!tpu.dma_semaphore, #tpu.memory_space<semaphore_mem>>)
        %add3A_380 = arith.constant 1 : i32
        %add3A_381 = arith.addi %mul3A_295, %add3A_380 : i32
        %dma_wait3A_382 = arith.constant 0 : i32
        %dma_wait3A_383 = tpu.memref_slice %arg9[%add3A_381, %dma_wait3A_382] : memref<32x80xi32, #tpu.memory_space<vmem>> -> memref<1x80xi32, #tpu.memory_space<vmem>>
        %dma_wait3A_384 = tpu.memref_squeeze %dma_wait3A_383 : memref<1x80xi32, #tpu.memory_space<vmem>> -> memref<80xi32, #tpu.memory_space<vmem>>
        %dma_wait3A_385 = arith.constant 0 : i32
        %dma_wait3A_386 = arith.constant 0 : i32
        %dma_wait3A_387 = tpu.memref_slice %arg7[%dma_wait3A_385, %dma_wait3A_386] : memref<10112x128xf32, #tpu.memory_space<vmem_shared>> -> memref<10112x128xf32, #tpu.memory_space<vmem_shared>>
        tpu.wait_indirect_dma semaphore(%arg19 : memref<!tpu.dma_semaphore, #tpu.memory_space<semaphore_mem>>) src(%arg11 : memref<80x128xf32, #tpu.memory_space<vmem>>) dst(%dma_wait3A_387 : memref<10112x128xf32, #tpu.memory_space<vmem_shared>>)
        %add3A_388 = arith.constant 4 : i32
        %add3A_389 = arith.addi %mul3A_295, %add3A_388 : i32
        %add3A_390 = arith.constant 1 : i32
        %add3A_391 = arith.addi %add3A_389, %add3A_390 : i32
        %dma_start3A_392 = arith.constant 0 : i32
        %dma_start3A_393 = tpu.memref_slice %arg8[%add3A_391, %dma_start3A_392] : memref<32x80xi32, #tpu.memory_space<vmem>> -> memref<1x80xi32, #tpu.memory_space<vmem>>
        %dma_start3A_394 = tpu.memref_squeeze %dma_start3A_393 : memref<1x80xi32, #tpu.memory_space<vmem>> -> memref<80xi32, #tpu.memory_space<vmem>>
        %dma_start3A_395 = arith.constant 0 : i32
        %dma_start3A_396 = arith.constant 0 : i32
        %dma_start3A_397 = tpu.memref_slice %arg2[%dma_start3A_395, %dma_start3A_396] : memref<20000x128xf32, #tpu.memory_space<hbm>> -> memref<20000x128xf32, #tpu.memory_space<hbm>>
        tpu.enqueue_indirect_dma source(%dma_start3A_397 : memref<20000x128xf32, #tpu.memory_space<hbm>>) target(%arg11 : memref<80x128xf32, #tpu.memory_space<vmem>>) offsets(%dma_start3A_394 : memref<80xi32, #tpu.memory_space<vmem>>) semaphore(%arg15 : memref<!tpu.dma_semaphore, #tpu.memory_space<semaphore_mem>>)
        %add3A_398 = arith.constant 2 : i32
        %add3A_399 = arith.addi %mul3A_295, %add3A_398 : i32
        %dma_wait3A_400 = arith.constant 0 : i32
        %dma_wait3A_401 = tpu.memref_slice %arg9[%add3A_399, %dma_wait3A_400] : memref<32x80xi32, #tpu.memory_space<vmem>> -> memref<1x80xi32, #tpu.memory_space<vmem>>
        %dma_wait3A_402 = tpu.memref_squeeze %dma_wait3A_401 : memref<1x80xi32, #tpu.memory_space<vmem>> -> memref<80xi32, #tpu.memory_space<vmem>>
        %dma_wait3A_403 = arith.constant 0 : i32
        %dma_wait3A_404 = arith.constant 0 : i32
        %dma_wait3A_405 = tpu.memref_slice %arg7[%dma_wait3A_403, %dma_wait3A_404] : memref<10112x128xf32, #tpu.memory_space<vmem_shared>> -> memref<10112x128xf32, #tpu.memory_space<vmem_shared>>
        tpu.wait_indirect_dma semaphore(%arg20 : memref<!tpu.dma_semaphore, #tpu.memory_space<semaphore_mem>>) src(%arg12 : memref<80x128xf32, #tpu.memory_space<vmem>>) dst(%dma_wait3A_405 : memref<10112x128xf32, #tpu.memory_space<vmem_shared>>)
        %add3A_406 = arith.constant 4 : i32
        %add3A_407 = arith.addi %mul3A_295, %add3A_406 : i32
        %add3A_408 = arith.constant 2 : i32
        %add3A_409 = arith.addi %add3A_407, %add3A_408 : i32
        %dma_start3A_410 = arith.constant 0 : i32
        %dma_start3A_411 = tpu.memref_slice %arg8[%add3A_409, %dma_start3A_410] : memref<32x80xi32, #tpu.memory_space<vmem>> -> memref<1x80xi32, #tpu.memory_space<vmem>>
        %dma_start3A_412 = tpu.memref_squeeze %dma_start3A_411 : memref<1x80xi32, #tpu.memory_space<vmem>> -> memref<80xi32, #tpu.memory_space<vmem>>
        %dma_start3A_413 = arith.constant 0 : i32
        %dma_start3A_414 = arith.constant 0 : i32
        %dma_start3A_415 = tpu.memref_slice %arg2[%dma_start3A_413, %dma_start3A_414] : memref<20000x128xf32, #tpu.memory_space<hbm>> -> memref<20000x128xf32, #tpu.memory_space<hbm>>
        tpu.enqueue_indirect_dma source(%dma_start3A_415 : memref<20000x128xf32, #tpu.memory_space<hbm>>) target(%arg12 : memref<80x128xf32, #tpu.memory_space<vmem>>) offsets(%dma_start3A_412 : memref<80xi32, #tpu.memory_space<vmem>>) semaphore(%arg16 : memref<!tpu.dma_semaphore, #tpu.memory_space<semaphore_mem>>)
        %add3A_416 = arith.constant 3 : i32
        %add3A_417 = arith.addi %mul3A_295, %add3A_416 : i32
        %dma_wait3A_418 = arith.constant 0 : i32
        %dma_wait3A_419 = tpu.memref_slice %arg9[%add3A_417, %dma_wait3A_418] : memref<32x80xi32, #tpu.memory_space<vmem>> -> memref<1x80xi32, #tpu.memory_space<vmem>>
        %dma_wait3A_420 = tpu.memref_squeeze %dma_wait3A_419 : memref<1x80xi32, #tpu.memory_space<vmem>> -> memref<80xi32, #tpu.memory_space<vmem>>
        %dma_wait3A_421 = arith.constant 0 : i32
        %dma_wait3A_422 = arith.constant 0 : i32
        %dma_wait3A_423 = tpu.memref_slice %arg7[%dma_wait3A_421, %dma_wait3A_422] : memref<10112x128xf32, #tpu.memory_space<vmem_shared>> -> memref<10112x128xf32, #tpu.memory_space<vmem_shared>>
        tpu.wait_indirect_dma semaphore(%arg21 : memref<!tpu.dma_semaphore, #tpu.memory_space<semaphore_mem>>) src(%arg13 : memref<80x128xf32, #tpu.memory_space<vmem>>) dst(%dma_wait3A_423 : memref<10112x128xf32, #tpu.memory_space<vmem_shared>>)
        %add3A_424 = arith.constant 4 : i32
        %add3A_425 = arith.addi %mul3A_295, %add3A_424 : i32
        %add3A_426 = arith.constant 3 : i32
        %add3A_427 = arith.addi %add3A_425, %add3A_426 : i32
        %dma_start3A_428 = arith.constant 0 : i32
        %dma_start3A_429 = tpu.memref_slice %arg8[%add3A_427, %dma_start3A_428] : memref<32x80xi32, #tpu.memory_space<vmem>> -> memref<1x80xi32, #tpu.memory_space<vmem>>
        %dma_start3A_430 = tpu.memref_squeeze %dma_start3A_429 : memref<1x80xi32, #tpu.memory_space<vmem>> -> memref<80xi32, #tpu.memory_space<vmem>>
        %dma_start3A_431 = arith.constant 0 : i32
        %dma_start3A_432 = arith.constant 0 : i32
        %dma_start3A_433 = tpu.memref_slice %arg2[%dma_start3A_431, %dma_start3A_432] : memref<20000x128xf32, #tpu.memory_space<hbm>> -> memref<20000x128xf32, #tpu.memory_space<hbm>>
        tpu.enqueue_indirect_dma source(%dma_start3A_433 : memref<20000x128xf32, #tpu.memory_space<hbm>>) target(%arg13 : memref<80x128xf32, #tpu.memory_space<vmem>>) offsets(%dma_start3A_430 : memref<80xi32, #tpu.memory_space<vmem>>) semaphore(%arg17 : memref<!tpu.dma_semaphore, #tpu.memory_space<semaphore_mem>>)
      } else {
      }
    }
    %scan3A_187 = arith.constant 8 : i32
    %dma_wait3A_188 = arith.constant 28 : i32
    %dma_wait3A_189 = arith.constant 0 : i32
    %dma_wait3A_190 = tpu.memref_slice %arg9[%dma_wait3A_188, %dma_wait3A_189] : memref<32x80xi32, #tpu.memory_space<vmem>> -> memref<1x80xi32, #tpu.memory_space<vmem>>
    %dma_wait3A_191 = tpu.memref_squeeze %dma_wait3A_190 : memref<1x80xi32, #tpu.memory_space<vmem>> -> memref<80xi32, #tpu.memory_space<vmem>>
    %dma_wait3A_192 = arith.constant 0 : i32
    %dma_wait3A_193 = arith.constant 0 : i32
    %dma_wait3A_194 = tpu.memref_slice %arg7[%dma_wait3A_192, %dma_wait3A_193] : memref<10112x128xf32, #tpu.memory_space<vmem_shared>> -> memref<10112x128xf32, #tpu.memory_space<vmem_shared>>
    tpu.wait_indirect_dma semaphore(%arg18 : memref<!tpu.dma_semaphore, #tpu.memory_space<semaphore_mem>>) src(%arg10 : memref<80x128xf32, #tpu.memory_space<vmem>>) dst(%dma_wait3A_194 : memref<10112x128xf32, #tpu.memory_space<vmem_shared>>)
    %dma_wait3A_195 = arith.constant 29 : i32
    %dma_wait3A_196 = arith.constant 0 : i32
    %dma_wait3A_197 = tpu.memref_slice %arg9[%dma_wait3A_195, %dma_wait3A_196] : memref<32x80xi32, #tpu.memory_space<vmem>> -> memref<1x80xi32, #tpu.memory_space<vmem>>
    %dma_wait3A_198 = tpu.memref_squeeze %dma_wait3A_197 : memref<1x80xi32, #tpu.memory_space<vmem>> -> memref<80xi32, #tpu.memory_space<vmem>>
    %dma_wait3A_199 = arith.constant 0 : i32
    %dma_wait3A_200 = arith.constant 0 : i32
    %dma_wait3A_201 = tpu.memref_slice %arg7[%dma_wait3A_199, %dma_wait3A_200] : memref<10112x128xf32, #tpu.memory_space<vmem_shared>> -> memref<10112x128xf32, #tpu.memory_space<vmem_shared>>
    tpu.wait_indirect_dma semaphore(%arg19 : memref<!tpu.dma_semaphore, #tpu.memory_space<semaphore_mem>>) src(%arg11 : memref<80x128xf32, #tpu.memory_space<vmem>>) dst(%dma_wait3A_201 : memref<10112x128xf32, #tpu.memory_space<vmem_shared>>)
    %dma_wait3A_202 = arith.constant 30 : i32
    %dma_wait3A_203 = arith.constant 0 : i32
    %dma_wait3A_204 = tpu.memref_slice %arg9[%dma_wait3A_202, %dma_wait3A_203] : memref<32x80xi32, #tpu.memory_space<vmem>> -> memref<1x80xi32, #tpu.memory_space<vmem>>
    %dma_wait3A_205 = tpu.memref_squeeze %dma_wait3A_204 : memref<1x80xi32, #tpu.memory_space<vmem>> -> memref<80xi32, #tpu.memory_space<vmem>>
    %dma_wait3A_206 = arith.constant 0 : i32
    %dma_wait3A_207 = arith.constant 0 : i32
    %dma_wait3A_208 = tpu.memref_slice %arg7[%dma_wait3A_206, %dma_wait3A_207] : memref<10112x128xf32, #tpu.memory_space<vmem_shared>> -> memref<10112x128xf32, #tpu.memory_space<vmem_shared>>
    tpu.wait_indirect_dma semaphore(%arg20 : memref<!tpu.dma_semaphore, #tpu.memory_space<semaphore_mem>>) src(%arg12 : memref<80x128xf32, #tpu.memory_space<vmem>>) dst(%dma_wait3A_208 : memref<10112x128xf32, #tpu.memory_space<vmem_shared>>)
    %dma_wait3A_209 = arith.constant 31 : i32
    %dma_wait3A_210 = arith.constant 0 : i32
    %dma_wait3A_211 = tpu.memref_slice %arg9[%dma_wait3A_209, %dma_wait3A_210] : memref<32x80xi32, #tpu.memory_space<vmem>> -> memref<1x80xi32, #tpu.memory_space<vmem>>
    %dma_wait3A_212 = tpu.memref_squeeze %dma_wait3A_211 : memref<1x80xi32, #tpu.memory_space<vmem>> -> memref<80xi32, #tpu.memory_space<vmem>>
    %dma_wait3A_213 = arith.constant 0 : i32
    %dma_wait3A_214 = arith.constant 0 : i32
    %dma_wait3A_215 = tpu.memref_slice %arg7[%dma_wait3A_213, %dma_wait3A_214] : memref<10112x128xf32, #tpu.memory_space<vmem_shared>> -> memref<10112x128xf32, #tpu.memory_space<vmem_shared>>
    tpu.wait_indirect_dma semaphore(%arg21 : memref<!tpu.dma_semaphore, #tpu.memory_space<semaphore_mem>>) src(%arg13 : memref<80x128xf32, #tpu.memory_space<vmem>>) dst(%dma_wait3A_215 : memref<10112x128xf32, #tpu.memory_space<vmem_shared>>)
    %mul3A_216 = arith.constant 2048 : i32
    %mul3A_217 = arith.muli %arg0, %mul3A_216 : i32
    %mul3A_218 = arith.constant 128 : i32
    %mul3A_219 = arith.muli %arg1, %mul3A_218 : i32
    %add3A_220 = arith.addi %mul3A_217, %mul3A_219 : i32
    %add3A_221 = arith.constant 96 : i32
    %add3A_222 = arith.addi %add3A_220, %add3A_221 : i32
    "tpu.region"() ({
      %run_scoped3A = tpu.sem_alloc : memref<!tpu.dma_semaphore, #tpu.memory_space<semaphore_mem>>
      %dma_start3A_293 = arith.constant 0 : i32
      %dma_start3A_294 = tpu.memref_slice %arg3[%add3A_222, %dma_start3A_293] : memref<4096x80xi32, #tpu.memory_space<hbm>> -> memref<32x80xi32, #tpu.memory_space<hbm>>
      %dma_start3A_295 = arith.constant 0 : i32
      %dma_start3A_296 = tpu.memref_slice %arg3[%add3A_222, %dma_start3A_295] : memref<4096x80xi32, #tpu.memory_space<hbm>> -> memref<32x80xi32, #tpu.memory_space<hbm>>
      tpu.enqueue_dma source(%dma_start3A_296 : memref<32x80xi32, #tpu.memory_space<hbm>>) target(%arg8 : memref<32x80xi32, #tpu.memory_space<vmem>>) target_semaphore(%run_scoped3A : memref<!tpu.dma_semaphore, #tpu.memory_space<semaphore_mem>>)
      %dma_wait3A_297 = arith.constant 0 : i32
      %dma_wait3A_298 = tpu.memref_slice %arg3[%add3A_222, %dma_wait3A_297] : memref<4096x80xi32, #tpu.memory_space<hbm>> -> memref<32x80xi32, #tpu.memory_space<hbm>>
      %dma_wait3A_299 = arith.constant 0 : i32
      %dma_wait3A_300 = tpu.memref_slice %arg3[%add3A_222, %dma_wait3A_299] : memref<4096x80xi32, #tpu.memory_space<hbm>> -> memref<32x80xi32, #tpu.memory_space<hbm>>
      tpu.wait_dma2 semaphore(%run_scoped3A : memref<!tpu.dma_semaphore, #tpu.memory_space<semaphore_mem>>) src(%dma_wait3A_300 : memref<32x80xi32, #tpu.memory_space<hbm>>) dst(%arg8 : memref<32x80xi32, #tpu.memory_space<vmem>>)
      tpu.yield
    }) : () -> ()
    %mul3A_223 = arith.constant 128 : i32
    %mul3A_224 = arith.muli %arg1, %mul3A_223 : i32
    %add3A_225 = arith.constant 96 : i32
    %add3A_226 = arith.addi %mul3A_224, %add3A_225 : i32
    "tpu.region"() ({
      %run_scoped3A = tpu.sem_alloc : memref<!tpu.dma_semaphore, #tpu.memory_space<semaphore_mem>>
      %dma_start3A_293 = arith.constant 0 : i32
      %dma_start3A_294 = tpu.memref_slice %arg4[%add3A_226, %dma_start3A_293] : memref<2048x80xi32, #tpu.memory_space<hbm>> -> memref<32x80xi32, #tpu.memory_space<hbm>>
      %dma_start3A_295 = arith.constant 0 : i32
      %dma_start3A_296 = tpu.memref_slice %arg4[%add3A_226, %dma_start3A_295] : memref<2048x80xi32, #tpu.memory_space<hbm>> -> memref<32x80xi32, #tpu.memory_space<hbm>>
      tpu.enqueue_dma source(%dma_start3A_296 : memref<32x80xi32, #tpu.memory_space<hbm>>) target(%arg9 : memref<32x80xi32, #tpu.memory_space<vmem>>) target_semaphore(%run_scoped3A : memref<!tpu.dma_semaphore, #tpu.memory_space<semaphore_mem>>)
      %dma_wait3A_297 = arith.constant 0 : i32
      %dma_wait3A_298 = tpu.memref_slice %arg4[%add3A_226, %dma_wait3A_297] : memref<2048x80xi32, #tpu.memory_space<hbm>> -> memref<32x80xi32, #tpu.memory_space<hbm>>
      %dma_wait3A_299 = arith.constant 0 : i32
      %dma_wait3A_300 = tpu.memref_slice %arg4[%add3A_226, %dma_wait3A_299] : memref<2048x80xi32, #tpu.memory_space<hbm>> -> memref<32x80xi32, #tpu.memory_space<hbm>>
      tpu.wait_dma2 semaphore(%run_scoped3A : memref<!tpu.dma_semaphore, #tpu.memory_space<semaphore_mem>>) src(%dma_wait3A_300 : memref<32x80xi32, #tpu.memory_space<hbm>>) dst(%arg9 : memref<32x80xi32, #tpu.memory_space<vmem>>)
      tpu.yield
    }) : () -> ()
    %dma_start3A_227 = arith.constant 0 : i32
    %dma_start3A_228 = arith.constant 0 : i32
    %dma_start3A_229 = tpu.memref_slice %arg8[%dma_start3A_227, %dma_start3A_228] : memref<32x80xi32, #tpu.memory_space<vmem>> -> memref<1x80xi32, #tpu.memory_space<vmem>>
    %dma_start3A_230 = tpu.memref_squeeze %dma_start3A_229 : memref<1x80xi32, #tpu.memory_space<vmem>> -> memref<80xi32, #tpu.memory_space<vmem>>
    %dma_start3A_231 = arith.constant 0 : i32
    %dma_start3A_232 = arith.constant 0 : i32
    %dma_start3A_233 = tpu.memref_slice %arg2[%dma_start3A_231, %dma_start3A_232] : memref<20000x128xf32, #tpu.memory_space<hbm>> -> memref<20000x128xf32, #tpu.memory_space<hbm>>
    tpu.enqueue_indirect_dma source(%dma_start3A_233 : memref<20000x128xf32, #tpu.memory_space<hbm>>) target(%arg10 : memref<80x128xf32, #tpu.memory_space<vmem>>) offsets(%dma_start3A_230 : memref<80xi32, #tpu.memory_space<vmem>>) semaphore(%arg14 : memref<!tpu.dma_semaphore, #tpu.memory_space<semaphore_mem>>)
    %dma_start3A_234 = arith.constant 1 : i32
    %dma_start3A_235 = arith.constant 0 : i32
    %dma_start3A_236 = tpu.memref_slice %arg8[%dma_start3A_234, %dma_start3A_235] : memref<32x80xi32, #tpu.memory_space<vmem>> -> memref<1x80xi32, #tpu.memory_space<vmem>>
    %dma_start3A_237 = tpu.memref_squeeze %dma_start3A_236 : memref<1x80xi32, #tpu.memory_space<vmem>> -> memref<80xi32, #tpu.memory_space<vmem>>
    %dma_start3A_238 = arith.constant 0 : i32
    %dma_start3A_239 = arith.constant 0 : i32
    %dma_start3A_240 = tpu.memref_slice %arg2[%dma_start3A_238, %dma_start3A_239] : memref<20000x128xf32, #tpu.memory_space<hbm>> -> memref<20000x128xf32, #tpu.memory_space<hbm>>
    tpu.enqueue_indirect_dma source(%dma_start3A_240 : memref<20000x128xf32, #tpu.memory_space<hbm>>) target(%arg11 : memref<80x128xf32, #tpu.memory_space<vmem>>) offsets(%dma_start3A_237 : memref<80xi32, #tpu.memory_space<vmem>>) semaphore(%arg15 : memref<!tpu.dma_semaphore, #tpu.memory_space<semaphore_mem>>)
    %dma_start3A_241 = arith.constant 2 : i32
    %dma_start3A_242 = arith.constant 0 : i32
    %dma_start3A_243 = tpu.memref_slice %arg8[%dma_start3A_241, %dma_start3A_242] : memref<32x80xi32, #tpu.memory_space<vmem>> -> memref<1x80xi32, #tpu.memory_space<vmem>>
    %dma_start3A_244 = tpu.memref_squeeze %dma_start3A_243 : memref<1x80xi32, #tpu.memory_space<vmem>> -> memref<80xi32, #tpu.memory_space<vmem>>
    %dma_start3A_245 = arith.constant 0 : i32
    %dma_start3A_246 = arith.constant 0 : i32
    %dma_start3A_247 = tpu.memref_slice %arg2[%dma_start3A_245, %dma_start3A_246] : memref<20000x128xf32, #tpu.memory_space<hbm>> -> memref<20000x128xf32, #tpu.memory_space<hbm>>
    tpu.enqueue_indirect_dma source(%dma_start3A_247 : memref<20000x128xf32, #tpu.memory_space<hbm>>) target(%arg12 : memref<80x128xf32, #tpu.memory_space<vmem>>) offsets(%dma_start3A_244 : memref<80xi32, #tpu.memory_space<vmem>>) semaphore(%arg16 : memref<!tpu.dma_semaphore, #tpu.memory_space<semaphore_mem>>)
    %dma_start3A_248 = arith.constant 3 : i32
    %dma_start3A_249 = arith.constant 0 : i32
    %dma_start3A_250 = tpu.memref_slice %arg8[%dma_start3A_248, %dma_start3A_249] : memref<32x80xi32, #tpu.memory_space<vmem>> -> memref<1x80xi32, #tpu.memory_space<vmem>>
    %dma_start3A_251 = tpu.memref_squeeze %dma_start3A_250 : memref<1x80xi32, #tpu.memory_space<vmem>> -> memref<80xi32, #tpu.memory_space<vmem>>
    %dma_start3A_252 = arith.constant 0 : i32
    %dma_start3A_253 = arith.constant 0 : i32
    %dma_start3A_254 = tpu.memref_slice %arg2[%dma_start3A_252, %dma_start3A_253] : memref<20000x128xf32, #tpu.memory_space<hbm>> -> memref<20000x128xf32, #tpu.memory_space<hbm>>
    tpu.enqueue_indirect_dma source(%dma_start3A_254 : memref<20000x128xf32, #tpu.memory_space<hbm>>) target(%arg13 : memref<80x128xf32, #tpu.memory_space<vmem>>) offsets(%dma_start3A_251 : memref<80xi32, #tpu.memory_space<vmem>>) semaphore(%arg17 : memref<!tpu.dma_semaphore, #tpu.memory_space<semaphore_mem>>)
    %scan3A_255 = arith.constant 0 : i32
    %scan3A_256 = arith.constant 0 : i32
    %scan3A_257 = arith.constant 8 : i32
    %scan3A_258 = arith.addi %scan3A_256, %scan3A_257 : i32
    %scan3A_259 = arith.constant 1 : i32
    scf.for %scan3A_293 = %scan3A_256 to %scan3A_258 step %scan3A_259  : i32 {
      %mul3A_294 = arith.constant 4 : i32
      %mul3A_295 = arith.muli %mul3A_294, %scan3A_293 : i32
      %add3A_296 = arith.constant 0 : i32
      %add3A_297 = arith.addi %mul3A_295, %add3A_296 : i32
      %dma_wait3A_298 = arith.constant 0 : i32
      %dma_wait3A_299 = tpu.memref_slice %arg8[%add3A_297, %dma_wait3A_298] : memref<32x80xi32, #tpu.memory_space<vmem>> -> memref<1x80xi32, #tpu.memory_space<vmem>>
      %dma_wait3A_300 = tpu.memref_squeeze %dma_wait3A_299 : memref<1x80xi32, #tpu.memory_space<vmem>> -> memref<80xi32, #tpu.memory_space<vmem>>
      %dma_wait3A_301 = arith.constant 0 : i32
      %dma_wait3A_302 = arith.constant 0 : i32
      %dma_wait3A_303 = tpu.memref_slice %arg2[%dma_wait3A_301, %dma_wait3A_302] : memref<20000x128xf32, #tpu.memory_space<hbm>> -> memref<20000x128xf32, #tpu.memory_space<hbm>>
      tpu.wait_indirect_dma semaphore(%arg14 : memref<!tpu.dma_semaphore, #tpu.memory_space<semaphore_mem>>) src(%dma_wait3A_303 : memref<20000x128xf32, #tpu.memory_space<hbm>>) dst(%arg10 : memref<80x128xf32, #tpu.memory_space<vmem>>)
      %add3A_304 = arith.constant 0 : i32
      %add3A_305 = arith.addi %mul3A_295, %add3A_304 : i32
      %dma_start3A_306 = arith.constant 0 : i32
      %dma_start3A_307 = tpu.memref_slice %arg9[%add3A_305, %dma_start3A_306] : memref<32x80xi32, #tpu.memory_space<vmem>> -> memref<1x80xi32, #tpu.memory_space<vmem>>
      %dma_start3A_308 = tpu.memref_squeeze %dma_start3A_307 : memref<1x80xi32, #tpu.memory_space<vmem>> -> memref<80xi32, #tpu.memory_space<vmem>>
      %dma_start3A_309 = arith.constant 0 : i32
      %dma_start3A_310 = arith.constant 0 : i32
      %dma_start3A_311 = tpu.memref_slice %arg7[%dma_start3A_309, %dma_start3A_310] : memref<10112x128xf32, #tpu.memory_space<vmem_shared>> -> memref<10112x128xf32, #tpu.memory_space<vmem_shared>>
      tpu.enqueue_indirect_dma source(%arg10 : memref<80x128xf32, #tpu.memory_space<vmem>>) target(%dma_start3A_311 : memref<10112x128xf32, #tpu.memory_space<vmem_shared>>) offsets(%dma_start3A_308 : memref<80xi32, #tpu.memory_space<vmem>>) semaphore(%arg18 : memref<!tpu.dma_semaphore, #tpu.memory_space<semaphore_mem>>) {add = true}
      %add3A_312 = arith.constant 1 : i32
      %add3A_313 = arith.addi %mul3A_295, %add3A_312 : i32
      %dma_wait3A_314 = arith.constant 0 : i32
      %dma_wait3A_315 = tpu.memref_slice %arg8[%add3A_313, %dma_wait3A_314] : memref<32x80xi32, #tpu.memory_space<vmem>> -> memref<1x80xi32, #tpu.memory_space<vmem>>
      %dma_wait3A_316 = tpu.memref_squeeze %dma_wait3A_315 : memref<1x80xi32, #tpu.memory_space<vmem>> -> memref<80xi32, #tpu.memory_space<vmem>>
      %dma_wait3A_317 = arith.constant 0 : i32
      %dma_wait3A_318 = arith.constant 0 : i32
      %dma_wait3A_319 = tpu.memref_slice %arg2[%dma_wait3A_317, %dma_wait3A_318] : memref<20000x128xf32, #tpu.memory_space<hbm>> -> memref<20000x128xf32, #tpu.memory_space<hbm>>
      tpu.wait_indirect_dma semaphore(%arg15 : memref<!tpu.dma_semaphore, #tpu.memory_space<semaphore_mem>>) src(%dma_wait3A_319 : memref<20000x128xf32, #tpu.memory_space<hbm>>) dst(%arg11 : memref<80x128xf32, #tpu.memory_space<vmem>>)
      %add3A_320 = arith.constant 1 : i32
      %add3A_321 = arith.addi %mul3A_295, %add3A_320 : i32
      %dma_start3A_322 = arith.constant 0 : i32
      %dma_start3A_323 = tpu.memref_slice %arg9[%add3A_321, %dma_start3A_322] : memref<32x80xi32, #tpu.memory_space<vmem>> -> memref<1x80xi32, #tpu.memory_space<vmem>>
      %dma_start3A_324 = tpu.memref_squeeze %dma_start3A_323 : memref<1x80xi32, #tpu.memory_space<vmem>> -> memref<80xi32, #tpu.memory_space<vmem>>
      %dma_start3A_325 = arith.constant 0 : i32
      %dma_start3A_326 = arith.constant 0 : i32
      %dma_start3A_327 = tpu.memref_slice %arg7[%dma_start3A_325, %dma_start3A_326] : memref<10112x128xf32, #tpu.memory_space<vmem_shared>> -> memref<10112x128xf32, #tpu.memory_space<vmem_shared>>
      tpu.enqueue_indirect_dma source(%arg11 : memref<80x128xf32, #tpu.memory_space<vmem>>) target(%dma_start3A_327 : memref<10112x128xf32, #tpu.memory_space<vmem_shared>>) offsets(%dma_start3A_324 : memref<80xi32, #tpu.memory_space<vmem>>) semaphore(%arg19 : memref<!tpu.dma_semaphore, #tpu.memory_space<semaphore_mem>>) {add = true}
      %add3A_328 = arith.constant 2 : i32
      %add3A_329 = arith.addi %mul3A_295, %add3A_328 : i32
      %dma_wait3A_330 = arith.constant 0 : i32
      %dma_wait3A_331 = tpu.memref_slice %arg8[%add3A_329, %dma_wait3A_330] : memref<32x80xi32, #tpu.memory_space<vmem>> -> memref<1x80xi32, #tpu.memory_space<vmem>>
      %dma_wait3A_332 = tpu.memref_squeeze %dma_wait3A_331 : memref<1x80xi32, #tpu.memory_space<vmem>> -> memref<80xi32, #tpu.memory_space<vmem>>
      %dma_wait3A_333 = arith.constant 0 : i32
      %dma_wait3A_334 = arith.constant 0 : i32
      %dma_wait3A_335 = tpu.memref_slice %arg2[%dma_wait3A_333, %dma_wait3A_334] : memref<20000x128xf32, #tpu.memory_space<hbm>> -> memref<20000x128xf32, #tpu.memory_space<hbm>>
      tpu.wait_indirect_dma semaphore(%arg16 : memref<!tpu.dma_semaphore, #tpu.memory_space<semaphore_mem>>) src(%dma_wait3A_335 : memref<20000x128xf32, #tpu.memory_space<hbm>>) dst(%arg12 : memref<80x128xf32, #tpu.memory_space<vmem>>)
      %add3A_336 = arith.constant 2 : i32
      %add3A_337 = arith.addi %mul3A_295, %add3A_336 : i32
      %dma_start3A_338 = arith.constant 0 : i32
      %dma_start3A_339 = tpu.memref_slice %arg9[%add3A_337, %dma_start3A_338] : memref<32x80xi32, #tpu.memory_space<vmem>> -> memref<1x80xi32, #tpu.memory_space<vmem>>
      %dma_start3A_340 = tpu.memref_squeeze %dma_start3A_339 : memref<1x80xi32, #tpu.memory_space<vmem>> -> memref<80xi32, #tpu.memory_space<vmem>>
      %dma_start3A_341 = arith.constant 0 : i32
      %dma_start3A_342 = arith.constant 0 : i32
      %dma_start3A_343 = tpu.memref_slice %arg7[%dma_start3A_341, %dma_start3A_342] : memref<10112x128xf32, #tpu.memory_space<vmem_shared>> -> memref<10112x128xf32, #tpu.memory_space<vmem_shared>>
      tpu.enqueue_indirect_dma source(%arg12 : memref<80x128xf32, #tpu.memory_space<vmem>>) target(%dma_start3A_343 : memref<10112x128xf32, #tpu.memory_space<vmem_shared>>) offsets(%dma_start3A_340 : memref<80xi32, #tpu.memory_space<vmem>>) semaphore(%arg20 : memref<!tpu.dma_semaphore, #tpu.memory_space<semaphore_mem>>) {add = true}
      %add3A_344 = arith.constant 3 : i32
      %add3A_345 = arith.addi %mul3A_295, %add3A_344 : i32
      %dma_wait3A_346 = arith.constant 0 : i32
      %dma_wait3A_347 = tpu.memref_slice %arg8[%add3A_345, %dma_wait3A_346] : memref<32x80xi32, #tpu.memory_space<vmem>> -> memref<1x80xi32, #tpu.memory_space<vmem>>
      %dma_wait3A_348 = tpu.memref_squeeze %dma_wait3A_347 : memref<1x80xi32, #tpu.memory_space<vmem>> -> memref<80xi32, #tpu.memory_space<vmem>>
      %dma_wait3A_349 = arith.constant 0 : i32
      %dma_wait3A_350 = arith.constant 0 : i32
      %dma_wait3A_351 = tpu.memref_slice %arg2[%dma_wait3A_349, %dma_wait3A_350] : memref<20000x128xf32, #tpu.memory_space<hbm>> -> memref<20000x128xf32, #tpu.memory_space<hbm>>
      tpu.wait_indirect_dma semaphore(%arg17 : memref<!tpu.dma_semaphore, #tpu.memory_space<semaphore_mem>>) src(%dma_wait3A_351 : memref<20000x128xf32, #tpu.memory_space<hbm>>) dst(%arg13 : memref<80x128xf32, #tpu.memory_space<vmem>>)
      %add3A_352 = arith.constant 3 : i32
      %add3A_353 = arith.addi %mul3A_295, %add3A_352 : i32
      %dma_start3A_354 = arith.constant 0 : i32
      %dma_start3A_355 = tpu.memref_slice %arg9[%add3A_353, %dma_start3A_354] : memref<32x80xi32, #tpu.memory_space<vmem>> -> memref<1x80xi32, #tpu.memory_space<vmem>>
      %dma_start3A_356 = tpu.memref_squeeze %dma_start3A_355 : memref<1x80xi32, #tpu.memory_space<vmem>> -> memref<80xi32, #tpu.memory_space<vmem>>
      %dma_start3A_357 = arith.constant 0 : i32
      %dma_start3A_358 = arith.constant 0 : i32
      %dma_start3A_359 = tpu.memref_slice %arg7[%dma_start3A_357, %dma_start3A_358] : memref<10112x128xf32, #tpu.memory_space<vmem_shared>> -> memref<10112x128xf32, #tpu.memory_space<vmem_shared>>
      tpu.enqueue_indirect_dma source(%arg13 : memref<80x128xf32, #tpu.memory_space<vmem>>) target(%dma_start3A_359 : memref<10112x128xf32, #tpu.memory_space<vmem_shared>>) offsets(%dma_start3A_356 : memref<80xi32, #tpu.memory_space<vmem>>) semaphore(%arg21 : memref<!tpu.dma_semaphore, #tpu.memory_space<semaphore_mem>>) {add = true}
      %lt3A = arith.constant 7 : i32
      %lt3A_360 = arith.cmpi slt, %scan3A_293, %lt3A : i32
      %convert_element_type3A = arith.extui %lt3A_360 : i1 to i32
      %cond3A = arith.constant 0 : i32
      %cond3A_361 = arith.cmpi ne, %convert_element_type3A, %cond3A : i32
      scf.if %cond3A_361 {
        %add3A_362 = arith.constant 0 : i32
        %add3A_363 = arith.addi %mul3A_295, %add3A_362 : i32
        %dma_wait3A_364 = arith.constant 0 : i32
        %dma_wait3A_365 = tpu.memref_slice %arg9[%add3A_363, %dma_wait3A_364] : memref<32x80xi32, #tpu.memory_space<vmem>> -> memref<1x80xi32, #tpu.memory_space<vmem>>
        %dma_wait3A_366 = tpu.memref_squeeze %dma_wait3A_365 : memref<1x80xi32, #tpu.memory_space<vmem>> -> memref<80xi32, #tpu.memory_space<vmem>>
        %dma_wait3A_367 = arith.constant 0 : i32
        %dma_wait3A_368 = arith.constant 0 : i32
        %dma_wait3A_369 = tpu.memref_slice %arg7[%dma_wait3A_367, %dma_wait3A_368] : memref<10112x128xf32, #tpu.memory_space<vmem_shared>> -> memref<10112x128xf32, #tpu.memory_space<vmem_shared>>
        tpu.wait_indirect_dma semaphore(%arg18 : memref<!tpu.dma_semaphore, #tpu.memory_space<semaphore_mem>>) src(%arg10 : memref<80x128xf32, #tpu.memory_space<vmem>>) dst(%dma_wait3A_369 : memref<10112x128xf32, #tpu.memory_space<vmem_shared>>)
        %add3A_370 = arith.constant 4 : i32
        %add3A_371 = arith.addi %mul3A_295, %add3A_370 : i32
        %add3A_372 = arith.constant 0 : i32
        %add3A_373 = arith.addi %add3A_371, %add3A_372 : i32
        %dma_start3A_374 = arith.constant 0 : i32
        %dma_start3A_375 = tpu.memref_slice %arg8[%add3A_373, %dma_start3A_374] : memref<32x80xi32, #tpu.memory_space<vmem>> -> memref<1x80xi32, #tpu.memory_space<vmem>>
        %dma_start3A_376 = tpu.memref_squeeze %dma_start3A_375 : memref<1x80xi32, #tpu.memory_space<vmem>> -> memref<80xi32, #tpu.memory_space<vmem>>
        %dma_start3A_377 = arith.constant 0 : i32
        %dma_start3A_378 = arith.constant 0 : i32
        %dma_start3A_379 = tpu.memref_slice %arg2[%dma_start3A_377, %dma_start3A_378] : memref<20000x128xf32, #tpu.memory_space<hbm>> -> memref<20000x128xf32, #tpu.memory_space<hbm>>
        tpu.enqueue_indirect_dma source(%dma_start3A_379 : memref<20000x128xf32, #tpu.memory_space<hbm>>) target(%arg10 : memref<80x128xf32, #tpu.memory_space<vmem>>) offsets(%dma_start3A_376 : memref<80xi32, #tpu.memory_space<vmem>>) semaphore(%arg14 : memref<!tpu.dma_semaphore, #tpu.memory_space<semaphore_mem>>)
        %add3A_380 = arith.constant 1 : i32
        %add3A_381 = arith.addi %mul3A_295, %add3A_380 : i32
        %dma_wait3A_382 = arith.constant 0 : i32
        %dma_wait3A_383 = tpu.memref_slice %arg9[%add3A_381, %dma_wait3A_382] : memref<32x80xi32, #tpu.memory_space<vmem>> -> memref<1x80xi32, #tpu.memory_space<vmem>>
        %dma_wait3A_384 = tpu.memref_squeeze %dma_wait3A_383 : memref<1x80xi32, #tpu.memory_space<vmem>> -> memref<80xi32, #tpu.memory_space<vmem>>
        %dma_wait3A_385 = arith.constant 0 : i32
        %dma_wait3A_386 = arith.constant 0 : i32
        %dma_wait3A_387 = tpu.memref_slice %arg7[%dma_wait3A_385, %dma_wait3A_386] : memref<10112x128xf32, #tpu.memory_space<vmem_shared>> -> memref<10112x128xf32, #tpu.memory_space<vmem_shared>>
        tpu.wait_indirect_dma semaphore(%arg19 : memref<!tpu.dma_semaphore, #tpu.memory_space<semaphore_mem>>) src(%arg11 : memref<80x128xf32, #tpu.memory_space<vmem>>) dst(%dma_wait3A_387 : memref<10112x128xf32, #tpu.memory_space<vmem_shared>>)
        %add3A_388 = arith.constant 4 : i32
        %add3A_389 = arith.addi %mul3A_295, %add3A_388 : i32
        %add3A_390 = arith.constant 1 : i32
        %add3A_391 = arith.addi %add3A_389, %add3A_390 : i32
        %dma_start3A_392 = arith.constant 0 : i32
        %dma_start3A_393 = tpu.memref_slice %arg8[%add3A_391, %dma_start3A_392] : memref<32x80xi32, #tpu.memory_space<vmem>> -> memref<1x80xi32, #tpu.memory_space<vmem>>
        %dma_start3A_394 = tpu.memref_squeeze %dma_start3A_393 : memref<1x80xi32, #tpu.memory_space<vmem>> -> memref<80xi32, #tpu.memory_space<vmem>>
        %dma_start3A_395 = arith.constant 0 : i32
        %dma_start3A_396 = arith.constant 0 : i32
        %dma_start3A_397 = tpu.memref_slice %arg2[%dma_start3A_395, %dma_start3A_396] : memref<20000x128xf32, #tpu.memory_space<hbm>> -> memref<20000x128xf32, #tpu.memory_space<hbm>>
        tpu.enqueue_indirect_dma source(%dma_start3A_397 : memref<20000x128xf32, #tpu.memory_space<hbm>>) target(%arg11 : memref<80x128xf32, #tpu.memory_space<vmem>>) offsets(%dma_start3A_394 : memref<80xi32, #tpu.memory_space<vmem>>) semaphore(%arg15 : memref<!tpu.dma_semaphore, #tpu.memory_space<semaphore_mem>>)
        %add3A_398 = arith.constant 2 : i32
        %add3A_399 = arith.addi %mul3A_295, %add3A_398 : i32
        %dma_wait3A_400 = arith.constant 0 : i32
        %dma_wait3A_401 = tpu.memref_slice %arg9[%add3A_399, %dma_wait3A_400] : memref<32x80xi32, #tpu.memory_space<vmem>> -> memref<1x80xi32, #tpu.memory_space<vmem>>
        %dma_wait3A_402 = tpu.memref_squeeze %dma_wait3A_401 : memref<1x80xi32, #tpu.memory_space<vmem>> -> memref<80xi32, #tpu.memory_space<vmem>>
        %dma_wait3A_403 = arith.constant 0 : i32
        %dma_wait3A_404 = arith.constant 0 : i32
        %dma_wait3A_405 = tpu.memref_slice %arg7[%dma_wait3A_403, %dma_wait3A_404] : memref<10112x128xf32, #tpu.memory_space<vmem_shared>> -> memref<10112x128xf32, #tpu.memory_space<vmem_shared>>
        tpu.wait_indirect_dma semaphore(%arg20 : memref<!tpu.dma_semaphore, #tpu.memory_space<semaphore_mem>>) src(%arg12 : memref<80x128xf32, #tpu.memory_space<vmem>>) dst(%dma_wait3A_405 : memref<10112x128xf32, #tpu.memory_space<vmem_shared>>)
        %add3A_406 = arith.constant 4 : i32
        %add3A_407 = arith.addi %mul3A_295, %add3A_406 : i32
        %add3A_408 = arith.constant 2 : i32
        %add3A_409 = arith.addi %add3A_407, %add3A_408 : i32
        %dma_start3A_410 = arith.constant 0 : i32
        %dma_start3A_411 = tpu.memref_slice %arg8[%add3A_409, %dma_start3A_410] : memref<32x80xi32, #tpu.memory_space<vmem>> -> memref<1x80xi32, #tpu.memory_space<vmem>>
        %dma_start3A_412 = tpu.memref_squeeze %dma_start3A_411 : memref<1x80xi32, #tpu.memory_space<vmem>> -> memref<80xi32, #tpu.memory_space<vmem>>
        %dma_start3A_413 = arith.constant 0 : i32
        %dma_start3A_414 = arith.constant 0 : i32
        %dma_start3A_415 = tpu.memref_slice %arg2[%dma_start3A_413, %dma_start3A_414] : memref<20000x128xf32, #tpu.memory_space<hbm>> -> memref<20000x128xf32, #tpu.memory_space<hbm>>
        tpu.enqueue_indirect_dma source(%dma_start3A_415 : memref<20000x128xf32, #tpu.memory_space<hbm>>) target(%arg12 : memref<80x128xf32, #tpu.memory_space<vmem>>) offsets(%dma_start3A_412 : memref<80xi32, #tpu.memory_space<vmem>>) semaphore(%arg16 : memref<!tpu.dma_semaphore, #tpu.memory_space<semaphore_mem>>)
        %add3A_416 = arith.constant 3 : i32
        %add3A_417 = arith.addi %mul3A_295, %add3A_416 : i32
        %dma_wait3A_418 = arith.constant 0 : i32
        %dma_wait3A_419 = tpu.memref_slice %arg9[%add3A_417, %dma_wait3A_418] : memref<32x80xi32, #tpu.memory_space<vmem>> -> memref<1x80xi32, #tpu.memory_space<vmem>>
        %dma_wait3A_420 = tpu.memref_squeeze %dma_wait3A_419 : memref<1x80xi32, #tpu.memory_space<vmem>> -> memref<80xi32, #tpu.memory_space<vmem>>
        %dma_wait3A_421 = arith.constant 0 : i32
        %dma_wait3A_422 = arith.constant 0 : i32
        %dma_wait3A_423 = tpu.memref_slice %arg7[%dma_wait3A_421, %dma_wait3A_422] : memref<10112x128xf32, #tpu.memory_space<vmem_shared>> -> memref<10112x128xf32, #tpu.memory_space<vmem_shared>>
        tpu.wait_indirect_dma semaphore(%arg21 : memref<!tpu.dma_semaphore, #tpu.memory_space<semaphore_mem>>) src(%arg13 : memref<80x128xf32, #tpu.memory_space<vmem>>) dst(%dma_wait3A_423 : memref<10112x128xf32, #tpu.memory_space<vmem_shared>>)
        %add3A_424 = arith.constant 4 : i32
        %add3A_425 = arith.addi %mul3A_295, %add3A_424 : i32
        %add3A_426 = arith.constant 3 : i32
        %add3A_427 = arith.addi %add3A_425, %add3A_426 : i32
        %dma_start3A_428 = arith.constant 0 : i32
        %dma_start3A_429 = tpu.memref_slice %arg8[%add3A_427, %dma_start3A_428] : memref<32x80xi32, #tpu.memory_space<vmem>> -> memref<1x80xi32, #tpu.memory_space<vmem>>
        %dma_start3A_430 = tpu.memref_squeeze %dma_start3A_429 : memref<1x80xi32, #tpu.memory_space<vmem>> -> memref<80xi32, #tpu.memory_space<vmem>>
        %dma_start3A_431 = arith.constant 0 : i32
        %dma_start3A_432 = arith.constant 0 : i32
        %dma_start3A_433 = tpu.memref_slice %arg2[%dma_start3A_431, %dma_start3A_432] : memref<20000x128xf32, #tpu.memory_space<hbm>> -> memref<20000x128xf32, #tpu.memory_space<hbm>>
        tpu.enqueue_indirect_dma source(%dma_start3A_433 : memref<20000x128xf32, #tpu.memory_space<hbm>>) target(%arg13 : memref<80x128xf32, #tpu.memory_space<vmem>>) offsets(%dma_start3A_430 : memref<80xi32, #tpu.memory_space<vmem>>) semaphore(%arg17 : memref<!tpu.dma_semaphore, #tpu.memory_space<semaphore_mem>>)
      } else {
      }
    }
    %scan3A_260 = arith.constant 8 : i32
    %dma_wait3A_261 = arith.constant 28 : i32
    %dma_wait3A_262 = arith.constant 0 : i32
    %dma_wait3A_263 = tpu.memref_slice %arg9[%dma_wait3A_261, %dma_wait3A_262] : memref<32x80xi32, #tpu.memory_space<vmem>> -> memref<1x80xi32, #tpu.memory_space<vmem>>
    %dma_wait3A_264 = tpu.memref_squeeze %dma_wait3A_263 : memref<1x80xi32, #tpu.memory_space<vmem>> -> memref<80xi32, #tpu.memory_space<vmem>>
    %dma_wait3A_265 = arith.constant 0 : i32
    %dma_wait3A_266 = arith.constant 0 : i32
    %dma_wait3A_267 = tpu.memref_slice %arg7[%dma_wait3A_265, %dma_wait3A_266] : memref<10112x128xf32, #tpu.memory_space<vmem_shared>> -> memref<10112x128xf32, #tpu.memory_space<vmem_shared>>
    tpu.wait_indirect_dma semaphore(%arg18 : memref<!tpu.dma_semaphore, #tpu.memory_space<semaphore_mem>>) src(%arg10 : memref<80x128xf32, #tpu.memory_space<vmem>>) dst(%dma_wait3A_267 : memref<10112x128xf32, #tpu.memory_space<vmem_shared>>)
    %dma_wait3A_268 = arith.constant 29 : i32
    %dma_wait3A_269 = arith.constant 0 : i32
    %dma_wait3A_270 = tpu.memref_slice %arg9[%dma_wait3A_268, %dma_wait3A_269] : memref<32x80xi32, #tpu.memory_space<vmem>> -> memref<1x80xi32, #tpu.memory_space<vmem>>
    %dma_wait3A_271 = tpu.memref_squeeze %dma_wait3A_270 : memref<1x80xi32, #tpu.memory_space<vmem>> -> memref<80xi32, #tpu.memory_space<vmem>>
    %dma_wait3A_272 = arith.constant 0 : i32
    %dma_wait3A_273 = arith.constant 0 : i32
    %dma_wait3A_274 = tpu.memref_slice %arg7[%dma_wait3A_272, %dma_wait3A_273] : memref<10112x128xf32, #tpu.memory_space<vmem_shared>> -> memref<10112x128xf32, #tpu.memory_space<vmem_shared>>
    tpu.wait_indirect_dma semaphore(%arg19 : memref<!tpu.dma_semaphore, #tpu.memory_space<semaphore_mem>>) src(%arg11 : memref<80x128xf32, #tpu.memory_space<vmem>>) dst(%dma_wait3A_274 : memref<10112x128xf32, #tpu.memory_space<vmem_shared>>)
    %dma_wait3A_275 = arith.constant 30 : i32
    %dma_wait3A_276 = arith.constant 0 : i32
    %dma_wait3A_277 = tpu.memref_slice %arg9[%dma_wait3A_275, %dma_wait3A_276] : memref<32x80xi32, #tpu.memory_space<vmem>> -> memref<1x80xi32, #tpu.memory_space<vmem>>
    %dma_wait3A_278 = tpu.memref_squeeze %dma_wait3A_277 : memref<1x80xi32, #tpu.memory_space<vmem>> -> memref<80xi32, #tpu.memory_space<vmem>>
    %dma_wait3A_279 = arith.constant 0 : i32
    %dma_wait3A_280 = arith.constant 0 : i32
    %dma_wait3A_281 = tpu.memref_slice %arg7[%dma_wait3A_279, %dma_wait3A_280] : memref<10112x128xf32, #tpu.memory_space<vmem_shared>> -> memref<10112x128xf32, #tpu.memory_space<vmem_shared>>
    tpu.wait_indirect_dma semaphore(%arg20 : memref<!tpu.dma_semaphore, #tpu.memory_space<semaphore_mem>>) src(%arg12 : memref<80x128xf32, #tpu.memory_space<vmem>>) dst(%dma_wait3A_281 : memref<10112x128xf32, #tpu.memory_space<vmem_shared>>)
    %dma_wait3A_282 = arith.constant 31 : i32
    %dma_wait3A_283 = arith.constant 0 : i32
    %dma_wait3A_284 = tpu.memref_slice %arg9[%dma_wait3A_282, %dma_wait3A_283] : memref<32x80xi32, #tpu.memory_space<vmem>> -> memref<1x80xi32, #tpu.memory_space<vmem>>
    %dma_wait3A_285 = tpu.memref_squeeze %dma_wait3A_284 : memref<1x80xi32, #tpu.memory_space<vmem>> -> memref<80xi32, #tpu.memory_space<vmem>>
    %dma_wait3A_286 = arith.constant 0 : i32
    %dma_wait3A_287 = arith.constant 0 : i32
    %dma_wait3A_288 = tpu.memref_slice %arg7[%dma_wait3A_286, %dma_wait3A_287] : memref<10112x128xf32, #tpu.memory_space<vmem_shared>> -> memref<10112x128xf32, #tpu.memory_space<vmem_shared>>
    tpu.wait_indirect_dma semaphore(%arg21 : memref<!tpu.dma_semaphore, #tpu.memory_space<semaphore_mem>>) src(%arg13 : memref<80x128xf32, #tpu.memory_space<vmem>>) dst(%dma_wait3A_288 : memref<10112x128xf32, #tpu.memory_space<vmem_shared>>)
    %barrier3A_289 = arith.constant 0 : index
    tpu.barrier barrier_id(%barrier3A_289)
    %mul3A_290 = arith.constant 10112 : i32
    %mul3A_291 = arith.muli %arg0, %mul3A_290 : i32
    %add3A_292 = arith.addi %mul3A_291, %mul3A_0 : i32
    "tpu.region"() ({
      %run_scoped3A = tpu.sem_alloc : memref<!tpu.dma_semaphore, #tpu.memory_space<semaphore_mem>>
      %dma_start3A_293 = arith.constant 0 : i32
      %dma_start3A_294 = tpu.memref_slice %arg6[%add3A_292, %dma_start3A_293] : memref<20224x128xf32, #tpu.memory_space<hbm>> -> memref<632x128xf32, #tpu.memory_space<hbm>>
      %dma_start3A_295 = arith.constant 0 : i32
      %dma_start3A_296 = tpu.memref_slice %arg7[%mul3A_0, %dma_start3A_295] : memref<10112x128xf32, #tpu.memory_space<vmem_shared>> -> memref<632x128xf32, #tpu.memory_space<vmem_shared>>
      tpu.enqueue_dma source(%dma_start3A_296 : memref<632x128xf32, #tpu.memory_space<vmem_shared>>) target(%dma_start3A_294 : memref<632x128xf32, #tpu.memory_space<hbm>>) target_semaphore(%run_scoped3A : memref<!tpu.dma_semaphore, #tpu.memory_space<semaphore_mem>>)
      %dma_wait3A_297 = arith.constant 0 : i32
      %dma_wait3A_298 = tpu.memref_slice %arg6[%add3A_292, %dma_wait3A_297] : memref<20224x128xf32, #tpu.memory_space<hbm>> -> memref<632x128xf32, #tpu.memory_space<hbm>>
      %dma_wait3A_299 = arith.constant 0 : i32
      %dma_wait3A_300 = tpu.memref_slice %arg7[%mul3A_0, %dma_wait3A_299] : memref<10112x128xf32, #tpu.memory_space<vmem_shared>> -> memref<632x128xf32, #tpu.memory_space<vmem_shared>>
      tpu.wait_dma2 semaphore(%run_scoped3A : memref<!tpu.dma_semaphore, #tpu.memory_space<semaphore_mem>>) src(%dma_wait3A_300 : memref<632x128xf32, #tpu.memory_space<vmem_shared>>) dst(%dma_wait3A_298 : memref<632x128xf32, #tpu.memory_space<hbm>>)
      tpu.yield
    }) : () -> ()
    return
  }
}

module attributes {stable_mosaic.version = 14 : i64} {
  func.func @_prep_body(%arg0: i32, %arg1: memref<2x1000x128xf32, #tpu.memory_space<vmem>>, %arg2: memref<1000x256xf32, #tpu.memory_space<vmem>>, %arg3: memref<2x1000x128xf32, #tpu.memory_space<vmem>>) attributes {dimension_semantics = [#tpu.dimension_semantics<arbitrary>], iteration_bounds = array<i64: 10>, scalar_prefetch = 0 : i64, scratch_operands = 0 : i64, tpu.core_type = #tpu.core_type<tc>, window_params = [{transform_indices = @transform_0, window_bounds = array<i64: 2, 1000, 128>}, {transform_indices = @transform_1, window_bounds = array<i64: 1000, 256>}, {transform_indices = @transform_2, window_bounds = array<i64: 2, 1000, 128>}]} {
    %get3A = arith.constant 0 : index
    %get3A_0 = arith.constant 0 : index
    %get3A_1 = arith.constant 0 : index
    %get3A_2 = vector.load %arg1[%get3A, %get3A_0, %get3A_1] : memref<2x1000x128xf32, #tpu.memory_space<vmem>>, vector<1x1000x1xf32>
    %get3A_3 = vector.shape_cast %get3A_2 : vector<1x1000x1xf32> to vector<1000x1xf32>
    %get3A_4 = arith.constant 1 : index
    %get3A_5 = arith.constant 0 : index
    %get3A_6 = arith.constant 0 : index
    %get3A_7 = vector.load %arg1[%get3A_4, %get3A_5, %get3A_6] : memref<2x1000x128xf32, #tpu.memory_space<vmem>>, vector<1x1000x1xf32>
    %get3A_8 = vector.shape_cast %get3A_7 : vector<1x1000x1xf32> to vector<1000x1xf32>
    %add3A = arith.addf %get3A_3, %get3A_8 : vector<1000x1xf32>
    %add3A_9 = arith.constant 1.000000e+00 : f32
    %add3A_10 = vector.broadcast %add3A_9 : f32 to vector<1000x1xf32>
    %add3A_11 = arith.addf %add3A, %add3A_10 : vector<1000x1xf32>
    %rsqrt3A = math.rsqrt %add3A_11 : vector<1000x1xf32>
    %get3A_12 = arith.constant 0 : index
    %get3A_13 = arith.constant 0 : index
    %get3A_14 = vector.load %arg2[%get3A_12, %get3A_13] : memref<1000x256xf32, #tpu.memory_space<vmem>>, vector<1000x256xf32>
    %mul3A = vector.broadcast %rsqrt3A : vector<1000x1xf32> to vector<1000x256xf32>
    %mul3A_15 = arith.mulf %get3A_14, %mul3A : vector<1000x256xf32>
    %slice3A = vector.extract_strided_slice %mul3A_15 {offsets = [0, 0], sizes = [1000, 128], strides = [1, 1]} : vector<1000x256xf32> to vector<1000x128xf32>
    %swap3A = arith.constant 0 : index
    %swap3A_16 = arith.constant 0 : index
    %swap3A_17 = arith.constant 0 : index
    %swap3A_18 = vector.load %arg3[%swap3A, %swap3A_16, %swap3A_17] : memref<2x1000x128xf32, #tpu.memory_space<vmem>>, vector<1x1000x128xf32>
    %swap3A_19 = vector.shape_cast %swap3A_18 : vector<1x1000x128xf32> to vector<1000x128xf32>
    %swap3A_20 = vector.shape_cast %slice3A : vector<1000x128xf32> to vector<1x1000x128xf32>
    tpu.vector_store %arg3[%swap3A, %swap3A_16, %swap3A_17], %swap3A_20 {strides = array<i32>} : memref<2x1000x128xf32, #tpu.memory_space<vmem>>, vector<1x1000x128xf32>,
    %slice3A_21 = vector.extract_strided_slice %mul3A_15 {offsets = [0, 128], sizes = [1000, 128], strides = [1, 1]} : vector<1000x256xf32> to vector<1000x128xf32>
    %swap3A_22 = arith.constant 1 : index
    %swap3A_23 = arith.constant 0 : index
    %swap3A_24 = arith.constant 0 : index
    %swap3A_25 = vector.load %arg3[%swap3A_22, %swap3A_23, %swap3A_24] : memref<2x1000x128xf32, #tpu.memory_space<vmem>>, vector<1x1000x128xf32>
    %swap3A_26 = vector.shape_cast %swap3A_25 : vector<1x1000x128xf32> to vector<1000x128xf32>
    %swap3A_27 = vector.shape_cast %slice3A_21 : vector<1000x128xf32> to vector<1x1000x128xf32>
    tpu.vector_store %arg3[%swap3A_22, %swap3A_23, %swap3A_24], %swap3A_27 {strides = array<i32>} : memref<2x1000x128xf32, #tpu.memory_space<vmem>>, vector<1x1000x128xf32>,
    return
  }
  func.func @transform_0(%arg0: i32) -> (i32, i32, i32) {
    %c0_i32 = arith.constant 0 : i32
    %c0_i32_0 = arith.constant 0 : i32
    %c0_i32_1 = arith.constant 0 : i32
    return %c0_i32, %arg0, %c0_i32_0 : i32, i32, i32
  }
  func.func @transform_1(%arg0: i32) -> (i32, i32) {
    %c0_i32 = arith.constant 0 : i32
    %c0_i32_0 = arith.constant 0 : i32
    return %arg0, %c0_i32 : i32, i32
  }
  func.func @transform_2(%arg0: i32) -> (i32, i32, i32) {
    %c0_i32 = arith.constant 0 : i32
    %c0_i32_0 = arith.constant 0 : i32
    %c0_i32_1 = arith.constant 0 : i32
    return %c0_i32, %arg0, %c0_i32_0 : i32, i32, i32
  }
}

module attributes {stable_mosaic.version = 14 : i64} {
  func.func @_final_body(%arg0: i32, %arg1: memref<2x1000x128xf32, #tpu.memory_space<vmem>>, %arg2: memref<2x1000x128xf32, #tpu.memory_space<vmem>>, %arg3: memref<2x1000x128xf32, #tpu.memory_space<vmem>>, %arg4: memref<1x256xf32, #tpu.memory_space<vmem>>, %arg5: memref<1000x256xf32, #tpu.memory_space<vmem>>) attributes {dimension_semantics = [#tpu.dimension_semantics<arbitrary>], iteration_bounds = array<i64: 10>, scalar_prefetch = 0 : i64, scratch_operands = 0 : i64, tpu.core_type = #tpu.core_type<tc>, window_params = [{transform_indices = @transform_0, window_bounds = array<i64: 2, 1000, 128>}, {transform_indices = @transform_1, window_bounds = array<i64: 2, 1000, 128>}, {transform_indices = @transform_2, window_bounds = array<i64: 2, 1000, 128>}, {pipeline_mode = #tpu.pipeline_mode<synchronous>, transform_indices = @transform_3, window_bounds = array<i64: 1, 256>}, {transform_indices = @transform_4, window_bounds = array<i64: 1000, 256>}]} {
    %get3A = arith.constant 0 : index
    %get3A_0 = arith.constant 0 : index
    %get3A_1 = arith.constant 0 : index
    %get3A_2 = vector.load %arg3[%get3A, %get3A_0, %get3A_1] : memref<2x1000x128xf32, #tpu.memory_space<vmem>>, vector<1x1000x1xf32>
    %get3A_3 = vector.shape_cast %get3A_2 : vector<1x1000x1xf32> to vector<1000x1xf32>
    %get3A_4 = arith.constant 1 : index
    %get3A_5 = arith.constant 0 : index
    %get3A_6 = arith.constant 0 : index
    %get3A_7 = vector.load %arg3[%get3A_4, %get3A_5, %get3A_6] : memref<2x1000x128xf32, #tpu.memory_space<vmem>>, vector<1x1000x1xf32>
    %get3A_8 = vector.shape_cast %get3A_7 : vector<1x1000x1xf32> to vector<1000x1xf32>
    %add3A = arith.addf %get3A_3, %get3A_8 : vector<1000x1xf32>
    %add3A_9 = arith.constant 1.000000e+00 : f32
    %add3A_10 = vector.broadcast %add3A_9 : f32 to vector<1000x1xf32>
    %add3A_11 = arith.addf %add3A, %add3A_10 : vector<1000x1xf32>
    %rsqrt3A = math.rsqrt %add3A_11 : vector<1000x1xf32>
    %get3A_12 = arith.constant 0 : index
    %get3A_13 = arith.constant 0 : index
    %get3A_14 = arith.constant 0 : index
    %get3A_15 = vector.load %arg1[%get3A_12, %get3A_13, %get3A_14] : memref<2x1000x128xf32, #tpu.memory_space<vmem>>, vector<1x1000x128xf32>
    %get3A_16 = vector.shape_cast %get3A_15 : vector<1x1000x128xf32> to vector<1000x128xf32>
    %get3A_17 = arith.constant 0 : index
    %get3A_18 = arith.constant 0 : index
    %get3A_19 = arith.constant 0 : index
    %get3A_20 = vector.load %arg2[%get3A_17, %get3A_18, %get3A_19] : memref<2x1000x128xf32, #tpu.memory_space<vmem>>, vector<1x1000x128xf32>
    %get3A_21 = vector.shape_cast %get3A_20 : vector<1x1000x128xf32> to vector<1000x128xf32>
    %add3A_22 = arith.addf %get3A_16, %get3A_21 : vector<1000x128xf32>
    %get3A_23 = arith.constant 1 : index
    %get3A_24 = arith.constant 0 : index
    %get3A_25 = arith.constant 0 : index
    %get3A_26 = vector.load %arg1[%get3A_23, %get3A_24, %get3A_25] : memref<2x1000x128xf32, #tpu.memory_space<vmem>>, vector<1x1000x128xf32>
    %get3A_27 = vector.shape_cast %get3A_26 : vector<1x1000x128xf32> to vector<1000x128xf32>
    %get3A_28 = arith.constant 1 : index
    %get3A_29 = arith.constant 0 : index
    %get3A_30 = arith.constant 0 : index
    %get3A_31 = vector.load %arg2[%get3A_28, %get3A_29, %get3A_30] : memref<2x1000x128xf32, #tpu.memory_space<vmem>>, vector<1x1000x128xf32>
    %get3A_32 = vector.shape_cast %get3A_31 : vector<1x1000x128xf32> to vector<1000x128xf32>
    %add3A_33 = arith.addf %get3A_27, %get3A_32 : vector<1000x128xf32>
    %concatenate3A = tpu.concatenate %add3A_22, %add3A_33 in 1 : vector<1000x128xf32>, vector<1000x128xf32> -> vector<1000x256xf32>
    %mul3A = vector.broadcast %rsqrt3A : vector<1000x1xf32> to vector<1000x256xf32>
    %mul3A_34 = arith.mulf %concatenate3A, %mul3A : vector<1000x256xf32>
    %get3A_35 = arith.constant 0 : index
    %get3A_36 = arith.constant 0 : index
    %get3A_37 = vector.load %arg4[%get3A_35, %get3A_36] : memref<1x256xf32, #tpu.memory_space<vmem>>, vector<1x256xf32>
    %add3A_38 = vector.broadcast %get3A_37 : vector<1x256xf32> to vector<1000x256xf32>
    %add3A_39 = arith.addf %mul3A_34, %add3A_38 : vector<1000x256xf32>
    %reduce_max3A = arith.constant dense<0xFF800000> : vector<1000xf32>
    %reduce_max3A_40 = vector.multi_reduction <maximumf>, %add3A_39, %reduce_max3A [1] : vector<1000x256xf32> to vector<1000xf32>
    %broadcast_in_dim3A = vector.shape_cast %reduce_max3A_40 : vector<1000xf32> to vector<1000x1xf32>
    %sub3A = vector.broadcast %broadcast_in_dim3A : vector<1000x1xf32> to vector<1000x256xf32>
    %sub3A_41 = arith.subf %add3A_39, %sub3A : vector<1000x256xf32>
    %exp3A = math.exp %sub3A_41 : vector<1000x256xf32>
    %sub3A_42 = vector.broadcast %broadcast_in_dim3A : vector<1000x1xf32> to vector<1000x256xf32>
    %sub3A_43 = arith.subf %add3A_39, %sub3A_42 : vector<1000x256xf32>
    %reduce_sum3A = arith.constant dense<0.000000e+00> : vector<1000xf32>
    %reduce_sum3A_44 = vector.multi_reduction <add>, %exp3A, %reduce_sum3A [1] : vector<1000x256xf32> to vector<1000xf32>
    %broadcast_in_dim3A_45 = vector.shape_cast %reduce_sum3A_44 : vector<1000xf32> to vector<1000x1xf32>
    %log3A = math.log %broadcast_in_dim3A_45 : vector<1000x1xf32>
    %sub3A_46 = vector.broadcast %log3A : vector<1000x1xf32> to vector<1000x256xf32>
    %sub3A_47 = arith.subf %sub3A_43, %sub3A_46 : vector<1000x256xf32>
    %swap3A = arith.constant 0 : index
    %swap3A_48 = arith.constant 0 : index
    %swap3A_49 = vector.load %arg5[%swap3A, %swap3A_48] : memref<1000x256xf32, #tpu.memory_space<vmem>>, vector<1000x256xf32>
    tpu.vector_store %arg5[%swap3A, %swap3A_48], %sub3A_47 {strides = array<i32>} : memref<1000x256xf32, #tpu.memory_space<vmem>>, vector<1000x256xf32>,
    return
  }
  func.func @transform_0(%arg0: i32) -> (i32, i32, i32) {
    %c0_i32 = arith.constant 0 : i32
    %c0_i32_0 = arith.constant 0 : i32
    %c0_i32_1 = arith.constant 0 : i32
    return %c0_i32, %arg0, %c0_i32_0 : i32, i32, i32
  }
  func.func @transform_1(%arg0: i32) -> (i32, i32, i32) {
    %c0_i32 = arith.constant 0 : i32
    %c0_i32_0 = arith.constant 0 : i32
    %c0_i32_1 = arith.constant 0 : i32
    return %c0_i32, %arg0, %c0_i32_0 : i32, i32, i32
  }
  func.func @transform_2(%arg0: i32) -> (i32, i32, i32) {
    %c0_i32 = arith.constant 0 : i32
    %c0_i32_0 = arith.constant 0 : i32
    %c0_i32_1 = arith.constant 0 : i32
    return %c0_i32, %arg0, %c0_i32_0 : i32, i32, i32
  }
  func.func @transform_3(%arg0: i32) -> (i32, i32) {
    %c0_i32 = arith.constant 0 : i32
    %c0_i32_0 = arith.constant 0 : i32
    %c0_i32_1 = arith.constant 0 : i32
    return %c0_i32, %c0_i32_0 : i32, i32
  }
  func.func @transform_4(%arg0: i32) -> (i32, i32) {
    %c0_i32 = arith.constant 0 : i32
    %c0_i32_0 = arith.constant 0 : i32
    return %arg0, %c0_i32 : i32, i32
  }
}

module attributes {stable_mosaic.version = 14 : i64} {
  func.func @_dense_body(%arg0: i32, %arg1: memref<2x1000x128xf32, #tpu.memory_space<vmem>>, %arg2: memref<2x1000x128xf32, #tpu.memory_space<vmem>>, %arg3: memref<2x1000x128xf32, #tpu.memory_space<vmem>>, %arg4: memref<256x512xf32, #tpu.memory_space<vmem>>, %arg5: memref<1x512xf32, #tpu.memory_space<vmem>>, %arg6: memref<512x256xf32, #tpu.memory_space<vmem>>, %arg7: memref<2x1000x128xf32, #tpu.memory_space<vmem>>) attributes {dimension_semantics = [#tpu.dimension_semantics<arbitrary>], iteration_bounds = array<i64: 10>, scalar_prefetch = 0 : i64, scratch_operands = 0 : i64, tpu.core_type = #tpu.core_type<tc>, window_params = [{transform_indices = @transform_0, window_bounds = array<i64: 2, 1000, 128>}, {transform_indices = @transform_1, window_bounds = array<i64: 2, 1000, 128>}, {transform_indices = @transform_2, window_bounds = array<i64: 2, 1000, 128>}, {pipeline_mode = #tpu.pipeline_mode<synchronous>, transform_indices = @transform_3, window_bounds = array<i64: 256, 512>}, {pipeline_mode = #tpu.pipeline_mode<synchronous>, transform_indices = @transform_4, window_bounds = array<i64: 1, 512>}, {pipeline_mode = #tpu.pipeline_mode<synchronous>, transform_indices = @transform_5, window_bounds = array<i64: 512, 256>}, {transform_indices = @transform_6, window_bounds = array<i64: 2, 1000, 128>}]} {
    %get3A = arith.constant 0 : index
    %get3A_0 = arith.constant 0 : index
    %get3A_1 = arith.constant 0 : index
    %get3A_2 = vector.load %arg3[%get3A, %get3A_0, %get3A_1] : memref<2x1000x128xf32, #tpu.memory_space<vmem>>, vector<1x1000x1xf32>
    %get3A_3 = vector.shape_cast %get3A_2 : vector<1x1000x1xf32> to vector<1000x1xf32>
    %get3A_4 = arith.constant 1 : index
    %get3A_5 = arith.constant 0 : index
    %get3A_6 = arith.constant 0 : index
    %get3A_7 = vector.load %arg3[%get3A_4, %get3A_5, %get3A_6] : memref<2x1000x128xf32, #tpu.memory_space<vmem>>, vector<1x1000x1xf32>
    %get3A_8 = vector.shape_cast %get3A_7 : vector<1x1000x1xf32> to vector<1000x1xf32>
    %add3A = arith.addf %get3A_3, %get3A_8 : vector<1000x1xf32>
    %add3A_9 = arith.constant 1.000000e+00 : f32
    %add3A_10 = vector.broadcast %add3A_9 : f32 to vector<1000x1xf32>
    %add3A_11 = arith.addf %add3A, %add3A_10 : vector<1000x1xf32>
    %rsqrt3A = math.rsqrt %add3A_11 : vector<1000x1xf32>
    %get3A_12 = arith.constant 0 : index
    %get3A_13 = arith.constant 0 : index
    %get3A_14 = arith.constant 0 : index
    %get3A_15 = vector.load %arg1[%get3A_12, %get3A_13, %get3A_14] : memref<2x1000x128xf32, #tpu.memory_space<vmem>>, vector<1x1000x128xf32>
    %get3A_16 = vector.shape_cast %get3A_15 : vector<1x1000x128xf32> to vector<1000x128xf32>
    %get3A_17 = arith.constant 0 : index
    %get3A_18 = arith.constant 0 : index
    %get3A_19 = arith.constant 0 : index
    %get3A_20 = vector.load %arg2[%get3A_17, %get3A_18, %get3A_19] : memref<2x1000x128xf32, #tpu.memory_space<vmem>>, vector<1x1000x128xf32>
    %get3A_21 = vector.shape_cast %get3A_20 : vector<1x1000x128xf32> to vector<1000x128xf32>
    %add3A_22 = arith.addf %get3A_16, %get3A_21 : vector<1000x128xf32>
    %get3A_23 = arith.constant 1 : index
    %get3A_24 = arith.constant 0 : index
    %get3A_25 = arith.constant 0 : index
    %get3A_26 = vector.load %arg1[%get3A_23, %get3A_24, %get3A_25] : memref<2x1000x128xf32, #tpu.memory_space<vmem>>, vector<1x1000x128xf32>
    %get3A_27 = vector.shape_cast %get3A_26 : vector<1x1000x128xf32> to vector<1000x128xf32>
    %get3A_28 = arith.constant 1 : index
    %get3A_29 = arith.constant 0 : index
    %get3A_30 = arith.constant 0 : index
    %get3A_31 = vector.load %arg2[%get3A_28, %get3A_29, %get3A_30] : memref<2x1000x128xf32, #tpu.memory_space<vmem>>, vector<1x1000x128xf32>
    %get3A_32 = vector.shape_cast %get3A_31 : vector<1x1000x128xf32> to vector<1000x128xf32>
    %add3A_33 = arith.addf %get3A_27, %get3A_32 : vector<1000x128xf32>
    %concatenate3A = tpu.concatenate %add3A_22, %add3A_33 in 1 : vector<1000x128xf32>, vector<1000x128xf32> -> vector<1000x256xf32>
    %mul3A = vector.broadcast %rsqrt3A : vector<1000x1xf32> to vector<1000x256xf32>
    %mul3A_34 = arith.mulf %concatenate3A, %mul3A : vector<1000x256xf32>
    %convert_element_type3A = arith.truncf %mul3A_34 : vector<1000x256xf32> to vector<1000x256xbf16>
    %get3A_35 = arith.constant 0 : index
    %get3A_36 = arith.constant 0 : index
    %get3A_37 = vector.load %arg4[%get3A_35, %get3A_36] : memref<256x512xf32, #tpu.memory_space<vmem>>, vector<256x512xf32>
    %convert_element_type3A_38 = arith.truncf %get3A_37 : vector<256x512xf32> to vector<256x512xbf16>
    %dot_general3A = arith.constant dense<0.000000e+00> : vector<1000x512xf32>
    %dot_general3A_39 = tpu.matmul %convert_element_type3A, %convert_element_type3A_38, %dot_general3A {dimension_numbers = #tpu.dot_dimension_numbers<[1], [0], [0], [1], [0, 0, 1, 1], [], []>, transpose_lhs_hint = false} : vector<1000x256xbf16>, vector<256x512xbf16>, vector<1000x512xf32> -> vector<1000x512xf32>
    %get3A_40 = arith.constant 0 : index
    %get3A_41 = arith.constant 0 : index
    %get3A_42 = vector.load %arg5[%get3A_40, %get3A_41] : memref<1x512xf32, #tpu.memory_space<vmem>>, vector<1x512xf32>
    %add3A_43 = vector.broadcast %get3A_42 : vector<1x512xf32> to vector<1000x512xf32>
    %add3A_44 = arith.addf %dot_general3A_39, %add3A_43 : vector<1000x512xf32>
    %max3A = arith.constant 0.000000e+00 : f32
    %max3A_45 = vector.broadcast %max3A : f32 to vector<1000x512xf32>
    %max3A_46 = arith.maximumf %add3A_44, %max3A_45 : vector<1000x512xf32>
    %convert_element_type3A_47 = arith.truncf %max3A_46 : vector<1000x512xf32> to vector<1000x512xbf16>
    %get3A_48 = arith.constant 0 : index
    %get3A_49 = arith.constant 0 : index
    %get3A_50 = vector.load %arg6[%get3A_48, %get3A_49] : memref<512x256xf32, #tpu.memory_space<vmem>>, vector<512x256xf32>
    %convert_element_type3A_51 = arith.truncf %get3A_50 : vector<512x256xf32> to vector<512x256xbf16>
    %dot_general3A_52 = arith.constant dense<0.000000e+00> : vector<1000x256xf32>
    %dot_general3A_53 = tpu.matmul %convert_element_type3A_47, %convert_element_type3A_51, %dot_general3A_52 {dimension_numbers = #tpu.dot_dimension_numbers<[1], [0], [0], [1], [0, 0, 1, 1], [], []>, transpose_lhs_hint = false} : vector<1000x512xbf16>, vector<512x256xbf16>, vector<1000x256xf32> -> vector<1000x256xf32>
    %mul3A_54 = vector.broadcast %rsqrt3A : vector<1000x1xf32> to vector<1000x256xf32>
    %mul3A_55 = arith.mulf %dot_general3A_53, %mul3A_54 : vector<1000x256xf32>
    %slice3A = vector.extract_strided_slice %mul3A_55 {offsets = [0, 0], sizes = [1000, 128], strides = [1, 1]} : vector<1000x256xf32> to vector<1000x128xf32>
    %swap3A = arith.constant 0 : index
    %swap3A_56 = arith.constant 0 : index
    %swap3A_57 = arith.constant 0 : index
    %swap3A_58 = vector.load %arg7[%swap3A, %swap3A_56, %swap3A_57] : memref<2x1000x128xf32, #tpu.memory_space<vmem>>, vector<1x1000x128xf32>
    %swap3A_59 = vector.shape_cast %swap3A_58 : vector<1x1000x128xf32> to vector<1000x128xf32>
    %swap3A_60 = vector.shape_cast %slice3A : vector<1000x128xf32> to vector<1x1000x128xf32>
    tpu.vector_store %arg7[%swap3A, %swap3A_56, %swap3A_57], %swap3A_60 {strides = array<i32>} : memref<2x1000x128xf32, #tpu.memory_space<vmem>>, vector<1x1000x128xf32>,
    %slice3A_61 = vector.extract_strided_slice %mul3A_55 {offsets = [0, 128], sizes = [1000, 128], strides = [1, 1]} : vector<1000x256xf32> to vector<1000x128xf32>
    %swap3A_62 = arith.constant 1 : index
    %swap3A_63 = arith.constant 0 : index
    %swap3A_64 = arith.constant 0 : index
    %swap3A_65 = vector.load %arg7[%swap3A_62, %swap3A_63, %swap3A_64] : memref<2x1000x128xf32, #tpu.memory_space<vmem>>, vector<1x1000x128xf32>
    %swap3A_66 = vector.shape_cast %swap3A_65 : vector<1x1000x128xf32> to vector<1000x128xf32>
    %swap3A_67 = vector.shape_cast %slice3A_61 : vector<1000x128xf32> to vector<1x1000x128xf32>
    tpu.vector_store %arg7[%swap3A_62, %swap3A_63, %swap3A_64], %swap3A_67 {strides = array<i32>} : memref<2x1000x128xf32, #tpu.memory_space<vmem>>, vector<1x1000x128xf32>,
    return
  }
  func.func @transform_0(%arg0: i32) -> (i32, i32, i32) {
    %c0_i32 = arith.constant 0 : i32
    %c0_i32_0 = arith.constant 0 : i32
    %c0_i32_1 = arith.constant 0 : i32
    return %c0_i32, %arg0, %c0_i32_0 : i32, i32, i32
  }
  func.func @transform_1(%arg0: i32) -> (i32, i32, i32) {
    %c0_i32 = arith.constant 0 : i32
    %c0_i32_0 = arith.constant 0 : i32
    %c0_i32_1 = arith.constant 0 : i32
    return %c0_i32, %arg0, %c0_i32_0 : i32, i32, i32
  }
  func.func @transform_2(%arg0: i32) -> (i32, i32, i32) {
    %c0_i32 = arith.constant 0 : i32
    %c0_i32_0 = arith.constant 0 : i32
    %c0_i32_1 = arith.constant 0 : i32
    return %c0_i32, %arg0, %c0_i32_0 : i32, i32, i32
  }
  func.func @transform_3(%arg0: i32) -> (i32, i32) {
    %c0_i32 = arith.constant 0 : i32
    %c0_i32_0 = arith.constant 0 : i32
    %c0_i32_1 = arith.constant 0 : i32
    return %c0_i32, %c0_i32_0 : i32, i32
  }
  func.func @transform_4(%arg0: i32) -> (i32, i32) {
    %c0_i32 = arith.constant 0 : i32
    %c0_i32_0 = arith.constant 0 : i32
    %c0_i32_1 = arith.constant 0 : i32
    return %c0_i32, %c0_i32_0 : i32, i32
  }
  func.func @transform_5(%arg0: i32) -> (i32, i32) {
    %c0_i32 = arith.constant 0 : i32
    %c0_i32_0 = arith.constant 0 : i32
    %c0_i32_1 = arith.constant 0 : i32
    return %c0_i32, %c0_i32_0 : i32, i32
  }
  func.func @transform_6(%arg0: i32) -> (i32, i32, i32) {
    %c0_i32 = arith.constant 0 : i32
    %c0_i32_0 = arith.constant 0 : i32
    %c0_i32_1 = arith.constant 0 : i32
    return %c0_i32, %arg0, %c0_i32_0 : i32, i32, i32
  }
}

</mosaic_0001>

<sc_bundles>
// kernel: kernel.11.cloned.1.call-start
scs
__scs_entry_jumppad:
0x0: {  	(pc) =	sbr.rel $0x88, $3  }
0x1: {  	(tag) =	ssettag $0x0;
	lr =	simm.s32 $0x1  }
0x2: {  	[smem:$0x3F9B] =	sst lr;
	_ =	strace $0xD0000000  }
0x3: {  	_ = 	snop  }
0x4: {  	_ = 	snop  }
0x5: {  	_ = 	snop  }
0x6: {  	_ = 	snop  }
0x7: {  	_ = 	snop  }
__scs_overlays_trampoline_lowered:
0x8: {  	[smem:$0x3FAA] =	sst s0  }
0x9: {  	[smem:$0x3FAB] =	sst s1  }
0xa: {  	[smem:$0x3FAC] =	sst s2  }
0xb: {  	[smem:$0x3FAD] =	sst s3  }
0xc: {  	[smem:$0x3FAE] =	sst s4  }
0xd: {  	[smem:$0x3FAF] =	sst s5  }
0xe: {  	[smem:$0x3FB0] =	sst s6  }
0xf: {  	[smem:$0x3FB1] =	sst s7  }
0x10: {  	[smem:$0x3FB2] =	sst s8  }
0x11: {  	[smem:$0x3FB3] =	sst s9;
	s0 =	simm.s32 @!p0 $0x0  }
0x12: {  	s1 =	sld [smem:$0x3F99];
	s0 =	simm.s32 @p0 $0x1  }
0x13: {  	[smem:$0x3FB4] =	sst s0;
	s0 =	simm.s32 @!p1 $0x0  }
0x14: {  	s2 =	sld [smem:$0x3F98];
	s0 =	simm.s32 @p1 $0x1  }
0x15: {  	[smem:$0x3FB5] =	sst s0;
	s0 =	simm.s32 @!p2 $0x0  }
0x16: {  	s3 =	sld [smem:$0x3FDB];
	s0 =	simm.s32 @p2 $0x1  }
0x17: {  	s4 =	simm.s32 $0x1BF5;
	[smem:$0x3FB7] =	sst s0  }
0x18: {  	s0 =	sld [smem:$0x3F9A];
	_ =	swait.ge [sflag:s4], $0x0  }
0x19: {  	s7 =	sld [smem:$0x3F9B]  }
0x1a: {  	s8 =	sadd.s32 $0xFFFFE003, lr  }
0x1b: {  	s9 =	sadd.s32 $0xFFFFFEF7, lr;
	s5 =	simm.s32 $0xFFFFFFFF;
	p2 =	slt.u32 s8, $0xFFFFF086  }
0x1c: {  	p1 =	slt.u32 s9, $0xF7A;
	s5 =	simm.s32 @!p2 $0x0  }
0x1d: {  	s5 =	simm.s32 @p1 $0x1;
	p0 =	seq.s32 s7, s2  }
0x1e: {  	s7 =	smul.u32 @!p0 $0xF7A, s2;
	p2 =	seq.s32 @!p0 s5, $0x0  }
0x1f: {  	s9 =	smul.u32 $0xF7A, s1;
	s8 =	simm.s32 @!p0 $0x1BF5;
	p2 =	por !p2, p0  }
0x20: {  	[sflag:s8] =	ssyncset.s32 @!p0 $0xFFFFF086;
	s6 =	sadd.s32 @!p0 s3, s7;
	s7 =	simm.s32 @!p0 $0x108  }
0x21: {  	s3 =	sadd.s32 s3, s9;
	s6 =	sadd.s32 @!p0 $0x88, s6;
	s7 =	simm.s32 @p2 $0x1082  }
0x22: {  	[simem:s7], [sflag:s8] =	dma.local @!p0 [hbm:s6], $0xF7A  }
0x23: {  	s9 =	sor.u32 $0xD0000000, s2;
	s6 =	simm.s32 $0x108;
	_ =	swait.ge @!p0 [sflag:s8], $0x0  }
0x24: {  	s3 =	sadd.s32 $0x88, s3;
	s6 =	simm.s32 @!p1 $0x1082;
	[sflag:s4] =	ssyncset.s32 $0xFFFFF086  }
0x25: {  	[simem:s6], [sflag:s4] =	dma.local [hbm:s3], $0xF7A  }
0x26: {  	[smem:$0x3F9B] =	sst s1;
	(tag) =	ssettag s2;
	_ =	strace s9  }
0x27: {  	s1 =	sld [smem:$0x3FAB]  }
0x28: {  	s2 =	sld [smem:$0x3FAC]  }
0x29: {  	s4 =	sld [smem:$0x3FAE]  }
0x2a: {  	p0 =	seq.s32 s5, $0x0;
	s5 =	sld [smem:$0x3FAF]  }
0x2b: {  	s6 =	sld [smem:$0x3FB0]  }
0x2c: {  	s7 =	sld [smem:$0x3FB1]  }
0x2d: {  	s3 =	simm.s32 $0x108;
	s8 =	sld [smem:$0x3FB2]  }
0x2e: {  	s3 =	simm.s32 @!p0 $0x1082;
	s9 =	sld [smem:$0x3FB3]  }
0x2f: {  	lr =	sadd.s32 s0, s3;
	s0 =	sld [smem:$0x3FAA]  }
0x30: {  	s3 =	sld [smem:$0x3FAD]  }
0x31: {  	[smem:$0x3FB6] =	sst s10  }
0x32: {  	s10 =	sld [smem:$0x3FB4];
	_ =	sdelay $0x3  }
0x33: {  	p0 =	seq.s32 s10, $0x1;
	s10 =	sld [smem:$0x3FB6];
	_ =	sdelay $0x3  }
0x34: {  	[smem:$0x3FB6] =	sst s10  }
0x35: {  	s10 =	sld [smem:$0x3FB5];
	_ =	sdelay $0x3  }
0x36: {  	p1 =	seq.s32 s10, $0x1;
	s10 =	sld [smem:$0x3FB6];
	_ =	sdelay $0x3  }
0x37: {  	[smem:$0x3FB6] =	sst s10  }
0x38: {  	s10 =	sld [smem:$0x3FB7]  }
0x39: {  	_ = 	snop;
	(pc) =	sbr.ind lr, $3  }
0x3a: {  	_ = 	snop  }
0x3b: {  	_ = 	snop  }
0x3c: {  	p2 =	seq.s32 s10, $0x1;
	s10 =	sld [smem:$0x3FB6]  }
0x3d: {  	_ =	shalt  }
0x3e: {  	_ =	shalt  }
0x3f: {  	_ =	shalt  }
0x40: {  	_ =	shalt  }
0x41: {  	_ =	shalt  }
0x42: {  	_ =	shalt  }
0x43: {  	_ =	shalt  }
0x44: {  	_ =	shalt  }
0x45: {  	_ =	shalt  }
0x46: {  	_ =	shalt  }
0x47: {  	_ =	shalt  }
0x48: {  	_ =	shalt  }
0x49: {  	_ =	shalt  }
0x4a: {  	_ =	shalt  }
0x4b: {  	_ =	shalt  }
0x4c: {  	_ =	shalt  }
0x4d: {  	_ =	shalt  }
0x4e: {  	_ =	shalt  }
0x4f: {  	_ =	shalt  }
0x50: {  	_ =	shalt  }
0x51: {  	_ =	shalt  }
0x52: {  	_ =	shalt  }
0x53: {  	_ =	shalt  }
0x54: {  	_ =	shalt  }
0x55: {  	_ =	shalt  }
0x56: {  	_ =	shalt  }
0x57: {  	_ =	shalt  }
0x58: {  	_ =	shalt  }
0x59: {  	_ =	shalt  }
0x5a: {  	_ =	shalt  }
0x5b: {  	_ =	shalt  }
0x5c: {  	_ =	shalt  }
0x5d: {  	_ =	shalt  }
0x5e: {  	_ =	shalt  }
0x5f: {  	_ =	shalt  }
0x60: {  	_ =	shalt  }
0x61: {  	_ =	shalt  }
0x62: {  	_ =	shalt  }
0x63: {  	_ =	shalt  }
0x64: {  	_ =	shalt  }
0x65: {  	_ =	shalt  }
0x66: {  	_ =	shalt  }
0x67: {  	_ =	shalt  }
0x68: {  	_ =	shalt  }
0x69: {  	_ =	shalt  }
0x6a: {  	_ =	shalt  }
0x6b: {  	_ =	shalt  }
0x6c: {  	_ =	shalt  }
0x6d: {  	_ =	shalt  }
0x6e: {  	_ =	shalt  }
0x6f: {  	_ =	shalt  }
0x70: {  	_ =	shalt  }
0x71: {  	_ =	shalt  }
0x72: {  	_ =	shalt  }
0x73: {  	_ =	shalt  }
0x74: {  	_ =	shalt  }
0x75: {  	_ =	shalt  }
0x76: {  	_ =	shalt  }
0x77: {  	_ =	shalt  }
0x78: {  	_ =	shalt  }
0x79: {  	_ =	shalt  }
0x7a: {  	_ =	shalt  }
0x7b: {  	_ =	shalt  }
0x7c: {  	_ =	shalt  }
0x7d: {  	_ =	shalt  }
0x7e: {  	_ =	shalt  }
0x7f: {  	_ =	shalt  }
0x80: {  	_ =	shalt  }
0x81: {  	_ =	shalt  }
0x82: {  	_ =	shalt  }
0x83: {  	_ =	shalt  }
0x84: {  	_ =	shalt  }
0x85: {  	_ =	shalt  }
0x86: {  	_ =	shalt  }
0x87: {  	_ =	shalt  }
.Lfunc_end0:
.L_simem_size_0:
called_computation.1_lowered:
.L_overlay_start_0:
0x88: {  	s2 =	sld [smem:$0x3FD9]  }
0x89: {  	s3 =	sld [smem:$0x3FFE];
	_ =	sdelay $0x1  }
0x8a: {  	s1 =	srdreg.scid  }
0x8b: {  	s0 =	sand.u32 $0x1, s1  }
0x8c: {  	s17 =	sshll.u32 s0, $0xA;
	s2 =	sadd.s32 s3, s2  }
0x8d: {  	s2 =	sadd.s32 s2, s17  }
0x8e: {  	[smem:$0x3FC2] =	sst s2  }
0x8f: {  	_ = 	snop  }
0x90: {  	s2 =	sld [smem:$0x3FD0];
	(tm) =	ssettm $0x1  }
0x91: {  	s18 =	sld [smem:$0x3FFB];
	_ =	sdelay $0x3  }
0x92: {  	_ =	strace s18  }
0x93: {  	s3 =	sld [smem:$0x3FFC];
	_ =	sdelay $0x3  }
0x94: {  	_ =	strace s3  }
0x95: {  	s3 =	sld [smem:$0x3FFD];
	_ =	sdelay $0x3  }
0x96: {  	_ =	strace s3  }
0x97: {  	_ =	strace $0x8FFFFFFF  }
0x98: {  	s19 =	sld [smem:$0x3FDB];
	_ =	sdelay $0x1  }
0x99: {  	s4 =	simm.s32 $_scs_section_size  }
0x9a: {  	s5 =	simm.s32 $_size__tile_overlayer_lowered;
	s6 =	simm.s32 $_tile_overlayer_lowered  }
0x9b: {  	s22 =	simm.s32 $0x1BFF;
	s21 =	sshll.u32 s6, $0x1;
	s3 =	sadd.s32 s4, s19  }
0x9c: {  	s7 =	simm.s32 $0x0;
	s20 =	sshll.u32 s5, $0x1;
	s5 =	sadd.s32 s21, s3  }
0x9d: {  	[timem:s7], [sflag:s22] =	dma.local [hbm:s5], s20  }
0x9e: {  	_ =	swait.ge [sflag:s22], s20  }
0x9f: {  	s4 =	ssub.s32 $0x0, s20;
	[sflag:s22] =	ssyncset.done $0x0  }
0xa0: {  	[sflag:s22] =	ssyncadd.s32 s4;
	_ =	sdelay $0x1  }
0xa1: {  	s23 =	simm.s32 $0x1B8B  }
0xa2: {  	_ =	swait.ge [sflag:s23], $0x1  }
0xa3: {  	[sflag:s23] =	ssyncset.done $0x0  }
0xa4: {  	s25 =	simm.s32 $0x1B8E;
	s24 =	sld [smem:$0x3FFE];
	[sflag:s23] =	ssyncadd.s32 $0xFFFFFFFF  }
0xa5: {  	s26 =	simm.s32 $execute0_lowered;
	[smem:$0x3FD2] =	sst s25  }
0xa6: {  	s5 =	sshll.u32 s26, $0x1;
	_ =	strace $0x80000049;
	[dreg:$0x1] =	wrdreg $0xFFFFFFFF  }
0xa7: {  	s28 =	simm.s32 $_size_execute0_lowered;
	s3 =	sadd.s32 s3, s5;
	[dreg:$0x0] =	wrdreg $0x0  }
0xa8: {  	s5 =	sshll.u32 s28, $0x1;
	[dreg:$0x2] =	wrdreg s3  }
0xa9: {  	[dreg:$0x3] =	wrdreg s5  }
0xaa: {  	[dreg:$0x4] =	wrdreg $0xC0  }
0xab: {  	_ =	task [dreg:s7], $0x5FFFF  }
0xac: {  	[dreg:$0x1] =	wrdreg $0xFFFFFFFF  }
0xad: {  	[dreg:$0x0] =	wrdreg $0x60  }
0xae: {  	[dreg:$0x2] =	wrdreg s2  }
0xaf: {  	[dreg:$0x3] =	wrdreg s24  }
0xb0: {  	[dreg:$0x4] =	wrdreg $0x0  }
0xb1: {  	[dreg:$0x5] =	wrdreg $0x9  }
0xb2: {  	_ =	task.clear_ibuf [dreg:s7], $0x6FFFF;
	_ =	strace $0x90000049  }
0xb3: {  	s29 =	simm.s32 $0x9;
	_ =	strace $0x8000004B  }
0xb4: {  	_ =	swait.ge [sflag:s29], $0x1  }
0xb5: {  	[sflag:s29] =	ssyncadd.s32 $0xFFFFFFFF  }
0xb6: {  	_ =	strace $0x9000004B  }
0xb7: {  	_ =	sfence  }
0xb8: {  	s30 =	sld [smem:$0x0];
	_ =	sdelay $0x2  }
0xb9: {  	s31 =	sshll.u32 s1, $0xD;
	s1 =	sshrl.u32 s1, $0x2  }
0xba: {  	s3 =	sand.u32 $0x4000, s31;
	s1 =	sadd.s32 s1, s30  }
0xbb: {  	s0 =	sor.u32 s3, s0;
	s1 =	sshll.u32 s1, $0x11  }
0xbc: {  	s0 =	sor.u32 s1, s0  }
0xbd: {  	s0 =	sadd.s32 $0x8F2B, s0  }
0xbe: {  	[sflag:s0] =	ssyncadd.remote.s32 $0x1  }
0xbf: {  	_ =	sfence.sel $0xFFFF  }
0xc0: {  	[dreg:$0x0] =	wrdreg $0xFFFFFFFF;
	(pc) =	sbr.abs _section_cstart, $3  }
0xc1: {  	[dreg:$0x1] =	wrdreg $0xFFFFFFFF  }
0xc2: {  	_ =	task.clear_ibuf [dreg:s7], $0x2FFFF;
	_ =	strace $0x9FFFFFFF  }
0xc3: {  	(tm) =	ssettm $0x7FFFFFFF  }
tec
execute0_lowered:
.L_overlay_start_1:
0x0: {  	(tag) =	ssettag $0x1  }
0x1: {  	s1 =	rddreg [dreg:$0x0]  }
0x2: {  	s0 =	rddreg [dreg:$0x1]  }
0x3: {  	s2 =	rddreg [dreg:$0x2];
	s4 =	simm.s32 $0x0  }
0x4: {  	s3 =	srdreg.scid;
	s9 =	stileid.u32;
	s28 =	simm.s32 $0x13D80  }
0x5: {  	s29 =	simm.s32 $0x1D400;
	s30 =	simm.s32 $0x1;
	s31 =	simm.s32 $0x2  }
0x6: {  	s11 =	simm.s32 $0x15B00;
	s12 =	simm.s32 $0x15B80;
	s13 =	simm.s32 $0x0  }
0x7: {  	[smem:$0x7FF] =	sst s4;
	s3 =	sand.u32 $0x1, s3;
	s6 =	smul.u32 $0x2780, s9  }
0x8: {  	s5 =	sshll.u32 s9, $0xB;
	s8 =	smul.u32 $0x4F000, s9;
	s10 =	sadd.s32 $0x2C00, s0  }
0x9: {  	s18 =	sshll.u32 s9, $0x6;
	s9 =	simm.s32 $0x15A00;
	s15 =	sshll.u32 s3, $0xF  }
0xa: {  	_ =	strace $0x8000004A;
	s7 =	smul.u32 $0x27800, s3;
	[dreg:$0x4] =	wrdreg s10  }
0xb: {  	s3 =	ssub.s32 $0x2, s3;
	s10 =	simm.s32 $0x15A80;
	s4 =	sor.u32 s5, s15  }
0xc: {  	s5 =	sadd.s32 s5, s0;
	s16 =	sshrl.u32 s3, $0x1;
	s17 =	sshrl.u32 s8, $0x2  }
0xd: {  	s8 =	simm.s32 $0x8;
	s4 =	sadd.s32 s4, s0;
	s6 =	sadd.s32 s6, s7  }
0xe: {  	s3 =	ssub.s32 s3, s16;
	s7 =	sadd.s32 s17, s2;
	s20 =	sadd.s32 $0x54400, s5  }
0xf: {  	s22 =	sadd.s32 $0x54600, s5;
	s24 =	sadd.s32 $0x54800, s5;
	s25 =	sadd.s32 $0x54A00, s5  }
0x10: {  	s5 =	simm.s32 $0x6;
	s0 =	sadd.s32 s6, s0;
	[dreg:$0x6] =	wrdreg s20  }
0x11: {  	s6 =	sor.u32 $0x1C09, s18;
	s19 =	sadd.s32 $0x5C400, s4;
	[dreg:$0x8] =	wrdreg s22  }
0x12: {  	s21 =	sadd.s32 $0x5C600, s4;
	s23 =	sadd.s32 $0x5C800, s4;
	[dreg:$0xa] =	wrdreg s24  }
0x13: {  	s4 =	sadd.s32 $0x5CA00, s4;
	[dreg:$0xc] =	wrdreg s25;
	s26 =	smax.u32 s3, $0x1  }
0x14: {  	s17 =	sshrl.u32 s7, $0x3;
	s18 =	simm.s32 $0x9;
	[dreg:$0x5] =	wrdreg s19  }
0x15: {  	s20 =	simm.s32 $0x14C00;
	s22 =	simm.s32 $0x15C00;
	[dreg:$0x7] =	wrdreg s21  }
0x16: {  	s24 =	simm.s32 $0x18400;
	s25 =	simm.s32 $0x13D00;
	[dreg:$0x9] =	wrdreg s23  }
0x17: {  	s3 =	simm.s32 $0x4;
	s7 =	simm.s32 $0x7;
	[dreg:$0xb] =	wrdreg s4  }
0x18: {  	s0 =	sadd.s32 $0x6C400, s0;
	[dreg:$0xe] =	wrdreg s26;
	s19 =	simm.s32 $0x13C00  }
0x19: {  	s21 =	simm.s32 $0x50;
	s23 =	simm.s32 $0x13C80;
	s26 =	simm.s32 $0x1AC00  }
0x1a: {  	s4 =	simm.s32 $0x5;
	[dreg:$0xd] =	wrdreg s0;
	s0 =	simm.s32 $0x3  }
.LBB2_1:
0x1b: {  	s14 =	rddreg [dreg:$0x4]  }
0x1c: {  	[spmem:s17], [sflag:s6] =	dma.local [hbm:s14], $0x2780  }
0x1d: {  	_ =	swait.ge [sflag:s18], $0x2780  }
0x1e: {  	[sflag:s18] =	ssyncset.done $0x0  }
0x1f: {  	[sflag:s18] =	ssyncadd.s32 $0xFFFFD880  }
0x20: {  	[bflag:$0x0] =	sbarrier.arrive $0xFFFF  }
0x21: {  	s14 =	simm.s32 $0x0;
	s15 =	rddreg [dreg:$0x5]  }
0x22: {  	[tilespmem:s19], [sflag:$0x9] =	stream.linear.gather [hbm4b:s15+s14], $0x1000, $0x38;
	[tilespmem:$0x1FC00] =	vst v63  }
0x23: {  	_ =	swait.ge [sflag:s18], $0x1000  }
0x24: {  	[sflag:s18] =	ssyncset.done $0x0  }
0x25: {  	s16 =	rddreg [dreg:$0x6];
	[sflag:s18] =	ssyncadd.s32 $0xFFFFF000  }
0x26: {  	[tilespmem:s20], [sflag:$0x9] =	stream.linear.gather [hbm4b:s16+s14], $0x1000, $0x38;
	[tilespmem:$0x1FC00] =	vst v63  }
0x27: {  	_ =	swait.ge [sflag:s18], $0x1000  }
0x28: {  	[sflag:s18] =	ssyncset.done $0x0  }
0x29: {  	[sflag:s18] =	ssyncadd.s32 $0xFFFFF000  }
0x2a: {  	[tilespmem:s22], [sflag:$0x1] =	stream.indirect.gather [hbm4b:s1+s21], $0x80, s19, s21, $0xb8;
	[tilespmem:$0x1FC00] =	vst v63  }
0x2b: {  	_ = 	snop  }
0x2c: {  	[tilespmem:s24], [sflag:$0x2] =	stream.indirect.gather [hbm4b:s1+s21], $0x80, s23, s21, $0xb8;
	[tilespmem:$0x1FC00] =	vst v63  }
0x2d: {  	_ = 	snop  }
0x2e: {  	[tilespmem:s26], [sflag:$0x3] =	stream.indirect.gather [hbm4b:s1+s21], $0x80, s25, s21, $0xb8;
	[tilespmem:$0x1FC00] =	vst v63  }
0x2f: {  	_ = 	snop  }
0x30: {  	[tilespmem:s29], [sflag:$0x4] =	stream.indirect.gather [hbm4b:s1+s21], $0x80, s28, s21, $0xb8;
	[tilespmem:$0x1FC00] =	vst v63  }
0x31: {  	_ =	swait.ge [sflag:s30], $0x2800  }
0x32: {  	[sflag:s30] =	ssyncset.done $0x0  }
0x33: {  	s16 =	simm.s32 $0x14C00;
	[sflag:s30] =	ssyncadd.s32 $0xFFFFD800  }
0x34: {  	[spmem:s2] =	stream.indirect.scatter.add.f32 [tilespmem:s22], [sflag:$0x5], $0x80, s16, s21, $0xb8;
	[tilespmem:$0x1FC00] =	vst v63  }
0x35: {  	_ =	swait.ge [sflag:s31], $0x2800  }
0x36: {  	[sflag:s31] =	ssyncset.done $0x0  }
0x37: {  	s15 =	simm.s32 $0x14C80;
	[sflag:s31] =	ssyncadd.s32 $0xFFFFD800  }
0x38: {  	[spmem:s2] =	stream.indirect.scatter.add.f32 [tilespmem:s24], [sflag:$0x6], $0x80, s15, s21, $0xb8;
	[tilespmem:$0x1FC00] =	vst v63  }
0x39: {  	_ =	swait.ge [sflag:s0], $0x2800  }
0x3a: {  	[sflag:s0] =	ssyncset.done $0x0  }
0x3b: {  	s16 =	simm.s32 $0x14D00;
	[sflag:s0] =	ssyncadd.s32 $0xFFFFD800  }
0x3c: {  	[spmem:s2] =	stream.indirect.scatter.add.f32 [tilespmem:s26], [sflag:$0x7], $0x80, s16, s21, $0xb8;
	[tilespmem:$0x1FC00] =	vst v63  }
0x3d: {  	_ =	swait.ge [sflag:s3], $0x2800  }
0x3e: {  	[sflag:s3] =	ssyncset.done $0x0  }
0x3f: {  	s15 =	simm.s32 $0x14D80;
	[sflag:s3] =	ssyncadd.s32 $0xFFFFD800  }
0x40: {  	[spmem:s2] =	stream.indirect.scatter.add.f32 [tilespmem:s29], [sflag:$0x8], $0x80, s15, s21, $0xb8;
	[tilespmem:$0x1FC00] =	vst v63  }
0x41: {  	_ =	swait.ge [sflag:s4], $0x2800  }
0x42: {  	[sflag:s4] =	ssyncset.done $0x0  }
0x43: {  	s16 =	simm.s32 $0x13E00;
	[sflag:s4] =	ssyncadd.s32 $0xFFFFD800  }
0x44: {  	[tilespmem:s22], [sflag:$0x1] =	stream.indirect.gather [hbm4b:s1+s21], $0x80, s16, s21, $0xb8;
	[tilespmem:$0x1FC00] =	vst v63  }
0x45: {  	_ =	swait.ge [sflag:s5], $0x2800  }
0x46: {  	[sflag:s5] =	ssyncset.done $0x0  }
0x47: {  	s15 =	simm.s32 $0x13E80;
	[sflag:s5] =	ssyncadd.s32 $0xFFFFD800  }
0x48: {  	[tilespmem:s24], [sflag:$0x2] =	stream.indirect.gather [hbm4b:s1+s21], $0x80, s15, s21, $0xb8;
	[tilespmem:$0x1FC00] =	vst v63  }
0x49: {  	_ =	swait.ge [sflag:s7], $0x2800  }
0x4a: {  	[sflag:s7] =	ssyncset.done $0x0  }
0x4b: {  	s16 =	simm.s32 $0x13F00;
	[sflag:s7] =	ssyncadd.s32 $0xFFFFD800  }
0x4c: {  	[tilespmem:s26], [sflag:$0x3] =	stream.indirect.gather [hbm4b:s1+s21], $0x80, s16, s21, $0xb8;
	[tilespmem:$0x1FC00] =	vst v63  }
0x4d: {  	_ =	swait.ge [sflag:s8], $0x2800  }
0x4e: {  	[sflag:s8] =	ssyncset.done $0x0  }
0x4f: {  	s14 =	simm.s32 $0x800;
	s15 =	simm.s32 $0x13F80;
	[sflag:s8] =	ssyncadd.s32 $0xFFFFD800  }
.LBB2_2:
0x50: {  	[tilespmem:s29], [sflag:$0x4] =	stream.indirect.gather [hbm4b:s1+s21], $0x80, s15, s21, $0xb8;
	[tilespmem:$0x1FC00] =	vst v63  }
0x51: {  	s15 =	smov.u32 s14  }
0x52: {  	p0 =	sne.s32 s14, $0x3000;
	s14 =	sadd.s32 $0x800, s14;
	_ =	swait.ge [sflag:s30], $0x2800  }
0x53: {  	s15 =	sshra.s32 s15, $0x2;
	[sflag:s30] =	ssyncset.done $0x0  }
0x54: {  	s16 =	sadd.s32 $0x14C00, s15;
	[sflag:s30] =	ssyncadd.s32 $0xFFFFD800  }
0x55: {  	[spmem:s2] =	stream.indirect.scatter.add.f32 [tilespmem:s22], [sflag:$0x5], $0x80, s16, s21, $0xb8;
	[tilespmem:$0x1FC00] =	vst v63  }
0x56: {  	_ =	swait.ge [sflag:s31], $0x2800  }
0x57: {  	[sflag:s31] =	ssyncset.done $0x0  }
0x58: {  	s16 =	sadd.s32 $0x14C80, s15;
	[sflag:s31] =	ssyncadd.s32 $0xFFFFD800  }
0x59: {  	[spmem:s2] =	stream.indirect.scatter.add.f32 [tilespmem:s24], [sflag:$0x6], $0x80, s16, s21, $0xb8;
	[tilespmem:$0x1FC00] =	vst v63  }
0x5a: {  	_ =	swait.ge [sflag:s0], $0x2800  }
0x5b: {  	[sflag:s0] =	ssyncset.done $0x0  }
0x5c: {  	s16 =	sadd.s32 $0x14D00, s15;
	[sflag:s0] =	ssyncadd.s32 $0xFFFFD800  }
0x5d: {  	[spmem:s2] =	stream.indirect.scatter.add.f32 [tilespmem:s26], [sflag:$0x7], $0x80, s16, s21, $0xb8;
	[tilespmem:$0x1FC00] =	vst v63  }
0x5e: {  	_ =	swait.ge [sflag:s3], $0x2800  }
0x5f: {  	[sflag:s3] =	ssyncset.done $0x0  }
0x60: {  	s16 =	sadd.s32 $0x14D80, s15;
	[sflag:s3] =	ssyncadd.s32 $0xFFFFD800  }
0x61: {  	[spmem:s2] =	stream.indirect.scatter.add.f32 [tilespmem:s29], [sflag:$0x8], $0x80, s16, s21, $0xb8;
	[tilespmem:$0x1FC00] =	vst v63  }
0x62: {  	_ =	swait.ge [sflag:s4], $0x2800  }
0x63: {  	[sflag:s4] =	ssyncset.done $0x0  }
0x64: {  	s16 =	sadd.s32 $0x13E00, s15;
	[sflag:s4] =	ssyncadd.s32 $0xFFFFD800  }
0x65: {  	[tilespmem:s22], [sflag:$0x1] =	stream.indirect.gather [hbm4b:s1+s21], $0x80, s16, s21, $0xb8;
	[tilespmem:$0x1FC00] =	vst v63  }
0x66: {  	_ =	swait.ge [sflag:s5], $0x2800  }
0x67: {  	[sflag:s5] =	ssyncset.done $0x0  }
0x68: {  	s16 =	sadd.s32 $0x13E80, s15;
	[sflag:s5] =	ssyncadd.s32 $0xFFFFD800  }
0x69: {  	[tilespmem:s24], [sflag:$0x2] =	stream.indirect.gather [hbm4b:s1+s21], $0x80, s16, s21, $0xb8;
	[tilespmem:$0x1FC00] =	vst v63  }
0x6a: {  	_ =	swait.ge [sflag:s7], $0x2800  }
0x6b: {  	[sflag:s7] =	ssyncset.done $0x0  }
.Ltmp0:
0x6c: {  	s16 =	sadd.s32 $0x13F00, s15;
	[sflag:s7] =	ssyncadd.s32 $0xFFFFD800;
	(pc) =	sbr.rel @p0 .LBB2_2-.Ltmp0, $4  }
0x6d: {  	[tilespmem:s26], [sflag:$0x3] =	stream.indirect.gather [hbm4b:s1+s21], $0x80, s16, s21, $0xb8;
	[tilespmem:$0x1FC00] =	vst v63  }
0x6e: {  	_ =	swait.ge [sflag:s8], $0x2800  }
0x6f: {  	[sflag:s8] =	ssyncset.done $0x0  }
0x70: {  	s15 =	sadd.s32 $0x13F80, s15;
	[sflag:s8] =	ssyncadd.s32 $0xFFFFD800  }
0x71: {  	[tilespmem:s29], [sflag:$0x4] =	stream.indirect.gather [hbm4b:s1+s21], $0x80, s15, s21, $0xb8;
	[tilespmem:$0x1FC00] =	vst v63  }
0x72: {  	_ =	swait.ge [sflag:s30], $0x2800  }
0x73: {  	[sflag:s30] =	ssyncset.done $0x0  }
0x74: {  	[sflag:s30] =	ssyncadd.s32 $0xFFFFD800  }
0x75: {  	[spmem:s2] =	stream.indirect.scatter.add.f32 [tilespmem:s22], [sflag:$0x5], $0x80, s9, s21, $0xb8;
	[tilespmem:$0x1FC00] =	vst v63  }
0x76: {  	_ =	swait.ge [sflag:s31], $0x2800  }
0x77: {  	[sflag:s31] =	ssyncset.done $0x0  }
0x78: {  	[sflag:s31] =	ssyncadd.s32 $0xFFFFD800  }
0x79: {  	[spmem:s2] =	stream.indirect.scatter.add.f32 [tilespmem:s24], [sflag:$0x6], $0x80, s10, s21, $0xb8;
	[tilespmem:$0x1FC00] =	vst v63  }
0x7a: {  	_ =	swait.ge [sflag:s0], $0x2800  }
0x7b: {  	[sflag:s0] =	ssyncset.done $0x0  }
0x7c: {  	[sflag:s0] =	ssyncadd.s32 $0xFFFFD800  }
0x7d: {  	[spmem:s2] =	stream.indirect.scatter.add.f32 [tilespmem:s26], [sflag:$0x7], $0x80, s11, s21, $0xb8;
	[tilespmem:$0x1FC00] =	vst v63  }
0x7e: {  	_ =	swait.ge [sflag:s3], $0x2800  }
0x7f: {  	[sflag:s3] =	ssyncset.done $0x0  }
0x80: {  	[sflag:s3] =	ssyncadd.s32 $0xFFFFD800  }
0x81: {  	[spmem:s2] =	stream.indirect.scatter.add.f32 [tilespmem:s29], [sflag:$0x8], $0x80, s12, s21, $0xb8;
	[tilespmem:$0x1FC00] =	vst v63  }
0x82: {  	_ =	swait.ge [sflag:s4], $0x2800  }
0x83: {  	[sflag:s4] =	ssyncset.done $0x0  }
0x84: {  	[sflag:s4] =	ssyncadd.s32 $0xFFFFD800  }
0x85: {  	_ =	swait.ge [sflag:s5], $0x2800  }
0x86: {  	[sflag:s5] =	ssyncset.done $0x0  }
0x87: {  	[sflag:s5] =	ssyncadd.s32 $0xFFFFD800  }
0x88: {  	_ =	swait.ge [sflag:s7], $0x2800  }
0x89: {  	[sflag:s7] =	ssyncset.done $0x0  }
0x8a: {  	[sflag:s7] =	ssyncadd.s32 $0xFFFFD800  }
0x8b: {  	_ =	swait.ge [sflag:s8], $0x2800  }
0x8c: {  	[sflag:s8] =	ssyncset.done $0x0  }
0x8d: {  	s14 =	simm.s32 $0x0;
	s16 =	rddreg [dreg:$0x7];
	[sflag:s8] =	ssyncadd.s32 $0xFFFFD800  }
0x8e: {  	[tilespmem:s19], [sflag:$0x9] =	stream.linear.gather [hbm4b:s16+s14], $0x1000, $0x38;
	[tilespmem:$0x1FC00] =	vst v63  }
0x8f: {  	_ =	swait.ge [sflag:s18], $0x1000  }
0x90: {  	[sflag:s18] =	ssyncset.done $0x0  }
0x91: {  	s16 =	rddreg [dreg:$0x8];
	[sflag:s18] =	ssyncadd.s32 $0xFFFFF000  }
0x92: {  	[tilespmem:s20], [sflag:$0x9] =	stream.linear.gather [hbm4b:s16+s14], $0x1000, $0x38;
	[tilespmem:$0x1FC00] =	vst v63  }
0x93: {  	_ =	swait.ge [sflag:s18], $0x1000  }
0x94: {  	[sflag:s18] =	ssyncset.done $0x0  }
0x95: {  	[sflag:s18] =	ssyncadd.s32 $0xFFFFF000  }
0x96: {  	[tilespmem:s22], [sflag:$0x1] =	stream.indirect.gather [hbm4b:s1+s21], $0x80, s19, s21, $0xb8;
	[tilespmem:$0x1FC00] =	vst v63  }
0x97: {  	_ = 	snop  }
0x98: {  	[tilespmem:s24], [sflag:$0x2] =	stream.indirect.gather [hbm4b:s1+s21], $0x80, s23, s21, $0xb8;
	[tilespmem:$0x1FC00] =	vst v63  }
0x99: {  	_ = 	snop  }
0x9a: {  	[tilespmem:s26], [sflag:$0x3] =	stream.indirect.gather [hbm4b:s1+s21], $0x80, s25, s21, $0xb8;
	[tilespmem:$0x1FC00] =	vst v63  }
0x9b: {  	_ = 	snop  }
0x9c: {  	[tilespmem:s29], [sflag:$0x4] =	stream.indirect.gather [hbm4b:s1+s21], $0x80, s28, s21, $0xb8;
	[tilespmem:$0x1FC00] =	vst v63  }
0x9d: {  	_ =	swait.ge [sflag:s30], $0x2800  }
0x9e: {  	[sflag:s30] =	ssyncset.done $0x0  }
0x9f: {  	s16 =	simm.s32 $0x14C00;
	[sflag:s30] =	ssyncadd.s32 $0xFFFFD800  }
0xa0: {  	[spmem:s2] =	stream.indirect.scatter.add.f32 [tilespmem:s22], [sflag:$0x5], $0x80, s16, s21, $0xb8;
	[tilespmem:$0x1FC00] =	vst v63  }
0xa1: {  	_ =	swait.ge [sflag:s31], $0x2800  }
0xa2: {  	[sflag:s31] =	ssyncset.done $0x0  }
0xa3: {  	s15 =	simm.s32 $0x14C80;
	[sflag:s31] =	ssyncadd.s32 $0xFFFFD800  }
0xa4: {  	[spmem:s2] =	stream.indirect.scatter.add.f32 [tilespmem:s24], [sflag:$0x6], $0x80, s15, s21, $0xb8;
	[tilespmem:$0x1FC00] =	vst v63  }
0xa5: {  	_ =	swait.ge [sflag:s0], $0x2800  }
0xa6: {  	[sflag:s0] =	ssyncset.done $0x0  }
0xa7: {  	s16 =	simm.s32 $0x14D00;
	[sflag:s0] =	ssyncadd.s32 $0xFFFFD800  }
0xa8: {  	[spmem:s2] =	stream.indirect.scatter.add.f32 [tilespmem:s26], [sflag:$0x7], $0x80, s16, s21, $0xb8;
	[tilespmem:$0x1FC00] =	vst v63  }
0xa9: {  	_ =	swait.ge [sflag:s3], $0x2800  }
0xaa: {  	[sflag:s3] =	ssyncset.done $0x0  }
0xab: {  	s15 =	simm.s32 $0x14D80;
	[sflag:s3] =	ssyncadd.s32 $0xFFFFD800  }
0xac: {  	[spmem:s2] =	stream.indirect.scatter.add.f32 [tilespmem:s29], [sflag:$0x8], $0x80, s15, s21, $0xb8;
	[tilespmem:$0x1FC00] =	vst v63  }
0xad: {  	_ =	swait.ge [sflag:s4], $0x2800  }
0xae: {  	[sflag:s4] =	ssyncset.done $0x0  }
0xaf: {  	s16 =	simm.s32 $0x13E00;
	[sflag:s4] =	ssyncadd.s32 $0xFFFFD800  }
0xb0: {  	[tilespmem:s22], [sflag:$0x1] =	stream.indirect.gather [hbm4b:s1+s21], $0x80, s16, s21, $0xb8;
	[tilespmem:$0x1FC00] =	vst v63  }
0xb1: {  	_ =	swait.ge [sflag:s5], $0x2800  }
0xb2: {  	[sflag:s5] =	ssyncset.done $0x0  }
0xb3: {  	s15 =	simm.s32 $0x13E80;
	[sflag:s5] =	ssyncadd.s32 $0xFFFFD800  }
0xb4: {  	[tilespmem:s24], [sflag:$0x2] =	stream.indirect.gather [hbm4b:s1+s21], $0x80, s15, s21, $0xb8;
	[tilespmem:$0x1FC00] =	vst v63  }
0xb5: {  	_ =	swait.ge [sflag:s7], $0x2800  }
0xb6: {  	[sflag:s7] =	ssyncset.done $0x0  }
0xb7: {  	s16 =	simm.s32 $0x13F00;
	[sflag:s7] =	ssyncadd.s32 $0xFFFFD800  }
0xb8: {  	[tilespmem:s26], [sflag:$0x3] =	stream.indirect.gather [hbm4b:s1+s21], $0x80, s16, s21, $0xb8;
	[tilespmem:$0x1FC00] =	vst v63  }
0xb9: {  	_ =	swait.ge [sflag:s8], $0x2800  }
0xba: {  	[sflag:s8] =	ssyncset.done $0x0  }
0xbb: {  	s14 =	simm.s32 $0x800;
	s15 =	simm.s32 $0x13F80;
	[sflag:s8] =	ssyncadd.s32 $0xFFFFD800  }
.LBB2_4:
0xbc: {  	[tilespmem:s29], [sflag:$0x4] =	stream.indirect.gather [hbm4b:s1+s21], $0x80, s15, s21, $0xb8;
	[tilespmem:$0x1FC00] =	vst v63  }
0xbd: {  	s15 =	smov.u32 s14  }
0xbe: {  	p0 =	sne.s32 s14, $0x3000;
	s14 =	sadd.s32 $0x800, s14;
	_ =	swait.ge [sflag:s30], $0x2800  }
0xbf: {  	s15 =	sshra.s32 s15, $0x2;
	[sflag:s30] =	ssyncset.done $0x0  }
0xc0: {  	s16 =	sadd.s32 $0x14C00, s15;
	[sflag:s30] =	ssyncadd.s32 $0xFFFFD800  }
0xc1: {  	[spmem:s2] =	stream.indirect.scatter.add.f32 [tilespmem:s22], [sflag:$0x5], $0x80, s16, s21, $0xb8;
	[tilespmem:$0x1FC00] =	vst v63  }
0xc2: {  	_ =	swait.ge [sflag:s31], $0x2800  }
0xc3: {  	[sflag:s31] =	ssyncset.done $0x0  }
0xc4: {  	s16 =	sadd.s32 $0x14C80, s15;
	[sflag:s31] =	ssyncadd.s32 $0xFFFFD800  }
0xc5: {  	[spmem:s2] =	stream.indirect.scatter.add.f32 [tilespmem:s24], [sflag:$0x6], $0x80, s16, s21, $0xb8;
	[tilespmem:$0x1FC00] =	vst v63  }
0xc6: {  	_ =	swait.ge [sflag:s0], $0x2800  }
0xc7: {  	[sflag:s0] =	ssyncset.done $0x0  }
0xc8: {  	s16 =	sadd.s32 $0x14D00, s15;
	[sflag:s0] =	ssyncadd.s32 $0xFFFFD800  }
0xc9: {  	[spmem:s2] =	stream.indirect.scatter.add.f32 [tilespmem:s26], [sflag:$0x7], $0x80, s16, s21, $0xb8;
	[tilespmem:$0x1FC00] =	vst v63  }
0xca: {  	_ =	swait.ge [sflag:s3], $0x2800  }
0xcb: {  	[sflag:s3] =	ssyncset.done $0x0  }
0xcc: {  	s16 =	sadd.s32 $0x14D80, s15;
	[sflag:s3] =	ssyncadd.s32 $0xFFFFD800  }
0xcd: {  	[spmem:s2] =	stream.indirect.scatter.add.f32 [tilespmem:s29], [sflag:$0x8], $0x80, s16, s21, $0xb8;
	[tilespmem:$0x1FC00] =	vst v63  }
0xce: {  	_ =	swait.ge [sflag:s4], $0x2800  }
0xcf: {  	[sflag:s4] =	ssyncset.done $0x0  }
0xd0: {  	s16 =	sadd.s32 $0x13E00, s15;
	[sflag:s4] =	ssyncadd.s32 $0xFFFFD800  }
0xd1: {  	[tilespmem:s22], [sflag:$0x1] =	stream.indirect.gather [hbm4b:s1+s21], $0x80, s16, s21, $0xb8;
	[tilespmem:$0x1FC00] =	vst v63  }
0xd2: {  	_ =	swait.ge [sflag:s5], $0x2800  }
0xd3: {  	[sflag:s5] =	ssyncset.done $0x0  }
0xd4: {  	s16 =	sadd.s32 $0x13E80, s15;
	[sflag:s5] =	ssyncadd.s32 $0xFFFFD800  }
0xd5: {  	[tilespmem:s24], [sflag:$0x2] =	stream.indirect.gather [hbm4b:s1+s21], $0x80, s16, s21, $0xb8;
	[tilespmem:$0x1FC00] =	vst v63  }
0xd6: {  	_ =	swait.ge [sflag:s7], $0x2800  }
0xd7: {  	[sflag:s7] =	ssyncset.done $0x0  }
.Ltmp1:
0xd8: {  	s16 =	sadd.s32 $0x13F00, s15;
	[sflag:s7] =	ssyncadd.s32 $0xFFFFD800;
	(pc) =	sbr.rel @p0 .LBB2_4-.Ltmp1, $4  }
0xd9: {  	[tilespmem:s26], [sflag:$0x3] =	stream.indirect.gather [hbm4b:s1+s21], $0x80, s16, s21, $0xb8;
	[tilespmem:$0x1FC00] =	vst v63  }
0xda: {  	_ =	swait.ge [sflag:s8], $0x2800  }
0xdb: {  	[sflag:s8] =	ssyncset.done $0x0  }
0xdc: {  	s15 =	sadd.s32 $0x13F80, s15;
	[sflag:s8] =	ssyncadd.s32 $0xFFFFD800  }
0xdd: {  	[tilespmem:s29], [sflag:$0x4] =	stream.indirect.gather [hbm4b:s1+s21], $0x80, s15, s21, $0xb8;
	[tilespmem:$0x1FC00] =	vst v63  }
0xde: {  	_ =	swait.ge [sflag:s30], $0x2800  }
0xdf: {  	[sflag:s30] =	ssyncset.done $0x0  }
0xe0: {  	[sflag:s30] =	ssyncadd.s32 $0xFFFFD800  }
0xe1: {  	[spmem:s2] =	stream.indirect.scatter.add.f32 [tilespmem:s22], [sflag:$0x5], $0x80, s9, s21, $0xb8;
	[tilespmem:$0x1FC00] =	vst v63  }
0xe2: {  	_ =	swait.ge [sflag:s31], $0x2800  }
0xe3: {  	[sflag:s31] =	ssyncset.done $0x0  }
0xe4: {  	[sflag:s31] =	ssyncadd.s32 $0xFFFFD800  }
0xe5: {  	[spmem:s2] =	stream.indirect.scatter.add.f32 [tilespmem:s24], [sflag:$0x6], $0x80, s10, s21, $0xb8;
	[tilespmem:$0x1FC00] =	vst v63  }
0xe6: {  	_ =	swait.ge [sflag:s0], $0x2800  }
0xe7: {  	[sflag:s0] =	ssyncset.done $0x0  }
0xe8: {  	[sflag:s0] =	ssyncadd.s32 $0xFFFFD800  }
0xe9: {  	[spmem:s2] =	stream.indirect.scatter.add.f32 [tilespmem:s26], [sflag:$0x7], $0x80, s11, s21, $0xb8;
	[tilespmem:$0x1FC00] =	vst v63  }
0xea: {  	_ =	swait.ge [sflag:s3], $0x2800  }
0xeb: {  	[sflag:s3] =	ssyncset.done $0x0  }
0xec: {  	[sflag:s3] =	ssyncadd.s32 $0xFFFFD800  }
0xed: {  	[spmem:s2] =	stream.indirect.scatter.add.f32 [tilespmem:s29], [sflag:$0x8], $0x80, s12, s21, $0xb8;
	[tilespmem:$0x1FC00] =	vst v63  }
0xee: {  	_ =	swait.ge [sflag:s4], $0x2800  }
0xef: {  	[sflag:s4] =	ssyncset.done $0x0  }
0xf0: {  	[sflag:s4] =	ssyncadd.s32 $0xFFFFD800  }
0xf1: {  	_ =	swait.ge [sflag:s5], $0x2800  }
0xf2: {  	[sflag:s5] =	ssyncset.done $0x0  }
0xf3: {  	[sflag:s5] =	ssyncadd.s32 $0xFFFFD800  }
0xf4: {  	_ =	swait.ge [sflag:s7], $0x2800  }
0xf5: {  	[sflag:s7] =	ssyncset.done $0x0  }
0xf6: {  	[sflag:s7] =	ssyncadd.s32 $0xFFFFD800  }
0xf7: {  	_ =	swait.ge [sflag:s8], $0x2800  }
0xf8: {  	[sflag:s8] =	ssyncset.done $0x0  }
0xf9: {  	s14 =	simm.s32 $0x0;
	s16 =	rddreg [dreg:$0x9];
	[sflag:s8] =	ssyncadd.s32 $0xFFFFD800  }
0xfa: {  	[tilespmem:s19], [sflag:$0x9] =	stream.linear.gather [hbm4b:s16+s14], $0x1000, $0x38;
	[tilespmem:$0x1FC00] =	vst v63  }
0xfb: {  	_ =	swait.ge [sflag:s18], $0x1000  }
0xfc: {  	[sflag:s18] =	ssyncset.done $0x0  }
0xfd: {  	s16 =	rddreg [dreg:$0xa];
	[sflag:s18] =	ssyncadd.s32 $0xFFFFF000  }
0xfe: {  	[tilespmem:s20], [sflag:$0x9] =	stream.linear.gather [hbm4b:s16+s14], $0x1000, $0x38;
	[tilespmem:$0x1FC00] =	vst v63  }
0xff: {  	_ =	swait.ge [sflag:s18], $0x1000  }
0x100: {  	[sflag:s18] =	ssyncset.done $0x0  }
0x101: {  	[sflag:s18] =	ssyncadd.s32 $0xFFFFF000  }
0x102: {  	[tilespmem:s22], [sflag:$0x1] =	stream.indirect.gather [hbm4b:s1+s21], $0x80, s19, s21, $0xb8;
	[tilespmem:$0x1FC00] =	vst v63  }
0x103: {  	_ = 	snop  }
0x104: {  	[tilespmem:s24], [sflag:$0x2] =	stream.indirect.gather [hbm4b:s1+s21], $0x80, s23, s21, $0xb8;
	[tilespmem:$0x1FC00] =	vst v63  }
0x105: {  	_ = 	snop  }
0x106: {  	[tilespmem:s26], [sflag:$0x3] =	stream.indirect.gather [hbm4b:s1+s21], $0x80, s25, s21, $0xb8;
	[tilespmem:$0x1FC00] =	vst v63  }
0x107: {  	_ = 	snop  }
0x108: {  	[tilespmem:s29], [sflag:$0x4] =	stream.indirect.gather [hbm4b:s1+s21], $0x80, s28, s21, $0xb8;
	[tilespmem:$0x1FC00] =	vst v63  }
0x109: {  	_ =	swait.ge [sflag:s30], $0x2800  }
0x10a: {  	[sflag:s30] =	ssyncset.done $0x0  }
0x10b: {  	s16 =	simm.s32 $0x14C00;
	[sflag:s30] =	ssyncadd.s32 $0xFFFFD800  }
0x10c: {  	[spmem:s2] =	stream.indirect.scatter.add.f32 [tilespmem:s22], [sflag:$0x5], $0x80, s16, s21, $0xb8;
	[tilespmem:$0x1FC00] =	vst v63  }
0x10d: {  	_ =	swait.ge [sflag:s31], $0x2800  }
0x10e: {  	[sflag:s31] =	ssyncset.done $0x0  }
0x10f: {  	s15 =	simm.s32 $0x14C80;
	[sflag:s31] =	ssyncadd.s32 $0xFFFFD800  }
0x110: {  	[spmem:s2] =	stream.indirect.scatter.add.f32 [tilespmem:s24], [sflag:$0x6], $0x80, s15, s21, $0xb8;
	[tilespmem:$0x1FC00] =	vst v63  }
0x111: {  	_ =	swait.ge [sflag:s0], $0x2800  }
0x112: {  	[sflag:s0] =	ssyncset.done $0x0  }
0x113: {  	s16 =	simm.s32 $0x14D00;
	[sflag:s0] =	ssyncadd.s32 $0xFFFFD800  }
0x114: {  	[spmem:s2] =	stream.indirect.scatter.add.f32 [tilespmem:s26], [sflag:$0x7], $0x80, s16, s21, $0xb8;
	[tilespmem:$0x1FC00] =	vst v63  }
0x115: {  	_ =	swait.ge [sflag:s3], $0x2800  }
0x116: {  	[sflag:s3] =	ssyncset.done $0x0  }
0x117: {  	s15 =	simm.s32 $0x14D80;
	[sflag:s3] =	ssyncadd.s32 $0xFFFFD800  }
0x118: {  	[spmem:s2] =	stream.indirect.scatter.add.f32 [tilespmem:s29], [sflag:$0x8], $0x80, s15, s21, $0xb8;
	[tilespmem:$0x1FC00] =	vst v63  }
0x119: {  	_ =	swait.ge [sflag:s4], $0x2800  }
0x11a: {  	[sflag:s4] =	ssyncset.done $0x0  }
0x11b: {  	s16 =	simm.s32 $0x13E00;
	[sflag:s4] =	ssyncadd.s32 $0xFFFFD800  }
0x11c: {  	[tilespmem:s22], [sflag:$0x1] =	stream.indirect.gather [hbm4b:s1+s21], $0x80, s16, s21, $0xb8;
	[tilespmem:$0x1FC00] =	vst v63  }
0x11d: {  	_ =	swait.ge [sflag:s5], $0x2800  }
0x11e: {  	[sflag:s5] =	ssyncset.done $0x0  }
0x11f: {  	s15 =	simm.s32 $0x13E80;
	[sflag:s5] =	ssyncadd.s32 $0xFFFFD800  }
0x120: {  	[tilespmem:s24], [sflag:$0x2] =	stream.indirect.gather [hbm4b:s1+s21], $0x80, s15, s21, $0xb8;
	[tilespmem:$0x1FC00] =	vst v63  }
0x121: {  	_ =	swait.ge [sflag:s7], $0x2800  }
0x122: {  	[sflag:s7] =	ssyncset.done $0x0  }
0x123: {  	s16 =	simm.s32 $0x13F00;
	[sflag:s7] =	ssyncadd.s32 $0xFFFFD800  }
0x124: {  	[tilespmem:s26], [sflag:$0x3] =	stream.indirect.gather [hbm4b:s1+s21], $0x80, s16, s21, $0xb8;
	[tilespmem:$0x1FC00] =	vst v63  }
0x125: {  	_ =	swait.ge [sflag:s8], $0x2800  }
0x126: {  	[sflag:s8] =	ssyncset.done $0x0  }
0x127: {  	s14 =	simm.s32 $0x800;
	s15 =	simm.s32 $0x13F80;
	[sflag:s8] =	ssyncadd.s32 $0xFFFFD800  }
.LBB2_6:
0x128: {  	[tilespmem:s29], [sflag:$0x4] =	stream.indirect.gather [hbm4b:s1+s21], $0x80, s15, s21, $0xb8;
	[tilespmem:$0x1FC00] =	vst v63  }
0x129: {  	s15 =	smov.u32 s14  }
0x12a: {  	p0 =	sne.s32 s14, $0x3000;
	s14 =	sadd.s32 $0x800, s14;
	_ =	swait.ge [sflag:s30], $0x2800  }
0x12b: {  	s15 =	sshra.s32 s15, $0x2;
	[sflag:s30] =	ssyncset.done $0x0  }
0x12c: {  	s16 =	sadd.s32 $0x14C00, s15;
	[sflag:s30] =	ssyncadd.s32 $0xFFFFD800  }
0x12d: {  	[spmem:s2] =	stream.indirect.scatter.add.f32 [tilespmem:s22], [sflag:$0x5], $0x80, s16, s21, $0xb8;
	[tilespmem:$0x1FC00] =	vst v63  }
0x12e: {  	_ =	swait.ge [sflag:s31], $0x2800  }
0x12f: {  	[sflag:s31] =	ssyncset.done $0x0  }
0x130: {  	s16 =	sadd.s32 $0x14C80, s15;
	[sflag:s31] =	ssyncadd.s32 $0xFFFFD800  }
0x131: {  	[spmem:s2] =	stream.indirect.scatter.add.f32 [tilespmem:s24], [sflag:$0x6], $0x80, s16, s21, $0xb8;
	[tilespmem:$0x1FC00] =	vst v63  }
0x132: {  	_ =	swait.ge [sflag:s0], $0x2800  }
0x133: {  	[sflag:s0] =	ssyncset.done $0x0  }
0x134: {  	s16 =	sadd.s32 $0x14D00, s15;
	[sflag:s0] =	ssyncadd.s32 $0xFFFFD800  }
0x135: {  	[spmem:s2] =	stream.indirect.scatter.add.f32 [tilespmem:s26], [sflag:$0x7], $0x80, s16, s21, $0xb8;
	[tilespmem:$0x1FC00] =	vst v63  }
0x136: {  	_ =	swait.ge [sflag:s3], $0x2800  }
0x137: {  	[sflag:s3] =	ssyncset.done $0x0  }
0x138: {  	s16 =	sadd.s32 $0x14D80, s15;
	[sflag:s3] =	ssyncadd.s32 $0xFFFFD800  }
0x139: {  	[spmem:s2] =	stream.indirect.scatter.add.f32 [tilespmem:s29], [sflag:$0x8], $0x80, s16, s21, $0xb8;
	[tilespmem:$0x1FC00] =	vst v63  }
0x13a: {  	_ =	swait.ge [sflag:s4], $0x2800  }
0x13b: {  	[sflag:s4] =	ssyncset.done $0x0  }
0x13c: {  	s16 =	sadd.s32 $0x13E00, s15;
	[sflag:s4] =	ssyncadd.s32 $0xFFFFD800  }
0x13d: {  	[tilespmem:s22], [sflag:$0x1] =	stream.indirect.gather [hbm4b:s1+s21], $0x80, s16, s21, $0xb8;
	[tilespmem:$0x1FC00] =	vst v63  }
0x13e: {  	_ =	swait.ge [sflag:s5], $0x2800  }
0x13f: {  	[sflag:s5] =	ssyncset.done $0x0  }
0x140: {  	s16 =	sadd.s32 $0x13E80, s15;
	[sflag:s5] =	ssyncadd.s32 $0xFFFFD800  }
0x141: {  	[tilespmem:s24], [sflag:$0x2] =	stream.indirect.gather [hbm4b:s1+s21], $0x80, s16, s21, $0xb8;
	[tilespmem:$0x1FC00] =	vst v63  }
0x142: {  	_ =	swait.ge [sflag:s7], $0x2800  }
0x143: {  	[sflag:s7] =	ssyncset.done $0x0  }
.Ltmp2:
0x144: {  	s16 =	sadd.s32 $0x13F00, s15;
	[sflag:s7] =	ssyncadd.s32 $0xFFFFD800;
	(pc) =	sbr.rel @p0 .LBB2_6-.Ltmp2, $4  }
0x145: {  	[tilespmem:s26], [sflag:$0x3] =	stream.indirect.gather [hbm4b:s1+s21], $0x80, s16, s21, $0xb8;
	[tilespmem:$0x1FC00] =	vst v63  }
0x146: {  	_ =	swait.ge [sflag:s8], $0x2800  }
0x147: {  	[sflag:s8] =	ssyncset.done $0x0  }
0x148: {  	s15 =	sadd.s32 $0x13F80, s15;
	[sflag:s8] =	ssyncadd.s32 $0xFFFFD800  }
0x149: {  	[tilespmem:s29], [sflag:$0x4] =	stream.indirect.gather [hbm4b:s1+s21], $0x80, s15, s21, $0xb8;
	[tilespmem:$0x1FC00] =	vst v63  }
0x14a: {  	_ =	swait.ge [sflag:s30], $0x2800  }
0x14b: {  	[sflag:s30] =	ssyncset.done $0x0  }
0x14c: {  	[sflag:s30] =	ssyncadd.s32 $0xFFFFD800  }
0x14d: {  	[spmem:s2] =	stream.indirect.scatter.add.f32 [tilespmem:s22], [sflag:$0x5], $0x80, s9, s21, $0xb8;
	[tilespmem:$0x1FC00] =	vst v63  }
0x14e: {  	_ =	swait.ge [sflag:s31], $0x2800  }
0x14f: {  	[sflag:s31] =	ssyncset.done $0x0  }
0x150: {  	[sflag:s31] =	ssyncadd.s32 $0xFFFFD800  }
0x151: {  	[spmem:s2] =	stream.indirect.scatter.add.f32 [tilespmem:s24], [sflag:$0x6], $0x80, s10, s21, $0xb8;
	[tilespmem:$0x1FC00] =	vst v63  }
0x152: {  	_ =	swait.ge [sflag:s0], $0x2800  }
0x153: {  	[sflag:s0] =	ssyncset.done $0x0  }
0x154: {  	[sflag:s0] =	ssyncadd.s32 $0xFFFFD800  }
0x155: {  	[spmem:s2] =	stream.indirect.scatter.add.f32 [tilespmem:s26], [sflag:$0x7], $0x80, s11, s21, $0xb8;
	[tilespmem:$0x1FC00] =	vst v63  }
0x156: {  	_ =	swait.ge [sflag:s3], $0x2800  }
0x157: {  	[sflag:s3] =	ssyncset.done $0x0  }
0x158: {  	[sflag:s3] =	ssyncadd.s32 $0xFFFFD800  }
0x159: {  	[spmem:s2] =	stream.indirect.scatter.add.f32 [tilespmem:s29], [sflag:$0x8], $0x80, s12, s21, $0xb8;
	[tilespmem:$0x1FC00] =	vst v63  }
0x15a: {  	_ =	swait.ge [sflag:s4], $0x2800  }
0x15b: {  	[sflag:s4] =	ssyncset.done $0x0  }
0x15c: {  	[sflag:s4] =	ssyncadd.s32 $0xFFFFD800  }
0x15d: {  	_ =	swait.ge [sflag:s5], $0x2800  }
0x15e: {  	[sflag:s5] =	ssyncset.done $0x0  }
0x15f: {  	[sflag:s5] =	ssyncadd.s32 $0xFFFFD800  }
0x160: {  	_ =	swait.ge [sflag:s7], $0x2800  }
0x161: {  	[sflag:s7] =	ssyncset.done $0x0  }
0x162: {  	[sflag:s7] =	ssyncadd.s32 $0xFFFFD800  }
0x163: {  	_ =	swait.ge [sflag:s8], $0x2800  }
0x164: {  	[sflag:s8] =	ssyncset.done $0x0  }
0x165: {  	s14 =	simm.s32 $0x0;
	s16 =	rddreg [dreg:$0xb];
	[sflag:s8] =	ssyncadd.s32 $0xFFFFD800  }
0x166: {  	[tilespmem:s19], [sflag:$0x9] =	stream.linear.gather [hbm4b:s16+s14], $0x1000, $0x38;
	[tilespmem:$0x1FC00] =	vst v63  }
0x167: {  	_ =	swait.ge [sflag:s18], $0x1000  }
0x168: {  	[sflag:s18] =	ssyncset.done $0x0  }
0x169: {  	s16 =	rddreg [dreg:$0xc];
	[sflag:s18] =	ssyncadd.s32 $0xFFFFF000  }
0x16a: {  	[tilespmem:s20], [sflag:$0x9] =	stream.linear.gather [hbm4b:s16+s14], $0x1000, $0x38;
	[tilespmem:$0x1FC00] =	vst v63  }
0x16b: {  	_ =	swait.ge [sflag:s18], $0x1000  }
0x16c: {  	[sflag:s18] =	ssyncset.done $0x0  }
0x16d: {  	[sflag:s18] =	ssyncadd.s32 $0xFFFFF000  }
0x16e: {  	[tilespmem:s22], [sflag:$0x1] =	stream.indirect.gather [hbm4b:s1+s21], $0x80, s19, s21, $0xb8;
	[tilespmem:$0x1FC00] =	vst v63  }
0x16f: {  	_ = 	snop  }
0x170: {  	[tilespmem:s24], [sflag:$0x2] =	stream.indirect.gather [hbm4b:s1+s21], $0x80, s23, s21, $0xb8;
	[tilespmem:$0x1FC00] =	vst v63  }
0x171: {  	_ = 	snop  }
0x172: {  	[tilespmem:s26], [sflag:$0x3] =	stream.indirect.gather [hbm4b:s1+s21], $0x80, s25, s21, $0xb8;
	[tilespmem:$0x1FC00] =	vst v63  }
0x173: {  	_ = 	snop  }
0x174: {  	[tilespmem:s29], [sflag:$0x4] =	stream.indirect.gather [hbm4b:s1+s21], $0x80, s28, s21, $0xb8;
	[tilespmem:$0x1FC00] =	vst v63  }
0x175: {  	_ =	swait.ge [sflag:s30], $0x2800  }
0x176: {  	[sflag:s30] =	ssyncset.done $0x0  }
0x177: {  	s16 =	simm.s32 $0x14C00;
	[sflag:s30] =	ssyncadd.s32 $0xFFFFD800  }
0x178: {  	[spmem:s2] =	stream.indirect.scatter.add.f32 [tilespmem:s22], [sflag:$0x5], $0x80, s16, s21, $0xb8;
	[tilespmem:$0x1FC00] =	vst v63  }
0x179: {  	_ =	swait.ge [sflag:s31], $0x2800  }
0x17a: {  	[sflag:s31] =	ssyncset.done $0x0  }
0x17b: {  	s15 =	simm.s32 $0x14C80;
	[sflag:s31] =	ssyncadd.s32 $0xFFFFD800  }
0x17c: {  	[spmem:s2] =	stream.indirect.scatter.add.f32 [tilespmem:s24], [sflag:$0x6], $0x80, s15, s21, $0xb8;
	[tilespmem:$0x1FC00] =	vst v63  }
0x17d: {  	_ =	swait.ge [sflag:s0], $0x2800  }
0x17e: {  	[sflag:s0] =	ssyncset.done $0x0  }
0x17f: {  	s16 =	simm.s32 $0x14D00;
	[sflag:s0] =	ssyncadd.s32 $0xFFFFD800  }
0x180: {  	[spmem:s2] =	stream.indirect.scatter.add.f32 [tilespmem:s26], [sflag:$0x7], $0x80, s16, s21, $0xb8;
	[tilespmem:$0x1FC00] =	vst v63  }
0x181: {  	_ =	swait.ge [sflag:s3], $0x2800  }
0x182: {  	[sflag:s3] =	ssyncset.done $0x0  }
0x183: {  	s15 =	simm.s32 $0x14D80;
	[sflag:s3] =	ssyncadd.s32 $0xFFFFD800  }
0x184: {  	[spmem:s2] =	stream.indirect.scatter.add.f32 [tilespmem:s29], [sflag:$0x8], $0x80, s15, s21, $0xb8;
	[tilespmem:$0x1FC00] =	vst v63  }
0x185: {  	_ =	swait.ge [sflag:s4], $0x2800  }
0x186: {  	[sflag:s4] =	ssyncset.done $0x0  }
0x187: {  	s16 =	simm.s32 $0x13E00;
	[sflag:s4] =	ssyncadd.s32 $0xFFFFD800  }
0x188: {  	[tilespmem:s22], [sflag:$0x1] =	stream.indirect.gather [hbm4b:s1+s21], $0x80, s16, s21, $0xb8;
	[tilespmem:$0x1FC00] =	vst v63  }
0x189: {  	_ =	swait.ge [sflag:s5], $0x2800  }
0x18a: {  	[sflag:s5] =	ssyncset.done $0x0  }
0x18b: {  	s15 =	simm.s32 $0x13E80;
	[sflag:s5] =	ssyncadd.s32 $0xFFFFD800  }
0x18c: {  	[tilespmem:s24], [sflag:$0x2] =	stream.indirect.gather [hbm4b:s1+s21], $0x80, s15, s21, $0xb8;
	[tilespmem:$0x1FC00] =	vst v63  }
0x18d: {  	_ =	swait.ge [sflag:s7], $0x2800  }
0x18e: {  	[sflag:s7] =	ssyncset.done $0x0  }
0x18f: {  	s16 =	simm.s32 $0x13F00;
	[sflag:s7] =	ssyncadd.s32 $0xFFFFD800  }
0x190: {  	[tilespmem:s26], [sflag:$0x3] =	stream.indirect.gather [hbm4b:s1+s21], $0x80, s16, s21, $0xb8;
	[tilespmem:$0x1FC00] =	vst v63  }
0x191: {  	_ =	swait.ge [sflag:s8], $0x2800  }
0x192: {  	[sflag:s8] =	ssyncset.done $0x0  }
0x193: {  	s14 =	simm.s32 $0x800;
	s15 =	simm.s32 $0x13F80;
	[sflag:s8] =	ssyncadd.s32 $0xFFFFD800  }
.LBB2_8:
0x194: {  	[tilespmem:s29], [sflag:$0x4] =	stream.indirect.gather [hbm4b:s1+s21], $0x80, s15, s21, $0xb8;
	[tilespmem:$0x1FC00] =	vst v63  }
0x195: {  	s15 =	smov.u32 s14  }
0x196: {  	p0 =	sne.s32 s14, $0x3000;
	s14 =	sadd.s32 $0x800, s14;
	_ =	swait.ge [sflag:s30], $0x2800  }
0x197: {  	s15 =	sshra.s32 s15, $0x2;
	[sflag:s30] =	ssyncset.done $0x0  }
0x198: {  	s16 =	sadd.s32 $0x14C00, s15;
	[sflag:s30] =	ssyncadd.s32 $0xFFFFD800  }
0x199: {  	[spmem:s2] =	stream.indirect.scatter.add.f32 [tilespmem:s22], [sflag:$0x5], $0x80, s16, s21, $0xb8;
	[tilespmem:$0x1FC00] =	vst v63  }
0x19a: {  	_ =	swait.ge [sflag:s31], $0x2800  }
0x19b: {  	[sflag:s31] =	ssyncset.done $0x0  }
0x19c: {  	s16 =	sadd.s32 $0x14C80, s15;
	[sflag:s31] =	ssyncadd.s32 $0xFFFFD800  }
0x19d: {  	[spmem:s2] =	stream.indirect.scatter.add.f32 [tilespmem:s24], [sflag:$0x6], $0x80, s16, s21, $0xb8;
	[tilespmem:$0x1FC00] =	vst v63  }
0x19e: {  	_ =	swait.ge [sflag:s0], $0x2800  }
0x19f: {  	[sflag:s0] =	ssyncset.done $0x0  }
0x1a0: {  	s16 =	sadd.s32 $0x14D00, s15;
	[sflag:s0] =	ssyncadd.s32 $0xFFFFD800  }
0x1a1: {  	[spmem:s2] =	stream.indirect.scatter.add.f32 [tilespmem:s26], [sflag:$0x7], $0x80, s16, s21, $0xb8;
	[tilespmem:$0x1FC00] =	vst v63  }
0x1a2: {  	_ =	swait.ge [sflag:s3], $0x2800  }
0x1a3: {  	[sflag:s3] =	ssyncset.done $0x0  }
0x1a4: {  	s16 =	sadd.s32 $0x14D80, s15;
	[sflag:s3] =	ssyncadd.s32 $0xFFFFD800  }
0x1a5: {  	[spmem:s2] =	stream.indirect.scatter.add.f32 [tilespmem:s29], [sflag:$0x8], $0x80, s16, s21, $0xb8;
	[tilespmem:$0x1FC00] =	vst v63  }
0x1a6: {  	_ =	swait.ge [sflag:s4], $0x2800  }
0x1a7: {  	[sflag:s4] =	ssyncset.done $0x0  }
0x1a8: {  	s16 =	sadd.s32 $0x13E00, s15;
	[sflag:s4] =	ssyncadd.s32 $0xFFFFD800  }
0x1a9: {  	[tilespmem:s22], [sflag:$0x1] =	stream.indirect.gather [hbm4b:s1+s21], $0x80, s16, s21, $0xb8;
	[tilespmem:$0x1FC00] =	vst v63  }
0x1aa: {  	_ =	swait.ge [sflag:s5], $0x2800  }
0x1ab: {  	[sflag:s5] =	ssyncset.done $0x0  }
0x1ac: {  	s16 =	sadd.s32 $0x13E80, s15;
	[sflag:s5] =	ssyncadd.s32 $0xFFFFD800  }
0x1ad: {  	[tilespmem:s24], [sflag:$0x2] =	stream.indirect.gather [hbm4b:s1+s21], $0x80, s16, s21, $0xb8;
	[tilespmem:$0x1FC00] =	vst v63  }
0x1ae: {  	_ =	swait.ge [sflag:s7], $0x2800  }
0x1af: {  	[sflag:s7] =	ssyncset.done $0x0  }
.Ltmp3:
0x1b0: {  	s16 =	sadd.s32 $0x13F00, s15;
	[sflag:s7] =	ssyncadd.s32 $0xFFFFD800;
	(pc) =	sbr.rel @p0 .LBB2_8-.Ltmp3, $4  }
0x1b1: {  	[tilespmem:s26], [sflag:$0x3] =	stream.indirect.gather [hbm4b:s1+s21], $0x80, s16, s21, $0xb8;
	[tilespmem:$0x1FC00] =	vst v63  }
0x1b2: {  	_ =	swait.ge [sflag:s8], $0x2800  }
0x1b3: {  	[sflag:s8] =	ssyncset.done $0x0  }
0x1b4: {  	s15 =	sadd.s32 $0x13F80, s15;
	[sflag:s8] =	ssyncadd.s32 $0xFFFFD800  }
0x1b5: {  	[tilespmem:s29], [sflag:$0x4] =	stream.indirect.gather [hbm4b:s1+s21], $0x80, s15, s21, $0xb8;
	[tilespmem:$0x1FC00] =	vst v63  }
0x1b6: {  	_ =	swait.ge [sflag:s30], $0x2800  }
0x1b7: {  	[sflag:s30] =	ssyncset.done $0x0  }
0x1b8: {  	[sflag:s30] =	ssyncadd.s32 $0xFFFFD800  }
0x1b9: {  	[spmem:s2] =	stream.indirect.scatter.add.f32 [tilespmem:s22], [sflag:$0x5], $0x80, s9, s21, $0xb8;
	[tilespmem:$0x1FC00] =	vst v63  }
0x1ba: {  	_ =	swait.ge [sflag:s31], $0x2800  }
0x1bb: {  	[sflag:s31] =	ssyncset.done $0x0  }
0x1bc: {  	[sflag:s31] =	ssyncadd.s32 $0xFFFFD800  }
0x1bd: {  	[spmem:s2] =	stream.indirect.scatter.add.f32 [tilespmem:s24], [sflag:$0x6], $0x80, s10, s21, $0xb8;
	[tilespmem:$0x1FC00] =	vst v63  }
0x1be: {  	_ =	swait.ge [sflag:s0], $0x2800  }
0x1bf: {  	[sflag:s0] =	ssyncset.done $0x0  }
0x1c0: {  	[sflag:s0] =	ssyncadd.s32 $0xFFFFD800  }
0x1c1: {  	[spmem:s2] =	stream.indirect.scatter.add.f32 [tilespmem:s26], [sflag:$0x7], $0x80, s11, s21, $0xb8;
	[tilespmem:$0x1FC00] =	vst v63  }
0x1c2: {  	_ =	swait.ge [sflag:s3], $0x2800  }
0x1c3: {  	[sflag:s3] =	ssyncset.done $0x0  }
0x1c4: {  	[sflag:s3] =	ssyncadd.s32 $0xFFFFD800  }
0x1c5: {  	[spmem:s2] =	stream.indirect.scatter.add.f32 [tilespmem:s29], [sflag:$0x8], $0x80, s12, s21, $0xb8;
	[tilespmem:$0x1FC00] =	vst v63  }
0x1c6: {  	_ =	swait.ge [sflag:s4], $0x2800  }
0x1c7: {  	[sflag:s4] =	ssyncset.done $0x0  }
0x1c8: {  	[sflag:s4] =	ssyncadd.s32 $0xFFFFD800  }
0x1c9: {  	_ =	swait.ge [sflag:s5], $0x2800  }
0x1ca: {  	[sflag:s5] =	ssyncset.done $0x0  }
0x1cb: {  	[sflag:s5] =	ssyncadd.s32 $0xFFFFD800  }
0x1cc: {  	_ =	swait.ge [sflag:s7], $0x2800  }
0x1cd: {  	[sflag:s7] =	ssyncset.done $0x0  }
0x1ce: {  	[sflag:s7] =	ssyncadd.s32 $0xFFFFD800  }
0x1cf: {  	_ =	swait.ge [sflag:s8], $0x2800  }
0x1d0: {  	[sflag:s8] =	ssyncset.done $0x0  }
0x1d1: {  	[sflag:s8] =	ssyncadd.s32 $0xFFFFD800  }
0x1d2: {  	[bflag:$0x0] =	sbarrier.arrive $0xFFFF  }
0x1d3: {  	s14 =	rddreg [dreg:$0xd]  }
0x1d4: {  	[hbm:s14], [sflag:s6] =	dma.local [spmem:s17], $0x2780  }
0x1d5: {  	_ =	swait.ge [sflag:s18], $0x2780  }
0x1d6: {  	s13 =	sadd.s32 $0x1, s13;
	s16 =	rddreg [dreg:$0xe]  }
0x1d7: {  	p0 =	sne.s32 s13, s16  }
.Ltmp4:
0x1d8: {  	_ = 	snop;
	(pc) =	sbr.rel @p0 .LBB2_1-.Ltmp4, $3  }
0x1d9: {  	_ =	sdelay $0x1  }
0x1da: {  	[sflag:s18] =	ssyncset.done $0x0  }
0x1db: {  	[sflag:s18] =	ssyncadd.s32 $0xFFFFD880  }
0x1dc: {  	_ =	sfence.sel $0x180000  }
0x1dd: {  	[bflag:$0x0] =	sbarrier.arrive $0xFFFF  }
0x1de: {  	_ =	strace $0x9000004A  }
0x1df: {  	s0 =	stileid.u32;
	[bflag:$0x2] =	sbarrier.arrive $0xFFFF  }
0x1e0: {  	p0 =	sne.s32 s0, $0x0;
	s0 =	rddreg [dreg:$0x3]  }
0x1e1: {  	s0 =	sadd.s32 @!p0 $0x100000, s0  }
0x1e2: {  	[sflag:s0] =	ssyncadd.tile.s32 @!p0 $0x1;
	_ =	shalt  }
.Lfunc_end2:
_tile_overlayer_lowered:
.L_overlay_start_2:
0x1e3: {  	(tag) =	ssettag $0x2  }
0x1e4: {  	s0 =	rddreg [dreg:$0x0];
	s2 =	stileid.u32  }
0x1e5: {  	s1 =	rddreg [dreg:$0x1];
	p0 =	sne.s32 s2, $0x0  }
0x1e6: {  	s3 =	rddreg [dreg:$0x2];
	[bflag:$0x3] =	sbarrier.arrive $0xFFFF;
	s2 =	simm.s32 @!p0 $0x1C09  }
0x1e7: {  	[timem:s3], [sflag:s2] =	dma.local @!p0 [hbm:s0], s1  }
0x1e8: {  	s0 =	simm.s32 @!p0 $0x9  }
0x1e9: {  	_ =	swait.ge @!p0 [sflag:s0], s1  }
0x1ea: {  	s1 =	ssub.s32 @!p0 $0x0, s1;
	[sflag:s0] =	ssyncset.done @!p0 $0x0  }
0x1eb: {  	[sflag:s0] =	ssyncadd.s32 @!p0 s1  }
0x1ec: {  	[bflag:$0x3] =	sbarrier.arrive $0xFFFF  }
0x1ed: {  	_ =	shalt  }

// kernel: kernel.14.cloned.1.call-start
scs
__scs_entry_jumppad:
0x0: {  	(pc) =	sbr.rel $0x88, $3  }
0x1: {  	(tag) =	ssettag $0x0;
	lr =	simm.s32 $0x1  }
0x2: {  	[smem:$0x3F9B] =	sst lr;
	_ =	strace $0xD0000000  }
0x3: {  	_ = 	snop  }
0x4: {  	_ = 	snop  }
0x5: {  	_ = 	snop  }
0x6: {  	_ = 	snop  }
0x7: {  	_ = 	snop  }
__scs_overlays_trampoline_lowered:
0x8: {  	[smem:$0x3FAA] =	sst s0  }
0x9: {  	[smem:$0x3FAB] =	sst s1  }
0xa: {  	[smem:$0x3FAC] =	sst s2  }
0xb: {  	[smem:$0x3FAD] =	sst s3  }
0xc: {  	[smem:$0x3FAE] =	sst s4  }
0xd: {  	[smem:$0x3FAF] =	sst s5  }
0xe: {  	[smem:$0x3FB0] =	sst s6  }
0xf: {  	[smem:$0x3FB1] =	sst s7  }
0x10: {  	[smem:$0x3FB2] =	sst s8  }
0x11: {  	[smem:$0x3FB3] =	sst s9;
	s0 =	simm.s32 @!p0 $0x0  }
0x12: {  	s1 =	sld [smem:$0x3F99];
	s0 =	simm.s32 @p0 $0x1  }
0x13: {  	[smem:$0x3FB4] =	sst s0;
	s0 =	simm.s32 @!p1 $0x0  }
0x14: {  	s2 =	sld [smem:$0x3F98];
	s0 =	simm.s32 @p1 $0x1  }
0x15: {  	[smem:$0x3FB5] =	sst s0;
	s0 =	simm.s32 @!p2 $0x0  }
0x16: {  	s3 =	sld [smem:$0x3FDB];
	s0 =	simm.s32 @p2 $0x1  }
0x17: {  	s4 =	simm.s32 $0x1BF5;
	[smem:$0x3FB7] =	sst s0  }
0x18: {  	s0 =	sld [smem:$0x3F9A];
	_ =	swait.ge [sflag:s4], $0x0  }
0x19: {  	s7 =	sld [smem:$0x3F9B]  }
0x1a: {  	s8 =	sadd.s32 $0xFFFFE003, lr  }
0x1b: {  	s9 =	sadd.s32 $0xFFFFFEF7, lr;
	s5 =	simm.s32 $0xFFFFFFFF;
	p2 =	slt.u32 s8, $0xFFFFF086  }
0x1c: {  	p1 =	slt.u32 s9, $0xF7A;
	s5 =	simm.s32 @!p2 $0x0  }
0x1d: {  	s5 =	simm.s32 @p1 $0x1;
	p0 =	seq.s32 s7, s2  }
0x1e: {  	s7 =	smul.u32 @!p0 $0xF7A, s2;
	p2 =	seq.s32 @!p0 s5, $0x0  }
0x1f: {  	s9 =	smul.u32 $0xF7A, s1;
	s8 =	simm.s32 @!p0 $0x1BF5;
	p2 =	por !p2, p0  }
0x20: {  	[sflag:s8] =	ssyncset.s32 @!p0 $0xFFFFF086;
	s6 =	sadd.s32 @!p0 s3, s7;
	s7 =	simm.s32 @!p0 $0x108  }
0x21: {  	s3 =	sadd.s32 s3, s9;
	s6 =	sadd.s32 @!p0 $0x88, s6;
	s7 =	simm.s32 @p2 $0x1082  }
0x22: {  	[simem:s7], [sflag:s8] =	dma.local @!p0 [hbm:s6], $0xF7A  }
0x23: {  	s9 =	sor.u32 $0xD0000000, s2;
	s6 =	simm.s32 $0x108;
	_ =	swait.ge @!p0 [sflag:s8], $0x0  }
0x24: {  	s3 =	sadd.s32 $0x88, s3;
	s6 =	simm.s32 @!p1 $0x1082;
	[sflag:s4] =	ssyncset.s32 $0xFFFFF086  }
0x25: {  	[simem:s6], [sflag:s4] =	dma.local [hbm:s3], $0xF7A  }
0x26: {  	[smem:$0x3F9B] =	sst s1;
	(tag) =	ssettag s2;
	_ =	strace s9  }
0x27: {  	s1 =	sld [smem:$0x3FAB]  }
0x28: {  	s2 =	sld [smem:$0x3FAC]  }
0x29: {  	s4 =	sld [smem:$0x3FAE]  }
0x2a: {  	p0 =	seq.s32 s5, $0x0;
	s5 =	sld [smem:$0x3FAF]  }
0x2b: {  	s6 =	sld [smem:$0x3FB0]  }
0x2c: {  	s7 =	sld [smem:$0x3FB1]  }
0x2d: {  	s3 =	simm.s32 $0x108;
	s8 =	sld [smem:$0x3FB2]  }
0x2e: {  	s3 =	simm.s32 @!p0 $0x1082;
	s9 =	sld [smem:$0x3FB3]  }
0x2f: {  	lr =	sadd.s32 s0, s3;
	s0 =	sld [smem:$0x3FAA]  }
0x30: {  	s3 =	sld [smem:$0x3FAD]  }
0x31: {  	[smem:$0x3FB6] =	sst s10  }
0x32: {  	s10 =	sld [smem:$0x3FB4];
	_ =	sdelay $0x3  }
0x33: {  	p0 =	seq.s32 s10, $0x1;
	s10 =	sld [smem:$0x3FB6];
	_ =	sdelay $0x3  }
0x34: {  	[smem:$0x3FB6] =	sst s10  }
0x35: {  	s10 =	sld [smem:$0x3FB5];
	_ =	sdelay $0x3  }
0x36: {  	p1 =	seq.s32 s10, $0x1;
	s10 =	sld [smem:$0x3FB6];
	_ =	sdelay $0x3  }
0x37: {  	[smem:$0x3FB6] =	sst s10  }
0x38: {  	s10 =	sld [smem:$0x3FB7]  }
0x39: {  	_ = 	snop;
	(pc) =	sbr.ind lr, $3  }
0x3a: {  	_ = 	snop  }
0x3b: {  	_ = 	snop  }
0x3c: {  	p2 =	seq.s32 s10, $0x1;
	s10 =	sld [smem:$0x3FB6]  }
0x3d: {  	_ =	shalt  }
0x3e: {  	_ =	shalt  }
0x3f: {  	_ =	shalt  }
0x40: {  	_ =	shalt  }
0x41: {  	_ =	shalt  }
0x42: {  	_ =	shalt  }
0x43: {  	_ =	shalt  }
0x44: {  	_ =	shalt  }
0x45: {  	_ =	shalt  }
0x46: {  	_ =	shalt  }
0x47: {  	_ =	shalt  }
0x48: {  	_ =	shalt  }
0x49: {  	_ =	shalt  }
0x4a: {  	_ =	shalt  }
0x4b: {  	_ =	shalt  }
0x4c: {  	_ =	shalt  }
0x4d: {  	_ =	shalt  }
0x4e: {  	_ =	shalt  }
0x4f: {  	_ =	shalt  }
0x50: {  	_ =	shalt  }
0x51: {  	_ =	shalt  }
0x52: {  	_ =	shalt  }
0x53: {  	_ =	shalt  }
0x54: {  	_ =	shalt  }
0x55: {  	_ =	shalt  }
0x56: {  	_ =	shalt  }
0x57: {  	_ =	shalt  }
0x58: {  	_ =	shalt  }
0x59: {  	_ =	shalt  }
0x5a: {  	_ =	shalt  }
0x5b: {  	_ =	shalt  }
0x5c: {  	_ =	shalt  }
0x5d: {  	_ =	shalt  }
0x5e: {  	_ =	shalt  }
0x5f: {  	_ =	shalt  }
0x60: {  	_ =	shalt  }
0x61: {  	_ =	shalt  }
0x62: {  	_ =	shalt  }
0x63: {  	_ =	shalt  }
0x64: {  	_ =	shalt  }
0x65: {  	_ =	shalt  }
0x66: {  	_ =	shalt  }
0x67: {  	_ =	shalt  }
0x68: {  	_ =	shalt  }
0x69: {  	_ =	shalt  }
0x6a: {  	_ =	shalt  }
0x6b: {  	_ =	shalt  }
0x6c: {  	_ =	shalt  }
0x6d: {  	_ =	shalt  }
0x6e: {  	_ =	shalt  }
0x6f: {  	_ =	shalt  }
0x70: {  	_ =	shalt  }
0x71: {  	_ =	shalt  }
0x72: {  	_ =	shalt  }
0x73: {  	_ =	shalt  }
0x74: {  	_ =	shalt  }
0x75: {  	_ =	shalt  }
0x76: {  	_ =	shalt  }
0x77: {  	_ =	shalt  }
0x78: {  	_ =	shalt  }
0x79: {  	_ =	shalt  }
0x7a: {  	_ =	shalt  }
0x7b: {  	_ =	shalt  }
0x7c: {  	_ =	shalt  }
0x7d: {  	_ =	shalt  }
0x7e: {  	_ =	shalt  }
0x7f: {  	_ =	shalt  }
0x80: {  	_ =	shalt  }
0x81: {  	_ =	shalt  }
0x82: {  	_ =	shalt  }
0x83: {  	_ =	shalt  }
0x84: {  	_ =	shalt  }
0x85: {  	_ =	shalt  }
0x86: {  	_ =	shalt  }
0x87: {  	_ =	shalt  }
.Lfunc_end0:
.L_simem_size_0:
called_computation.2_lowered:
.L_overlay_start_0:
0x88: {  	s2 =	sld [smem:$0x3FD9]  }
0x89: {  	s3 =	sld [smem:$0x3FFE];
	_ =	sdelay $0x1  }
0x8a: {  	s1 =	srdreg.scid  }
0x8b: {  	s0 =	sand.u32 $0x1, s1  }
0x8c: {  	s17 =	sshll.u32 s0, $0xA;
	s2 =	sadd.s32 s3, s2  }
0x8d: {  	s2 =	sadd.s32 s2, s17  }
0x8e: {  	[smem:$0x3FC2] =	sst s2  }
0x8f: {  	_ = 	snop  }
0x90: {  	s2 =	sld [smem:$0x3FD0];
	(tm) =	ssettm $0x1  }
0x91: {  	s18 =	sld [smem:$0x3FFB];
	_ =	sdelay $0x3  }
0x92: {  	_ =	strace s18  }
0x93: {  	s3 =	sld [smem:$0x3FFC];
	_ =	sdelay $0x3  }
0x94: {  	_ =	strace s3  }
0x95: {  	s3 =	sld [smem:$0x3FFD];
	_ =	sdelay $0x3  }
0x96: {  	_ =	strace s3  }
0x97: {  	_ =	strace $0x8FFFFFFF  }
0x98: {  	s19 =	sld [smem:$0x3FDB];
	_ =	sdelay $0x1  }
0x99: {  	s4 =	simm.s32 $_scs_section_size  }
0x9a: {  	s5 =	simm.s32 $_size__tile_overlayer_lowered;
	s6 =	simm.s32 $_tile_overlayer_lowered  }
0x9b: {  	s22 =	simm.s32 $0x1BFF;
	s21 =	sshll.u32 s6, $0x1;
	s3 =	sadd.s32 s4, s19  }
0x9c: {  	s7 =	simm.s32 $0x0;
	s20 =	sshll.u32 s5, $0x1;
	s5 =	sadd.s32 s21, s3  }
0x9d: {  	[timem:s7], [sflag:s22] =	dma.local [hbm:s5], s20  }
0x9e: {  	_ =	swait.ge [sflag:s22], s20  }
0x9f: {  	s4 =	ssub.s32 $0x0, s20;
	[sflag:s22] =	ssyncset.done $0x0  }
0xa0: {  	[sflag:s22] =	ssyncadd.s32 s4;
	_ =	sdelay $0x1  }
0xa1: {  	s23 =	simm.s32 $0x1B8B  }
0xa2: {  	_ =	swait.ge [sflag:s23], $0x1  }
0xa3: {  	[sflag:s23] =	ssyncset.done $0x0  }
0xa4: {  	s25 =	simm.s32 $0x1B8E;
	s24 =	sld [smem:$0x3FFE];
	[sflag:s23] =	ssyncadd.s32 $0xFFFFFFFF  }
0xa5: {  	s26 =	simm.s32 $execute0_lowered;
	[smem:$0x3FD2] =	sst s25  }
0xa6: {  	s5 =	sshll.u32 s26, $0x1;
	_ =	strace $0x8000004C;
	[dreg:$0x1] =	wrdreg $0xFFFFFFFF  }
0xa7: {  	s28 =	simm.s32 $_size_execute0_lowered;
	s3 =	sadd.s32 s3, s5;
	[dreg:$0x0] =	wrdreg $0x0  }
0xa8: {  	s5 =	sshll.u32 s28, $0x1;
	[dreg:$0x2] =	wrdreg s3  }
0xa9: {  	[dreg:$0x3] =	wrdreg s5  }
0xaa: {  	[dreg:$0x4] =	wrdreg $0xC0  }
0xab: {  	_ =	task [dreg:s7], $0x5FFFF  }
0xac: {  	[dreg:$0x1] =	wrdreg $0xFFFFFFFF  }
0xad: {  	[dreg:$0x0] =	wrdreg $0x60  }
0xae: {  	[dreg:$0x2] =	wrdreg s2  }
0xaf: {  	[dreg:$0x3] =	wrdreg s24  }
0xb0: {  	[dreg:$0x4] =	wrdreg $0x0  }
0xb1: {  	[dreg:$0x5] =	wrdreg $0x9  }
0xb2: {  	_ =	task.clear_ibuf [dreg:s7], $0x6FFFF;
	_ =	strace $0x9000004C  }
0xb3: {  	s29 =	simm.s32 $0x9;
	_ =	strace $0x8000004E  }
0xb4: {  	_ =	swait.ge [sflag:s29], $0x1  }
0xb5: {  	[sflag:s29] =	ssyncadd.s32 $0xFFFFFFFF  }
0xb6: {  	_ =	strace $0x9000004E  }
0xb7: {  	_ =	sfence  }
0xb8: {  	s30 =	sld [smem:$0x0];
	_ =	sdelay $0x2  }
0xb9: {  	s31 =	sshll.u32 s1, $0xD;
	s1 =	sshrl.u32 s1, $0x2  }
0xba: {  	s3 =	sand.u32 $0x4000, s31;
	s1 =	sadd.s32 s1, s30  }
0xbb: {  	s0 =	sor.u32 s3, s0;
	s1 =	sshll.u32 s1, $0x11  }
0xbc: {  	s0 =	sor.u32 s1, s0  }
0xbd: {  	s0 =	sadd.s32 $0x8F2B, s0  }
0xbe: {  	[sflag:s0] =	ssyncadd.remote.s32 $0x1  }
0xbf: {  	_ =	sfence.sel $0xFFFF  }
0xc0: {  	[dreg:$0x0] =	wrdreg $0xFFFFFFFF;
	(pc) =	sbr.abs _section_cstart, $3  }
0xc1: {  	[dreg:$0x1] =	wrdreg $0xFFFFFFFF  }
0xc2: {  	_ =	task.clear_ibuf [dreg:s7], $0x2FFFF;
	_ =	strace $0x9FFFFFFF  }
0xc3: {  	(tm) =	ssettm $0x7FFFFFFF  }
tec
execute0_lowered:
.L_overlay_start_1:
0x0: {  	(tag) =	ssettag $0x1  }
0x1: {  	s1 =	rddreg [dreg:$0x0]  }
0x2: {  	s0 =	rddreg [dreg:$0x1]  }
0x3: {  	s2 =	rddreg [dreg:$0x2];
	s4 =	simm.s32 $0x0  }
0x4: {  	s3 =	srdreg.scid;
	s9 =	stileid.u32;
	s28 =	simm.s32 $0x13D80  }
0x5: {  	s29 =	simm.s32 $0x1D400;
	s30 =	simm.s32 $0x1;
	s31 =	simm.s32 $0x2  }
0x6: {  	s11 =	simm.s32 $0x15B00;
	s12 =	simm.s32 $0x15B80;
	s13 =	simm.s32 $0x0  }
0x7: {  	[smem:$0x7FF] =	sst s4;
	s3 =	sand.u32 $0x1, s3;
	s6 =	smul.u32 $0x2780, s9  }
0x8: {  	s5 =	sshll.u32 s9, $0xB;
	s8 =	smul.u32 $0x4F000, s9;
	s10 =	sadd.s32 $0x2C00, s0  }
0x9: {  	s18 =	sshll.u32 s9, $0x6;
	s9 =	simm.s32 $0x15A00;
	s15 =	sshll.u32 s3, $0xF  }
0xa: {  	_ =	strace $0x8000004D;
	s7 =	smul.u32 $0x27800, s3;
	[dreg:$0x4] =	wrdreg s10  }
0xb: {  	s3 =	ssub.s32 $0x2, s3;
	s10 =	simm.s32 $0x15A80;
	s4 =	sor.u32 s5, s15  }
0xc: {  	s5 =	sadd.s32 s5, s0;
	s16 =	sshrl.u32 s3, $0x1;
	s17 =	sshrl.u32 s8, $0x2  }
0xd: {  	s8 =	simm.s32 $0x8;
	s4 =	sadd.s32 s4, s0;
	s6 =	sadd.s32 s6, s7  }
0xe: {  	s3 =	ssub.s32 s3, s16;
	s7 =	sadd.s32 s17, s2;
	s20 =	sadd.s32 $0x54400, s5  }
0xf: {  	s22 =	sadd.s32 $0x54600, s5;
	s24 =	sadd.s32 $0x54800, s5;
	s25 =	sadd.s32 $0x54A00, s5  }
0x10: {  	s5 =	simm.s32 $0x6;
	s0 =	sadd.s32 s6, s0;
	[dreg:$0x6] =	wrdreg s20  }
0x11: {  	s6 =	sor.u32 $0x1C09, s18;
	s19 =	sadd.s32 $0x5C400, s4;
	[dreg:$0x8] =	wrdreg s22  }
0x12: {  	s21 =	sadd.s32 $0x5C600, s4;
	s23 =	sadd.s32 $0x5C800, s4;
	[dreg:$0xa] =	wrdreg s24  }
0x13: {  	s4 =	sadd.s32 $0x5CA00, s4;
	[dreg:$0xc] =	wrdreg s25;
	s26 =	smax.u32 s3, $0x1  }
0x14: {  	s17 =	sshrl.u32 s7, $0x3;
	s18 =	simm.s32 $0x9;
	[dreg:$0x5] =	wrdreg s19  }
0x15: {  	s20 =	simm.s32 $0x14C00;
	s22 =	simm.s32 $0x15C00;
	[dreg:$0x7] =	wrdreg s21  }
0x16: {  	s24 =	simm.s32 $0x18400;
	s25 =	simm.s32 $0x13D00;
	[dreg:$0x9] =	wrdreg s23  }
0x17: {  	s3 =	simm.s32 $0x4;
	s7 =	simm.s32 $0x7;
	[dreg:$0xb] =	wrdreg s4  }
0x18: {  	s0 =	sadd.s32 $0x6C400, s0;
	[dreg:$0xe] =	wrdreg s26;
	s19 =	simm.s32 $0x13C00  }
0x19: {  	s21 =	simm.s32 $0x50;
	s23 =	simm.s32 $0x13C80;
	s26 =	simm.s32 $0x1AC00  }
0x1a: {  	s4 =	simm.s32 $0x5;
	[dreg:$0xd] =	wrdreg s0;
	s0 =	simm.s32 $0x3  }
.LBB2_1:
0x1b: {  	s14 =	rddreg [dreg:$0x4]  }
0x1c: {  	[spmem:s17], [sflag:s6] =	dma.local [hbm:s14], $0x2780  }
0x1d: {  	_ =	swait.ge [sflag:s18], $0x2780  }
0x1e: {  	[sflag:s18] =	ssyncset.done $0x0  }
0x1f: {  	[sflag:s18] =	ssyncadd.s32 $0xFFFFD880  }
0x20: {  	[bflag:$0x0] =	sbarrier.arrive $0xFFFF  }
0x21: {  	s14 =	simm.s32 $0x0;
	s15 =	rddreg [dreg:$0x5]  }
0x22: {  	[tilespmem:s19], [sflag:$0x9] =	stream.linear.gather [hbm4b:s15+s14], $0x1000, $0x38;
	[tilespmem:$0x1FC00] =	vst v63  }
0x23: {  	_ =	swait.ge [sflag:s18], $0x1000  }
0x24: {  	[sflag:s18] =	ssyncset.done $0x0  }
0x25: {  	s16 =	rddreg [dreg:$0x6];
	[sflag:s18] =	ssyncadd.s32 $0xFFFFF000  }
0x26: {  	[tilespmem:s20], [sflag:$0x9] =	stream.linear.gather [hbm4b:s16+s14], $0x1000, $0x38;
	[tilespmem:$0x1FC00] =	vst v63  }
0x27: {  	_ =	swait.ge [sflag:s18], $0x1000  }
0x28: {  	[sflag:s18] =	ssyncset.done $0x0  }
0x29: {  	[sflag:s18] =	ssyncadd.s32 $0xFFFFF000  }
0x2a: {  	[tilespmem:s22], [sflag:$0x1] =	stream.indirect.gather [hbm4b:s1+s21], $0x80, s19, s21, $0xb8;
	[tilespmem:$0x1FC00] =	vst v63  }
0x2b: {  	_ = 	snop  }
0x2c: {  	[tilespmem:s24], [sflag:$0x2] =	stream.indirect.gather [hbm4b:s1+s21], $0x80, s23, s21, $0xb8;
	[tilespmem:$0x1FC00] =	vst v63  }
0x2d: {  	_ = 	snop  }
0x2e: {  	[tilespmem:s26], [sflag:$0x3] =	stream.indirect.gather [hbm4b:s1+s21], $0x80, s25, s21, $0xb8;
	[tilespmem:$0x1FC00] =	vst v63  }
0x2f: {  	_ = 	snop  }
0x30: {  	[tilespmem:s29], [sflag:$0x4] =	stream.indirect.gather [hbm4b:s1+s21], $0x80, s28, s21, $0xb8;
	[tilespmem:$0x1FC00] =	vst v63  }
0x31: {  	_ =	swait.ge [sflag:s30], $0x2800  }
0x32: {  	[sflag:s30] =	ssyncset.done $0x0  }
0x33: {  	s16 =	simm.s32 $0x14C00;
	[sflag:s30] =	ssyncadd.s32 $0xFFFFD800  }
0x34: {  	[spmem:s2] =	stream.indirect.scatter.add.f32 [tilespmem:s22], [sflag:$0x5], $0x80, s16, s21, $0xb8;
	[tilespmem:$0x1FC00] =	vst v63  }
0x35: {  	_ =	swait.ge [sflag:s31], $0x2800  }
0x36: {  	[sflag:s31] =	ssyncset.done $0x0  }
0x37: {  	s15 =	simm.s32 $0x14C80;
	[sflag:s31] =	ssyncadd.s32 $0xFFFFD800  }
0x38: {  	[spmem:s2] =	stream.indirect.scatter.add.f32 [tilespmem:s24], [sflag:$0x6], $0x80, s15, s21, $0xb8;
	[tilespmem:$0x1FC00] =	vst v63  }
0x39: {  	_ =	swait.ge [sflag:s0], $0x2800  }
0x3a: {  	[sflag:s0] =	ssyncset.done $0x0  }
0x3b: {  	s16 =	simm.s32 $0x14D00;
	[sflag:s0] =	ssyncadd.s32 $0xFFFFD800  }
0x3c: {  	[spmem:s2] =	stream.indirect.scatter.add.f32 [tilespmem:s26], [sflag:$0x7], $0x80, s16, s21, $0xb8;
	[tilespmem:$0x1FC00] =	vst v63  }
0x3d: {  	_ =	swait.ge [sflag:s3], $0x2800  }
0x3e: {  	[sflag:s3] =	ssyncset.done $0x0  }
0x3f: {  	s15 =	simm.s32 $0x14D80;
	[sflag:s3] =	ssyncadd.s32 $0xFFFFD800  }
0x40: {  	[spmem:s2] =	stream.indirect.scatter.add.f32 [tilespmem:s29], [sflag:$0x8], $0x80, s15, s21, $0xb8;
	[tilespmem:$0x1FC00] =	vst v63  }
0x41: {  	_ =	swait.ge [sflag:s4], $0x2800  }
0x42: {  	[sflag:s4] =	ssyncset.done $0x0  }
0x43: {  	s16 =	simm.s32 $0x13E00;
	[sflag:s4] =	ssyncadd.s32 $0xFFFFD800  }
0x44: {  	[tilespmem:s22], [sflag:$0x1] =	stream.indirect.gather [hbm4b:s1+s21], $0x80, s16, s21, $0xb8;
	[tilespmem:$0x1FC00] =	vst v63  }
0x45: {  	_ =	swait.ge [sflag:s5], $0x2800  }
0x46: {  	[sflag:s5] =	ssyncset.done $0x0  }
0x47: {  	s15 =	simm.s32 $0x13E80;
	[sflag:s5] =	ssyncadd.s32 $0xFFFFD800  }
0x48: {  	[tilespmem:s24], [sflag:$0x2] =	stream.indirect.gather [hbm4b:s1+s21], $0x80, s15, s21, $0xb8;
	[tilespmem:$0x1FC00] =	vst v63  }
0x49: {  	_ =	swait.ge [sflag:s7], $0x2800  }
0x4a: {  	[sflag:s7] =	ssyncset.done $0x0  }
0x4b: {  	s16 =	simm.s32 $0x13F00;
	[sflag:s7] =	ssyncadd.s32 $0xFFFFD800  }
0x4c: {  	[tilespmem:s26], [sflag:$0x3] =	stream.indirect.gather [hbm4b:s1+s21], $0x80, s16, s21, $0xb8;
	[tilespmem:$0x1FC00] =	vst v63  }
0x4d: {  	_ =	swait.ge [sflag:s8], $0x2800  }
0x4e: {  	[sflag:s8] =	ssyncset.done $0x0  }
0x4f: {  	s14 =	simm.s32 $0x800;
	s15 =	simm.s32 $0x13F80;
	[sflag:s8] =	ssyncadd.s32 $0xFFFFD800  }
.LBB2_2:
0x50: {  	[tilespmem:s29], [sflag:$0x4] =	stream.indirect.gather [hbm4b:s1+s21], $0x80, s15, s21, $0xb8;
	[tilespmem:$0x1FC00] =	vst v63  }
0x51: {  	s15 =	smov.u32 s14  }
0x52: {  	p0 =	sne.s32 s14, $0x3000;
	s14 =	sadd.s32 $0x800, s14;
	_ =	swait.ge [sflag:s30], $0x2800  }
0x53: {  	s15 =	sshra.s32 s15, $0x2;
	[sflag:s30] =	ssyncset.done $0x0  }
0x54: {  	s16 =	sadd.s32 $0x14C00, s15;
	[sflag:s30] =	ssyncadd.s32 $0xFFFFD800  }
0x55: {  	[spmem:s2] =	stream.indirect.scatter.add.f32 [tilespmem:s22], [sflag:$0x5], $0x80, s16, s21, $0xb8;
	[tilespmem:$0x1FC00] =	vst v63  }
0x56: {  	_ =	swait.ge [sflag:s31], $0x2800  }
0x57: {  	[sflag:s31] =	ssyncset.done $0x0  }
0x58: {  	s16 =	sadd.s32 $0x14C80, s15;
	[sflag:s31] =	ssyncadd.s32 $0xFFFFD800  }
0x59: {  	[spmem:s2] =	stream.indirect.scatter.add.f32 [tilespmem:s24], [sflag:$0x6], $0x80, s16, s21, $0xb8;
	[tilespmem:$0x1FC00] =	vst v63  }
0x5a: {  	_ =	swait.ge [sflag:s0], $0x2800  }
0x5b: {  	[sflag:s0] =	ssyncset.done $0x0  }
0x5c: {  	s16 =	sadd.s32 $0x14D00, s15;
	[sflag:s0] =	ssyncadd.s32 $0xFFFFD800  }
0x5d: {  	[spmem:s2] =	stream.indirect.scatter.add.f32 [tilespmem:s26], [sflag:$0x7], $0x80, s16, s21, $0xb8;
	[tilespmem:$0x1FC00] =	vst v63  }
0x5e: {  	_ =	swait.ge [sflag:s3], $0x2800  }
0x5f: {  	[sflag:s3] =	ssyncset.done $0x0  }
0x60: {  	s16 =	sadd.s32 $0x14D80, s15;
	[sflag:s3] =	ssyncadd.s32 $0xFFFFD800  }
0x61: {  	[spmem:s2] =	stream.indirect.scatter.add.f32 [tilespmem:s29], [sflag:$0x8], $0x80, s16, s21, $0xb8;
	[tilespmem:$0x1FC00] =	vst v63  }
0x62: {  	_ =	swait.ge [sflag:s4], $0x2800  }
0x63: {  	[sflag:s4] =	ssyncset.done $0x0  }
0x64: {  	s16 =	sadd.s32 $0x13E00, s15;
	[sflag:s4] =	ssyncadd.s32 $0xFFFFD800  }
0x65: {  	[tilespmem:s22], [sflag:$0x1] =	stream.indirect.gather [hbm4b:s1+s21], $0x80, s16, s21, $0xb8;
	[tilespmem:$0x1FC00] =	vst v63  }
0x66: {  	_ =	swait.ge [sflag:s5], $0x2800  }
0x67: {  	[sflag:s5] =	ssyncset.done $0x0  }
0x68: {  	s16 =	sadd.s32 $0x13E80, s15;
	[sflag:s5] =	ssyncadd.s32 $0xFFFFD800  }
0x69: {  	[tilespmem:s24], [sflag:$0x2] =	stream.indirect.gather [hbm4b:s1+s21], $0x80, s16, s21, $0xb8;
	[tilespmem:$0x1FC00] =	vst v63  }
0x6a: {  	_ =	swait.ge [sflag:s7], $0x2800  }
0x6b: {  	[sflag:s7] =	ssyncset.done $0x0  }
.Ltmp0:
0x6c: {  	s16 =	sadd.s32 $0x13F00, s15;
	[sflag:s7] =	ssyncadd.s32 $0xFFFFD800;
	(pc) =	sbr.rel @p0 .LBB2_2-.Ltmp0, $4  }
0x6d: {  	[tilespmem:s26], [sflag:$0x3] =	stream.indirect.gather [hbm4b:s1+s21], $0x80, s16, s21, $0xb8;
	[tilespmem:$0x1FC00] =	vst v63  }
0x6e: {  	_ =	swait.ge [sflag:s8], $0x2800  }
0x6f: {  	[sflag:s8] =	ssyncset.done $0x0  }
0x70: {  	s15 =	sadd.s32 $0x13F80, s15;
	[sflag:s8] =	ssyncadd.s32 $0xFFFFD800  }
0x71: {  	[tilespmem:s29], [sflag:$0x4] =	stream.indirect.gather [hbm4b:s1+s21], $0x80, s15, s21, $0xb8;
	[tilespmem:$0x1FC00] =	vst v63  }
0x72: {  	_ =	swait.ge [sflag:s30], $0x2800  }
0x73: {  	[sflag:s30] =	ssyncset.done $0x0  }
0x74: {  	[sflag:s30] =	ssyncadd.s32 $0xFFFFD800  }
0x75: {  	[spmem:s2] =	stream.indirect.scatter.add.f32 [tilespmem:s22], [sflag:$0x5], $0x80, s9, s21, $0xb8;
	[tilespmem:$0x1FC00] =	vst v63  }
0x76: {  	_ =	swait.ge [sflag:s31], $0x2800  }
0x77: {  	[sflag:s31] =	ssyncset.done $0x0  }
0x78: {  	[sflag:s31] =	ssyncadd.s32 $0xFFFFD800  }
0x79: {  	[spmem:s2] =	stream.indirect.scatter.add.f32 [tilespmem:s24], [sflag:$0x6], $0x80, s10, s21, $0xb8;
	[tilespmem:$0x1FC00] =	vst v63  }
0x7a: {  	_ =	swait.ge [sflag:s0], $0x2800  }
0x7b: {  	[sflag:s0] =	ssyncset.done $0x0  }
0x7c: {  	[sflag:s0] =	ssyncadd.s32 $0xFFFFD800  }
0x7d: {  	[spmem:s2] =	stream.indirect.scatter.add.f32 [tilespmem:s26], [sflag:$0x7], $0x80, s11, s21, $0xb8;
	[tilespmem:$0x1FC00] =	vst v63  }
0x7e: {  	_ =	swait.ge [sflag:s3], $0x2800  }
0x7f: {  	[sflag:s3] =	ssyncset.done $0x0  }
0x80: {  	[sflag:s3] =	ssyncadd.s32 $0xFFFFD800  }
0x81: {  	[spmem:s2] =	stream.indirect.scatter.add.f32 [tilespmem:s29], [sflag:$0x8], $0x80, s12, s21, $0xb8;
	[tilespmem:$0x1FC00] =	vst v63  }
0x82: {  	_ =	swait.ge [sflag:s4], $0x2800  }
0x83: {  	[sflag:s4] =	ssyncset.done $0x0  }
0x84: {  	[sflag:s4] =	ssyncadd.s32 $0xFFFFD800  }
0x85: {  	_ =	swait.ge [sflag:s5], $0x2800  }
0x86: {  	[sflag:s5] =	ssyncset.done $0x0  }
0x87: {  	[sflag:s5] =	ssyncadd.s32 $0xFFFFD800  }
0x88: {  	_ =	swait.ge [sflag:s7], $0x2800  }
0x89: {  	[sflag:s7] =	ssyncset.done $0x0  }
0x8a: {  	[sflag:s7] =	ssyncadd.s32 $0xFFFFD800  }
0x8b: {  	_ =	swait.ge [sflag:s8], $0x2800  }
0x8c: {  	[sflag:s8] =	ssyncset.done $0x0  }
0x8d: {  	s14 =	simm.s32 $0x0;
	s16 =	rddreg [dreg:$0x7];
	[sflag:s8] =	ssyncadd.s32 $0xFFFFD800  }
0x8e: {  	[tilespmem:s19], [sflag:$0x9] =	stream.linear.gather [hbm4b:s16+s14], $0x1000, $0x38;
	[tilespmem:$0x1FC00] =	vst v63  }
0x8f: {  	_ =	swait.ge [sflag:s18], $0x1000  }
0x90: {  	[sflag:s18] =	ssyncset.done $0x0  }
0x91: {  	s16 =	rddreg [dreg:$0x8];
	[sflag:s18] =	ssyncadd.s32 $0xFFFFF000  }
0x92: {  	[tilespmem:s20], [sflag:$0x9] =	stream.linear.gather [hbm4b:s16+s14], $0x1000, $0x38;
	[tilespmem:$0x1FC00] =	vst v63  }
0x93: {  	_ =	swait.ge [sflag:s18], $0x1000  }
0x94: {  	[sflag:s18] =	ssyncset.done $0x0  }
0x95: {  	[sflag:s18] =	ssyncadd.s32 $0xFFFFF000  }
0x96: {  	[tilespmem:s22], [sflag:$0x1] =	stream.indirect.gather [hbm4b:s1+s21], $0x80, s19, s21, $0xb8;
	[tilespmem:$0x1FC00] =	vst v63  }
0x97: {  	_ = 	snop  }
0x98: {  	[tilespmem:s24], [sflag:$0x2] =	stream.indirect.gather [hbm4b:s1+s21], $0x80, s23, s21, $0xb8;
	[tilespmem:$0x1FC00] =	vst v63  }
0x99: {  	_ = 	snop  }
0x9a: {  	[tilespmem:s26], [sflag:$0x3] =	stream.indirect.gather [hbm4b:s1+s21], $0x80, s25, s21, $0xb8;
	[tilespmem:$0x1FC00] =	vst v63  }
0x9b: {  	_ = 	snop  }
0x9c: {  	[tilespmem:s29], [sflag:$0x4] =	stream.indirect.gather [hbm4b:s1+s21], $0x80, s28, s21, $0xb8;
	[tilespmem:$0x1FC00] =	vst v63  }
0x9d: {  	_ =	swait.ge [sflag:s30], $0x2800  }
0x9e: {  	[sflag:s30] =	ssyncset.done $0x0  }
0x9f: {  	s16 =	simm.s32 $0x14C00;
	[sflag:s30] =	ssyncadd.s32 $0xFFFFD800  }
0xa0: {  	[spmem:s2] =	stream.indirect.scatter.add.f32 [tilespmem:s22], [sflag:$0x5], $0x80, s16, s21, $0xb8;
	[tilespmem:$0x1FC00] =	vst v63  }
0xa1: {  	_ =	swait.ge [sflag:s31], $0x2800  }
0xa2: {  	[sflag:s31] =	ssyncset.done $0x0  }
0xa3: {  	s15 =	simm.s32 $0x14C80;
	[sflag:s31] =	ssyncadd.s32 $0xFFFFD800  }
0xa4: {  	[spmem:s2] =	stream.indirect.scatter.add.f32 [tilespmem:s24], [sflag:$0x6], $0x80, s15, s21, $0xb8;
	[tilespmem:$0x1FC00] =	vst v63  }
0xa5: {  	_ =	swait.ge [sflag:s0], $0x2800  }
0xa6: {  	[sflag:s0] =	ssyncset.done $0x0  }
0xa7: {  	s16 =	simm.s32 $0x14D00;
	[sflag:s0] =	ssyncadd.s32 $0xFFFFD800  }
0xa8: {  	[spmem:s2] =	stream.indirect.scatter.add.f32 [tilespmem:s26], [sflag:$0x7], $0x80, s16, s21, $0xb8;
	[tilespmem:$0x1FC00] =	vst v63  }
0xa9: {  	_ =	swait.ge [sflag:s3], $0x2800  }
0xaa: {  	[sflag:s3] =	ssyncset.done $0x0  }
0xab: {  	s15 =	simm.s32 $0x14D80;
	[sflag:s3] =	ssyncadd.s32 $0xFFFFD800  }
0xac: {  	[spmem:s2] =	stream.indirect.scatter.add.f32 [tilespmem:s29], [sflag:$0x8], $0x80, s15, s21, $0xb8;
	[tilespmem:$0x1FC00] =	vst v63  }
0xad: {  	_ =	swait.ge [sflag:s4], $0x2800  }
0xae: {  	[sflag:s4] =	ssyncset.done $0x0  }
0xaf: {  	s16 =	simm.s32 $0x13E00;
	[sflag:s4] =	ssyncadd.s32 $0xFFFFD800  }
0xb0: {  	[tilespmem:s22], [sflag:$0x1] =	stream.indirect.gather [hbm4b:s1+s21], $0x80, s16, s21, $0xb8;
	[tilespmem:$0x1FC00] =	vst v63  }
0xb1: {  	_ =	swait.ge [sflag:s5], $0x2800  }
0xb2: {  	[sflag:s5] =	ssyncset.done $0x0  }
0xb3: {  	s15 =	simm.s32 $0x13E80;
	[sflag:s5] =	ssyncadd.s32 $0xFFFFD800  }
0xb4: {  	[tilespmem:s24], [sflag:$0x2] =	stream.indirect.gather [hbm4b:s1+s21], $0x80, s15, s21, $0xb8;
	[tilespmem:$0x1FC00] =	vst v63  }
0xb5: {  	_ =	swait.ge [sflag:s7], $0x2800  }
0xb6: {  	[sflag:s7] =	ssyncset.done $0x0  }
0xb7: {  	s16 =	simm.s32 $0x13F00;
	[sflag:s7] =	ssyncadd.s32 $0xFFFFD800  }
0xb8: {  	[tilespmem:s26], [sflag:$0x3] =	stream.indirect.gather [hbm4b:s1+s21], $0x80, s16, s21, $0xb8;
	[tilespmem:$0x1FC00] =	vst v63  }
0xb9: {  	_ =	swait.ge [sflag:s8], $0x2800  }
0xba: {  	[sflag:s8] =	ssyncset.done $0x0  }
0xbb: {  	s14 =	simm.s32 $0x800;
	s15 =	simm.s32 $0x13F80;
	[sflag:s8] =	ssyncadd.s32 $0xFFFFD800  }
.LBB2_4:
0xbc: {  	[tilespmem:s29], [sflag:$0x4] =	stream.indirect.gather [hbm4b:s1+s21], $0x80, s15, s21, $0xb8;
	[tilespmem:$0x1FC00] =	vst v63  }
0xbd: {  	s15 =	smov.u32 s14  }
0xbe: {  	p0 =	sne.s32 s14, $0x3000;
	s14 =	sadd.s32 $0x800, s14;
	_ =	swait.ge [sflag:s30], $0x2800  }
0xbf: {  	s15 =	sshra.s32 s15, $0x2;
	[sflag:s30] =	ssyncset.done $0x0  }
0xc0: {  	s16 =	sadd.s32 $0x14C00, s15;
	[sflag:s30] =	ssyncadd.s32 $0xFFFFD800  }
0xc1: {  	[spmem:s2] =	stream.indirect.scatter.add.f32 [tilespmem:s22], [sflag:$0x5], $0x80, s16, s21, $0xb8;
	[tilespmem:$0x1FC00] =	vst v63  }
0xc2: {  	_ =	swait.ge [sflag:s31], $0x2800  }
0xc3: {  	[sflag:s31] =	ssyncset.done $0x0  }
0xc4: {  	s16 =	sadd.s32 $0x14C80, s15;
	[sflag:s31] =	ssyncadd.s32 $0xFFFFD800  }
0xc5: {  	[spmem:s2] =	stream.indirect.scatter.add.f32 [tilespmem:s24], [sflag:$0x6], $0x80, s16, s21, $0xb8;
	[tilespmem:$0x1FC00] =	vst v63  }
0xc6: {  	_ =	swait.ge [sflag:s0], $0x2800  }
0xc7: {  	[sflag:s0] =	ssyncset.done $0x0  }
0xc8: {  	s16 =	sadd.s32 $0x14D00, s15;
	[sflag:s0] =	ssyncadd.s32 $0xFFFFD800  }
0xc9: {  	[spmem:s2] =	stream.indirect.scatter.add.f32 [tilespmem:s26], [sflag:$0x7], $0x80, s16, s21, $0xb8;
	[tilespmem:$0x1FC00] =	vst v63  }
0xca: {  	_ =	swait.ge [sflag:s3], $0x2800  }
0xcb: {  	[sflag:s3] =	ssyncset.done $0x0  }
0xcc: {  	s16 =	sadd.s32 $0x14D80, s15;
	[sflag:s3] =	ssyncadd.s32 $0xFFFFD800  }
0xcd: {  	[spmem:s2] =	stream.indirect.scatter.add.f32 [tilespmem:s29], [sflag:$0x8], $0x80, s16, s21, $0xb8;
	[tilespmem:$0x1FC00] =	vst v63  }
0xce: {  	_ =	swait.ge [sflag:s4], $0x2800  }
0xcf: {  	[sflag:s4] =	ssyncset.done $0x0  }
0xd0: {  	s16 =	sadd.s32 $0x13E00, s15;
	[sflag:s4] =	ssyncadd.s32 $0xFFFFD800  }
0xd1: {  	[tilespmem:s22], [sflag:$0x1] =	stream.indirect.gather [hbm4b:s1+s21], $0x80, s16, s21, $0xb8;
	[tilespmem:$0x1FC00] =	vst v63  }
0xd2: {  	_ =	swait.ge [sflag:s5], $0x2800  }
0xd3: {  	[sflag:s5] =	ssyncset.done $0x0  }
0xd4: {  	s16 =	sadd.s32 $0x13E80, s15;
	[sflag:s5] =	ssyncadd.s32 $0xFFFFD800  }
0xd5: {  	[tilespmem:s24], [sflag:$0x2] =	stream.indirect.gather [hbm4b:s1+s21], $0x80, s16, s21, $0xb8;
	[tilespmem:$0x1FC00] =	vst v63  }
0xd6: {  	_ =	swait.ge [sflag:s7], $0x2800  }
0xd7: {  	[sflag:s7] =	ssyncset.done $0x0  }
.Ltmp1:
0xd8: {  	s16 =	sadd.s32 $0x13F00, s15;
	[sflag:s7] =	ssyncadd.s32 $0xFFFFD800;
	(pc) =	sbr.rel @p0 .LBB2_4-.Ltmp1, $4  }
0xd9: {  	[tilespmem:s26], [sflag:$0x3] =	stream.indirect.gather [hbm4b:s1+s21], $0x80, s16, s21, $0xb8;
	[tilespmem:$0x1FC00] =	vst v63  }
0xda: {  	_ =	swait.ge [sflag:s8], $0x2800  }
0xdb: {  	[sflag:s8] =	ssyncset.done $0x0  }
0xdc: {  	s15 =	sadd.s32 $0x13F80, s15;
	[sflag:s8] =	ssyncadd.s32 $0xFFFFD800  }
0xdd: {  	[tilespmem:s29], [sflag:$0x4] =	stream.indirect.gather [hbm4b:s1+s21], $0x80, s15, s21, $0xb8;
	[tilespmem:$0x1FC00] =	vst v63  }
0xde: {  	_ =	swait.ge [sflag:s30], $0x2800  }
0xdf: {  	[sflag:s30] =	ssyncset.done $0x0  }
0xe0: {  	[sflag:s30] =	ssyncadd.s32 $0xFFFFD800  }
0xe1: {  	[spmem:s2] =	stream.indirect.scatter.add.f32 [tilespmem:s22], [sflag:$0x5], $0x80, s9, s21, $0xb8;
	[tilespmem:$0x1FC00] =	vst v63  }
0xe2: {  	_ =	swait.ge [sflag:s31], $0x2800  }
0xe3: {  	[sflag:s31] =	ssyncset.done $0x0  }
0xe4: {  	[sflag:s31] =	ssyncadd.s32 $0xFFFFD800  }
0xe5: {  	[spmem:s2] =	stream.indirect.scatter.add.f32 [tilespmem:s24], [sflag:$0x6], $0x80, s10, s21, $0xb8;
	[tilespmem:$0x1FC00] =	vst v63  }
0xe6: {  	_ =	swait.ge [sflag:s0], $0x2800  }
0xe7: {  	[sflag:s0] =	ssyncset.done $0x0  }
0xe8: {  	[sflag:s0] =	ssyncadd.s32 $0xFFFFD800  }
0xe9: {  	[spmem:s2] =	stream.indirect.scatter.add.f32 [tilespmem:s26], [sflag:$0x7], $0x80, s11, s21, $0xb8;
	[tilespmem:$0x1FC00] =	vst v63  }
0xea: {  	_ =	swait.ge [sflag:s3], $0x2800  }
0xeb: {  	[sflag:s3] =	ssyncset.done $0x0  }
0xec: {  	[sflag:s3] =	ssyncadd.s32 $0xFFFFD800  }
0xed: {  	[spmem:s2] =	stream.indirect.scatter.add.f32 [tilespmem:s29], [sflag:$0x8], $0x80, s12, s21, $0xb8;
	[tilespmem:$0x1FC00] =	vst v63  }
0xee: {  	_ =	swait.ge [sflag:s4], $0x2800  }
0xef: {  	[sflag:s4] =	ssyncset.done $0x0  }
0xf0: {  	[sflag:s4] =	ssyncadd.s32 $0xFFFFD800  }
0xf1: {  	_ =	swait.ge [sflag:s5], $0x2800  }
0xf2: {  	[sflag:s5] =	ssyncset.done $0x0  }
0xf3: {  	[sflag:s5] =	ssyncadd.s32 $0xFFFFD800  }
0xf4: {  	_ =	swait.ge [sflag:s7], $0x2800  }
0xf5: {  	[sflag:s7] =	ssyncset.done $0x0  }
0xf6: {  	[sflag:s7] =	ssyncadd.s32 $0xFFFFD800  }
0xf7: {  	_ =	swait.ge [sflag:s8], $0x2800  }
0xf8: {  	[sflag:s8] =	ssyncset.done $0x0  }
0xf9: {  	s14 =	simm.s32 $0x0;
	s16 =	rddreg [dreg:$0x9];
	[sflag:s8] =	ssyncadd.s32 $0xFFFFD800  }
0xfa: {  	[tilespmem:s19], [sflag:$0x9] =	stream.linear.gather [hbm4b:s16+s14], $0x1000, $0x38;
	[tilespmem:$0x1FC00] =	vst v63  }
0xfb: {  	_ =	swait.ge [sflag:s18], $0x1000  }
0xfc: {  	[sflag:s18] =	ssyncset.done $0x0  }
0xfd: {  	s16 =	rddreg [dreg:$0xa];
	[sflag:s18] =	ssyncadd.s32 $0xFFFFF000  }
0xfe: {  	[tilespmem:s20], [sflag:$0x9] =	stream.linear.gather [hbm4b:s16+s14], $0x1000, $0x38;
	[tilespmem:$0x1FC00] =	vst v63  }
0xff: {  	_ =	swait.ge [sflag:s18], $0x1000  }
0x100: {  	[sflag:s18] =	ssyncset.done $0x0  }
0x101: {  	[sflag:s18] =	ssyncadd.s32 $0xFFFFF000  }
0x102: {  	[tilespmem:s22], [sflag:$0x1] =	stream.indirect.gather [hbm4b:s1+s21], $0x80, s19, s21, $0xb8;
	[tilespmem:$0x1FC00] =	vst v63  }
0x103: {  	_ = 	snop  }
0x104: {  	[tilespmem:s24], [sflag:$0x2] =	stream.indirect.gather [hbm4b:s1+s21], $0x80, s23, s21, $0xb8;
	[tilespmem:$0x1FC00] =	vst v63  }
0x105: {  	_ = 	snop  }
0x106: {  	[tilespmem:s26], [sflag:$0x3] =	stream.indirect.gather [hbm4b:s1+s21], $0x80, s25, s21, $0xb8;
	[tilespmem:$0x1FC00] =	vst v63  }
0x107: {  	_ = 	snop  }
0x108: {  	[tilespmem:s29], [sflag:$0x4] =	stream.indirect.gather [hbm4b:s1+s21], $0x80, s28, s21, $0xb8;
	[tilespmem:$0x1FC00] =	vst v63  }
0x109: {  	_ =	swait.ge [sflag:s30], $0x2800  }
0x10a: {  	[sflag:s30] =	ssyncset.done $0x0  }
0x10b: {  	s16 =	simm.s32 $0x14C00;
	[sflag:s30] =	ssyncadd.s32 $0xFFFFD800  }
0x10c: {  	[spmem:s2] =	stream.indirect.scatter.add.f32 [tilespmem:s22], [sflag:$0x5], $0x80, s16, s21, $0xb8;
	[tilespmem:$0x1FC00] =	vst v63  }
0x10d: {  	_ =	swait.ge [sflag:s31], $0x2800  }
0x10e: {  	[sflag:s31] =	ssyncset.done $0x0  }
0x10f: {  	s15 =	simm.s32 $0x14C80;
	[sflag:s31] =	ssyncadd.s32 $0xFFFFD800  }
0x110: {  	[spmem:s2] =	stream.indirect.scatter.add.f32 [tilespmem:s24], [sflag:$0x6], $0x80, s15, s21, $0xb8;
	[tilespmem:$0x1FC00] =	vst v63  }
0x111: {  	_ =	swait.ge [sflag:s0], $0x2800  }
0x112: {  	[sflag:s0] =	ssyncset.done $0x0  }
0x113: {  	s16 =	simm.s32 $0x14D00;
	[sflag:s0] =	ssyncadd.s32 $0xFFFFD800  }
0x114: {  	[spmem:s2] =	stream.indirect.scatter.add.f32 [tilespmem:s26], [sflag:$0x7], $0x80, s16, s21, $0xb8;
	[tilespmem:$0x1FC00] =	vst v63  }
0x115: {  	_ =	swait.ge [sflag:s3], $0x2800  }
0x116: {  	[sflag:s3] =	ssyncset.done $0x0  }
0x117: {  	s15 =	simm.s32 $0x14D80;
	[sflag:s3] =	ssyncadd.s32 $0xFFFFD800  }
0x118: {  	[spmem:s2] =	stream.indirect.scatter.add.f32 [tilespmem:s29], [sflag:$0x8], $0x80, s15, s21, $0xb8;
	[tilespmem:$0x1FC00] =	vst v63  }
0x119: {  	_ =	swait.ge [sflag:s4], $0x2800  }
0x11a: {  	[sflag:s4] =	ssyncset.done $0x0  }
0x11b: {  	s16 =	simm.s32 $0x13E00;
	[sflag:s4] =	ssyncadd.s32 $0xFFFFD800  }
0x11c: {  	[tilespmem:s22], [sflag:$0x1] =	stream.indirect.gather [hbm4b:s1+s21], $0x80, s16, s21, $0xb8;
	[tilespmem:$0x1FC00] =	vst v63  }
0x11d: {  	_ =	swait.ge [sflag:s5], $0x2800  }
0x11e: {  	[sflag:s5] =	ssyncset.done $0x0  }
0x11f: {  	s15 =	simm.s32 $0x13E80;
	[sflag:s5] =	ssyncadd.s32 $0xFFFFD800  }
0x120: {  	[tilespmem:s24], [sflag:$0x2] =	stream.indirect.gather [hbm4b:s1+s21], $0x80, s15, s21, $0xb8;
	[tilespmem:$0x1FC00] =	vst v63  }
0x121: {  	_ =	swait.ge [sflag:s7], $0x2800  }
0x122: {  	[sflag:s7] =	ssyncset.done $0x0  }
0x123: {  	s16 =	simm.s32 $0x13F00;
	[sflag:s7] =	ssyncadd.s32 $0xFFFFD800  }
0x124: {  	[tilespmem:s26], [sflag:$0x3] =	stream.indirect.gather [hbm4b:s1+s21], $0x80, s16, s21, $0xb8;
	[tilespmem:$0x1FC00] =	vst v63  }
0x125: {  	_ =	swait.ge [sflag:s8], $0x2800  }
0x126: {  	[sflag:s8] =	ssyncset.done $0x0  }
0x127: {  	s14 =	simm.s32 $0x800;
	s15 =	simm.s32 $0x13F80;
	[sflag:s8] =	ssyncadd.s32 $0xFFFFD800  }
.LBB2_6:
0x128: {  	[tilespmem:s29], [sflag:$0x4] =	stream.indirect.gather [hbm4b:s1+s21], $0x80, s15, s21, $0xb8;
	[tilespmem:$0x1FC00] =	vst v63  }
0x129: {  	s15 =	smov.u32 s14  }
0x12a: {  	p0 =	sne.s32 s14, $0x3000;
	s14 =	sadd.s32 $0x800, s14;
	_ =	swait.ge [sflag:s30], $0x2800  }
0x12b: {  	s15 =	sshra.s32 s15, $0x2;
	[sflag:s30] =	ssyncset.done $0x0  }
0x12c: {  	s16 =	sadd.s32 $0x14C00, s15;
	[sflag:s30] =	ssyncadd.s32 $0xFFFFD800  }
0x12d: {  	[spmem:s2] =	stream.indirect.scatter.add.f32 [tilespmem:s22], [sflag:$0x5], $0x80, s16, s21, $0xb8;
	[tilespmem:$0x1FC00] =	vst v63  }
0x12e: {  	_ =	swait.ge [sflag:s31], $0x2800  }
0x12f: {  	[sflag:s31] =	ssyncset.done $0x0  }
0x130: {  	s16 =	sadd.s32 $0x14C80, s15;
	[sflag:s31] =	ssyncadd.s32 $0xFFFFD800  }
0x131: {  	[spmem:s2] =	stream.indirect.scatter.add.f32 [tilespmem:s24], [sflag:$0x6], $0x80, s16, s21, $0xb8;
	[tilespmem:$0x1FC00] =	vst v63  }
0x132: {  	_ =	swait.ge [sflag:s0], $0x2800  }
0x133: {  	[sflag:s0] =	ssyncset.done $0x0  }
0x134: {  	s16 =	sadd.s32 $0x14D00, s15;
	[sflag:s0] =	ssyncadd.s32 $0xFFFFD800  }
0x135: {  	[spmem:s2] =	stream.indirect.scatter.add.f32 [tilespmem:s26], [sflag:$0x7], $0x80, s16, s21, $0xb8;
	[tilespmem:$0x1FC00] =	vst v63  }
0x136: {  	_ =	swait.ge [sflag:s3], $0x2800  }
0x137: {  	[sflag:s3] =	ssyncset.done $0x0  }
0x138: {  	s16 =	sadd.s32 $0x14D80, s15;
	[sflag:s3] =	ssyncadd.s32 $0xFFFFD800  }
0x139: {  	[spmem:s2] =	stream.indirect.scatter.add.f32 [tilespmem:s29], [sflag:$0x8], $0x80, s16, s21, $0xb8;
	[tilespmem:$0x1FC00] =	vst v63  }
0x13a: {  	_ =	swait.ge [sflag:s4], $0x2800  }
0x13b: {  	[sflag:s4] =	ssyncset.done $0x0  }
0x13c: {  	s16 =	sadd.s32 $0x13E00, s15;
	[sflag:s4] =	ssyncadd.s32 $0xFFFFD800  }
0x13d: {  	[tilespmem:s22], [sflag:$0x1] =	stream.indirect.gather [hbm4b:s1+s21], $0x80, s16, s21, $0xb8;
	[tilespmem:$0x1FC00] =	vst v63  }
0x13e: {  	_ =	swait.ge [sflag:s5], $0x2800  }
0x13f: {  	[sflag:s5] =	ssyncset.done $0x0  }
0x140: {  	s16 =	sadd.s32 $0x13E80, s15;
	[sflag:s5] =	ssyncadd.s32 $0xFFFFD800  }
0x141: {  	[tilespmem:s24], [sflag:$0x2] =	stream.indirect.gather [hbm4b:s1+s21], $0x80, s16, s21, $0xb8;
	[tilespmem:$0x1FC00] =	vst v63  }
0x142: {  	_ =	swait.ge [sflag:s7], $0x2800  }
0x143: {  	[sflag:s7] =	ssyncset.done $0x0  }
.Ltmp2:
0x144: {  	s16 =	sadd.s32 $0x13F00, s15;
	[sflag:s7] =	ssyncadd.s32 $0xFFFFD800;
	(pc) =	sbr.rel @p0 .LBB2_6-.Ltmp2, $4  }
0x145: {  	[tilespmem:s26], [sflag:$0x3] =	stream.indirect.gather [hbm4b:s1+s21], $0x80, s16, s21, $0xb8;
	[tilespmem:$0x1FC00] =	vst v63  }
0x146: {  	_ =	swait.ge [sflag:s8], $0x2800  }
0x147: {  	[sflag:s8] =	ssyncset.done $0x0  }
0x148: {  	s15 =	sadd.s32 $0x13F80, s15;
	[sflag:s8] =	ssyncadd.s32 $0xFFFFD800  }
0x149: {  	[tilespmem:s29], [sflag:$0x4] =	stream.indirect.gather [hbm4b:s1+s21], $0x80, s15, s21, $0xb8;
	[tilespmem:$0x1FC00] =	vst v63  }
0x14a: {  	_ =	swait.ge [sflag:s30], $0x2800  }
0x14b: {  	[sflag:s30] =	ssyncset.done $0x0  }
0x14c: {  	[sflag:s30] =	ssyncadd.s32 $0xFFFFD800  }
0x14d: {  	[spmem:s2] =	stream.indirect.scatter.add.f32 [tilespmem:s22], [sflag:$0x5], $0x80, s9, s21, $0xb8;
	[tilespmem:$0x1FC00] =	vst v63  }
0x14e: {  	_ =	swait.ge [sflag:s31], $0x2800  }
0x14f: {  	[sflag:s31] =	ssyncset.done $0x0  }
0x150: {  	[sflag:s31] =	ssyncadd.s32 $0xFFFFD800  }
0x151: {  	[spmem:s2] =	stream.indirect.scatter.add.f32 [tilespmem:s24], [sflag:$0x6], $0x80, s10, s21, $0xb8;
	[tilespmem:$0x1FC00] =	vst v63  }
0x152: {  	_ =	swait.ge [sflag:s0], $0x2800  }
0x153: {  	[sflag:s0] =	ssyncset.done $0x0  }
0x154: {  	[sflag:s0] =	ssyncadd.s32 $0xFFFFD800  }
0x155: {  	[spmem:s2] =	stream.indirect.scatter.add.f32 [tilespmem:s26], [sflag:$0x7], $0x80, s11, s21, $0xb8;
	[tilespmem:$0x1FC00] =	vst v63  }
0x156: {  	_ =	swait.ge [sflag:s3], $0x2800  }
0x157: {  	[sflag:s3] =	ssyncset.done $0x0  }
0x158: {  	[sflag:s3] =	ssyncadd.s32 $0xFFFFD800  }
0x159: {  	[spmem:s2] =	stream.indirect.scatter.add.f32 [tilespmem:s29], [sflag:$0x8], $0x80, s12, s21, $0xb8;
	[tilespmem:$0x1FC00] =	vst v63  }
0x15a: {  	_ =	swait.ge [sflag:s4], $0x2800  }
0x15b: {  	[sflag:s4] =	ssyncset.done $0x0  }
0x15c: {  	[sflag:s4] =	ssyncadd.s32 $0xFFFFD800  }
0x15d: {  	_ =	swait.ge [sflag:s5], $0x2800  }
0x15e: {  	[sflag:s5] =	ssyncset.done $0x0  }
0x15f: {  	[sflag:s5] =	ssyncadd.s32 $0xFFFFD800  }
0x160: {  	_ =	swait.ge [sflag:s7], $0x2800  }
0x161: {  	[sflag:s7] =	ssyncset.done $0x0  }
0x162: {  	[sflag:s7] =	ssyncadd.s32 $0xFFFFD800  }
0x163: {  	_ =	swait.ge [sflag:s8], $0x2800  }
0x164: {  	[sflag:s8] =	ssyncset.done $0x0  }
0x165: {  	s14 =	simm.s32 $0x0;
	s16 =	rddreg [dreg:$0xb];
	[sflag:s8] =	ssyncadd.s32 $0xFFFFD800  }
0x166: {  	[tilespmem:s19], [sflag:$0x9] =	stream.linear.gather [hbm4b:s16+s14], $0x1000, $0x38;
	[tilespmem:$0x1FC00] =	vst v63  }
0x167: {  	_ =	swait.ge [sflag:s18], $0x1000  }
0x168: {  	[sflag:s18] =	ssyncset.done $0x0  }
0x169: {  	s16 =	rddreg [dreg:$0xc];
	[sflag:s18] =	ssyncadd.s32 $0xFFFFF000  }
0x16a: {  	[tilespmem:s20], [sflag:$0x9] =	stream.linear.gather [hbm4b:s16+s14], $0x1000, $0x38;
	[tilespmem:$0x1FC00] =	vst v63  }
0x16b: {  	_ =	swait.ge [sflag:s18], $0x1000  }
0x16c: {  	[sflag:s18] =	ssyncset.done $0x0  }
0x16d: {  	[sflag:s18] =	ssyncadd.s32 $0xFFFFF000  }
0x16e: {  	[tilespmem:s22], [sflag:$0x1] =	stream.indirect.gather [hbm4b:s1+s21], $0x80, s19, s21, $0xb8;
	[tilespmem:$0x1FC00] =	vst v63  }
0x16f: {  	_ = 	snop  }
0x170: {  	[tilespmem:s24], [sflag:$0x2] =	stream.indirect.gather [hbm4b:s1+s21], $0x80, s23, s21, $0xb8;
	[tilespmem:$0x1FC00] =	vst v63  }
0x171: {  	_ = 	snop  }
0x172: {  	[tilespmem:s26], [sflag:$0x3] =	stream.indirect.gather [hbm4b:s1+s21], $0x80, s25, s21, $0xb8;
	[tilespmem:$0x1FC00] =	vst v63  }
0x173: {  	_ = 	snop  }
0x174: {  	[tilespmem:s29], [sflag:$0x4] =	stream.indirect.gather [hbm4b:s1+s21], $0x80, s28, s21, $0xb8;
	[tilespmem:$0x1FC00] =	vst v63  }
0x175: {  	_ =	swait.ge [sflag:s30], $0x2800  }
0x176: {  	[sflag:s30] =	ssyncset.done $0x0  }
0x177: {  	s16 =	simm.s32 $0x14C00;
	[sflag:s30] =	ssyncadd.s32 $0xFFFFD800  }
0x178: {  	[spmem:s2] =	stream.indirect.scatter.add.f32 [tilespmem:s22], [sflag:$0x5], $0x80, s16, s21, $0xb8;
	[tilespmem:$0x1FC00] =	vst v63  }
0x179: {  	_ =	swait.ge [sflag:s31], $0x2800  }
0x17a: {  	[sflag:s31] =	ssyncset.done $0x0  }
0x17b: {  	s15 =	simm.s32 $0x14C80;
	[sflag:s31] =	ssyncadd.s32 $0xFFFFD800  }
0x17c: {  	[spmem:s2] =	stream.indirect.scatter.add.f32 [tilespmem:s24], [sflag:$0x6], $0x80, s15, s21, $0xb8;
	[tilespmem:$0x1FC00] =	vst v63  }
0x17d: {  	_ =	swait.ge [sflag:s0], $0x2800  }
0x17e: {  	[sflag:s0] =	ssyncset.done $0x0  }
0x17f: {  	s16 =	simm.s32 $0x14D00;
	[sflag:s0] =	ssyncadd.s32 $0xFFFFD800  }
0x180: {  	[spmem:s2] =	stream.indirect.scatter.add.f32 [tilespmem:s26], [sflag:$0x7], $0x80, s16, s21, $0xb8;
	[tilespmem:$0x1FC00] =	vst v63  }
0x181: {  	_ =	swait.ge [sflag:s3], $0x2800  }
0x182: {  	[sflag:s3] =	ssyncset.done $0x0  }
0x183: {  	s15 =	simm.s32 $0x14D80;
	[sflag:s3] =	ssyncadd.s32 $0xFFFFD800  }
0x184: {  	[spmem:s2] =	stream.indirect.scatter.add.f32 [tilespmem:s29], [sflag:$0x8], $0x80, s15, s21, $0xb8;
	[tilespmem:$0x1FC00] =	vst v63  }
0x185: {  	_ =	swait.ge [sflag:s4], $0x2800  }
0x186: {  	[sflag:s4] =	ssyncset.done $0x0  }
0x187: {  	s16 =	simm.s32 $0x13E00;
	[sflag:s4] =	ssyncadd.s32 $0xFFFFD800  }
0x188: {  	[tilespmem:s22], [sflag:$0x1] =	stream.indirect.gather [hbm4b:s1+s21], $0x80, s16, s21, $0xb8;
	[tilespmem:$0x1FC00] =	vst v63  }
0x189: {  	_ =	swait.ge [sflag:s5], $0x2800  }
0x18a: {  	[sflag:s5] =	ssyncset.done $0x0  }
0x18b: {  	s15 =	simm.s32 $0x13E80;
	[sflag:s5] =	ssyncadd.s32 $0xFFFFD800  }
0x18c: {  	[tilespmem:s24], [sflag:$0x2] =	stream.indirect.gather [hbm4b:s1+s21], $0x80, s15, s21, $0xb8;
	[tilespmem:$0x1FC00] =	vst v63  }
0x18d: {  	_ =	swait.ge [sflag:s7], $0x2800  }
0x18e: {  	[sflag:s7] =	ssyncset.done $0x0  }
0x18f: {  	s16 =	simm.s32 $0x13F00;
	[sflag:s7] =	ssyncadd.s32 $0xFFFFD800  }
0x190: {  	[tilespmem:s26], [sflag:$0x3] =	stream.indirect.gather [hbm4b:s1+s21], $0x80, s16, s21, $0xb8;
	[tilespmem:$0x1FC00] =	vst v63  }
0x191: {  	_ =	swait.ge [sflag:s8], $0x2800  }
0x192: {  	[sflag:s8] =	ssyncset.done $0x0  }
0x193: {  	s14 =	simm.s32 $0x800;
	s15 =	simm.s32 $0x13F80;
	[sflag:s8] =	ssyncadd.s32 $0xFFFFD800  }
.LBB2_8:
0x194: {  	[tilespmem:s29], [sflag:$0x4] =	stream.indirect.gather [hbm4b:s1+s21], $0x80, s15, s21, $0xb8;
	[tilespmem:$0x1FC00] =	vst v63  }
0x195: {  	s15 =	smov.u32 s14  }
0x196: {  	p0 =	sne.s32 s14, $0x3000;
	s14 =	sadd.s32 $0x800, s14;
	_ =	swait.ge [sflag:s30], $0x2800  }
0x197: {  	s15 =	sshra.s32 s15, $0x2;
	[sflag:s30] =	ssyncset.done $0x0  }
0x198: {  	s16 =	sadd.s32 $0x14C00, s15;
	[sflag:s30] =	ssyncadd.s32 $0xFFFFD800  }
0x199: {  	[spmem:s2] =	stream.indirect.scatter.add.f32 [tilespmem:s22], [sflag:$0x5], $0x80, s16, s21, $0xb8;
	[tilespmem:$0x1FC00] =	vst v63  }
0x19a: {  	_ =	swait.ge [sflag:s31], $0x2800  }
0x19b: {  	[sflag:s31] =	ssyncset.done $0x0  }
0x19c: {  	s16 =	sadd.s32 $0x14C80, s15;
	[sflag:s31] =	ssyncadd.s32 $0xFFFFD800  }
0x19d: {  	[spmem:s2] =	stream.indirect.scatter.add.f32 [tilespmem:s24], [sflag:$0x6], $0x80, s16, s21, $0xb8;
	[tilespmem:$0x1FC00] =	vst v63  }
0x19e: {  	_ =	swait.ge [sflag:s0], $0x2800  }
0x19f: {  	[sflag:s0] =	ssyncset.done $0x0  }
0x1a0: {  	s16 =	sadd.s32 $0x14D00, s15;
	[sflag:s0] =	ssyncadd.s32 $0xFFFFD800  }
0x1a1: {  	[spmem:s2] =	stream.indirect.scatter.add.f32 [tilespmem:s26], [sflag:$0x7], $0x80, s16, s21, $0xb8;
	[tilespmem:$0x1FC00] =	vst v63  }
0x1a2: {  	_ =	swait.ge [sflag:s3], $0x2800  }
0x1a3: {  	[sflag:s3] =	ssyncset.done $0x0  }
0x1a4: {  	s16 =	sadd.s32 $0x14D80, s15;
	[sflag:s3] =	ssyncadd.s32 $0xFFFFD800  }
0x1a5: {  	[spmem:s2] =	stream.indirect.scatter.add.f32 [tilespmem:s29], [sflag:$0x8], $0x80, s16, s21, $0xb8;
	[tilespmem:$0x1FC00] =	vst v63  }
0x1a6: {  	_ =	swait.ge [sflag:s4], $0x2800  }
0x1a7: {  	[sflag:s4] =	ssyncset.done $0x0  }
0x1a8: {  	s16 =	sadd.s32 $0x13E00, s15;
	[sflag:s4] =	ssyncadd.s32 $0xFFFFD800  }
0x1a9: {  	[tilespmem:s22], [sflag:$0x1] =	stream.indirect.gather [hbm4b:s1+s21], $0x80, s16, s21, $0xb8;
	[tilespmem:$0x1FC00] =	vst v63  }
0x1aa: {  	_ =	swait.ge [sflag:s5], $0x2800  }
0x1ab: {  	[sflag:s5] =	ssyncset.done $0x0  }
0x1ac: {  	s16 =	sadd.s32 $0x13E80, s15;
	[sflag:s5] =	ssyncadd.s32 $0xFFFFD800  }
0x1ad: {  	[tilespmem:s24], [sflag:$0x2] =	stream.indirect.gather [hbm4b:s1+s21], $0x80, s16, s21, $0xb8;
	[tilespmem:$0x1FC00] =	vst v63  }
0x1ae: {  	_ =	swait.ge [sflag:s7], $0x2800  }
0x1af: {  	[sflag:s7] =	ssyncset.done $0x0  }
.Ltmp3:
0x1b0: {  	s16 =	sadd.s32 $0x13F00, s15;
	[sflag:s7] =	ssyncadd.s32 $0xFFFFD800;
	(pc) =	sbr.rel @p0 .LBB2_8-.Ltmp3, $4  }
0x1b1: {  	[tilespmem:s26], [sflag:$0x3] =	stream.indirect.gather [hbm4b:s1+s21], $0x80, s16, s21, $0xb8;
	[tilespmem:$0x1FC00] =	vst v63  }
0x1b2: {  	_ =	swait.ge [sflag:s8], $0x2800  }
0x1b3: {  	[sflag:s8] =	ssyncset.done $0x0  }
0x1b4: {  	s15 =	sadd.s32 $0x13F80, s15;
	[sflag:s8] =	ssyncadd.s32 $0xFFFFD800  }
0x1b5: {  	[tilespmem:s29], [sflag:$0x4] =	stream.indirect.gather [hbm4b:s1+s21], $0x80, s15, s21, $0xb8;
	[tilespmem:$0x1FC00] =	vst v63  }
0x1b6: {  	_ =	swait.ge [sflag:s30], $0x2800  }
0x1b7: {  	[sflag:s30] =	ssyncset.done $0x0  }
0x1b8: {  	[sflag:s30] =	ssyncadd.s32 $0xFFFFD800  }
0x1b9: {  	[spmem:s2] =	stream.indirect.scatter.add.f32 [tilespmem:s22], [sflag:$0x5], $0x80, s9, s21, $0xb8;
	[tilespmem:$0x1FC00] =	vst v63  }
0x1ba: {  	_ =	swait.ge [sflag:s31], $0x2800  }
0x1bb: {  	[sflag:s31] =	ssyncset.done $0x0  }
0x1bc: {  	[sflag:s31] =	ssyncadd.s32 $0xFFFFD800  }
0x1bd: {  	[spmem:s2] =	stream.indirect.scatter.add.f32 [tilespmem:s24], [sflag:$0x6], $0x80, s10, s21, $0xb8;
	[tilespmem:$0x1FC00] =	vst v63  }
0x1be: {  	_ =	swait.ge [sflag:s0], $0x2800  }
0x1bf: {  	[sflag:s0] =	ssyncset.done $0x0  }
0x1c0: {  	[sflag:s0] =	ssyncadd.s32 $0xFFFFD800  }
0x1c1: {  	[spmem:s2] =	stream.indirect.scatter.add.f32 [tilespmem:s26], [sflag:$0x7], $0x80, s11, s21, $0xb8;
	[tilespmem:$0x1FC00] =	vst v63  }
0x1c2: {  	_ =	swait.ge [sflag:s3], $0x2800  }
0x1c3: {  	[sflag:s3] =	ssyncset.done $0x0  }
0x1c4: {  	[sflag:s3] =	ssyncadd.s32 $0xFFFFD800  }
0x1c5: {  	[spmem:s2] =	stream.indirect.scatter.add.f32 [tilespmem:s29], [sflag:$0x8], $0x80, s12, s21, $0xb8;
	[tilespmem:$0x1FC00] =	vst v63  }
0x1c6: {  	_ =	swait.ge [sflag:s4], $0x2800  }
0x1c7: {  	[sflag:s4] =	ssyncset.done $0x0  }
0x1c8: {  	[sflag:s4] =	ssyncadd.s32 $0xFFFFD800  }
0x1c9: {  	_ =	swait.ge [sflag:s5], $0x2800  }
0x1ca: {  	[sflag:s5] =	ssyncset.done $0x0  }
0x1cb: {  	[sflag:s5] =	ssyncadd.s32 $0xFFFFD800  }
0x1cc: {  	_ =	swait.ge [sflag:s7], $0x2800  }
0x1cd: {  	[sflag:s7] =	ssyncset.done $0x0  }
0x1ce: {  	[sflag:s7] =	ssyncadd.s32 $0xFFFFD800  }
0x1cf: {  	_ =	swait.ge [sflag:s8], $0x2800  }
0x1d0: {  	[sflag:s8] =	ssyncset.done $0x0  }
0x1d1: {  	[sflag:s8] =	ssyncadd.s32 $0xFFFFD800  }
0x1d2: {  	[bflag:$0x0] =	sbarrier.arrive $0xFFFF  }
0x1d3: {  	s14 =	rddreg [dreg:$0xd]  }
0x1d4: {  	[hbm:s14], [sflag:s6] =	dma.local [spmem:s17], $0x2780  }
0x1d5: {  	_ =	swait.ge [sflag:s18], $0x2780  }
0x1d6: {  	s13 =	sadd.s32 $0x1, s13;
	s16 =	rddreg [dreg:$0xe]  }
0x1d7: {  	p0 =	sne.s32 s13, s16  }
.Ltmp4:
0x1d8: {  	_ = 	snop;
	(pc) =	sbr.rel @p0 .LBB2_1-.Ltmp4, $3  }
0x1d9: {  	_ =	sdelay $0x1  }
0x1da: {  	[sflag:s18] =	ssyncset.done $0x0  }
0x1db: {  	[sflag:s18] =	ssyncadd.s32 $0xFFFFD880  }
0x1dc: {  	_ =	sfence.sel $0x180000  }
0x1dd: {  	[bflag:$0x0] =	sbarrier.arrive $0xFFFF  }
0x1de: {  	_ =	strace $0x9000004D  }
0x1df: {  	s0 =	stileid.u32;
	[bflag:$0x2] =	sbarrier.arrive $0xFFFF  }
0x1e0: {  	p0 =	sne.s32 s0, $0x0;
	s0 =	rddreg [dreg:$0x3]  }
0x1e1: {  	s0 =	sadd.s32 @!p0 $0x100000, s0  }
0x1e2: {  	[sflag:s0] =	ssyncadd.tile.s32 @!p0 $0x1;
	_ =	shalt  }
.Lfunc_end2:
_tile_overlayer_lowered:
.L_overlay_start_2:
0x1e3: {  	(tag) =	ssettag $0x2  }
0x1e4: {  	s0 =	rddreg [dreg:$0x0];
	s2 =	stileid.u32  }
0x1e5: {  	s1 =	rddreg [dreg:$0x1];
	p0 =	sne.s32 s2, $0x0  }
0x1e6: {  	s3 =	rddreg [dreg:$0x2];
	[bflag:$0x3] =	sbarrier.arrive $0xFFFF;
	s2 =	simm.s32 @!p0 $0x1C09  }
0x1e7: {  	[timem:s3], [sflag:s2] =	dma.local @!p0 [hbm:s0], s1  }
0x1e8: {  	s0 =	simm.s32 @!p0 $0x9  }
0x1e9: {  	_ =	swait.ge @!p0 [sflag:s0], s1  }
0x1ea: {  	s1 =	ssub.s32 @!p0 $0x0, s1;
	[sflag:s0] =	ssyncset.done @!p0 $0x0  }
0x1eb: {  	[sflag:s0] =	ssyncadd.s32 @!p0 s1  }
0x1ec: {  	[bflag:$0x3] =	sbarrier.arrive $0xFFFF  }
0x1ed: {  	_ =	shalt  }

// kernel: kernel.8.cloned.1.call-start
scs
__scs_entry_jumppad:
0x0: {  	(pc) =	sbr.rel $0x88, $3  }
0x1: {  	(tag) =	ssettag $0x0;
	lr =	simm.s32 $0x1  }
0x2: {  	[smem:$0x3F9B] =	sst lr;
	_ =	strace $0xD0000000  }
0x3: {  	_ = 	snop  }
0x4: {  	_ = 	snop  }
0x5: {  	_ = 	snop  }
0x6: {  	_ = 	snop  }
0x7: {  	_ = 	snop  }
__scs_overlays_trampoline_lowered:
0x8: {  	[smem:$0x3FAA] =	sst s0  }
0x9: {  	[smem:$0x3FAB] =	sst s1  }
0xa: {  	[smem:$0x3FAC] =	sst s2  }
0xb: {  	[smem:$0x3FAD] =	sst s3  }
0xc: {  	[smem:$0x3FAE] =	sst s4  }
0xd: {  	[smem:$0x3FAF] =	sst s5  }
0xe: {  	[smem:$0x3FB0] =	sst s6  }
0xf: {  	[smem:$0x3FB1] =	sst s7  }
0x10: {  	[smem:$0x3FB2] =	sst s8  }
0x11: {  	[smem:$0x3FB3] =	sst s9;
	s0 =	simm.s32 @!p0 $0x0  }
0x12: {  	s1 =	sld [smem:$0x3F99];
	s0 =	simm.s32 @p0 $0x1  }
0x13: {  	[smem:$0x3FB4] =	sst s0;
	s0 =	simm.s32 @!p1 $0x0  }
0x14: {  	s2 =	sld [smem:$0x3F98];
	s0 =	simm.s32 @p1 $0x1  }
0x15: {  	[smem:$0x3FB5] =	sst s0;
	s0 =	simm.s32 @!p2 $0x0  }
0x16: {  	s3 =	sld [smem:$0x3FDB];
	s0 =	simm.s32 @p2 $0x1  }
0x17: {  	s4 =	simm.s32 $0x1BF5;
	[smem:$0x3FB7] =	sst s0  }
0x18: {  	s0 =	sld [smem:$0x3F9A];
	_ =	swait.ge [sflag:s4], $0x0  }
0x19: {  	s7 =	sld [smem:$0x3F9B]  }
0x1a: {  	s8 =	sadd.s32 $0xFFFFE003, lr  }
0x1b: {  	s9 =	sadd.s32 $0xFFFFFEF7, lr;
	s5 =	simm.s32 $0xFFFFFFFF;
	p2 =	slt.u32 s8, $0xFFFFF086  }
0x1c: {  	p1 =	slt.u32 s9, $0xF7A;
	s5 =	simm.s32 @!p2 $0x0  }
0x1d: {  	s5 =	simm.s32 @p1 $0x1;
	p0 =	seq.s32 s7, s2  }
0x1e: {  	s7 =	smul.u32 @!p0 $0xF7A, s2;
	p2 =	seq.s32 @!p0 s5, $0x0  }
0x1f: {  	s9 =	smul.u32 $0xF7A, s1;
	s8 =	simm.s32 @!p0 $0x1BF5;
	p2 =	por !p2, p0  }
0x20: {  	[sflag:s8] =	ssyncset.s32 @!p0 $0xFFFFF086;
	s6 =	sadd.s32 @!p0 s3, s7;
	s7 =	simm.s32 @!p0 $0x108  }
0x21: {  	s3 =	sadd.s32 s3, s9;
	s6 =	sadd.s32 @!p0 $0x88, s6;
	s7 =	simm.s32 @p2 $0x1082  }
0x22: {  	[simem:s7], [sflag:s8] =	dma.local @!p0 [hbm:s6], $0xF7A  }
0x23: {  	s9 =	sor.u32 $0xD0000000, s2;
	s6 =	simm.s32 $0x108;
	_ =	swait.ge @!p0 [sflag:s8], $0x0  }
0x24: {  	s3 =	sadd.s32 $0x88, s3;
	s6 =	simm.s32 @!p1 $0x1082;
	[sflag:s4] =	ssyncset.s32 $0xFFFFF086  }
0x25: {  	[simem:s6], [sflag:s4] =	dma.local [hbm:s3], $0xF7A  }
0x26: {  	[smem:$0x3F9B] =	sst s1;
	(tag) =	ssettag s2;
	_ =	strace s9  }
0x27: {  	s1 =	sld [smem:$0x3FAB]  }
0x28: {  	s2 =	sld [smem:$0x3FAC]  }
0x29: {  	s4 =	sld [smem:$0x3FAE]  }
0x2a: {  	p0 =	seq.s32 s5, $0x0;
	s5 =	sld [smem:$0x3FAF]  }
0x2b: {  	s6 =	sld [smem:$0x3FB0]  }
0x2c: {  	s7 =	sld [smem:$0x3FB1]  }
0x2d: {  	s3 =	simm.s32 $0x108;
	s8 =	sld [smem:$0x3FB2]  }
0x2e: {  	s3 =	simm.s32 @!p0 $0x1082;
	s9 =	sld [smem:$0x3FB3]  }
0x2f: {  	lr =	sadd.s32 s0, s3;
	s0 =	sld [smem:$0x3FAA]  }
0x30: {  	s3 =	sld [smem:$0x3FAD]  }
0x31: {  	[smem:$0x3FB6] =	sst s10  }
0x32: {  	s10 =	sld [smem:$0x3FB4];
	_ =	sdelay $0x3  }
0x33: {  	p0 =	seq.s32 s10, $0x1;
	s10 =	sld [smem:$0x3FB6];
	_ =	sdelay $0x3  }
0x34: {  	[smem:$0x3FB6] =	sst s10  }
0x35: {  	s10 =	sld [smem:$0x3FB5];
	_ =	sdelay $0x3  }
0x36: {  	p1 =	seq.s32 s10, $0x1;
	s10 =	sld [smem:$0x3FB6];
	_ =	sdelay $0x3  }
0x37: {  	[smem:$0x3FB6] =	sst s10  }
0x38: {  	s10 =	sld [smem:$0x3FB7]  }
0x39: {  	_ = 	snop;
	(pc) =	sbr.ind lr, $3  }
0x3a: {  	_ = 	snop  }
0x3b: {  	_ = 	snop  }
0x3c: {  	p2 =	seq.s32 s10, $0x1;
	s10 =	sld [smem:$0x3FB6]  }
0x3d: {  	_ =	shalt  }
0x3e: {  	_ =	shalt  }
0x3f: {  	_ =	shalt  }
0x40: {  	_ =	shalt  }
0x41: {  	_ =	shalt  }
0x42: {  	_ =	shalt  }
0x43: {  	_ =	shalt  }
0x44: {  	_ =	shalt  }
0x45: {  	_ =	shalt  }
0x46: {  	_ =	shalt  }
0x47: {  	_ =	shalt  }
0x48: {  	_ =	shalt  }
0x49: {  	_ =	shalt  }
0x4a: {  	_ =	shalt  }
0x4b: {  	_ =	shalt  }
0x4c: {  	_ =	shalt  }
0x4d: {  	_ =	shalt  }
0x4e: {  	_ =	shalt  }
0x4f: {  	_ =	shalt  }
0x50: {  	_ =	shalt  }
0x51: {  	_ =	shalt  }
0x52: {  	_ =	shalt  }
0x53: {  	_ =	shalt  }
0x54: {  	_ =	shalt  }
0x55: {  	_ =	shalt  }
0x56: {  	_ =	shalt  }
0x57: {  	_ =	shalt  }
0x58: {  	_ =	shalt  }
0x59: {  	_ =	shalt  }
0x5a: {  	_ =	shalt  }
0x5b: {  	_ =	shalt  }
0x5c: {  	_ =	shalt  }
0x5d: {  	_ =	shalt  }
0x5e: {  	_ =	shalt  }
0x5f: {  	_ =	shalt  }
0x60: {  	_ =	shalt  }
0x61: {  	_ =	shalt  }
0x62: {  	_ =	shalt  }
0x63: {  	_ =	shalt  }
0x64: {  	_ =	shalt  }
0x65: {  	_ =	shalt  }
0x66: {  	_ =	shalt  }
0x67: {  	_ =	shalt  }
0x68: {  	_ =	shalt  }
0x69: {  	_ =	shalt  }
0x6a: {  	_ =	shalt  }
0x6b: {  	_ =	shalt  }
0x6c: {  	_ =	shalt  }
0x6d: {  	_ =	shalt  }
0x6e: {  	_ =	shalt  }
0x6f: {  	_ =	shalt  }
0x70: {  	_ =	shalt  }
0x71: {  	_ =	shalt  }
0x72: {  	_ =	shalt  }
0x73: {  	_ =	shalt  }
0x74: {  	_ =	shalt  }
0x75: {  	_ =	shalt  }
0x76: {  	_ =	shalt  }
0x77: {  	_ =	shalt  }
0x78: {  	_ =	shalt  }
0x79: {  	_ =	shalt  }
0x7a: {  	_ =	shalt  }
0x7b: {  	_ =	shalt  }
0x7c: {  	_ =	shalt  }
0x7d: {  	_ =	shalt  }
0x7e: {  	_ =	shalt  }
0x7f: {  	_ =	shalt  }
0x80: {  	_ =	shalt  }
0x81: {  	_ =	shalt  }
0x82: {  	_ =	shalt  }
0x83: {  	_ =	shalt  }
0x84: {  	_ =	shalt  }
0x85: {  	_ =	shalt  }
0x86: {  	_ =	shalt  }
0x87: {  	_ =	shalt  }
.Lfunc_end0:
.L_simem_size_0:
called_computation_lowered:
.L_overlay_start_0:
0x88: {  	s2 =	sld [smem:$0x3FD9]  }
0x89: {  	s3 =	sld [smem:$0x3FFE];
	_ =	sdelay $0x1  }
0x8a: {  	s1 =	srdreg.scid  }
0x8b: {  	s0 =	sand.u32 $0x1, s1  }
0x8c: {  	s17 =	sshll.u32 s0, $0xA;
	s2 =	sadd.s32 s3, s2  }
0x8d: {  	s2 =	sadd.s32 s2, s17  }
0x8e: {  	[smem:$0x3FC2] =	sst s2  }
0x8f: {  	_ = 	snop  }
0x90: {  	s2 =	sld [smem:$0x3FD0];
	(tm) =	ssettm $0x1  }
0x91: {  	s18 =	sld [smem:$0x3FFB];
	_ =	sdelay $0x3  }
0x92: {  	_ =	strace s18  }
0x93: {  	s3 =	sld [smem:$0x3FFC];
	_ =	sdelay $0x3  }
0x94: {  	_ =	strace s3  }
0x95: {  	s3 =	sld [smem:$0x3FFD];
	_ =	sdelay $0x3  }
0x96: {  	_ =	strace s3  }
0x97: {  	_ =	strace $0x8FFFFFFF  }
0x98: {  	s19 =	sld [smem:$0x3FDB];
	_ =	sdelay $0x1  }
0x99: {  	s4 =	simm.s32 $_scs_section_size  }
0x9a: {  	s5 =	simm.s32 $_size__tile_overlayer_lowered;
	s6 =	simm.s32 $_tile_overlayer_lowered  }
0x9b: {  	s22 =	simm.s32 $0x1BFF;
	s21 =	sshll.u32 s6, $0x1;
	s3 =	sadd.s32 s4, s19  }
0x9c: {  	s7 =	simm.s32 $0x0;
	s20 =	sshll.u32 s5, $0x1;
	s5 =	sadd.s32 s21, s3  }
0x9d: {  	[timem:s7], [sflag:s22] =	dma.local [hbm:s5], s20  }
0x9e: {  	_ =	swait.ge [sflag:s22], s20  }
0x9f: {  	s4 =	ssub.s32 $0x0, s20;
	[sflag:s22] =	ssyncset.done $0x0  }
0xa0: {  	[sflag:s22] =	ssyncadd.s32 s4;
	_ =	sdelay $0x1  }
0xa1: {  	s23 =	simm.s32 $0x1B8B  }
0xa2: {  	_ =	swait.ge [sflag:s23], $0x1  }
0xa3: {  	[sflag:s23] =	ssyncset.done $0x0  }
0xa4: {  	s25 =	simm.s32 $0x1B8E;
	s24 =	sld [smem:$0x3FFE];
	[sflag:s23] =	ssyncadd.s32 $0xFFFFFFFF  }
0xa5: {  	s26 =	simm.s32 $execute0_lowered;
	[smem:$0x3FD2] =	sst s25  }
0xa6: {  	s5 =	sshll.u32 s26, $0x1;
	_ =	strace $0x80000046;
	[dreg:$0x1] =	wrdreg $0xFFFFFFFF  }
0xa7: {  	s28 =	simm.s32 $_size_execute0_lowered;
	s3 =	sadd.s32 s3, s5;
	[dreg:$0x0] =	wrdreg $0x0  }
0xa8: {  	s5 =	sshll.u32 s28, $0x1;
	[dreg:$0x2] =	wrdreg s3  }
0xa9: {  	[dreg:$0x3] =	wrdreg s5  }
0xaa: {  	[dreg:$0x4] =	wrdreg $0xC0  }
0xab: {  	_ =	task [dreg:s7], $0x5FFFF  }
0xac: {  	[dreg:$0x1] =	wrdreg $0xFFFFFFFF  }
0xad: {  	[dreg:$0x0] =	wrdreg $0x60  }
0xae: {  	[dreg:$0x2] =	wrdreg s2  }
0xaf: {  	[dreg:$0x3] =	wrdreg s24  }
0xb0: {  	[dreg:$0x4] =	wrdreg $0x0  }
0xb1: {  	[dreg:$0x5] =	wrdreg $0x9  }
0xb2: {  	_ =	task.clear_ibuf [dreg:s7], $0x6FFFF;
	_ =	strace $0x90000046  }
0xb3: {  	s29 =	simm.s32 $0x9;
	_ =	strace $0x80000048  }
0xb4: {  	_ =	swait.ge [sflag:s29], $0x1  }
0xb5: {  	[sflag:s29] =	ssyncadd.s32 $0xFFFFFFFF  }
0xb6: {  	_ =	strace $0x90000048  }
0xb7: {  	_ =	sfence  }
0xb8: {  	s30 =	sld [smem:$0x0];
	_ =	sdelay $0x2  }
0xb9: {  	s31 =	sshll.u32 s1, $0xD;
	s1 =	sshrl.u32 s1, $0x2  }
0xba: {  	s3 =	sand.u32 $0x4000, s31;
	s1 =	sadd.s32 s1, s30  }
0xbb: {  	s0 =	sor.u32 s3, s0;
	s1 =	sshll.u32 s1, $0x11  }
0xbc: {  	s0 =	sor.u32 s1, s0  }
0xbd: {  	s0 =	sadd.s32 $0x8F2B, s0  }
0xbe: {  	[sflag:s0] =	ssyncadd.remote.s32 $0x1  }
0xbf: {  	_ =	sfence.sel $0xFFFF  }
0xc0: {  	[dreg:$0x0] =	wrdreg $0xFFFFFFFF;
	(pc) =	sbr.abs _section_cstart, $3  }
0xc1: {  	[dreg:$0x1] =	wrdreg $0xFFFFFFFF  }
0xc2: {  	_ =	task.clear_ibuf [dreg:s7], $0x2FFFF;
	_ =	strace $0x9FFFFFFF  }
0xc3: {  	(tm) =	ssettm $0x7FFFFFFF  }
tec
execute0_lowered:
.L_overlay_start_1:
0x0: {  	(tag) =	ssettag $0x1  }
0x1: {  	s7 =	rddreg [dreg:$0x0]  }
0x2: {  	s6 =	rddreg [dreg:$0x1]  }
0x3: {  	s2 =	rddreg [dreg:$0x2]  }
0x4: {  	s0 =	rddreg [dreg:$0x3]  }
0x5: {  	s4 =	srdreg.scid;
	s1 =	stileid.u32  }
0x6: {  	s3 =	simm.s32 $0x0;
	s13 =	simm.s32 $0x15000;
	s14 =	simm.s32 $0x80  }
0x7: {  	s15 =	simm.s32 $0x0;
	s8 =	sand.u32 $0x1, s4;
	s9 =	smul.u32 $0x2780, s1  }
0x8: {  	[smem:$0x7FF] =	sst s3;
	s4 =	sadd.s32 $0x2C00, s6;
	s11 =	smul.u32 $0x4F000, s1  }
0x9: {  	s5 =	sadd.s32 $0x2400, s6;
	s12 =	sshll.u32 s1, $0x6;
	s10 =	smul.u32 $0x27800, s8  }
0xa: {  	_ =	strace $0x80000047;
	s30 =	ssub.s32 $0x2, s8;
	s8 =	sshll.u32 s8, $0x4  }
0xb: {  	s31 =	sshrl.u32 s30, $0x1;
	s8 =	sor.u32 s1, s8;
	s11 =	sshrl.u32 s11, $0x2  }
0xc: {  	s9 =	sadd.s32 s9, s10;
	s8 =	smul.u32 $0x280, s8;
	s10 =	ssub.s32 s30, s31  }
0xd: {  	s11 =	sadd.s32 s11, s2;
	s9 =	sadd.s32 s9, s6;
	s6 =	sor.u32 $0x1C01, s12  }
0xe: {  	s12 =	simm.s32 $0x13C00;
	s7 =	sadd.s32 s7, s8;
	s8 =	sadd.s32 $0x5400, s9  }
0xf: {  	s9 =	smax.u32 s10, $0x1;
	s10 =	sshrl.u32 s11, $0x3;
	s11 =	simm.s32 $0x1  }
.LBB2_1:
0x10: {  	[spmem:s10], [sflag:s6] =	dma.local [hbm:s4], $0x2780  }
0x11: {  	_ =	swait.ge [sflag:s11], $0x2780  }
0x12: {  	[sflag:s11] =	ssyncset.done $0x0  }
0x13: {  	[sflag:s11] =	ssyncadd.s32 $0xFFFFD880  }
0x14: {  	[tilespmem:s12], [sflag:$0x1] =	stream.linear.gather [hbm4b:s7+s3], $0x1400, $0x38;
	[tilespmem:$0x19000] =	vst v63  }
0x15: {  	_ =	swait.ge [sflag:s11], $0x1400  }
0x16: {  	[sflag:s11] =	ssyncset.done $0x0  }
0x17: {  	[sflag:s11] =	ssyncadd.s32 $0xFFFFEC00  }
0x18: {  	[tilespmem:s13], [sflag:$0x1] =	stream.linear.gather [hbm4b:s5+s3], $0x4000, $0x38;
	[tilespmem:$0x19000] =	vst v63  }
0x19: {  	_ =	swait.ge [sflag:s11], $0x4000  }
0x1a: {  	[sflag:s11] =	ssyncset.done $0x0  }
0x1b: {  	[sflag:s11] =	ssyncadd.s32 $0xFFFFC000  }
0x1c: {  	s16 =	simm.s32 $0x13C00;
	[bflag:$0x0] =	sbarrier.arrive $0xFFFF  }
0x1d: {  	[spmem:s2] =	stream.indirect.scatter.add.f32 [tilespmem:s13], [sflag:$0x1], $0x80, s16, s14, $0xb8;
	[tilespmem:$0x19000] =	vst v63  }
0x1e: {  	s16 =	simm.s32 $0x200;
	_ =	swait.ge [sflag:s11], $0x4000  }
.LBB2_2:
0x1f: {  	s17 =	sshra.s32 s16, $0x2;
	[sflag:s11] =	ssyncset.done $0x0;
	p0 =	sne.s32 s16, $0x4E00  }
.Ltmp0:
0x20: {  	s17 =	sadd.s32 $0x13C00, s17;
	[sflag:s11] =	ssyncadd.s32 $0xFFFFC000;
	(pc) =	sbr.rel @p0 .LBB2_2-.Ltmp0, $3  }
0x21: {  	[spmem:s2] =	stream.indirect.scatter.add.f32 [tilespmem:s13], [sflag:$0x1], $0x80, s17, s14, $0xb8;
	[tilespmem:$0x19000] =	vst v63  }
0x22: {  	s16 =	sadd.s32 $0x200, s16;
	_ =	sdelay $0x1  }
0x23: {  	_ =	swait.ge [sflag:s11], $0x4000  }
0x24: {  	[sflag:s11] =	ssyncset.done $0x0;
	s15 =	sadd.s32 $0x1, s15  }
0x25: {  	[sflag:s11] =	ssyncadd.s32 $0xFFFFC000;
	p0 =	sne.s32 s15, s9  }
.Ltmp1:
0x26: {  	[bflag:$0x0] =	sbarrier.arrive $0xFFFF;
	(pc) =	sbr.rel @p0 .LBB2_1-.Ltmp1, $4  }
0x27: {  	[hbm:s8], [sflag:s6] =	dma.local [spmem:s10], $0x2780  }
0x28: {  	_ =	swait.ge [sflag:s11], $0x2780  }
0x29: {  	[sflag:s11] =	ssyncset.done $0x0  }
0x2a: {  	[sflag:s11] =	ssyncadd.s32 $0xFFFFD880  }
0x2b: {  	_ =	sfence.sel $0x180000  }
0x2c: {  	[bflag:$0x0] =	sbarrier.arrive $0xFFFF  }
0x2d: {  	p0 =	sne.s32 s1, $0x0;
	_ =	strace $0x90000047  }
0x2e: {  	s0 =	sadd.s32 @!p0 $0x100000, s0;
	[bflag:$0x2] =	sbarrier.arrive $0xFFFF  }
0x2f: {  	[sflag:s0] =	ssyncadd.tile.s32 @!p0 $0x1;
	_ =	shalt  }
.Lfunc_end2:
_tile_overlayer_lowered:
.L_overlay_start_2:
0x30: {  	(tag) =	ssettag $0x2  }
0x31: {  	s0 =	rddreg [dreg:$0x0];
	s2 =	stileid.u32  }
0x32: {  	s1 =	rddreg [dreg:$0x1];
	p0 =	sne.s32 s2, $0x0  }
0x33: {  	s3 =	rddreg [dreg:$0x2];
	[bflag:$0x3] =	sbarrier.arrive $0xFFFF;
	s2 =	simm.s32 @!p0 $0x1C01  }
0x34: {  	[timem:s3], [sflag:s2] =	dma.local @!p0 [hbm:s0], s1  }
0x35: {  	s0 =	simm.s32 @!p0 $0x1  }
0x36: {  	_ =	swait.ge @!p0 [sflag:s0], s1  }
0x37: {  	s1 =	ssub.s32 @!p0 $0x0, s1;
	[sflag:s0] =	ssyncset.done @!p0 $0x0  }
0x38: {  	[sflag:s0] =	ssyncadd.s32 @!p0 s1  }
0x39: {  	[bflag:$0x3] =	sbarrier.arrive $0xFFFF  }
0x3a: {  	_ =	shalt  }

</sc_bundles>
